<compile_context>
chip_gen: v7x
topology: tpu7x:2x2x1
jax: 0.10.2.dev20260603
libtpu: 0.0.44.dev20260713+nightly
codegen_flags: <defaults>
</compile_context>

<pallas_src>
import jax
import jax.numpy as jnp
from jax import lax
from jax.experimental import pallas as pl
from jax.experimental.pallas import tpu as pltpu
from jax.experimental.pallas import tpu_sc as plsc

N_AGENTS = 256
D = 512
GRID = 16
NBLK = 16
OUT = 512
NC = 2
NS = 16
NW = NC * NS
APW = N_AGENTS // NW
ROW = NBLK * N_AGENTS
L = 16


def _sc_p2(o2, out, ov, tab, p2f):
    cid = lax.axis_index("c")
    sid = lax.axis_index("s")
    wid = sid * NC + cid
    base = wid * APW
    pltpu.sync_copy(o2, ov)
    iota = lax.iota(jnp.int32, L)
    ones = jnp.ones((L,), jnp.float32)
    zf = jnp.zeros((L,), jnp.float32)
    neg1 = jnp.full((L,), -1, jnp.int32)

    def agent_body(a):
        i = base + a
        tb = a * 288
        ivec = jnp.full((L,), i, jnp.int32)
        xi = plsc.load_gather(ov, [ivec])
        yi = plsc.load_gather(ov, [ivec + N_AGENTS])
        for k in range(GRID * GRID // L):
            tab[pl.ds(tb + k * L, L)] = neg1
        for k in range(N_AGENTS // L):
            jvec = iota + (k * L)
            xj = ov[pl.ds(k * L, L)]
            yj = ov[pl.ds(N_AGENTS + k * L, L)]
            relx = (xj - xi) * 2.0 + 8.0
            rely = (yj - yi) * 2.0 + 8.0
            inr = ((relx >= 0.0) & (relx < 16.0)
                   & (rely >= 0.0) & (rely < 16.0))
            valid = inr & (jvec != i)
            cx = relx.astype(jnp.int32)
            cy = rely.astype(jnp.int32)
            oi = jnp.where(valid, cx * GRID + cy, GRID * GRID)
            ks, js = plsc.sort_key_val((oi << 4) | iota, jvec)
            oi_s = ks >> 4
            tab[pl.ds(tb + 272, L)] = oi_s
            nxt = plsc.load_gather(tab,
                                   [jnp.minimum(iota + 1, 15) + (tb + 272)])
            win = ((nxt != oi_s) | (iota == 15)) & (oi_s < GRID * GRID)
            plsc.store_scatter(tab, [oi_s + tb], js, mask=win)
            for mm in range(16):
                p2f[pl.ds(a * ROW + k * 256 + mm * L, L)] = zf
        for k in range(GRID * GRID // L):
            w = tab[pl.ds(tb + k * L, L)]
            win = w >= 0
            blkv = (iota >> 2) + ((k >> 2) << 2)
            tgt = jnp.where(win, a * ROW + blkv * N_AGENTS + w, 0)
            plsc.store_scatter(p2f, [tgt], ones, mask=win)

    plsc.parallel_loop(0, APW)(agent_body)
    pltpu.sync_copy(p2f, out.at[pl.ds(base * ROW, APW * ROW)])


def _bc_kernel(p2_ref, h_ref, vg_ref, b_ref, o_ref, acc_ref):
    blk = pl.program_id(0)

    @pl.when(blk == 0)
    def _():
        acc_ref[...] = jnp.zeros_like(acc_ref)

    h = h_ref[...].astype(jnp.bfloat16)
    g = jnp.dot(h, vg_ref[0],
                preferred_element_type=jnp.float32).astype(jnp.bfloat16)
    p2 = p2_ref[...].astype(jnp.bfloat16)
    acc_ref[...] += jnp.dot(p2, g, preferred_element_type=jnp.float32)

    @pl.when(blk == NBLK - 1)
    def _():
        o_ref[...] = jnp.maximum(acc_ref[...] + b_ref[...], 0.0)


def kernel(hidden_state, obs1, obs2, W, b):
    del obs1
    sc_p2 = pl.kernel(
        _sc_p2,
        out_type=jax.ShapeDtypeStruct((N_AGENTS * ROW,), jnp.float32),
        mesh=plsc.VectorSubcoreMesh(core_axis_name="c", subcore_axis_name="s"),
        compiler_params=pltpu.CompilerParams(needs_layout_passes=False),
        scratch_types=[
            pltpu.VMEM((2 * N_AGENTS,), jnp.float32),
            pltpu.VMEM((APW * 288,), jnp.int32),
            pltpu.VMEM((APW * ROW,), jnp.float32),
        ],
    )
    xy = obs2.reshape(N_AGENTS, 2).T.reshape(2 * N_AGENTS)
    p2flat = sc_p2(xy)

    vg = W.reshape(OUT, D, NBLK).transpose(2, 1, 0).astype(jnp.bfloat16)
    p2r = p2flat.reshape(N_AGENTS, ROW)
    out = pl.pallas_call(
        _bc_kernel,
        grid=(NBLK,),
        in_specs=[
            pl.BlockSpec((N_AGENTS, N_AGENTS), lambda blk: (0, blk)),
            pl.BlockSpec((N_AGENTS, D), lambda blk: (0, 0)),
            pl.BlockSpec((1, D, OUT), lambda blk: (blk, 0, 0)),
            pl.BlockSpec((1, OUT), lambda blk: (0, 0)),
        ],
        out_specs=pl.BlockSpec((N_AGENTS, OUT), lambda blk: (0, 0)),
        out_shape=jax.ShapeDtypeStruct((N_AGENTS, OUT), jnp.float32),
        scratch_shapes=[pltpu.VMEM((N_AGENTS, OUT), jnp.float32)],
    )(p2r, hidden_state, vg, b.reshape(1, OUT))
    return out

# --- scband reference (transcript-rebuilt; emitter-appended) ---
"""Pipeline reference for scband-pooling-25950192403296 (READ-ONLY COPY).

The authoritative reference and input builder live on the scoring server;
editing this copy changes nothing except your own understanding.
"""

import jax, jax.numpy as jnp
import numpy as np

CELL_SIDE = 2.0
N = 4
POOL = 4
GRID = N * POOL
D = 512
OUT = 512
N_AGENTS = 256


def setup_inputs(seed: int = 0):
    key = jax.random.key(seed)
    k1, k2, k3, k4, k5 = jax.random.split(key, 5)
    hidden_state = jax.random.normal(k1, (N_AGENTS, D), dtype=jnp.float32)
    obs1 = jax.random.normal(k2, (N_AGENTS, 2), dtype=jnp.float32) * 3.0
    obs2 = jax.random.normal(k3, (N_AGENTS, 2), dtype=jnp.float32) * 3.0
    in_dim = N * N * D
    W = jax.random.normal(k4, (OUT, in_dim), dtype=jnp.float32) / np.sqrt(in_dim)
    b = jax.random.normal(k5, (OUT,), dtype=jnp.float32) * 0.01
    return {"hidden_state": hidden_state, "obs1": obs1, "obs2": obs2, "W": W, "b": b}


def _social_grid(hidden_state, obs2):
    n_agents = obs2.shape[0]
    # relative cell coordinates of every other agent j w.r.t. agent i
    rel = (obs2[None, :, :] - obs2[:, None, :]) / (CELL_SIDE / POOL) + GRID / 2.0  # [A, A, 2]
    in_range = jnp.all((rel >= 0) & (rel < GRID), axis=-1)
    not_self = ~jnp.eye(n_agents, dtype=bool)
    ok = ~jnp.isnan(obs2[:, 0])
    valid = in_range & not_self & ok[None, :] & ok[:, None]  # [A, A]
    oij = jnp.floor(rel).astype(jnp.int32)
    oi = oij[..., 0] * GRID + oij[..., 1]
    oi = jnp.where(valid, oi, GRID * GRID)  # out-of-range sentinel -> dropped
    vals = jnp.broadcast_to(hidden_state[None, :, :], (n_agents, n_agents, hidden_state.shape[1]))

    def per_agent(oi_i, vals_i):
        occ = jnp.zeros((GRID * GRID, vals_i.shape[1]), dtype=vals_i.dtype)
        # scatter-overwrite, mirrors occ[oi] = other_values
        return occ.at[oi_i].set(vals_i, mode='drop')

    occ = jax.vmap(per_agent)(oi, vals)  # [A, GRID*GRID, D]
    occ = jnp.transpose(occ, (0, 2, 1)).reshape(n_agents, D, GRID, GRID)  # [A, D, 16, 16]
    # lp_pool2d with norm 1 and kernel POOL == sum over POOL x POOL blocks
    blocks = occ.reshape(n_agents, D, N, POOL, N, POOL)
    pooled = blocks.sum(axis=(3, 5))  # [A, D, N, N]
    return pooled.reshape(n_agents, -1)  # [A, D*N*N]


def reference(hidden_state, obs1, obs2, W, b):
    grid = _social_grid(hidden_state, obs2)
    out = grid @ W.T + b
    return jax.nn.relu(out)

if __name__ == "__main__":
    import jax
    _d = setup_inputs()
    print(jax.jit(kernel)(*tuple(_d.values())))

</pallas_src>

<mosaic_0001>
#map = affine_map<(d0, d1) -> (0)>
module attributes {stable_mosaic.version = 14 : i64} {
  func.func @_sc_p2(%arg0: i32, %arg1: i32, %arg2: memref<512xf32, #tpu.memory_space<hbm>>, %arg3: memref<1048576xf32, #tpu.memory_space<hbm>>, %arg4: memref<512xf32, #tpu.memory_space<vmem>>, %arg5: memref<2304xi32, #tpu.memory_space<vmem>>, %arg6: memref<32768xf32, #tpu.memory_space<vmem>>) attributes {dimension_semantics = [#tpu.dimension_semantics<core_parallel>, #tpu.dimension_semantics<subcore_parallel>], iteration_bounds = array<i64: 2, 16>, scalar_prefetch = 0 : i64, scratch_operands = 3 : i64, tpu.core_type = #tpu.core_type<sc_vector_subcore>, window_params = [{transform_indices = #map}, {transform_indices = #map}]} {
    %mul3A = arith.constant 2 : i32
    %mul3A_0 = arith.muli %arg1, %mul3A : i32
    %add3A = arith.addi %mul3A_0, %arg0 : i32
    %mul3A_1 = arith.constant 8 : i32
    %mul3A_2 = arith.muli %add3A, %mul3A_1 : i32
    "tpu.region"() ({
      %run_scoped3A = tpu.sem_alloc : memref<!tpu.dma_semaphore, #tpu.memory_space<semaphore_mem>>
      tpu.enqueue_dma source(%arg2 : memref<512xf32, #tpu.memory_space<hbm>>) target(%arg4 : memref<512xf32, #tpu.memory_space<vmem>>) target_semaphore(%run_scoped3A : memref<!tpu.dma_semaphore, #tpu.memory_space<semaphore_mem>>)
      tpu.wait_dma2 semaphore(%run_scoped3A : memref<!tpu.dma_semaphore, #tpu.memory_space<semaphore_mem>>) src(%arg2 : memref<512xf32, #tpu.memory_space<hbm>>) dst(%arg4 : memref<512xf32, #tpu.memory_space<vmem>>)
      tpu.yield
    }) : () -> ()
    %iota3A = tpu.iota {dimensions = array<i32: 0>} : vector<16xi32>
    %broadcast_in_dim3A = arith.constant 1.000000e+00 : f32
    %broadcast_in_dim3A_3 = vector.broadcast %broadcast_in_dim3A : f32 to vector<16xf32>
    %broadcast_in_dim3A_4 = arith.constant 0.000000e+00 : f32
    %broadcast_in_dim3A_5 = vector.broadcast %broadcast_in_dim3A_4 : f32 to vector<16xf32>
    %broadcast_in_dim3A_6 = arith.constant -1 : i32
    %broadcast_in_dim3A_7 = vector.broadcast %broadcast_in_dim3A_6 : i32 to vector<16xi32>
    %parallel_loop3A = arith.constant 0 : i32
    %parallel_loop3A_8 = arith.constant 8 : i32
    %parallel_loop3A_9 = arith.constant 1 : i32
    scf.for %parallel_loop3A_12 = %parallel_loop3A to %parallel_loop3A_8 step %parallel_loop3A_9  : i32 {
      %parallel_loop3A_13 = arith.addi %mul3A_2, %parallel_loop3A_12 : i32
      %parallel_loop3A_14 = arith.constant 288 : i32
      %parallel_loop3A_15 = arith.muli %parallel_loop3A_12, %parallel_loop3A_14 : i32
      %parallel_loop3A_16 = vector.broadcast %parallel_loop3A_13 : i32 to vector<16xi32>
      %parallel_loop3A_17 = tpu.vector_load_idx %arg4[%parallel_loop3A_16] : memref<512xf32, #tpu.memory_space<vmem>>[vector<16xi32>], vector<16xf32>,
      %parallel_loop3A_18 = arith.constant 256 : i32
      %parallel_loop3A_19 = vector.broadcast %parallel_loop3A_18 : i32 to vector<16xi32>
      %parallel_loop3A_20 = arith.addi %parallel_loop3A_16, %parallel_loop3A_19 : vector<16xi32>
      %parallel_loop3A_21 = tpu.vector_load_idx %arg4[%parallel_loop3A_20] : memref<512xf32, #tpu.memory_space<vmem>>[vector<16xi32>], vector<16xf32>,
      %parallel_loop3A_22 = arith.constant 0 : i32
      %parallel_loop3A_23 = arith.addi %parallel_loop3A_15, %parallel_loop3A_22 : i32
      %parallel_loop3A_24 = arith.index_cast %parallel_loop3A_23 : i32 to index
      %parallel_loop3A_25 = tpu.vector_load %arg5[%parallel_loop3A_24] {strides = array<i32>} : memref<2304xi32, #tpu.memory_space<vmem>>, vector<16xi32>,
      tpu.vector_store %arg5[%parallel_loop3A_24], %broadcast_in_dim3A_7 {strides = array<i32>} : memref<2304xi32, #tpu.memory_space<vmem>>, vector<16xi32>,
      %parallel_loop3A_26 = arith.constant 16 : i32
      %parallel_loop3A_27 = arith.addi %parallel_loop3A_15, %parallel_loop3A_26 : i32
      %parallel_loop3A_28 = arith.index_cast %parallel_loop3A_27 : i32 to index
      %parallel_loop3A_29 = tpu.vector_load %arg5[%parallel_loop3A_28] {strides = array<i32>} : memref<2304xi32, #tpu.memory_space<vmem>>, vector<16xi32>,
      tpu.vector_store %arg5[%parallel_loop3A_28], %broadcast_in_dim3A_7 {strides = array<i32>} : memref<2304xi32, #tpu.memory_space<vmem>>, vector<16xi32>,
      %parallel_loop3A_30 = arith.constant 32 : i32
      %parallel_loop3A_31 = arith.addi %parallel_loop3A_15, %parallel_loop3A_30 : i32
      %parallel_loop3A_32 = arith.index_cast %parallel_loop3A_31 : i32 to index
      %parallel_loop3A_33 = tpu.vector_load %arg5[%parallel_loop3A_32] {strides = array<i32>} : memref<2304xi32, #tpu.memory_space<vmem>>, vector<16xi32>,
      tpu.vector_store %arg5[%parallel_loop3A_32], %broadcast_in_dim3A_7 {strides = array<i32>} : memref<2304xi32, #tpu.memory_space<vmem>>, vector<16xi32>,
      %parallel_loop3A_34 = arith.constant 48 : i32
      %parallel_loop3A_35 = arith.addi %parallel_loop3A_15, %parallel_loop3A_34 : i32
      %parallel_loop3A_36 = arith.index_cast %parallel_loop3A_35 : i32 to index
      %parallel_loop3A_37 = tpu.vector_load %arg5[%parallel_loop3A_36] {strides = array<i32>} : memref<2304xi32, #tpu.memory_space<vmem>>, vector<16xi32>,
      tpu.vector_store %arg5[%parallel_loop3A_36], %broadcast_in_dim3A_7 {strides = array<i32>} : memref<2304xi32, #tpu.memory_space<vmem>>, vector<16xi32>,
      %parallel_loop3A_38 = arith.constant 64 : i32
      %parallel_loop3A_39 = arith.addi %parallel_loop3A_15, %parallel_loop3A_38 : i32
      %parallel_loop3A_40 = arith.index_cast %parallel_loop3A_39 : i32 to index
      %parallel_loop3A_41 = tpu.vector_load %arg5[%parallel_loop3A_40] {strides = array<i32>} : memref<2304xi32, #tpu.memory_space<vmem>>, vector<16xi32>,
      tpu.vector_store %arg5[%parallel_loop3A_40], %broadcast_in_dim3A_7 {strides = array<i32>} : memref<2304xi32, #tpu.memory_space<vmem>>, vector<16xi32>,
      %parallel_loop3A_42 = arith.constant 80 : i32
      %parallel_loop3A_43 = arith.addi %parallel_loop3A_15, %parallel_loop3A_42 : i32
      %parallel_loop3A_44 = arith.index_cast %parallel_loop3A_43 : i32 to index
      %parallel_loop3A_45 = tpu.vector_load %arg5[%parallel_loop3A_44] {strides = array<i32>} : memref<2304xi32, #tpu.memory_space<vmem>>, vector<16xi32>,
      tpu.vector_store %arg5[%parallel_loop3A_44], %broadcast_in_dim3A_7 {strides = array<i32>} : memref<2304xi32, #tpu.memory_space<vmem>>, vector<16xi32>,
      %parallel_loop3A_46 = arith.constant 96 : i32
      %parallel_loop3A_47 = arith.addi %parallel_loop3A_15, %parallel_loop3A_46 : i32
      %parallel_loop3A_48 = arith.index_cast %parallel_loop3A_47 : i32 to index
      %parallel_loop3A_49 = tpu.vector_load %arg5[%parallel_loop3A_48] {strides = array<i32>} : memref<2304xi32, #tpu.memory_space<vmem>>, vector<16xi32>,
      tpu.vector_store %arg5[%parallel_loop3A_48], %broadcast_in_dim3A_7 {strides = array<i32>} : memref<2304xi32, #tpu.memory_space<vmem>>, vector<16xi32>,
      %parallel_loop3A_50 = arith.constant 112 : i32
      %parallel_loop3A_51 = arith.addi %parallel_loop3A_15, %parallel_loop3A_50 : i32
      %parallel_loop3A_52 = arith.index_cast %parallel_loop3A_51 : i32 to index
      %parallel_loop3A_53 = tpu.vector_load %arg5[%parallel_loop3A_52] {strides = array<i32>} : memref<2304xi32, #tpu.memory_space<vmem>>, vector<16xi32>,
      tpu.vector_store %arg5[%parallel_loop3A_52], %broadcast_in_dim3A_7 {strides = array<i32>} : memref<2304xi32, #tpu.memory_space<vmem>>, vector<16xi32>,
      %parallel_loop3A_54 = arith.constant 128 : i32
      %parallel_loop3A_55 = arith.addi %parallel_loop3A_15, %parallel_loop3A_54 : i32
      %parallel_loop3A_56 = arith.index_cast %parallel_loop3A_55 : i32 to index
      %parallel_loop3A_57 = tpu.vector_load %arg5[%parallel_loop3A_56] {strides = array<i32>} : memref<2304xi32, #tpu.memory_space<vmem>>, vector<16xi32>,
      tpu.vector_store %arg5[%parallel_loop3A_56], %broadcast_in_dim3A_7 {strides = array<i32>} : memref<2304xi32, #tpu.memory_space<vmem>>, vector<16xi32>,
      %parallel_loop3A_58 = arith.constant 144 : i32
      %parallel_loop3A_59 = arith.addi %parallel_loop3A_15, %parallel_loop3A_58 : i32
      %parallel_loop3A_60 = arith.index_cast %parallel_loop3A_59 : i32 to index
      %parallel_loop3A_61 = tpu.vector_load %arg5[%parallel_loop3A_60] {strides = array<i32>} : memref<2304xi32, #tpu.memory_space<vmem>>, vector<16xi32>,
      tpu.vector_store %arg5[%parallel_loop3A_60], %broadcast_in_dim3A_7 {strides = array<i32>} : memref<2304xi32, #tpu.memory_space<vmem>>, vector<16xi32>,
      %parallel_loop3A_62 = arith.constant 160 : i32
      %parallel_loop3A_63 = arith.addi %parallel_loop3A_15, %parallel_loop3A_62 : i32
      %parallel_loop3A_64 = arith.index_cast %parallel_loop3A_63 : i32 to index
      %parallel_loop3A_65 = tpu.vector_load %arg5[%parallel_loop3A_64] {strides = array<i32>} : memref<2304xi32, #tpu.memory_space<vmem>>, vector<16xi32>,
      tpu.vector_store %arg5[%parallel_loop3A_64], %broadcast_in_dim3A_7 {strides = array<i32>} : memref<2304xi32, #tpu.memory_space<vmem>>, vector<16xi32>,
      %parallel_loop3A_66 = arith.constant 176 : i32
      %parallel_loop3A_67 = arith.addi %parallel_loop3A_15, %parallel_loop3A_66 : i32
      %parallel_loop3A_68 = arith.index_cast %parallel_loop3A_67 : i32 to index
      %parallel_loop3A_69 = tpu.vector_load %arg5[%parallel_loop3A_68] {strides = array<i32>} : memref<2304xi32, #tpu.memory_space<vmem>>, vector<16xi32>,
      tpu.vector_store %arg5[%parallel_loop3A_68], %broadcast_in_dim3A_7 {strides = array<i32>} : memref<2304xi32, #tpu.memory_space<vmem>>, vector<16xi32>,
      %parallel_loop3A_70 = arith.constant 192 : i32
      %parallel_loop3A_71 = arith.addi %parallel_loop3A_15, %parallel_loop3A_70 : i32
      %parallel_loop3A_72 = arith.index_cast %parallel_loop3A_71 : i32 to index
      %parallel_loop3A_73 = tpu.vector_load %arg5[%parallel_loop3A_72] {strides = array<i32>} : memref<2304xi32, #tpu.memory_space<vmem>>, vector<16xi32>,
      tpu.vector_store %arg5[%parallel_loop3A_72], %broadcast_in_dim3A_7 {strides = array<i32>} : memref<2304xi32, #tpu.memory_space<vmem>>, vector<16xi32>,
      %parallel_loop3A_74 = arith.constant 208 : i32
      %parallel_loop3A_75 = arith.addi %parallel_loop3A_15, %parallel_loop3A_74 : i32
      %parallel_loop3A_76 = arith.index_cast %parallel_loop3A_75 : i32 to index
      %parallel_loop3A_77 = tpu.vector_load %arg5[%parallel_loop3A_76] {strides = array<i32>} : memref<2304xi32, #tpu.memory_space<vmem>>, vector<16xi32>,
      tpu.vector_store %arg5[%parallel_loop3A_76], %broadcast_in_dim3A_7 {strides = array<i32>} : memref<2304xi32, #tpu.memory_space<vmem>>, vector<16xi32>,
      %parallel_loop3A_78 = arith.constant 224 : i32
      %parallel_loop3A_79 = arith.addi %parallel_loop3A_15, %parallel_loop3A_78 : i32
      %parallel_loop3A_80 = arith.index_cast %parallel_loop3A_79 : i32 to index
      %parallel_loop3A_81 = tpu.vector_load %arg5[%parallel_loop3A_80] {strides = array<i32>} : memref<2304xi32, #tpu.memory_space<vmem>>, vector<16xi32>,
      tpu.vector_store %arg5[%parallel_loop3A_80], %broadcast_in_dim3A_7 {strides = array<i32>} : memref<2304xi32, #tpu.memory_space<vmem>>, vector<16xi32>,
      %parallel_loop3A_82 = arith.constant 240 : i32
      %parallel_loop3A_83 = arith.addi %parallel_loop3A_15, %parallel_loop3A_82 : i32
      %parallel_loop3A_84 = arith.index_cast %parallel_loop3A_83 : i32 to index
      %parallel_loop3A_85 = tpu.vector_load %arg5[%parallel_loop3A_84] {strides = array<i32>} : memref<2304xi32, #tpu.memory_space<vmem>>, vector<16xi32>,
      tpu.vector_store %arg5[%parallel_loop3A_84], %broadcast_in_dim3A_7 {strides = array<i32>} : memref<2304xi32, #tpu.memory_space<vmem>>, vector<16xi32>,
      %parallel_loop3A_86 = arith.constant 0 : i32
      %parallel_loop3A_87 = vector.broadcast %parallel_loop3A_86 : i32 to vector<16xi32>
      %parallel_loop3A_88 = arith.addi %iota3A, %parallel_loop3A_87 : vector<16xi32>
      %parallel_loop3A_89 = arith.constant 0 : index
      %parallel_loop3A_90 = tpu.vector_load %arg4[%parallel_loop3A_89] {strides = array<i32>} : memref<512xf32, #tpu.memory_space<vmem>>, vector<16xf32>,
      %parallel_loop3A_91 = arith.constant 256 : index
      %parallel_loop3A_92 = tpu.vector_load %arg4[%parallel_loop3A_91] {strides = array<i32>} : memref<512xf32, #tpu.memory_space<vmem>>, vector<16xf32>,
      %parallel_loop3A_93 = arith.subf %parallel_loop3A_90, %parallel_loop3A_17 : vector<16xf32>
      %parallel_loop3A_94 = arith.constant 2.000000e+00 : f32
      %parallel_loop3A_95 = vector.broadcast %parallel_loop3A_94 : f32 to vector<16xf32>
      %parallel_loop3A_96 = arith.mulf %parallel_loop3A_93, %parallel_loop3A_95 : vector<16xf32>
      %parallel_loop3A_97 = arith.constant 8.000000e+00 : f32
      %parallel_loop3A_98 = vector.broadcast %parallel_loop3A_97 : f32 to vector<16xf32>
      %parallel_loop3A_99 = arith.addf %parallel_loop3A_96, %parallel_loop3A_98 : vector<16xf32>
      %parallel_loop3A_100 = arith.subf %parallel_loop3A_92, %parallel_loop3A_21 : vector<16xf32>
      %parallel_loop3A_101 = arith.constant 2.000000e+00 : f32
      %parallel_loop3A_102 = vector.broadcast %parallel_loop3A_101 : f32 to vector<16xf32>
      %parallel_loop3A_103 = arith.mulf %parallel_loop3A_100, %parallel_loop3A_102 : vector<16xf32>
      %parallel_loop3A_104 = arith.constant 8.000000e+00 : f32
      %parallel_loop3A_105 = vector.broadcast %parallel_loop3A_104 : f32 to vector<16xf32>
      %parallel_loop3A_106 = arith.addf %parallel_loop3A_103, %parallel_loop3A_105 : vector<16xf32>
      %parallel_loop3A_107 = arith.constant 0.000000e+00 : f32
      %parallel_loop3A_108 = vector.broadcast %parallel_loop3A_107 : f32 to vector<16xf32>
      %parallel_loop3A_109 = arith.cmpf oge, %parallel_loop3A_99, %parallel_loop3A_108 : vector<16xf32>
      %parallel_loop3A_110 = arith.constant 1.600000e+01 : f32
      %parallel_loop3A_111 = vector.broadcast %parallel_loop3A_110 : f32 to vector<16xf32>
      %parallel_loop3A_112 = arith.cmpf olt, %parallel_loop3A_99, %parallel_loop3A_111 : vector<16xf32>
      %parallel_loop3A_113 = arith.andi %parallel_loop3A_109, %parallel_loop3A_112 : vector<16xi1>
      %parallel_loop3A_114 = arith.constant 0.000000e+00 : f32
      %parallel_loop3A_115 = vector.broadcast %parallel_loop3A_114 : f32 to vector<16xf32>
      %parallel_loop3A_116 = arith.cmpf oge, %parallel_loop3A_106, %parallel_loop3A_115 : vector<16xf32>
      %parallel_loop3A_117 = arith.andi %parallel_loop3A_113, %parallel_loop3A_116 : vector<16xi1>
      %parallel_loop3A_118 = arith.constant 1.600000e+01 : f32
      %parallel_loop3A_119 = vector.broadcast %parallel_loop3A_118 : f32 to vector<16xf32>
      %parallel_loop3A_120 = arith.cmpf olt, %parallel_loop3A_106, %parallel_loop3A_119 : vector<16xf32>
      %parallel_loop3A_121 = arith.andi %parallel_loop3A_117, %parallel_loop3A_120 : vector<16xi1>
      %parallel_loop3A_122 = vector.broadcast %parallel_loop3A_13 : i32 to vector<16xi32>
      %parallel_loop3A_123 = arith.cmpi ne, %parallel_loop3A_88, %parallel_loop3A_122 : vector<16xi32>
      %parallel_loop3A_124 = arith.andi %parallel_loop3A_121, %parallel_loop3A_123 : vector<16xi1>
      %parallel_loop3A_125 = arith.fptosi %parallel_loop3A_99 : vector<16xf32> to vector<16xi32>
      %parallel_loop3A_126 = arith.fptosi %parallel_loop3A_106 : vector<16xf32> to vector<16xi32>
      %parallel_loop3A_127 = arith.constant 16 : i32
      %parallel_loop3A_128 = vector.broadcast %parallel_loop3A_127 : i32 to vector<16xi32>
      %parallel_loop3A_129 = arith.muli %parallel_loop3A_125, %parallel_loop3A_128 : vector<16xi32>
      %parallel_loop3A_130 = arith.addi %parallel_loop3A_129, %parallel_loop3A_126 : vector<16xi32>
      %parallel_loop3A_131 = arith.constant 256 : i32
      %parallel_loop3A_132 = vector.broadcast %parallel_loop3A_131 : i32 to vector<16xi32>
      %parallel_loop3A_133 = arith.select %parallel_loop3A_124, %parallel_loop3A_130, %parallel_loop3A_132 : vector<16xi1>, vector<16xi32>
      %parallel_loop3A_134 = arith.constant 4 : i32
      %parallel_loop3A_135 = vector.broadcast %parallel_loop3A_134 : i32 to vector<16xi32>
      %parallel_loop3A_136 = arith.shli %parallel_loop3A_133, %parallel_loop3A_135 : vector<16xi32>
      %parallel_loop3A_137 = arith.ori %parallel_loop3A_136, %iota3A : vector<16xi32>
      %parallel_loop3A_138 = arith.constant dense<true> : vector<16xi1>
      %parallel_loop3A_139 = arith.constant -2147483648 : i32
      %parallel_loop3A_140 = vector.broadcast %parallel_loop3A_139 : i32 to vector<16xi32>
      %parallel_loop3A_141 = arith.xori %parallel_loop3A_137, %parallel_loop3A_140 : vector<16xi32>
      %parallel_loop3A_142, %parallel_loop3A_143, %parallel_loop3A_144 = tpu.sort %parallel_loop3A_141, %parallel_loop3A_88 masked %parallel_loop3A_138 : (vector<16xi32>, vector<16xi32>, vector<16xi1>) -> (vector<16xi1>, vector<16xi32>, vector<16xi32>)
      %parallel_loop3A_145 = arith.xori %parallel_loop3A_143, %parallel_loop3A_140 : vector<16xi32>
      %parallel_loop3A_146 = arith.constant 4 : i32
      %parallel_loop3A_147 = vector.broadcast %parallel_loop3A_146 : i32 to vector<16xi32>
      %parallel_loop3A_148 = arith.shrsi %parallel_loop3A_145, %parallel_loop3A_147 : vector<16xi32>
      %parallel_loop3A_149 = arith.constant 272 : i32
      %parallel_loop3A_150 = arith.addi %parallel_loop3A_15, %parallel_loop3A_149 : i32
      %parallel_loop3A_151 = arith.index_cast %parallel_loop3A_150 : i32 to index
      %parallel_loop3A_152 = tpu.vector_load %arg5[%parallel_loop3A_151] {strides = array<i32>} : memref<2304xi32, #tpu.memory_space<vmem>>, vector<16xi32>,
      tpu.vector_store %arg5[%parallel_loop3A_151], %parallel_loop3A_148 {strides = array<i32>} : memref<2304xi32, #tpu.memory_space<vmem>>, vector<16xi32>,
      %parallel_loop3A_153 = arith.constant 1 : i32
      %parallel_loop3A_154 = vector.broadcast %parallel_loop3A_153 : i32 to vector<16xi32>
      %parallel_loop3A_155 = arith.addi %iota3A, %parallel_loop3A_154 : vector<16xi32>
      %parallel_loop3A_156 = arith.constant 15 : i32
      %parallel_loop3A_157 = vector.broadcast %parallel_loop3A_156 : i32 to vector<16xi32>
      %parallel_loop3A_158 = arith.minsi %parallel_loop3A_155, %parallel_loop3A_157 : vector<16xi32>
      %parallel_loop3A_159 = arith.constant 272 : i32
      %parallel_loop3A_160 = arith.addi %parallel_loop3A_15, %parallel_loop3A_159 : i32
      %parallel_loop3A_161 = vector.broadcast %parallel_loop3A_160 : i32 to vector<16xi32>
      %parallel_loop3A_162 = arith.addi %parallel_loop3A_158, %parallel_loop3A_161 : vector<16xi32>
      %parallel_loop3A_163 = tpu.vector_load_idx %arg5[%parallel_loop3A_162] : memref<2304xi32, #tpu.memory_space<vmem>>[vector<16xi32>], vector<16xi32>,
      %parallel_loop3A_164 = arith.cmpi ne, %parallel_loop3A_163, %parallel_loop3A_148 : vector<16xi32>
      %parallel_loop3A_165 = arith.constant 15 : i32
      %parallel_loop3A_166 = vector.broadcast %parallel_loop3A_165 : i32 to vector<16xi32>
      %parallel_loop3A_167 = arith.cmpi eq, %iota3A, %parallel_loop3A_166 : vector<16xi32>
      %parallel_loop3A_168 = arith.ori %parallel_loop3A_164, %parallel_loop3A_167 : vector<16xi1>
      %parallel_loop3A_169 = arith.constant 256 : i32
      %parallel_loop3A_170 = vector.broadcast %parallel_loop3A_169 : i32 to vector<16xi32>
      %parallel_loop3A_171 = arith.cmpi slt, %parallel_loop3A_148, %parallel_loop3A_170 : vector<16xi32>
      %parallel_loop3A_172 = arith.andi %parallel_loop3A_168, %parallel_loop3A_171 : vector<16xi1>
      %parallel_loop3A_173 = vector.broadcast %parallel_loop3A_15 : i32 to vector<16xi32>
      %parallel_loop3A_174 = arith.addi %parallel_loop3A_148, %parallel_loop3A_173 : vector<16xi32>
      tpu.vector_store_idx %arg5[%parallel_loop3A_174], %parallel_loop3A_144 masked %parallel_loop3A_172 : memref<2304xi32, #tpu.memory_space<vmem>>[vector<16xi32>], vector<16xi32>, vector<16xi1>
      %parallel_loop3A_175 = arith.constant 4096 : i32
      %parallel_loop3A_176 = arith.muli %parallel_loop3A_12, %parallel_loop3A_175 : i32
      %parallel_loop3A_177 = arith.constant 0 : i32
      %parallel_loop3A_178 = arith.addi %parallel_loop3A_176, %parallel_loop3A_177 : i32
      %parallel_loop3A_179 = arith.constant 0 : i32
      %parallel_loop3A_180 = arith.addi %parallel_loop3A_178, %parallel_loop3A_179 : i32
      %parallel_loop3A_181 = arith.index_cast %parallel_loop3A_180 : i32 to index
      %parallel_loop3A_182 = tpu.vector_load %arg6[%parallel_loop3A_181] {strides = array<i32>} : memref<32768xf32, #tpu.memory_space<vmem>>, vector<16xf32>,
      tpu.vector_store %arg6[%parallel_loop3A_181], %broadcast_in_dim3A_5 {strides = array<i32>} : memref<32768xf32, #tpu.memory_space<vmem>>, vector<16xf32>,
      %parallel_loop3A_183 = arith.constant 4096 : i32
      %parallel_loop3A_184 = arith.muli %parallel_loop3A_12, %parallel_loop3A_183 : i32
      %parallel_loop3A_185 = arith.constant 0 : i32
      %parallel_loop3A_186 = arith.addi %parallel_loop3A_184, %parallel_loop3A_185 : i32
      %parallel_loop3A_187 = arith.constant 16 : i32
      %parallel_loop3A_188 = arith.addi %parallel_loop3A_186, %parallel_loop3A_187 : i32
      %parallel_loop3A_189 = arith.index_cast %parallel_loop3A_188 : i32 to index
      %parallel_loop3A_190 = tpu.vector_load %arg6[%parallel_loop3A_189] {strides = array<i32>} : memref<32768xf32, #tpu.memory_space<vmem>>, vector<16xf32>,
      tpu.vector_store %arg6[%parallel_loop3A_189], %broadcast_in_dim3A_5 {strides = array<i32>} : memref<32768xf32, #tpu.memory_space<vmem>>, vector<16xf32>,
      %parallel_loop3A_191 = arith.constant 4096 : i32
      %parallel_loop3A_192 = arith.muli %parallel_loop3A_12, %parallel_loop3A_191 : i32
      %parallel_loop3A_193 = arith.constant 0 : i32
      %parallel_loop3A_194 = arith.addi %parallel_loop3A_192, %parallel_loop3A_193 : i32
      %parallel_loop3A_195 = arith.constant 32 : i32
      %parallel_loop3A_196 = arith.addi %parallel_loop3A_194, %parallel_loop3A_195 : i32
      %parallel_loop3A_197 = arith.index_cast %parallel_loop3A_196 : i32 to index
      %parallel_loop3A_198 = tpu.vector_load %arg6[%parallel_loop3A_197] {strides = array<i32>} : memref<32768xf32, #tpu.memory_space<vmem>>, vector<16xf32>,
      tpu.vector_store %arg6[%parallel_loop3A_197], %broadcast_in_dim3A_5 {strides = array<i32>} : memref<32768xf32, #tpu.memory_space<vmem>>, vector<16xf32>,
      %parallel_loop3A_199 = arith.constant 4096 : i32
      %parallel_loop3A_200 = arith.muli %parallel_loop3A_12, %parallel_loop3A_199 : i32
      %parallel_loop3A_201 = arith.constant 0 : i32
      %parallel_loop3A_202 = arith.addi %parallel_loop3A_200, %parallel_loop3A_201 : i32
      %parallel_loop3A_203 = arith.constant 48 : i32
      %parallel_loop3A_204 = arith.addi %parallel_loop3A_202, %parallel_loop3A_203 : i32
      %parallel_loop3A_205 = arith.index_cast %parallel_loop3A_204 : i32 to index
      %parallel_loop3A_206 = tpu.vector_load %arg6[%parallel_loop3A_205] {strides = array<i32>} : memref<32768xf32, #tpu.memory_space<vmem>>, vector<16xf32>,
      tpu.vector_store %arg6[%parallel_loop3A_205], %broadcast_in_dim3A_5 {strides = array<i32>} : memref<32768xf32, #tpu.memory_space<vmem>>, vector<16xf32>,
      %parallel_loop3A_207 = arith.constant 4096 : i32
      %parallel_loop3A_208 = arith.muli %parallel_loop3A_12, %parallel_loop3A_207 : i32
      %parallel_loop3A_209 = arith.constant 0 : i32
      %parallel_loop3A_210 = arith.addi %parallel_loop3A_208, %parallel_loop3A_209 : i32
      %parallel_loop3A_211 = arith.constant 64 : i32
      %parallel_loop3A_212 = arith.addi %parallel_loop3A_210, %parallel_loop3A_211 : i32
      %parallel_loop3A_213 = arith.index_cast %parallel_loop3A_212 : i32 to index
      %parallel_loop3A_214 = tpu.vector_load %arg6[%parallel_loop3A_213] {strides = array<i32>} : memref<32768xf32, #tpu.memory_space<vmem>>, vector<16xf32>,
      tpu.vector_store %arg6[%parallel_loop3A_213], %broadcast_in_dim3A_5 {strides = array<i32>} : memref<32768xf32, #tpu.memory_space<vmem>>, vector<16xf32>,
      %parallel_loop3A_215 = arith.constant 4096 : i32
      %parallel_loop3A_216 = arith.muli %parallel_loop3A_12, %parallel_loop3A_215 : i32
      %parallel_loop3A_217 = arith.constant 0 : i32
      %parallel_loop3A_218 = arith.addi %parallel_loop3A_216, %parallel_loop3A_217 : i32
      %parallel_loop3A_219 = arith.constant 80 : i32
      %parallel_loop3A_220 = arith.addi %parallel_loop3A_218, %parallel_loop3A_219 : i32
      %parallel_loop3A_221 = arith.index_cast %parallel_loop3A_220 : i32 to index
      %parallel_loop3A_222 = tpu.vector_load %arg6[%parallel_loop3A_221] {strides = array<i32>} : memref<32768xf32, #tpu.memory_space<vmem>>, vector<16xf32>,
      tpu.vector_store %arg6[%parallel_loop3A_221], %broadcast_in_dim3A_5 {strides = array<i32>} : memref<32768xf32, #tpu.memory_space<vmem>>, vector<16xf32>,
      %parallel_loop3A_223 = arith.constant 4096 : i32
      %parallel_loop3A_224 = arith.muli %parallel_loop3A_12, %parallel_loop3A_223 : i32
      %parallel_loop3A_225 = arith.constant 0 : i32
      %parallel_loop3A_226 = arith.addi %parallel_loop3A_224, %parallel_loop3A_225 : i32
      %parallel_loop3A_227 = arith.constant 96 : i32
      %parallel_loop3A_228 = arith.addi %parallel_loop3A_226, %parallel_loop3A_227 : i32
      %parallel_loop3A_229 = arith.index_cast %parallel_loop3A_228 : i32 to index
      %parallel_loop3A_230 = tpu.vector_load %arg6[%parallel_loop3A_229] {strides = array<i32>} : memref<32768xf32, #tpu.memory_space<vmem>>, vector<16xf32>,
      tpu.vector_store %arg6[%parallel_loop3A_229], %broadcast_in_dim3A_5 {strides = array<i32>} : memref<32768xf32, #tpu.memory_space<vmem>>, vector<16xf32>,
      %parallel_loop3A_231 = arith.constant 4096 : i32
      %parallel_loop3A_232 = arith.muli %parallel_loop3A_12, %parallel_loop3A_231 : i32
      %parallel_loop3A_233 = arith.constant 0 : i32
      %parallel_loop3A_234 = arith.addi %parallel_loop3A_232, %parallel_loop3A_233 : i32
      %parallel_loop3A_235 = arith.constant 112 : i32
      %parallel_loop3A_236 = arith.addi %parallel_loop3A_234, %parallel_loop3A_235 : i32
      %parallel_loop3A_237 = arith.index_cast %parallel_loop3A_236 : i32 to index
      %parallel_loop3A_238 = tpu.vector_load %arg6[%parallel_loop3A_237] {strides = array<i32>} : memref<32768xf32, #tpu.memory_space<vmem>>, vector<16xf32>,
      tpu.vector_store %arg6[%parallel_loop3A_237], %broadcast_in_dim3A_5 {strides = array<i32>} : memref<32768xf32, #tpu.memory_space<vmem>>, vector<16xf32>,
      %parallel_loop3A_239 = arith.constant 4096 : i32
      %parallel_loop3A_240 = arith.muli %parallel_loop3A_12, %parallel_loop3A_239 : i32
      %parallel_loop3A_241 = arith.constant 0 : i32
      %parallel_loop3A_242 = arith.addi %parallel_loop3A_240, %parallel_loop3A_241 : i32
      %parallel_loop3A_243 = arith.constant 128 : i32
      %parallel_loop3A_244 = arith.addi %parallel_loop3A_242, %parallel_loop3A_243 : i32
      %parallel_loop3A_245 = arith.index_cast %parallel_loop3A_244 : i32 to index
      %parallel_loop3A_246 = tpu.vector_load %arg6[%parallel_loop3A_245] {strides = array<i32>} : memref<32768xf32, #tpu.memory_space<vmem>>, vector<16xf32>,
      tpu.vector_store %arg6[%parallel_loop3A_245], %broadcast_in_dim3A_5 {strides = array<i32>} : memref<32768xf32, #tpu.memory_space<vmem>>, vector<16xf32>,
      %parallel_loop3A_247 = arith.constant 4096 : i32
      %parallel_loop3A_248 = arith.muli %parallel_loop3A_12, %parallel_loop3A_247 : i32
      %parallel_loop3A_249 = arith.constant 0 : i32
      %parallel_loop3A_250 = arith.addi %parallel_loop3A_248, %parallel_loop3A_249 : i32
      %parallel_loop3A_251 = arith.constant 144 : i32
      %parallel_loop3A_252 = arith.addi %parallel_loop3A_250, %parallel_loop3A_251 : i32
      %parallel_loop3A_253 = arith.index_cast %parallel_loop3A_252 : i32 to index
      %parallel_loop3A_254 = tpu.vector_load %arg6[%parallel_loop3A_253] {strides = array<i32>} : memref<32768xf32, #tpu.memory_space<vmem>>, vector<16xf32>,
      tpu.vector_store %arg6[%parallel_loop3A_253], %broadcast_in_dim3A_5 {strides = array<i32>} : memref<32768xf32, #tpu.memory_space<vmem>>, vector<16xf32>,
      %parallel_loop3A_255 = arith.constant 4096 : i32
      %parallel_loop3A_256 = arith.muli %parallel_loop3A_12, %parallel_loop3A_255 : i32
      %parallel_loop3A_257 = arith.constant 0 : i32
      %parallel_loop3A_258 = arith.addi %parallel_loop3A_256, %parallel_loop3A_257 : i32
      %parallel_loop3A_259 = arith.constant 160 : i32
      %parallel_loop3A_260 = arith.addi %parallel_loop3A_258, %parallel_loop3A_259 : i32
      %parallel_loop3A_261 = arith.index_cast %parallel_loop3A_260 : i32 to index
      %parallel_loop3A_262 = tpu.vector_load %arg6[%parallel_loop3A_261] {strides = array<i32>} : memref<32768xf32, #tpu.memory_space<vmem>>, vector<16xf32>,
      tpu.vector_store %arg6[%parallel_loop3A_261], %broadcast_in_dim3A_5 {strides = array<i32>} : memref<32768xf32, #tpu.memory_space<vmem>>, vector<16xf32>,
      %parallel_loop3A_263 = arith.constant 4096 : i32
      %parallel_loop3A_264 = arith.muli %parallel_loop3A_12, %parallel_loop3A_263 : i32
      %parallel_loop3A_265 = arith.constant 0 : i32
      %parallel_loop3A_266 = arith.addi %parallel_loop3A_264, %parallel_loop3A_265 : i32
      %parallel_loop3A_267 = arith.constant 176 : i32
      %parallel_loop3A_268 = arith.addi %parallel_loop3A_266, %parallel_loop3A_267 : i32
      %parallel_loop3A_269 = arith.index_cast %parallel_loop3A_268 : i32 to index
      %parallel_loop3A_270 = tpu.vector_load %arg6[%parallel_loop3A_269] {strides = array<i32>} : memref<32768xf32, #tpu.memory_space<vmem>>, vector<16xf32>,
      tpu.vector_store %arg6[%parallel_loop3A_269], %broadcast_in_dim3A_5 {strides = array<i32>} : memref<32768xf32, #tpu.memory_space<vmem>>, vector<16xf32>,
      %parallel_loop3A_271 = arith.constant 4096 : i32
      %parallel_loop3A_272 = arith.muli %parallel_loop3A_12, %parallel_loop3A_271 : i32
      %parallel_loop3A_273 = arith.constant 0 : i32
      %parallel_loop3A_274 = arith.addi %parallel_loop3A_272, %parallel_loop3A_273 : i32
      %parallel_loop3A_275 = arith.constant 192 : i32
      %parallel_loop3A_276 = arith.addi %parallel_loop3A_274, %parallel_loop3A_275 : i32
      %parallel_loop3A_277 = arith.index_cast %parallel_loop3A_276 : i32 to index
      %parallel_loop3A_278 = tpu.vector_load %arg6[%parallel_loop3A_277] {strides = array<i32>} : memref<32768xf32, #tpu.memory_space<vmem>>, vector<16xf32>,
      tpu.vector_store %arg6[%parallel_loop3A_277], %broadcast_in_dim3A_5 {strides = array<i32>} : memref<32768xf32, #tpu.memory_space<vmem>>, vector<16xf32>,
      %parallel_loop3A_279 = arith.constant 4096 : i32
      %parallel_loop3A_280 = arith.muli %parallel_loop3A_12, %parallel_loop3A_279 : i32
      %parallel_loop3A_281 = arith.constant 0 : i32
      %parallel_loop3A_282 = arith.addi %parallel_loop3A_280, %parallel_loop3A_281 : i32
      %parallel_loop3A_283 = arith.constant 208 : i32
      %parallel_loop3A_284 = arith.addi %parallel_loop3A_282, %parallel_loop3A_283 : i32
      %parallel_loop3A_285 = arith.index_cast %parallel_loop3A_284 : i32 to index
      %parallel_loop3A_286 = tpu.vector_load %arg6[%parallel_loop3A_285] {strides = array<i32>} : memref<32768xf32, #tpu.memory_space<vmem>>, vector<16xf32>,
      tpu.vector_store %arg6[%parallel_loop3A_285], %broadcast_in_dim3A_5 {strides = array<i32>} : memref<32768xf32, #tpu.memory_space<vmem>>, vector<16xf32>,
      %parallel_loop3A_287 = arith.constant 4096 : i32
      %parallel_loop3A_288 = arith.muli %parallel_loop3A_12, %parallel_loop3A_287 : i32
      %parallel_loop3A_289 = arith.constant 0 : i32
      %parallel_loop3A_290 = arith.addi %parallel_loop3A_288, %parallel_loop3A_289 : i32
      %parallel_loop3A_291 = arith.constant 224 : i32
      %parallel_loop3A_292 = arith.addi %parallel_loop3A_290, %parallel_loop3A_291 : i32
      %parallel_loop3A_293 = arith.index_cast %parallel_loop3A_292 : i32 to index
      %parallel_loop3A_294 = tpu.vector_load %arg6[%parallel_loop3A_293] {strides = array<i32>} : memref<32768xf32, #tpu.memory_space<vmem>>, vector<16xf32>,
      tpu.vector_store %arg6[%parallel_loop3A_293], %broadcast_in_dim3A_5 {strides = array<i32>} : memref<32768xf32, #tpu.memory_space<vmem>>, vector<16xf32>,
      %parallel_loop3A_295 = arith.constant 4096 : i32
      %parallel_loop3A_296 = arith.muli %parallel_loop3A_12, %parallel_loop3A_295 : i32
      %parallel_loop3A_297 = arith.constant 0 : i32
      %parallel_loop3A_298 = arith.addi %parallel_loop3A_296, %parallel_loop3A_297 : i32
      %parallel_loop3A_299 = arith.constant 240 : i32
      %parallel_loop3A_300 = arith.addi %parallel_loop3A_298, %parallel_loop3A_299 : i32
      %parallel_loop3A_301 = arith.index_cast %parallel_loop3A_300 : i32 to index
      %parallel_loop3A_302 = tpu.vector_load %arg6[%parallel_loop3A_301] {strides = array<i32>} : memref<32768xf32, #tpu.memory_space<vmem>>, vector<16xf32>,
      tpu.vector_store %arg6[%parallel_loop3A_301], %broadcast_in_dim3A_5 {strides = array<i32>} : memref<32768xf32, #tpu.memory_space<vmem>>, vector<16xf32>,
      %parallel_loop3A_303 = arith.constant 16 : i32
      %parallel_loop3A_304 = vector.broadcast %parallel_loop3A_303 : i32 to vector<16xi32>
      %parallel_loop3A_305 = arith.addi %iota3A, %parallel_loop3A_304 : vector<16xi32>
      %parallel_loop3A_306 = arith.constant 16 : index
      %parallel_loop3A_307 = tpu.vector_load %arg4[%parallel_loop3A_306] {strides = array<i32>} : memref<512xf32, #tpu.memory_space<vmem>>, vector<16xf32>,
      %parallel_loop3A_308 = arith.constant 272 : index
      %parallel_loop3A_309 = tpu.vector_load %arg4[%parallel_loop3A_308] {strides = array<i32>} : memref<512xf32, #tpu.memory_space<vmem>>, vector<16xf32>,
      %parallel_loop3A_310 = arith.subf %parallel_loop3A_307, %parallel_loop3A_17 : vector<16xf32>
      %parallel_loop3A_311 = arith.constant 2.000000e+00 : f32
      %parallel_loop3A_312 = vector.broadcast %parallel_loop3A_311 : f32 to vector<16xf32>
      %parallel_loop3A_313 = arith.mulf %parallel_loop3A_310, %parallel_loop3A_312 : vector<16xf32>
      %parallel_loop3A_314 = arith.constant 8.000000e+00 : f32
      %parallel_loop3A_315 = vector.broadcast %parallel_loop3A_314 : f32 to vector<16xf32>
      %parallel_loop3A_316 = arith.addf %parallel_loop3A_313, %parallel_loop3A_315 : vector<16xf32>
      %parallel_loop3A_317 = arith.subf %parallel_loop3A_309, %parallel_loop3A_21 : vector<16xf32>
      %parallel_loop3A_318 = arith.constant 2.000000e+00 : f32
      %parallel_loop3A_319 = vector.broadcast %parallel_loop3A_318 : f32 to vector<16xf32>
      %parallel_loop3A_320 = arith.mulf %parallel_loop3A_317, %parallel_loop3A_319 : vector<16xf32>
      %parallel_loop3A_321 = arith.constant 8.000000e+00 : f32
      %parallel_loop3A_322 = vector.broadcast %parallel_loop3A_321 : f32 to vector<16xf32>
      %parallel_loop3A_323 = arith.addf %parallel_loop3A_320, %parallel_loop3A_322 : vector<16xf32>
      %parallel_loop3A_324 = arith.constant 0.000000e+00 : f32
      %parallel_loop3A_325 = vector.broadcast %parallel_loop3A_324 : f32 to vector<16xf32>
      %parallel_loop3A_326 = arith.cmpf oge, %parallel_loop3A_316, %parallel_loop3A_325 : vector<16xf32>
      %parallel_loop3A_327 = arith.constant 1.600000e+01 : f32
      %parallel_loop3A_328 = vector.broadcast %parallel_loop3A_327 : f32 to vector<16xf32>
      %parallel_loop3A_329 = arith.cmpf olt, %parallel_loop3A_316, %parallel_loop3A_328 : vector<16xf32>
      %parallel_loop3A_330 = arith.andi %parallel_loop3A_326, %parallel_loop3A_329 : vector<16xi1>
      %parallel_loop3A_331 = arith.constant 0.000000e+00 : f32
      %parallel_loop3A_332 = vector.broadcast %parallel_loop3A_331 : f32 to vector<16xf32>
      %parallel_loop3A_333 = arith.cmpf oge, %parallel_loop3A_323, %parallel_loop3A_332 : vector<16xf32>
      %parallel_loop3A_334 = arith.andi %parallel_loop3A_330, %parallel_loop3A_333 : vector<16xi1>
      %parallel_loop3A_335 = arith.constant 1.600000e+01 : f32
      %parallel_loop3A_336 = vector.broadcast %parallel_loop3A_335 : f32 to vector<16xf32>
      %parallel_loop3A_337 = arith.cmpf olt, %parallel_loop3A_323, %parallel_loop3A_336 : vector<16xf32>
      %parallel_loop3A_338 = arith.andi %parallel_loop3A_334, %parallel_loop3A_337 : vector<16xi1>
      %parallel_loop3A_339 = vector.broadcast %parallel_loop3A_13 : i32 to vector<16xi32>
      %parallel_loop3A_340 = arith.cmpi ne, %parallel_loop3A_305, %parallel_loop3A_339 : vector<16xi32>
      %parallel_loop3A_341 = arith.andi %parallel_loop3A_338, %parallel_loop3A_340 : vector<16xi1>
      %parallel_loop3A_342 = arith.fptosi %parallel_loop3A_316 : vector<16xf32> to vector<16xi32>
      %parallel_loop3A_343 = arith.fptosi %parallel_loop3A_323 : vector<16xf32> to vector<16xi32>
      %parallel_loop3A_344 = arith.constant 16 : i32
      %parallel_loop3A_345 = vector.broadcast %parallel_loop3A_344 : i32 to vector<16xi32>
      %parallel_loop3A_346 = arith.muli %parallel_loop3A_342, %parallel_loop3A_345 : vector<16xi32>
      %parallel_loop3A_347 = arith.addi %parallel_loop3A_346, %parallel_loop3A_343 : vector<16xi32>
      %parallel_loop3A_348 = arith.constant 256 : i32
      %parallel_loop3A_349 = vector.broadcast %parallel_loop3A_348 : i32 to vector<16xi32>
      %parallel_loop3A_350 = arith.select %parallel_loop3A_341, %parallel_loop3A_347, %parallel_loop3A_349 : vector<16xi1>, vector<16xi32>
      %parallel_loop3A_351 = arith.constant 4 : i32
      %parallel_loop3A_352 = vector.broadcast %parallel_loop3A_351 : i32 to vector<16xi32>
      %parallel_loop3A_353 = arith.shli %parallel_loop3A_350, %parallel_loop3A_352 : vector<16xi32>
      %parallel_loop3A_354 = arith.ori %parallel_loop3A_353, %iota3A : vector<16xi32>
      %parallel_loop3A_355 = arith.constant dense<true> : vector<16xi1>
      %parallel_loop3A_356 = arith.constant -2147483648 : i32
      %parallel_loop3A_357 = vector.broadcast %parallel_loop3A_356 : i32 to vector<16xi32>
      %parallel_loop3A_358 = arith.xori %parallel_loop3A_354, %parallel_loop3A_357 : vector<16xi32>
      %parallel_loop3A_359, %parallel_loop3A_360, %parallel_loop3A_361 = tpu.sort %parallel_loop3A_358, %parallel_loop3A_305 masked %parallel_loop3A_355 : (vector<16xi32>, vector<16xi32>, vector<16xi1>) -> (vector<16xi1>, vector<16xi32>, vector<16xi32>)
      %parallel_loop3A_362 = arith.xori %parallel_loop3A_360, %parallel_loop3A_357 : vector<16xi32>
      %parallel_loop3A_363 = arith.constant 4 : i32
      %parallel_loop3A_364 = vector.broadcast %parallel_loop3A_363 : i32 to vector<16xi32>
      %parallel_loop3A_365 = arith.shrsi %parallel_loop3A_362, %parallel_loop3A_364 : vector<16xi32>
      %parallel_loop3A_366 = arith.constant 272 : i32
      %parallel_loop3A_367 = arith.addi %parallel_loop3A_15, %parallel_loop3A_366 : i32
      %parallel_loop3A_368 = arith.index_cast %parallel_loop3A_367 : i32 to index
      %parallel_loop3A_369 = tpu.vector_load %arg5[%parallel_loop3A_368] {strides = array<i32>} : memref<2304xi32, #tpu.memory_space<vmem>>, vector<16xi32>,
      tpu.vector_store %arg5[%parallel_loop3A_368], %parallel_loop3A_365 {strides = array<i32>} : memref<2304xi32, #tpu.memory_space<vmem>>, vector<16xi32>,
      %parallel_loop3A_370 = arith.constant 1 : i32
      %parallel_loop3A_371 = vector.broadcast %parallel_loop3A_370 : i32 to vector<16xi32>
      %parallel_loop3A_372 = arith.addi %iota3A, %parallel_loop3A_371 : vector<16xi32>
      %parallel_loop3A_373 = arith.constant 15 : i32
      %parallel_loop3A_374 = vector.broadcast %parallel_loop3A_373 : i32 to vector<16xi32>
      %parallel_loop3A_375 = arith.minsi %parallel_loop3A_372, %parallel_loop3A_374 : vector<16xi32>
      %parallel_loop3A_376 = arith.constant 272 : i32
      %parallel_loop3A_377 = arith.addi %parallel_loop3A_15, %parallel_loop3A_376 : i32
      %parallel_loop3A_378 = vector.broadcast %parallel_loop3A_377 : i32 to vector<16xi32>
      %parallel_loop3A_379 = arith.addi %parallel_loop3A_375, %parallel_loop3A_378 : vector<16xi32>
      %parallel_loop3A_380 = tpu.vector_load_idx %arg5[%parallel_loop3A_379] : memref<2304xi32, #tpu.memory_space<vmem>>[vector<16xi32>], vector<16xi32>,
      %parallel_loop3A_381 = arith.cmpi ne, %parallel_loop3A_380, %parallel_loop3A_365 : vector<16xi32>
      %parallel_loop3A_382 = arith.constant 15 : i32
      %parallel_loop3A_383 = vector.broadcast %parallel_loop3A_382 : i32 to vector<16xi32>
      %parallel_loop3A_384 = arith.cmpi eq, %iota3A, %parallel_loop3A_383 : vector<16xi32>
      %parallel_loop3A_385 = arith.ori %parallel_loop3A_381, %parallel_loop3A_384 : vector<16xi1>
      %parallel_loop3A_386 = arith.constant 256 : i32
      %parallel_loop3A_387 = vector.broadcast %parallel_loop3A_386 : i32 to vector<16xi32>
      %parallel_loop3A_388 = arith.cmpi slt, %parallel_loop3A_365, %parallel_loop3A_387 : vector<16xi32>
      %parallel_loop3A_389 = arith.andi %parallel_loop3A_385, %parallel_loop3A_388 : vector<16xi1>
      %parallel_loop3A_390 = vector.broadcast %parallel_loop3A_15 : i32 to vector<16xi32>
      %parallel_loop3A_391 = arith.addi %parallel_loop3A_365, %parallel_loop3A_390 : vector<16xi32>
      tpu.vector_store_idx %arg5[%parallel_loop3A_391], %parallel_loop3A_361 masked %parallel_loop3A_389 : memref<2304xi32, #tpu.memory_space<vmem>>[vector<16xi32>], vector<16xi32>, vector<16xi1>
      %parallel_loop3A_392 = arith.constant 4096 : i32
      %parallel_loop3A_393 = arith.muli %parallel_loop3A_12, %parallel_loop3A_392 : i32
      %parallel_loop3A_394 = arith.constant 256 : i32
      %parallel_loop3A_395 = arith.addi %parallel_loop3A_393, %parallel_loop3A_394 : i32
      %parallel_loop3A_396 = arith.constant 0 : i32
      %parallel_loop3A_397 = arith.addi %parallel_loop3A_395, %parallel_loop3A_396 : i32
      %parallel_loop3A_398 = arith.index_cast %parallel_loop3A_397 : i32 to index
      %parallel_loop3A_399 = tpu.vector_load %arg6[%parallel_loop3A_398] {strides = array<i32>} : memref<32768xf32, #tpu.memory_space<vmem>>, vector<16xf32>,
      tpu.vector_store %arg6[%parallel_loop3A_398], %broadcast_in_dim3A_5 {strides = array<i32>} : memref<32768xf32, #tpu.memory_space<vmem>>, vector<16xf32>,
      %parallel_loop3A_400 = arith.constant 4096 : i32
      %parallel_loop3A_401 = arith.muli %parallel_loop3A_12, %parallel_loop3A_400 : i32
      %parallel_loop3A_402 = arith.constant 256 : i32
      %parallel_loop3A_403 = arith.addi %parallel_loop3A_401, %parallel_loop3A_402 : i32
      %parallel_loop3A_404 = arith.constant 16 : i32
      %parallel_loop3A_405 = arith.addi %parallel_loop3A_403, %parallel_loop3A_404 : i32
      %parallel_loop3A_406 = arith.index_cast %parallel_loop3A_405 : i32 to index
      %parallel_loop3A_407 = tpu.vector_load %arg6[%parallel_loop3A_406] {strides = array<i32>} : memref<32768xf32, #tpu.memory_space<vmem>>, vector<16xf32>,
      tpu.vector_store %arg6[%parallel_loop3A_406], %broadcast_in_dim3A_5 {strides = array<i32>} : memref<32768xf32, #tpu.memory_space<vmem>>, vector<16xf32>,
      %parallel_loop3A_408 = arith.constant 4096 : i32
      %parallel_loop3A_409 = arith.muli %parallel_loop3A_12, %parallel_loop3A_408 : i32
      %parallel_loop3A_410 = arith.constant 256 : i32
      %parallel_loop3A_411 = arith.addi %parallel_loop3A_409, %parallel_loop3A_410 : i32
      %parallel_loop3A_412 = arith.constant 32 : i32
      %parallel_loop3A_413 = arith.addi %parallel_loop3A_411, %parallel_loop3A_412 : i32
      %parallel_loop3A_414 = arith.index_cast %parallel_loop3A_413 : i32 to index
      %parallel_loop3A_415 = tpu.vector_load %arg6[%parallel_loop3A_414] {strides = array<i32>} : memref<32768xf32, #tpu.memory_space<vmem>>, vector<16xf32>,
      tpu.vector_store %arg6[%parallel_loop3A_414], %broadcast_in_dim3A_5 {strides = array<i32>} : memref<32768xf32, #tpu.memory_space<vmem>>, vector<16xf32>,
      %parallel_loop3A_416 = arith.constant 4096 : i32
      %parallel_loop3A_417 = arith.muli %parallel_loop3A_12, %parallel_loop3A_416 : i32
      %parallel_loop3A_418 = arith.constant 256 : i32
      %parallel_loop3A_419 = arith.addi %parallel_loop3A_417, %parallel_loop3A_418 : i32
      %parallel_loop3A_420 = arith.constant 48 : i32
      %parallel_loop3A_421 = arith.addi %parallel_loop3A_419, %parallel_loop3A_420 : i32
      %parallel_loop3A_422 = arith.index_cast %parallel_loop3A_421 : i32 to index
      %parallel_loop3A_423 = tpu.vector_load %arg6[%parallel_loop3A_422] {strides = array<i32>} : memref<32768xf32, #tpu.memory_space<vmem>>, vector<16xf32>,
      tpu.vector_store %arg6[%parallel_loop3A_422], %broadcast_in_dim3A_5 {strides = array<i32>} : memref<32768xf32, #tpu.memory_space<vmem>>, vector<16xf32>,
      %parallel_loop3A_424 = arith.constant 4096 : i32
      %parallel_loop3A_425 = arith.muli %parallel_loop3A_12, %parallel_loop3A_424 : i32
      %parallel_loop3A_426 = arith.constant 256 : i32
      %parallel_loop3A_427 = arith.addi %parallel_loop3A_425, %parallel_loop3A_426 : i32
      %parallel_loop3A_428 = arith.constant 64 : i32
      %parallel_loop3A_429 = arith.addi %parallel_loop3A_427, %parallel_loop3A_428 : i32
      %parallel_loop3A_430 = arith.index_cast %parallel_loop3A_429 : i32 to index
      %parallel_loop3A_431 = tpu.vector_load %arg6[%parallel_loop3A_430] {strides = array<i32>} : memref<32768xf32, #tpu.memory_space<vmem>>, vector<16xf32>,
      tpu.vector_store %arg6[%parallel_loop3A_430], %broadcast_in_dim3A_5 {strides = array<i32>} : memref<32768xf32, #tpu.memory_space<vmem>>, vector<16xf32>,
      %parallel_loop3A_432 = arith.constant 4096 : i32
      %parallel_loop3A_433 = arith.muli %parallel_loop3A_12, %parallel_loop3A_432 : i32
      %parallel_loop3A_434 = arith.constant 256 : i32
      %parallel_loop3A_435 = arith.addi %parallel_loop3A_433, %parallel_loop3A_434 : i32
      %parallel_loop3A_436 = arith.constant 80 : i32
      %parallel_loop3A_437 = arith.addi %parallel_loop3A_435, %parallel_loop3A_436 : i32
      %parallel_loop3A_438 = arith.index_cast %parallel_loop3A_437 : i32 to index
      %parallel_loop3A_439 = tpu.vector_load %arg6[%parallel_loop3A_438] {strides = array<i32>} : memref<32768xf32, #tpu.memory_space<vmem>>, vector<16xf32>,
      tpu.vector_store %arg6[%parallel_loop3A_438], %broadcast_in_dim3A_5 {strides = array<i32>} : memref<32768xf32, #tpu.memory_space<vmem>>, vector<16xf32>,
      %parallel_loop3A_440 = arith.constant 4096 : i32
      %parallel_loop3A_441 = arith.muli %parallel_loop3A_12, %parallel_loop3A_440 : i32
      %parallel_loop3A_442 = arith.constant 256 : i32
      %parallel_loop3A_443 = arith.addi %parallel_loop3A_441, %parallel_loop3A_442 : i32
      %parallel_loop3A_444 = arith.constant 96 : i32
      %parallel_loop3A_445 = arith.addi %parallel_loop3A_443, %parallel_loop3A_444 : i32
      %parallel_loop3A_446 = arith.index_cast %parallel_loop3A_445 : i32 to index
      %parallel_loop3A_447 = tpu.vector_load %arg6[%parallel_loop3A_446] {strides = array<i32>} : memref<32768xf32, #tpu.memory_space<vmem>>, vector<16xf32>,
      tpu.vector_store %arg6[%parallel_loop3A_446], %broadcast_in_dim3A_5 {strides = array<i32>} : memref<32768xf32, #tpu.memory_space<vmem>>, vector<16xf32>,
      %parallel_loop3A_448 = arith.constant 4096 : i32
      %parallel_loop3A_449 = arith.muli %parallel_loop3A_12, %parallel_loop3A_448 : i32
      %parallel_loop3A_450 = arith.constant 256 : i32
      %parallel_loop3A_451 = arith.addi %parallel_loop3A_449, %parallel_loop3A_450 : i32
      %parallel_loop3A_452 = arith.constant 112 : i32
      %parallel_loop3A_453 = arith.addi %parallel_loop3A_451, %parallel_loop3A_452 : i32
      %parallel_loop3A_454 = arith.index_cast %parallel_loop3A_453 : i32 to index
      %parallel_loop3A_455 = tpu.vector_load %arg6[%parallel_loop3A_454] {strides = array<i32>} : memref<32768xf32, #tpu.memory_space<vmem>>, vector<16xf32>,
      tpu.vector_store %arg6[%parallel_loop3A_454], %broadcast_in_dim3A_5 {strides = array<i32>} : memref<32768xf32, #tpu.memory_space<vmem>>, vector<16xf32>,
      %parallel_loop3A_456 = arith.constant 4096 : i32
      %parallel_loop3A_457 = arith.muli %parallel_loop3A_12, %parallel_loop3A_456 : i32
      %parallel_loop3A_458 = arith.constant 256 : i32
      %parallel_loop3A_459 = arith.addi %parallel_loop3A_457, %parallel_loop3A_458 : i32
      %parallel_loop3A_460 = arith.constant 128 : i32
      %parallel_loop3A_461 = arith.addi %parallel_loop3A_459, %parallel_loop3A_460 : i32
      %parallel_loop3A_462 = arith.index_cast %parallel_loop3A_461 : i32 to index
      %parallel_loop3A_463 = tpu.vector_load %arg6[%parallel_loop3A_462] {strides = array<i32>} : memref<32768xf32, #tpu.memory_space<vmem>>, vector<16xf32>,
      tpu.vector_store %arg6[%parallel_loop3A_462], %broadcast_in_dim3A_5 {strides = array<i32>} : memref<32768xf32, #tpu.memory_space<vmem>>, vector<16xf32>,
      %parallel_loop3A_464 = arith.constant 4096 : i32
      %parallel_loop3A_465 = arith.muli %parallel_loop3A_12, %parallel_loop3A_464 : i32
      %parallel_loop3A_466 = arith.constant 256 : i32
      %parallel_loop3A_467 = arith.addi %parallel_loop3A_465, %parallel_loop3A_466 : i32
      %parallel_loop3A_468 = arith.constant 144 : i32
      %parallel_loop3A_469 = arith.addi %parallel_loop3A_467, %parallel_loop3A_468 : i32
      %parallel_loop3A_470 = arith.index_cast %parallel_loop3A_469 : i32 to index
      %parallel_loop3A_471 = tpu.vector_load %arg6[%parallel_loop3A_470] {strides = array<i32>} : memref<32768xf32, #tpu.memory_space<vmem>>, vector<16xf32>,
      tpu.vector_store %arg6[%parallel_loop3A_470], %broadcast_in_dim3A_5 {strides = array<i32>} : memref<32768xf32, #tpu.memory_space<vmem>>, vector<16xf32>,
      %parallel_loop3A_472 = arith.constant 4096 : i32
      %parallel_loop3A_473 = arith.muli %parallel_loop3A_12, %parallel_loop3A_472 : i32
      %parallel_loop3A_474 = arith.constant 256 : i32
      %parallel_loop3A_475 = arith.addi %parallel_loop3A_473, %parallel_loop3A_474 : i32
      %parallel_loop3A_476 = arith.constant 160 : i32
      %parallel_loop3A_477 = arith.addi %parallel_loop3A_475, %parallel_loop3A_476 : i32
      %parallel_loop3A_478 = arith.index_cast %parallel_loop3A_477 : i32 to index
      %parallel_loop3A_479 = tpu.vector_load %arg6[%parallel_loop3A_478] {strides = array<i32>} : memref<32768xf32, #tpu.memory_space<vmem>>, vector<16xf32>,
      tpu.vector_store %arg6[%parallel_loop3A_478], %broadcast_in_dim3A_5 {strides = array<i32>} : memref<32768xf32, #tpu.memory_space<vmem>>, vector<16xf32>,
      %parallel_loop3A_480 = arith.constant 4096 : i32
      %parallel_loop3A_481 = arith.muli %parallel_loop3A_12, %parallel_loop3A_480 : i32
      %parallel_loop3A_482 = arith.constant 256 : i32
      %parallel_loop3A_483 = arith.addi %parallel_loop3A_481, %parallel_loop3A_482 : i32
      %parallel_loop3A_484 = arith.constant 176 : i32
      %parallel_loop3A_485 = arith.addi %parallel_loop3A_483, %parallel_loop3A_484 : i32
      %parallel_loop3A_486 = arith.index_cast %parallel_loop3A_485 : i32 to index
      %parallel_loop3A_487 = tpu.vector_load %arg6[%parallel_loop3A_486] {strides = array<i32>} : memref<32768xf32, #tpu.memory_space<vmem>>, vector<16xf32>,
      tpu.vector_store %arg6[%parallel_loop3A_486], %broadcast_in_dim3A_5 {strides = array<i32>} : memref<32768xf32, #tpu.memory_space<vmem>>, vector<16xf32>,
      %parallel_loop3A_488 = arith.constant 4096 : i32
      %parallel_loop3A_489 = arith.muli %parallel_loop3A_12, %parallel_loop3A_488 : i32
      %parallel_loop3A_490 = arith.constant 256 : i32
      %parallel_loop3A_491 = arith.addi %parallel_loop3A_489, %parallel_loop3A_490 : i32
      %parallel_loop3A_492 = arith.constant 192 : i32
      %parallel_loop3A_493 = arith.addi %parallel_loop3A_491, %parallel_loop3A_492 : i32
      %parallel_loop3A_494 = arith.index_cast %parallel_loop3A_493 : i32 to index
      %parallel_loop3A_495 = tpu.vector_load %arg6[%parallel_loop3A_494] {strides = array<i32>} : memref<32768xf32, #tpu.memory_space<vmem>>, vector<16xf32>,
      tpu.vector_store %arg6[%parallel_loop3A_494], %broadcast_in_dim3A_5 {strides = array<i32>} : memref<32768xf32, #tpu.memory_space<vmem>>, vector<16xf32>,
      %parallel_loop3A_496 = arith.constant 4096 : i32
      %parallel_loop3A_497 = arith.muli %parallel_loop3A_12, %parallel_loop3A_496 : i32
      %parallel_loop3A_498 = arith.constant 256 : i32
      %parallel_loop3A_499 = arith.addi %parallel_loop3A_497, %parallel_loop3A_498 : i32
      %parallel_loop3A_500 = arith.constant 208 : i32
      %parallel_loop3A_501 = arith.addi %parallel_loop3A_499, %parallel_loop3A_500 : i32
      %parallel_loop3A_502 = arith.index_cast %parallel_loop3A_501 : i32 to index
      %parallel_loop3A_503 = tpu.vector_load %arg6[%parallel_loop3A_502] {strides = array<i32>} : memref<32768xf32, #tpu.memory_space<vmem>>, vector<16xf32>,
      tpu.vector_store %arg6[%parallel_loop3A_502], %broadcast_in_dim3A_5 {strides = array<i32>} : memref<32768xf32, #tpu.memory_space<vmem>>, vector<16xf32>,
      %parallel_loop3A_504 = arith.constant 4096 : i32
      %parallel_loop3A_505 = arith.muli %parallel_loop3A_12, %parallel_loop3A_504 : i32
      %parallel_loop3A_506 = arith.constant 256 : i32
      %parallel_loop3A_507 = arith.addi %parallel_loop3A_505, %parallel_loop3A_506 : i32
      %parallel_loop3A_508 = arith.constant 224 : i32
      %parallel_loop3A_509 = arith.addi %parallel_loop3A_507, %parallel_loop3A_508 : i32
      %parallel_loop3A_510 = arith.index_cast %parallel_loop3A_509 : i32 to index
      %parallel_loop3A_511 = tpu.vector_load %arg6[%parallel_loop3A_510] {strides = array<i32>} : memref<32768xf32, #tpu.memory_space<vmem>>, vector<16xf32>,
      tpu.vector_store %arg6[%parallel_loop3A_510], %broadcast_in_dim3A_5 {strides = array<i32>} : memref<32768xf32, #tpu.memory_space<vmem>>, vector<16xf32>,
      %parallel_loop3A_512 = arith.constant 4096 : i32
      %parallel_loop3A_513 = arith.muli %parallel_loop3A_12, %parallel_loop3A_512 : i32
      %parallel_loop3A_514 = arith.constant 256 : i32
      %parallel_loop3A_515 = arith.addi %parallel_loop3A_513, %parallel_loop3A_514 : i32
      %parallel_loop3A_516 = arith.constant 240 : i32
      %parallel_loop3A_517 = arith.addi %parallel_loop3A_515, %parallel_loop3A_516 : i32
      %parallel_loop3A_518 = arith.index_cast %parallel_loop3A_517 : i32 to index
      %parallel_loop3A_519 = tpu.vector_load %arg6[%parallel_loop3A_518] {strides = array<i32>} : memref<32768xf32, #tpu.memory_space<vmem>>, vector<16xf32>,
      tpu.vector_store %arg6[%parallel_loop3A_518], %broadcast_in_dim3A_5 {strides = array<i32>} : memref<32768xf32, #tpu.memory_space<vmem>>, vector<16xf32>,
      %parallel_loop3A_520 = arith.constant 32 : i32
      %parallel_loop3A_521 = vector.broadcast %parallel_loop3A_520 : i32 to vector<16xi32>
      %parallel_loop3A_522 = arith.addi %iota3A, %parallel_loop3A_521 : vector<16xi32>
      %parallel_loop3A_523 = arith.constant 32 : index
      %parallel_loop3A_524 = tpu.vector_load %arg4[%parallel_loop3A_523] {strides = array<i32>} : memref<512xf32, #tpu.memory_space<vmem>>, vector<16xf32>,
      %parallel_loop3A_525 = arith.constant 288 : index
      %parallel_loop3A_526 = tpu.vector_load %arg4[%parallel_loop3A_525] {strides = array<i32>} : memref<512xf32, #tpu.memory_space<vmem>>, vector<16xf32>,
      %parallel_loop3A_527 = arith.subf %parallel_loop3A_524, %parallel_loop3A_17 : vector<16xf32>
      %parallel_loop3A_528 = arith.constant 2.000000e+00 : f32
      %parallel_loop3A_529 = vector.broadcast %parallel_loop3A_528 : f32 to vector<16xf32>
      %parallel_loop3A_530 = arith.mulf %parallel_loop3A_527, %parallel_loop3A_529 : vector<16xf32>
      %parallel_loop3A_531 = arith.constant 8.000000e+00 : f32
      %parallel_loop3A_532 = vector.broadcast %parallel_loop3A_531 : f32 to vector<16xf32>
      %parallel_loop3A_533 = arith.addf %parallel_loop3A_530, %parallel_loop3A_532 : vector<16xf32>
      %parallel_loop3A_534 = arith.subf %parallel_loop3A_526, %parallel_loop3A_21 : vector<16xf32>
      %parallel_loop3A_535 = arith.constant 2.000000e+00 : f32
      %parallel_loop3A_536 = vector.broadcast %parallel_loop3A_535 : f32 to vector<16xf32>
      %parallel_loop3A_537 = arith.mulf %parallel_loop3A_534, %parallel_loop3A_536 : vector<16xf32>
      %parallel_loop3A_538 = arith.constant 8.000000e+00 : f32
      %parallel_loop3A_539 = vector.broadcast %parallel_loop3A_538 : f32 to vector<16xf32>
      %parallel_loop3A_540 = arith.addf %parallel_loop3A_537, %parallel_loop3A_539 : vector<16xf32>
      %parallel_loop3A_541 = arith.constant 0.000000e+00 : f32
      %parallel_loop3A_542 = vector.broadcast %parallel_loop3A_541 : f32 to vector<16xf32>
      %parallel_loop3A_543 = arith.cmpf oge, %parallel_loop3A_533, %parallel_loop3A_542 : vector<16xf32>
      %parallel_loop3A_544 = arith.constant 1.600000e+01 : f32
      %parallel_loop3A_545 = vector.broadcast %parallel_loop3A_544 : f32 to vector<16xf32>
      %parallel_loop3A_546 = arith.cmpf olt, %parallel_loop3A_533, %parallel_loop3A_545 : vector<16xf32>
      %parallel_loop3A_547 = arith.andi %parallel_loop3A_543, %parallel_loop3A_546 : vector<16xi1>
      %parallel_loop3A_548 = arith.constant 0.000000e+00 : f32
      %parallel_loop3A_549 = vector.broadcast %parallel_loop3A_548 : f32 to vector<16xf32>
      %parallel_loop3A_550 = arith.cmpf oge, %parallel_loop3A_540, %parallel_loop3A_549 : vector<16xf32>
      %parallel_loop3A_551 = arith.andi %parallel_loop3A_547, %parallel_loop3A_550 : vector<16xi1>
      %parallel_loop3A_552 = arith.constant 1.600000e+01 : f32
      %parallel_loop3A_553 = vector.broadcast %parallel_loop3A_552 : f32 to vector<16xf32>
      %parallel_loop3A_554 = arith.cmpf olt, %parallel_loop3A_540, %parallel_loop3A_553 : vector<16xf32>
      %parallel_loop3A_555 = arith.andi %parallel_loop3A_551, %parallel_loop3A_554 : vector<16xi1>
      %parallel_loop3A_556 = vector.broadcast %parallel_loop3A_13 : i32 to vector<16xi32>
      %parallel_loop3A_557 = arith.cmpi ne, %parallel_loop3A_522, %parallel_loop3A_556 : vector<16xi32>
      %parallel_loop3A_558 = arith.andi %parallel_loop3A_555, %parallel_loop3A_557 : vector<16xi1>
      %parallel_loop3A_559 = arith.fptosi %parallel_loop3A_533 : vector<16xf32> to vector<16xi32>
      %parallel_loop3A_560 = arith.fptosi %parallel_loop3A_540 : vector<16xf32> to vector<16xi32>
      %parallel_loop3A_561 = arith.constant 16 : i32
      %parallel_loop3A_562 = vector.broadcast %parallel_loop3A_561 : i32 to vector<16xi32>
      %parallel_loop3A_563 = arith.muli %parallel_loop3A_559, %parallel_loop3A_562 : vector<16xi32>
      %parallel_loop3A_564 = arith.addi %parallel_loop3A_563, %parallel_loop3A_560 : vector<16xi32>
      %parallel_loop3A_565 = arith.constant 256 : i32
      %parallel_loop3A_566 = vector.broadcast %parallel_loop3A_565 : i32 to vector<16xi32>
      %parallel_loop3A_567 = arith.select %parallel_loop3A_558, %parallel_loop3A_564, %parallel_loop3A_566 : vector<16xi1>, vector<16xi32>
      %parallel_loop3A_568 = arith.constant 4 : i32
      %parallel_loop3A_569 = vector.broadcast %parallel_loop3A_568 : i32 to vector<16xi32>
      %parallel_loop3A_570 = arith.shli %parallel_loop3A_567, %parallel_loop3A_569 : vector<16xi32>
      %parallel_loop3A_571 = arith.ori %parallel_loop3A_570, %iota3A : vector<16xi32>
      %parallel_loop3A_572 = arith.constant dense<true> : vector<16xi1>
      %parallel_loop3A_573 = arith.constant -2147483648 : i32
      %parallel_loop3A_574 = vector.broadcast %parallel_loop3A_573 : i32 to vector<16xi32>
      %parallel_loop3A_575 = arith.xori %parallel_loop3A_571, %parallel_loop3A_574 : vector<16xi32>
      %parallel_loop3A_576, %parallel_loop3A_577, %parallel_loop3A_578 = tpu.sort %parallel_loop3A_575, %parallel_loop3A_522 masked %parallel_loop3A_572 : (vector<16xi32>, vector<16xi32>, vector<16xi1>) -> (vector<16xi1>, vector<16xi32>, vector<16xi32>)
      %parallel_loop3A_579 = arith.xori %parallel_loop3A_577, %parallel_loop3A_574 : vector<16xi32>
      %parallel_loop3A_580 = arith.constant 4 : i32
      %parallel_loop3A_581 = vector.broadcast %parallel_loop3A_580 : i32 to vector<16xi32>
      %parallel_loop3A_582 = arith.shrsi %parallel_loop3A_579, %parallel_loop3A_581 : vector<16xi32>
      %parallel_loop3A_583 = arith.constant 272 : i32
      %parallel_loop3A_584 = arith.addi %parallel_loop3A_15, %parallel_loop3A_583 : i32
      %parallel_loop3A_585 = arith.index_cast %parallel_loop3A_584 : i32 to index
      %parallel_loop3A_586 = tpu.vector_load %arg5[%parallel_loop3A_585] {strides = array<i32>} : memref<2304xi32, #tpu.memory_space<vmem>>, vector<16xi32>,
      tpu.vector_store %arg5[%parallel_loop3A_585], %parallel_loop3A_582 {strides = array<i32>} : memref<2304xi32, #tpu.memory_space<vmem>>, vector<16xi32>,
      %parallel_loop3A_587 = arith.constant 1 : i32
      %parallel_loop3A_588 = vector.broadcast %parallel_loop3A_587 : i32 to vector<16xi32>
      %parallel_loop3A_589 = arith.addi %iota3A, %parallel_loop3A_588 : vector<16xi32>
      %parallel_loop3A_590 = arith.constant 15 : i32
      %parallel_loop3A_591 = vector.broadcast %parallel_loop3A_590 : i32 to vector<16xi32>
      %parallel_loop3A_592 = arith.minsi %parallel_loop3A_589, %parallel_loop3A_591 : vector<16xi32>
      %parallel_loop3A_593 = arith.constant 272 : i32
      %parallel_loop3A_594 = arith.addi %parallel_loop3A_15, %parallel_loop3A_593 : i32
      %parallel_loop3A_595 = vector.broadcast %parallel_loop3A_594 : i32 to vector<16xi32>
      %parallel_loop3A_596 = arith.addi %parallel_loop3A_592, %parallel_loop3A_595 : vector<16xi32>
      %parallel_loop3A_597 = tpu.vector_load_idx %arg5[%parallel_loop3A_596] : memref<2304xi32, #tpu.memory_space<vmem>>[vector<16xi32>], vector<16xi32>,
      %parallel_loop3A_598 = arith.cmpi ne, %parallel_loop3A_597, %parallel_loop3A_582 : vector<16xi32>
      %parallel_loop3A_599 = arith.constant 15 : i32
      %parallel_loop3A_600 = vector.broadcast %parallel_loop3A_599 : i32 to vector<16xi32>
      %parallel_loop3A_601 = arith.cmpi eq, %iota3A, %parallel_loop3A_600 : vector<16xi32>
      %parallel_loop3A_602 = arith.ori %parallel_loop3A_598, %parallel_loop3A_601 : vector<16xi1>
      %parallel_loop3A_603 = arith.constant 256 : i32
      %parallel_loop3A_604 = vector.broadcast %parallel_loop3A_603 : i32 to vector<16xi32>
      %parallel_loop3A_605 = arith.cmpi slt, %parallel_loop3A_582, %parallel_loop3A_604 : vector<16xi32>
      %parallel_loop3A_606 = arith.andi %parallel_loop3A_602, %parallel_loop3A_605 : vector<16xi1>
      %parallel_loop3A_607 = vector.broadcast %parallel_loop3A_15 : i32 to vector<16xi32>
      %parallel_loop3A_608 = arith.addi %parallel_loop3A_582, %parallel_loop3A_607 : vector<16xi32>
      tpu.vector_store_idx %arg5[%parallel_loop3A_608], %parallel_loop3A_578 masked %parallel_loop3A_606 : memref<2304xi32, #tpu.memory_space<vmem>>[vector<16xi32>], vector<16xi32>, vector<16xi1>
      %parallel_loop3A_609 = arith.constant 4096 : i32
      %parallel_loop3A_610 = arith.muli %parallel_loop3A_12, %parallel_loop3A_609 : i32
      %parallel_loop3A_611 = arith.constant 512 : i32
      %parallel_loop3A_612 = arith.addi %parallel_loop3A_610, %parallel_loop3A_611 : i32
      %parallel_loop3A_613 = arith.constant 0 : i32
      %parallel_loop3A_614 = arith.addi %parallel_loop3A_612, %parallel_loop3A_613 : i32
      %parallel_loop3A_615 = arith.index_cast %parallel_loop3A_614 : i32 to index
      %parallel_loop3A_616 = tpu.vector_load %arg6[%parallel_loop3A_615] {strides = array<i32>} : memref<32768xf32, #tpu.memory_space<vmem>>, vector<16xf32>,
      tpu.vector_store %arg6[%parallel_loop3A_615], %broadcast_in_dim3A_5 {strides = array<i32>} : memref<32768xf32, #tpu.memory_space<vmem>>, vector<16xf32>,
      %parallel_loop3A_617 = arith.constant 4096 : i32
      %parallel_loop3A_618 = arith.muli %parallel_loop3A_12, %parallel_loop3A_617 : i32
      %parallel_loop3A_619 = arith.constant 512 : i32
      %parallel_loop3A_620 = arith.addi %parallel_loop3A_618, %parallel_loop3A_619 : i32
      %parallel_loop3A_621 = arith.constant 16 : i32
      %parallel_loop3A_622 = arith.addi %parallel_loop3A_620, %parallel_loop3A_621 : i32
      %parallel_loop3A_623 = arith.index_cast %parallel_loop3A_622 : i32 to index
      %parallel_loop3A_624 = tpu.vector_load %arg6[%parallel_loop3A_623] {strides = array<i32>} : memref<32768xf32, #tpu.memory_space<vmem>>, vector<16xf32>,
      tpu.vector_store %arg6[%parallel_loop3A_623], %broadcast_in_dim3A_5 {strides = array<i32>} : memref<32768xf32, #tpu.memory_space<vmem>>, vector<16xf32>,
      %parallel_loop3A_625 = arith.constant 4096 : i32
      %parallel_loop3A_626 = arith.muli %parallel_loop3A_12, %parallel_loop3A_625 : i32
      %parallel_loop3A_627 = arith.constant 512 : i32
      %parallel_loop3A_628 = arith.addi %parallel_loop3A_626, %parallel_loop3A_627 : i32
      %parallel_loop3A_629 = arith.constant 32 : i32
      %parallel_loop3A_630 = arith.addi %parallel_loop3A_628, %parallel_loop3A_629 : i32
      %parallel_loop3A_631 = arith.index_cast %parallel_loop3A_630 : i32 to index
      %parallel_loop3A_632 = tpu.vector_load %arg6[%parallel_loop3A_631] {strides = array<i32>} : memref<32768xf32, #tpu.memory_space<vmem>>, vector<16xf32>,
      tpu.vector_store %arg6[%parallel_loop3A_631], %broadcast_in_dim3A_5 {strides = array<i32>} : memref<32768xf32, #tpu.memory_space<vmem>>, vector<16xf32>,
      %parallel_loop3A_633 = arith.constant 4096 : i32
      %parallel_loop3A_634 = arith.muli %parallel_loop3A_12, %parallel_loop3A_633 : i32
      %parallel_loop3A_635 = arith.constant 512 : i32
      %parallel_loop3A_636 = arith.addi %parallel_loop3A_634, %parallel_loop3A_635 : i32
      %parallel_loop3A_637 = arith.constant 48 : i32
      %parallel_loop3A_638 = arith.addi %parallel_loop3A_636, %parallel_loop3A_637 : i32
      %parallel_loop3A_639 = arith.index_cast %parallel_loop3A_638 : i32 to index
      %parallel_loop3A_640 = tpu.vector_load %arg6[%parallel_loop3A_639] {strides = array<i32>} : memref<32768xf32, #tpu.memory_space<vmem>>, vector<16xf32>,
      tpu.vector_store %arg6[%parallel_loop3A_639], %broadcast_in_dim3A_5 {strides = array<i32>} : memref<32768xf32, #tpu.memory_space<vmem>>, vector<16xf32>,
      %parallel_loop3A_641 = arith.constant 4096 : i32
      %parallel_loop3A_642 = arith.muli %parallel_loop3A_12, %parallel_loop3A_641 : i32
      %parallel_loop3A_643 = arith.constant 512 : i32
      %parallel_loop3A_644 = arith.addi %parallel_loop3A_642, %parallel_loop3A_643 : i32
      %parallel_loop3A_645 = arith.constant 64 : i32
      %parallel_loop3A_646 = arith.addi %parallel_loop3A_644, %parallel_loop3A_645 : i32
      %parallel_loop3A_647 = arith.index_cast %parallel_loop3A_646 : i32 to index
      %parallel_loop3A_648 = tpu.vector_load %arg6[%parallel_loop3A_647] {strides = array<i32>} : memref<32768xf32, #tpu.memory_space<vmem>>, vector<16xf32>,
      tpu.vector_store %arg6[%parallel_loop3A_647], %broadcast_in_dim3A_5 {strides = array<i32>} : memref<32768xf32, #tpu.memory_space<vmem>>, vector<16xf32>,
      %parallel_loop3A_649 = arith.constant 4096 : i32
      %parallel_loop3A_650 = arith.muli %parallel_loop3A_12, %parallel_loop3A_649 : i32
      %parallel_loop3A_651 = arith.constant 512 : i32
      %parallel_loop3A_652 = arith.addi %parallel_loop3A_650, %parallel_loop3A_651 : i32
      %parallel_loop3A_653 = arith.constant 80 : i32
      %parallel_loop3A_654 = arith.addi %parallel_loop3A_652, %parallel_loop3A_653 : i32
      %parallel_loop3A_655 = arith.index_cast %parallel_loop3A_654 : i32 to index
      %parallel_loop3A_656 = tpu.vector_load %arg6[%parallel_loop3A_655] {strides = array<i32>} : memref<32768xf32, #tpu.memory_space<vmem>>, vector<16xf32>,
      tpu.vector_store %arg6[%parallel_loop3A_655], %broadcast_in_dim3A_5 {strides = array<i32>} : memref<32768xf32, #tpu.memory_space<vmem>>, vector<16xf32>,
      %parallel_loop3A_657 = arith.constant 4096 : i32
      %parallel_loop3A_658 = arith.muli %parallel_loop3A_12, %parallel_loop3A_657 : i32
      %parallel_loop3A_659 = arith.constant 512 : i32
      %parallel_loop3A_660 = arith.addi %parallel_loop3A_658, %parallel_loop3A_659 : i32
      %parallel_loop3A_661 = arith.constant 96 : i32
      %parallel_loop3A_662 = arith.addi %parallel_loop3A_660, %parallel_loop3A_661 : i32
      %parallel_loop3A_663 = arith.index_cast %parallel_loop3A_662 : i32 to index
      %parallel_loop3A_664 = tpu.vector_load %arg6[%parallel_loop3A_663] {strides = array<i32>} : memref<32768xf32, #tpu.memory_space<vmem>>, vector<16xf32>,
      tpu.vector_store %arg6[%parallel_loop3A_663], %broadcast_in_dim3A_5 {strides = array<i32>} : memref<32768xf32, #tpu.memory_space<vmem>>, vector<16xf32>,
      %parallel_loop3A_665 = arith.constant 4096 : i32
      %parallel_loop3A_666 = arith.muli %parallel_loop3A_12, %parallel_loop3A_665 : i32
      %parallel_loop3A_667 = arith.constant 512 : i32
      %parallel_loop3A_668 = arith.addi %parallel_loop3A_666, %parallel_loop3A_667 : i32
      %parallel_loop3A_669 = arith.constant 112 : i32
      %parallel_loop3A_670 = arith.addi %parallel_loop3A_668, %parallel_loop3A_669 : i32
      %parallel_loop3A_671 = arith.index_cast %parallel_loop3A_670 : i32 to index
      %parallel_loop3A_672 = tpu.vector_load %arg6[%parallel_loop3A_671] {strides = array<i32>} : memref<32768xf32, #tpu.memory_space<vmem>>, vector<16xf32>,
      tpu.vector_store %arg6[%parallel_loop3A_671], %broadcast_in_dim3A_5 {strides = array<i32>} : memref<32768xf32, #tpu.memory_space<vmem>>, vector<16xf32>,
      %parallel_loop3A_673 = arith.constant 4096 : i32
      %parallel_loop3A_674 = arith.muli %parallel_loop3A_12, %parallel_loop3A_673 : i32
      %parallel_loop3A_675 = arith.constant 512 : i32
      %parallel_loop3A_676 = arith.addi %parallel_loop3A_674, %parallel_loop3A_675 : i32
      %parallel_loop3A_677 = arith.constant 128 : i32
      %parallel_loop3A_678 = arith.addi %parallel_loop3A_676, %parallel_loop3A_677 : i32
      %parallel_loop3A_679 = arith.index_cast %parallel_loop3A_678 : i32 to index
      %parallel_loop3A_680 = tpu.vector_load %arg6[%parallel_loop3A_679] {strides = array<i32>} : memref<32768xf32, #tpu.memory_space<vmem>>, vector<16xf32>,
      tpu.vector_store %arg6[%parallel_loop3A_679], %broadcast_in_dim3A_5 {strides = array<i32>} : memref<32768xf32, #tpu.memory_space<vmem>>, vector<16xf32>,
      %parallel_loop3A_681 = arith.constant 4096 : i32
      %parallel_loop3A_682 = arith.muli %parallel_loop3A_12, %parallel_loop3A_681 : i32
      %parallel_loop3A_683 = arith.constant 512 : i32
      %parallel_loop3A_684 = arith.addi %parallel_loop3A_682, %parallel_loop3A_683 : i32
      %parallel_loop3A_685 = arith.constant 144 : i32
      %parallel_loop3A_686 = arith.addi %parallel_loop3A_684, %parallel_loop3A_685 : i32
      %parallel_loop3A_687 = arith.index_cast %parallel_loop3A_686 : i32 to index
      %parallel_loop3A_688 = tpu.vector_load %arg6[%parallel_loop3A_687] {strides = array<i32>} : memref<32768xf32, #tpu.memory_space<vmem>>, vector<16xf32>,
      tpu.vector_store %arg6[%parallel_loop3A_687], %broadcast_in_dim3A_5 {strides = array<i32>} : memref<32768xf32, #tpu.memory_space<vmem>>, vector<16xf32>,
      %parallel_loop3A_689 = arith.constant 4096 : i32
      %parallel_loop3A_690 = arith.muli %parallel_loop3A_12, %parallel_loop3A_689 : i32
      %parallel_loop3A_691 = arith.constant 512 : i32
      %parallel_loop3A_692 = arith.addi %parallel_loop3A_690, %parallel_loop3A_691 : i32
      %parallel_loop3A_693 = arith.constant 160 : i32
      %parallel_loop3A_694 = arith.addi %parallel_loop3A_692, %parallel_loop3A_693 : i32
      %parallel_loop3A_695 = arith.index_cast %parallel_loop3A_694 : i32 to index
      %parallel_loop3A_696 = tpu.vector_load %arg6[%parallel_loop3A_695] {strides = array<i32>} : memref<32768xf32, #tpu.memory_space<vmem>>, vector<16xf32>,
      tpu.vector_store %arg6[%parallel_loop3A_695], %broadcast_in_dim3A_5 {strides = array<i32>} : memref<32768xf32, #tpu.memory_space<vmem>>, vector<16xf32>,
      %parallel_loop3A_697 = arith.constant 4096 : i32
      %parallel_loop3A_698 = arith.muli %parallel_loop3A_12, %parallel_loop3A_697 : i32
      %parallel_loop3A_699 = arith.constant 512 : i32
      %parallel_loop3A_700 = arith.addi %parallel_loop3A_698, %parallel_loop3A_699 : i32
      %parallel_loop3A_701 = arith.constant 176 : i32
      %parallel_loop3A_702 = arith.addi %parallel_loop3A_700, %parallel_loop3A_701 : i32
      %parallel_loop3A_703 = arith.index_cast %parallel_loop3A_702 : i32 to index
      %parallel_loop3A_704 = tpu.vector_load %arg6[%parallel_loop3A_703] {strides = array<i32>} : memref<32768xf32, #tpu.memory_space<vmem>>, vector<16xf32>,
      tpu.vector_store %arg6[%parallel_loop3A_703], %broadcast_in_dim3A_5 {strides = array<i32>} : memref<32768xf32, #tpu.memory_space<vmem>>, vector<16xf32>,
      %parallel_loop3A_705 = arith.constant 4096 : i32
      %parallel_loop3A_706 = arith.muli %parallel_loop3A_12, %parallel_loop3A_705 : i32
      %parallel_loop3A_707 = arith.constant 512 : i32
      %parallel_loop3A_708 = arith.addi %parallel_loop3A_706, %parallel_loop3A_707 : i32
      %parallel_loop3A_709 = arith.constant 192 : i32
      %parallel_loop3A_710 = arith.addi %parallel_loop3A_708, %parallel_loop3A_709 : i32
      %parallel_loop3A_711 = arith.index_cast %parallel_loop3A_710 : i32 to index
      %parallel_loop3A_712 = tpu.vector_load %arg6[%parallel_loop3A_711] {strides = array<i32>} : memref<32768xf32, #tpu.memory_space<vmem>>, vector<16xf32>,
      tpu.vector_store %arg6[%parallel_loop3A_711], %broadcast_in_dim3A_5 {strides = array<i32>} : memref<32768xf32, #tpu.memory_space<vmem>>, vector<16xf32>,
      %parallel_loop3A_713 = arith.constant 4096 : i32
      %parallel_loop3A_714 = arith.muli %parallel_loop3A_12, %parallel_loop3A_713 : i32
      %parallel_loop3A_715 = arith.constant 512 : i32
      %parallel_loop3A_716 = arith.addi %parallel_loop3A_714, %parallel_loop3A_715 : i32
      %parallel_loop3A_717 = arith.constant 208 : i32
      %parallel_loop3A_718 = arith.addi %parallel_loop3A_716, %parallel_loop3A_717 : i32
      %parallel_loop3A_719 = arith.index_cast %parallel_loop3A_718 : i32 to index
      %parallel_loop3A_720 = tpu.vector_load %arg6[%parallel_loop3A_719] {strides = array<i32>} : memref<32768xf32, #tpu.memory_space<vmem>>, vector<16xf32>,
      tpu.vector_store %arg6[%parallel_loop3A_719], %broadcast_in_dim3A_5 {strides = array<i32>} : memref<32768xf32, #tpu.memory_space<vmem>>, vector<16xf32>,
      %parallel_loop3A_721 = arith.constant 4096 : i32
      %parallel_loop3A_722 = arith.muli %parallel_loop3A_12, %parallel_loop3A_721 : i32
      %parallel_loop3A_723 = arith.constant 512 : i32
      %parallel_loop3A_724 = arith.addi %parallel_loop3A_722, %parallel_loop3A_723 : i32
      %parallel_loop3A_725 = arith.constant 224 : i32
      %parallel_loop3A_726 = arith.addi %parallel_loop3A_724, %parallel_loop3A_725 : i32
      %parallel_loop3A_727 = arith.index_cast %parallel_loop3A_726 : i32 to index
      %parallel_loop3A_728 = tpu.vector_load %arg6[%parallel_loop3A_727] {strides = array<i32>} : memref<32768xf32, #tpu.memory_space<vmem>>, vector<16xf32>,
      tpu.vector_store %arg6[%parallel_loop3A_727], %broadcast_in_dim3A_5 {strides = array<i32>} : memref<32768xf32, #tpu.memory_space<vmem>>, vector<16xf32>,
      %parallel_loop3A_729 = arith.constant 4096 : i32
      %parallel_loop3A_730 = arith.muli %parallel_loop3A_12, %parallel_loop3A_729 : i32
      %parallel_loop3A_731 = arith.constant 512 : i32
      %parallel_loop3A_732 = arith.addi %parallel_loop3A_730, %parallel_loop3A_731 : i32
      %parallel_loop3A_733 = arith.constant 240 : i32
      %parallel_loop3A_734 = arith.addi %parallel_loop3A_732, %parallel_loop3A_733 : i32
      %parallel_loop3A_735 = arith.index_cast %parallel_loop3A_734 : i32 to index
      %parallel_loop3A_736 = tpu.vector_load %arg6[%parallel_loop3A_735] {strides = array<i32>} : memref<32768xf32, #tpu.memory_space<vmem>>, vector<16xf32>,
      tpu.vector_store %arg6[%parallel_loop3A_735], %broadcast_in_dim3A_5 {strides = array<i32>} : memref<32768xf32, #tpu.memory_space<vmem>>, vector<16xf32>,
      %parallel_loop3A_737 = arith.constant 48 : i32
      %parallel_loop3A_738 = vector.broadcast %parallel_loop3A_737 : i32 to vector<16xi32>
      %parallel_loop3A_739 = arith.addi %iota3A, %parallel_loop3A_738 : vector<16xi32>
      %parallel_loop3A_740 = arith.constant 48 : index
      %parallel_loop3A_741 = tpu.vector_load %arg4[%parallel_loop3A_740] {strides = array<i32>} : memref<512xf32, #tpu.memory_space<vmem>>, vector<16xf32>,
      %parallel_loop3A_742 = arith.constant 304 : index
      %parallel_loop3A_743 = tpu.vector_load %arg4[%parallel_loop3A_742] {strides = array<i32>} : memref<512xf32, #tpu.memory_space<vmem>>, vector<16xf32>,
      %parallel_loop3A_744 = arith.subf %parallel_loop3A_741, %parallel_loop3A_17 : vector<16xf32>
      %parallel_loop3A_745 = arith.constant 2.000000e+00 : f32
      %parallel_loop3A_746 = vector.broadcast %parallel_loop3A_745 : f32 to vector<16xf32>
      %parallel_loop3A_747 = arith.mulf %parallel_loop3A_744, %parallel_loop3A_746 : vector<16xf32>
      %parallel_loop3A_748 = arith.constant 8.000000e+00 : f32
      %parallel_loop3A_749 = vector.broadcast %parallel_loop3A_748 : f32 to vector<16xf32>
      %parallel_loop3A_750 = arith.addf %parallel_loop3A_747, %parallel_loop3A_749 : vector<16xf32>
      %parallel_loop3A_751 = arith.subf %parallel_loop3A_743, %parallel_loop3A_21 : vector<16xf32>
      %parallel_loop3A_752 = arith.constant 2.000000e+00 : f32
      %parallel_loop3A_753 = vector.broadcast %parallel_loop3A_752 : f32 to vector<16xf32>
      %parallel_loop3A_754 = arith.mulf %parallel_loop3A_751, %parallel_loop3A_753 : vector<16xf32>
      %parallel_loop3A_755 = arith.constant 8.000000e+00 : f32
      %parallel_loop3A_756 = vector.broadcast %parallel_loop3A_755 : f32 to vector<16xf32>
      %parallel_loop3A_757 = arith.addf %parallel_loop3A_754, %parallel_loop3A_756 : vector<16xf32>
      %parallel_loop3A_758 = arith.constant 0.000000e+00 : f32
      %parallel_loop3A_759 = vector.broadcast %parallel_loop3A_758 : f32 to vector<16xf32>
      %parallel_loop3A_760 = arith.cmpf oge, %parallel_loop3A_750, %parallel_loop3A_759 : vector<16xf32>
      %parallel_loop3A_761 = arith.constant 1.600000e+01 : f32
      %parallel_loop3A_762 = vector.broadcast %parallel_loop3A_761 : f32 to vector<16xf32>
      %parallel_loop3A_763 = arith.cmpf olt, %parallel_loop3A_750, %parallel_loop3A_762 : vector<16xf32>
      %parallel_loop3A_764 = arith.andi %parallel_loop3A_760, %parallel_loop3A_763 : vector<16xi1>
      %parallel_loop3A_765 = arith.constant 0.000000e+00 : f32
      %parallel_loop3A_766 = vector.broadcast %parallel_loop3A_765 : f32 to vector<16xf32>
      %parallel_loop3A_767 = arith.cmpf oge, %parallel_loop3A_757, %parallel_loop3A_766 : vector<16xf32>
      %parallel_loop3A_768 = arith.andi %parallel_loop3A_764, %parallel_loop3A_767 : vector<16xi1>
      %parallel_loop3A_769 = arith.constant 1.600000e+01 : f32
      %parallel_loop3A_770 = vector.broadcast %parallel_loop3A_769 : f32 to vector<16xf32>
      %parallel_loop3A_771 = arith.cmpf olt, %parallel_loop3A_757, %parallel_loop3A_770 : vector<16xf32>
      %parallel_loop3A_772 = arith.andi %parallel_loop3A_768, %parallel_loop3A_771 : vector<16xi1>
      %parallel_loop3A_773 = vector.broadcast %parallel_loop3A_13 : i32 to vector<16xi32>
      %parallel_loop3A_774 = arith.cmpi ne, %parallel_loop3A_739, %parallel_loop3A_773 : vector<16xi32>
      %parallel_loop3A_775 = arith.andi %parallel_loop3A_772, %parallel_loop3A_774 : vector<16xi1>
      %parallel_loop3A_776 = arith.fptosi %parallel_loop3A_750 : vector<16xf32> to vector<16xi32>
      %parallel_loop3A_777 = arith.fptosi %parallel_loop3A_757 : vector<16xf32> to vector<16xi32>
      %parallel_loop3A_778 = arith.constant 16 : i32
      %parallel_loop3A_779 = vector.broadcast %parallel_loop3A_778 : i32 to vector<16xi32>
      %parallel_loop3A_780 = arith.muli %parallel_loop3A_776, %parallel_loop3A_779 : vector<16xi32>
      %parallel_loop3A_781 = arith.addi %parallel_loop3A_780, %parallel_loop3A_777 : vector<16xi32>
      %parallel_loop3A_782 = arith.constant 256 : i32
      %parallel_loop3A_783 = vector.broadcast %parallel_loop3A_782 : i32 to vector<16xi32>
      %parallel_loop3A_784 = arith.select %parallel_loop3A_775, %parallel_loop3A_781, %parallel_loop3A_783 : vector<16xi1>, vector<16xi32>
      %parallel_loop3A_785 = arith.constant 4 : i32
      %parallel_loop3A_786 = vector.broadcast %parallel_loop3A_785 : i32 to vector<16xi32>
      %parallel_loop3A_787 = arith.shli %parallel_loop3A_784, %parallel_loop3A_786 : vector<16xi32>
      %parallel_loop3A_788 = arith.ori %parallel_loop3A_787, %iota3A : vector<16xi32>
      %parallel_loop3A_789 = arith.constant dense<true> : vector<16xi1>
      %parallel_loop3A_790 = arith.constant -2147483648 : i32
      %parallel_loop3A_791 = vector.broadcast %parallel_loop3A_790 : i32 to vector<16xi32>
      %parallel_loop3A_792 = arith.xori %parallel_loop3A_788, %parallel_loop3A_791 : vector<16xi32>
      %parallel_loop3A_793, %parallel_loop3A_794, %parallel_loop3A_795 = tpu.sort %parallel_loop3A_792, %parallel_loop3A_739 masked %parallel_loop3A_789 : (vector<16xi32>, vector<16xi32>, vector<16xi1>) -> (vector<16xi1>, vector<16xi32>, vector<16xi32>)
      %parallel_loop3A_796 = arith.xori %parallel_loop3A_794, %parallel_loop3A_791 : vector<16xi32>
      %parallel_loop3A_797 = arith.constant 4 : i32
      %parallel_loop3A_798 = vector.broadcast %parallel_loop3A_797 : i32 to vector<16xi32>
      %parallel_loop3A_799 = arith.shrsi %parallel_loop3A_796, %parallel_loop3A_798 : vector<16xi32>
      %parallel_loop3A_800 = arith.constant 272 : i32
      %parallel_loop3A_801 = arith.addi %parallel_loop3A_15, %parallel_loop3A_800 : i32
      %parallel_loop3A_802 = arith.index_cast %parallel_loop3A_801 : i32 to index
      %parallel_loop3A_803 = tpu.vector_load %arg5[%parallel_loop3A_802] {strides = array<i32>} : memref<2304xi32, #tpu.memory_space<vmem>>, vector<16xi32>,
      tpu.vector_store %arg5[%parallel_loop3A_802], %parallel_loop3A_799 {strides = array<i32>} : memref<2304xi32, #tpu.memory_space<vmem>>, vector<16xi32>,
      %parallel_loop3A_804 = arith.constant 1 : i32
      %parallel_loop3A_805 = vector.broadcast %parallel_loop3A_804 : i32 to vector<16xi32>
      %parallel_loop3A_806 = arith.addi %iota3A, %parallel_loop3A_805 : vector<16xi32>
      %parallel_loop3A_807 = arith.constant 15 : i32
      %parallel_loop3A_808 = vector.broadcast %parallel_loop3A_807 : i32 to vector<16xi32>
      %parallel_loop3A_809 = arith.minsi %parallel_loop3A_806, %parallel_loop3A_808 : vector<16xi32>
      %parallel_loop3A_810 = arith.constant 272 : i32
      %parallel_loop3A_811 = arith.addi %parallel_loop3A_15, %parallel_loop3A_810 : i32
      %parallel_loop3A_812 = vector.broadcast %parallel_loop3A_811 : i32 to vector<16xi32>
      %parallel_loop3A_813 = arith.addi %parallel_loop3A_809, %parallel_loop3A_812 : vector<16xi32>
      %parallel_loop3A_814 = tpu.vector_load_idx %arg5[%parallel_loop3A_813] : memref<2304xi32, #tpu.memory_space<vmem>>[vector<16xi32>], vector<16xi32>,
      %parallel_loop3A_815 = arith.cmpi ne, %parallel_loop3A_814, %parallel_loop3A_799 : vector<16xi32>
      %parallel_loop3A_816 = arith.constant 15 : i32
      %parallel_loop3A_817 = vector.broadcast %parallel_loop3A_816 : i32 to vector<16xi32>
      %parallel_loop3A_818 = arith.cmpi eq, %iota3A, %parallel_loop3A_817 : vector<16xi32>
      %parallel_loop3A_819 = arith.ori %parallel_loop3A_815, %parallel_loop3A_818 : vector<16xi1>
      %parallel_loop3A_820 = arith.constant 256 : i32
      %parallel_loop3A_821 = vector.broadcast %parallel_loop3A_820 : i32 to vector<16xi32>
      %parallel_loop3A_822 = arith.cmpi slt, %parallel_loop3A_799, %parallel_loop3A_821 : vector<16xi32>
      %parallel_loop3A_823 = arith.andi %parallel_loop3A_819, %parallel_loop3A_822 : vector<16xi1>
      %parallel_loop3A_824 = vector.broadcast %parallel_loop3A_15 : i32 to vector<16xi32>
      %parallel_loop3A_825 = arith.addi %parallel_loop3A_799, %parallel_loop3A_824 : vector<16xi32>
      tpu.vector_store_idx %arg5[%parallel_loop3A_825], %parallel_loop3A_795 masked %parallel_loop3A_823 : memref<2304xi32, #tpu.memory_space<vmem>>[vector<16xi32>], vector<16xi32>, vector<16xi1>
      %parallel_loop3A_826 = arith.constant 4096 : i32
      %parallel_loop3A_827 = arith.muli %parallel_loop3A_12, %parallel_loop3A_826 : i32
      %parallel_loop3A_828 = arith.constant 768 : i32
      %parallel_loop3A_829 = arith.addi %parallel_loop3A_827, %parallel_loop3A_828 : i32
      %parallel_loop3A_830 = arith.constant 0 : i32
      %parallel_loop3A_831 = arith.addi %parallel_loop3A_829, %parallel_loop3A_830 : i32
      %parallel_loop3A_832 = arith.index_cast %parallel_loop3A_831 : i32 to index
      %parallel_loop3A_833 = tpu.vector_load %arg6[%parallel_loop3A_832] {strides = array<i32>} : memref<32768xf32, #tpu.memory_space<vmem>>, vector<16xf32>,
      tpu.vector_store %arg6[%parallel_loop3A_832], %broadcast_in_dim3A_5 {strides = array<i32>} : memref<32768xf32, #tpu.memory_space<vmem>>, vector<16xf32>,
      %parallel_loop3A_834 = arith.constant 4096 : i32
      %parallel_loop3A_835 = arith.muli %parallel_loop3A_12, %parallel_loop3A_834 : i32
      %parallel_loop3A_836 = arith.constant 768 : i32
      %parallel_loop3A_837 = arith.addi %parallel_loop3A_835, %parallel_loop3A_836 : i32
      %parallel_loop3A_838 = arith.constant 16 : i32
      %parallel_loop3A_839 = arith.addi %parallel_loop3A_837, %parallel_loop3A_838 : i32
      %parallel_loop3A_840 = arith.index_cast %parallel_loop3A_839 : i32 to index
      %parallel_loop3A_841 = tpu.vector_load %arg6[%parallel_loop3A_840] {strides = array<i32>} : memref<32768xf32, #tpu.memory_space<vmem>>, vector<16xf32>,
      tpu.vector_store %arg6[%parallel_loop3A_840], %broadcast_in_dim3A_5 {strides = array<i32>} : memref<32768xf32, #tpu.memory_space<vmem>>, vector<16xf32>,
      %parallel_loop3A_842 = arith.constant 4096 : i32
      %parallel_loop3A_843 = arith.muli %parallel_loop3A_12, %parallel_loop3A_842 : i32
      %parallel_loop3A_844 = arith.constant 768 : i32
      %parallel_loop3A_845 = arith.addi %parallel_loop3A_843, %parallel_loop3A_844 : i32
      %parallel_loop3A_846 = arith.constant 32 : i32
      %parallel_loop3A_847 = arith.addi %parallel_loop3A_845, %parallel_loop3A_846 : i32
      %parallel_loop3A_848 = arith.index_cast %parallel_loop3A_847 : i32 to index
      %parallel_loop3A_849 = tpu.vector_load %arg6[%parallel_loop3A_848] {strides = array<i32>} : memref<32768xf32, #tpu.memory_space<vmem>>, vector<16xf32>,
      tpu.vector_store %arg6[%parallel_loop3A_848], %broadcast_in_dim3A_5 {strides = array<i32>} : memref<32768xf32, #tpu.memory_space<vmem>>, vector<16xf32>,
      %parallel_loop3A_850 = arith.constant 4096 : i32
      %parallel_loop3A_851 = arith.muli %parallel_loop3A_12, %parallel_loop3A_850 : i32
      %parallel_loop3A_852 = arith.constant 768 : i32
      %parallel_loop3A_853 = arith.addi %parallel_loop3A_851, %parallel_loop3A_852 : i32
      %parallel_loop3A_854 = arith.constant 48 : i32
      %parallel_loop3A_855 = arith.addi %parallel_loop3A_853, %parallel_loop3A_854 : i32
      %parallel_loop3A_856 = arith.index_cast %parallel_loop3A_855 : i32 to index
      %parallel_loop3A_857 = tpu.vector_load %arg6[%parallel_loop3A_856] {strides = array<i32>} : memref<32768xf32, #tpu.memory_space<vmem>>, vector<16xf32>,
      tpu.vector_store %arg6[%parallel_loop3A_856], %broadcast_in_dim3A_5 {strides = array<i32>} : memref<32768xf32, #tpu.memory_space<vmem>>, vector<16xf32>,
      %parallel_loop3A_858 = arith.constant 4096 : i32
      %parallel_loop3A_859 = arith.muli %parallel_loop3A_12, %parallel_loop3A_858 : i32
      %parallel_loop3A_860 = arith.constant 768 : i32
      %parallel_loop3A_861 = arith.addi %parallel_loop3A_859, %parallel_loop3A_860 : i32
      %parallel_loop3A_862 = arith.constant 64 : i32
      %parallel_loop3A_863 = arith.addi %parallel_loop3A_861, %parallel_loop3A_862 : i32
      %parallel_loop3A_864 = arith.index_cast %parallel_loop3A_863 : i32 to index
      %parallel_loop3A_865 = tpu.vector_load %arg6[%parallel_loop3A_864] {strides = array<i32>} : memref<32768xf32, #tpu.memory_space<vmem>>, vector<16xf32>,
      tpu.vector_store %arg6[%parallel_loop3A_864], %broadcast_in_dim3A_5 {strides = array<i32>} : memref<32768xf32, #tpu.memory_space<vmem>>, vector<16xf32>,
      %parallel_loop3A_866 = arith.constant 4096 : i32
      %parallel_loop3A_867 = arith.muli %parallel_loop3A_12, %parallel_loop3A_866 : i32
      %parallel_loop3A_868 = arith.constant 768 : i32
      %parallel_loop3A_869 = arith.addi %parallel_loop3A_867, %parallel_loop3A_868 : i32
      %parallel_loop3A_870 = arith.constant 80 : i32
      %parallel_loop3A_871 = arith.addi %parallel_loop3A_869, %parallel_loop3A_870 : i32
      %parallel_loop3A_872 = arith.index_cast %parallel_loop3A_871 : i32 to index
      %parallel_loop3A_873 = tpu.vector_load %arg6[%parallel_loop3A_872] {strides = array<i32>} : memref<32768xf32, #tpu.memory_space<vmem>>, vector<16xf32>,
      tpu.vector_store %arg6[%parallel_loop3A_872], %broadcast_in_dim3A_5 {strides = array<i32>} : memref<32768xf32, #tpu.memory_space<vmem>>, vector<16xf32>,
      %parallel_loop3A_874 = arith.constant 4096 : i32
      %parallel_loop3A_875 = arith.muli %parallel_loop3A_12, %parallel_loop3A_874 : i32
      %parallel_loop3A_876 = arith.constant 768 : i32
      %parallel_loop3A_877 = arith.addi %parallel_loop3A_875, %parallel_loop3A_876 : i32
      %parallel_loop3A_878 = arith.constant 96 : i32
      %parallel_loop3A_879 = arith.addi %parallel_loop3A_877, %parallel_loop3A_878 : i32
      %parallel_loop3A_880 = arith.index_cast %parallel_loop3A_879 : i32 to index
      %parallel_loop3A_881 = tpu.vector_load %arg6[%parallel_loop3A_880] {strides = array<i32>} : memref<32768xf32, #tpu.memory_space<vmem>>, vector<16xf32>,
      tpu.vector_store %arg6[%parallel_loop3A_880], %broadcast_in_dim3A_5 {strides = array<i32>} : memref<32768xf32, #tpu.memory_space<vmem>>, vector<16xf32>,
      %parallel_loop3A_882 = arith.constant 4096 : i32
      %parallel_loop3A_883 = arith.muli %parallel_loop3A_12, %parallel_loop3A_882 : i32
      %parallel_loop3A_884 = arith.constant 768 : i32
      %parallel_loop3A_885 = arith.addi %parallel_loop3A_883, %parallel_loop3A_884 : i32
      %parallel_loop3A_886 = arith.constant 112 : i32
      %parallel_loop3A_887 = arith.addi %parallel_loop3A_885, %parallel_loop3A_886 : i32
      %parallel_loop3A_888 = arith.index_cast %parallel_loop3A_887 : i32 to index
      %parallel_loop3A_889 = tpu.vector_load %arg6[%parallel_loop3A_888] {strides = array<i32>} : memref<32768xf32, #tpu.memory_space<vmem>>, vector<16xf32>,
      tpu.vector_store %arg6[%parallel_loop3A_888], %broadcast_in_dim3A_5 {strides = array<i32>} : memref<32768xf32, #tpu.memory_space<vmem>>, vector<16xf32>,
      %parallel_loop3A_890 = arith.constant 4096 : i32
      %parallel_loop3A_891 = arith.muli %parallel_loop3A_12, %parallel_loop3A_890 : i32
      %parallel_loop3A_892 = arith.constant 768 : i32
      %parallel_loop3A_893 = arith.addi %parallel_loop3A_891, %parallel_loop3A_892 : i32
      %parallel_loop3A_894 = arith.constant 128 : i32
      %parallel_loop3A_895 = arith.addi %parallel_loop3A_893, %parallel_loop3A_894 : i32
      %parallel_loop3A_896 = arith.index_cast %parallel_loop3A_895 : i32 to index
      %parallel_loop3A_897 = tpu.vector_load %arg6[%parallel_loop3A_896] {strides = array<i32>} : memref<32768xf32, #tpu.memory_space<vmem>>, vector<16xf32>,
      tpu.vector_store %arg6[%parallel_loop3A_896], %broadcast_in_dim3A_5 {strides = array<i32>} : memref<32768xf32, #tpu.memory_space<vmem>>, vector<16xf32>,
      %parallel_loop3A_898 = arith.constant 4096 : i32
      %parallel_loop3A_899 = arith.muli %parallel_loop3A_12, %parallel_loop3A_898 : i32
      %parallel_loop3A_900 = arith.constant 768 : i32
      %parallel_loop3A_901 = arith.addi %parallel_loop3A_899, %parallel_loop3A_900 : i32
      %parallel_loop3A_902 = arith.constant 144 : i32
      %parallel_loop3A_903 = arith.addi %parallel_loop3A_901, %parallel_loop3A_902 : i32
      %parallel_loop3A_904 = arith.index_cast %parallel_loop3A_903 : i32 to index
      %parallel_loop3A_905 = tpu.vector_load %arg6[%parallel_loop3A_904] {strides = array<i32>} : memref<32768xf32, #tpu.memory_space<vmem>>, vector<16xf32>,
      tpu.vector_store %arg6[%parallel_loop3A_904], %broadcast_in_dim3A_5 {strides = array<i32>} : memref<32768xf32, #tpu.memory_space<vmem>>, vector<16xf32>,
      %parallel_loop3A_906 = arith.constant 4096 : i32
      %parallel_loop3A_907 = arith.muli %parallel_loop3A_12, %parallel_loop3A_906 : i32
      %parallel_loop3A_908 = arith.constant 768 : i32
      %parallel_loop3A_909 = arith.addi %parallel_loop3A_907, %parallel_loop3A_908 : i32
      %parallel_loop3A_910 = arith.constant 160 : i32
      %parallel_loop3A_911 = arith.addi %parallel_loop3A_909, %parallel_loop3A_910 : i32
      %parallel_loop3A_912 = arith.index_cast %parallel_loop3A_911 : i32 to index
      %parallel_loop3A_913 = tpu.vector_load %arg6[%parallel_loop3A_912] {strides = array<i32>} : memref<32768xf32, #tpu.memory_space<vmem>>, vector<16xf32>,
      tpu.vector_store %arg6[%parallel_loop3A_912], %broadcast_in_dim3A_5 {strides = array<i32>} : memref<32768xf32, #tpu.memory_space<vmem>>, vector<16xf32>,
      %parallel_loop3A_914 = arith.constant 4096 : i32
      %parallel_loop3A_915 = arith.muli %parallel_loop3A_12, %parallel_loop3A_914 : i32
      %parallel_loop3A_916 = arith.constant 768 : i32
      %parallel_loop3A_917 = arith.addi %parallel_loop3A_915, %parallel_loop3A_916 : i32
      %parallel_loop3A_918 = arith.constant 176 : i32
      %parallel_loop3A_919 = arith.addi %parallel_loop3A_917, %parallel_loop3A_918 : i32
      %parallel_loop3A_920 = arith.index_cast %parallel_loop3A_919 : i32 to index
      %parallel_loop3A_921 = tpu.vector_load %arg6[%parallel_loop3A_920] {strides = array<i32>} : memref<32768xf32, #tpu.memory_space<vmem>>, vector<16xf32>,
      tpu.vector_store %arg6[%parallel_loop3A_920], %broadcast_in_dim3A_5 {strides = array<i32>} : memref<32768xf32, #tpu.memory_space<vmem>>, vector<16xf32>,
      %parallel_loop3A_922 = arith.constant 4096 : i32
      %parallel_loop3A_923 = arith.muli %parallel_loop3A_12, %parallel_loop3A_922 : i32
      %parallel_loop3A_924 = arith.constant 768 : i32
      %parallel_loop3A_925 = arith.addi %parallel_loop3A_923, %parallel_loop3A_924 : i32
      %parallel_loop3A_926 = arith.constant 192 : i32
      %parallel_loop3A_927 = arith.addi %parallel_loop3A_925, %parallel_loop3A_926 : i32
      %parallel_loop3A_928 = arith.index_cast %parallel_loop3A_927 : i32 to index
      %parallel_loop3A_929 = tpu.vector_load %arg6[%parallel_loop3A_928] {strides = array<i32>} : memref<32768xf32, #tpu.memory_space<vmem>>, vector<16xf32>,
      tpu.vector_store %arg6[%parallel_loop3A_928], %broadcast_in_dim3A_5 {strides = array<i32>} : memref<32768xf32, #tpu.memory_space<vmem>>, vector<16xf32>,
      %parallel_loop3A_930 = arith.constant 4096 : i32
      %parallel_loop3A_931 = arith.muli %parallel_loop3A_12, %parallel_loop3A_930 : i32
      %parallel_loop3A_932 = arith.constant 768 : i32
      %parallel_loop3A_933 = arith.addi %parallel_loop3A_931, %parallel_loop3A_932 : i32
      %parallel_loop3A_934 = arith.constant 208 : i32
      %parallel_loop3A_935 = arith.addi %parallel_loop3A_933, %parallel_loop3A_934 : i32
      %parallel_loop3A_936 = arith.index_cast %parallel_loop3A_935 : i32 to index
      %parallel_loop3A_937 = tpu.vector_load %arg6[%parallel_loop3A_936] {strides = array<i32>} : memref<32768xf32, #tpu.memory_space<vmem>>, vector<16xf32>,
      tpu.vector_store %arg6[%parallel_loop3A_936], %broadcast_in_dim3A_5 {strides = array<i32>} : memref<32768xf32, #tpu.memory_space<vmem>>, vector<16xf32>,
      %parallel_loop3A_938 = arith.constant 4096 : i32
      %parallel_loop3A_939 = arith.muli %parallel_loop3A_12, %parallel_loop3A_938 : i32
      %parallel_loop3A_940 = arith.constant 768 : i32
      %parallel_loop3A_941 = arith.addi %parallel_loop3A_939, %parallel_loop3A_940 : i32
      %parallel_loop3A_942 = arith.constant 224 : i32
      %parallel_loop3A_943 = arith.addi %parallel_loop3A_941, %parallel_loop3A_942 : i32
      %parallel_loop3A_944 = arith.index_cast %parallel_loop3A_943 : i32 to index
      %parallel_loop3A_945 = tpu.vector_load %arg6[%parallel_loop3A_944] {strides = array<i32>} : memref<32768xf32, #tpu.memory_space<vmem>>, vector<16xf32>,
      tpu.vector_store %arg6[%parallel_loop3A_944], %broadcast_in_dim3A_5 {strides = array<i32>} : memref<32768xf32, #tpu.memory_space<vmem>>, vector<16xf32>,
      %parallel_loop3A_946 = arith.constant 4096 : i32
      %parallel_loop3A_947 = arith.muli %parallel_loop3A_12, %parallel_loop3A_946 : i32
      %parallel_loop3A_948 = arith.constant 768 : i32
      %parallel_loop3A_949 = arith.addi %parallel_loop3A_947, %parallel_loop3A_948 : i32
      %parallel_loop3A_950 = arith.constant 240 : i32
      %parallel_loop3A_951 = arith.addi %parallel_loop3A_949, %parallel_loop3A_950 : i32
      %parallel_loop3A_952 = arith.index_cast %parallel_loop3A_951 : i32 to index
      %parallel_loop3A_953 = tpu.vector_load %arg6[%parallel_loop3A_952] {strides = array<i32>} : memref<32768xf32, #tpu.memory_space<vmem>>, vector<16xf32>,
      tpu.vector_store %arg6[%parallel_loop3A_952], %broadcast_in_dim3A_5 {strides = array<i32>} : memref<32768xf32, #tpu.memory_space<vmem>>, vector<16xf32>,
      %parallel_loop3A_954 = arith.constant 64 : i32
      %parallel_loop3A_955 = vector.broadcast %parallel_loop3A_954 : i32 to vector<16xi32>
      %parallel_loop3A_956 = arith.addi %iota3A, %parallel_loop3A_955 : vector<16xi32>
      %parallel_loop3A_957 = arith.constant 64 : index
      %parallel_loop3A_958 = tpu.vector_load %arg4[%parallel_loop3A_957] {strides = array<i32>} : memref<512xf32, #tpu.memory_space<vmem>>, vector<16xf32>,
      %parallel_loop3A_959 = arith.constant 320 : index
      %parallel_loop3A_960 = tpu.vector_load %arg4[%parallel_loop3A_959] {strides = array<i32>} : memref<512xf32, #tpu.memory_space<vmem>>, vector<16xf32>,
      %parallel_loop3A_961 = arith.subf %parallel_loop3A_958, %parallel_loop3A_17 : vector<16xf32>
      %parallel_loop3A_962 = arith.constant 2.000000e+00 : f32
      %parallel_loop3A_963 = vector.broadcast %parallel_loop3A_962 : f32 to vector<16xf32>
      %parallel_loop3A_964 = arith.mulf %parallel_loop3A_961, %parallel_loop3A_963 : vector<16xf32>
      %parallel_loop3A_965 = arith.constant 8.000000e+00 : f32
      %parallel_loop3A_966 = vector.broadcast %parallel_loop3A_965 : f32 to vector<16xf32>
      %parallel_loop3A_967 = arith.addf %parallel_loop3A_964, %parallel_loop3A_966 : vector<16xf32>
      %parallel_loop3A_968 = arith.subf %parallel_loop3A_960, %parallel_loop3A_21 : vector<16xf32>
      %parallel_loop3A_969 = arith.constant 2.000000e+00 : f32
      %parallel_loop3A_970 = vector.broadcast %parallel_loop3A_969 : f32 to vector<16xf32>
      %parallel_loop3A_971 = arith.mulf %parallel_loop3A_968, %parallel_loop3A_970 : vector<16xf32>
      %parallel_loop3A_972 = arith.constant 8.000000e+00 : f32
      %parallel_loop3A_973 = vector.broadcast %parallel_loop3A_972 : f32 to vector<16xf32>
      %parallel_loop3A_974 = arith.addf %parallel_loop3A_971, %parallel_loop3A_973 : vector<16xf32>
      %parallel_loop3A_975 = arith.constant 0.000000e+00 : f32
      %parallel_loop3A_976 = vector.broadcast %parallel_loop3A_975 : f32 to vector<16xf32>
      %parallel_loop3A_977 = arith.cmpf oge, %parallel_loop3A_967, %parallel_loop3A_976 : vector<16xf32>
      %parallel_loop3A_978 = arith.constant 1.600000e+01 : f32
      %parallel_loop3A_979 = vector.broadcast %parallel_loop3A_978 : f32 to vector<16xf32>
      %parallel_loop3A_980 = arith.cmpf olt, %parallel_loop3A_967, %parallel_loop3A_979 : vector<16xf32>
      %parallel_loop3A_981 = arith.andi %parallel_loop3A_977, %parallel_loop3A_980 : vector<16xi1>
      %parallel_loop3A_982 = arith.constant 0.000000e+00 : f32
      %parallel_loop3A_983 = vector.broadcast %parallel_loop3A_982 : f32 to vector<16xf32>
      %parallel_loop3A_984 = arith.cmpf oge, %parallel_loop3A_974, %parallel_loop3A_983 : vector<16xf32>
      %parallel_loop3A_985 = arith.andi %parallel_loop3A_981, %parallel_loop3A_984 : vector<16xi1>
      %parallel_loop3A_986 = arith.constant 1.600000e+01 : f32
      %parallel_loop3A_987 = vector.broadcast %parallel_loop3A_986 : f32 to vector<16xf32>
      %parallel_loop3A_988 = arith.cmpf olt, %parallel_loop3A_974, %parallel_loop3A_987 : vector<16xf32>
      %parallel_loop3A_989 = arith.andi %parallel_loop3A_985, %parallel_loop3A_988 : vector<16xi1>
      %parallel_loop3A_990 = vector.broadcast %parallel_loop3A_13 : i32 to vector<16xi32>
      %parallel_loop3A_991 = arith.cmpi ne, %parallel_loop3A_956, %parallel_loop3A_990 : vector<16xi32>
      %parallel_loop3A_992 = arith.andi %parallel_loop3A_989, %parallel_loop3A_991 : vector<16xi1>
      %parallel_loop3A_993 = arith.fptosi %parallel_loop3A_967 : vector<16xf32> to vector<16xi32>
      %parallel_loop3A_994 = arith.fptosi %parallel_loop3A_974 : vector<16xf32> to vector<16xi32>
      %parallel_loop3A_995 = arith.constant 16 : i32
      %parallel_loop3A_996 = vector.broadcast %parallel_loop3A_995 : i32 to vector<16xi32>
      %parallel_loop3A_997 = arith.muli %parallel_loop3A_993, %parallel_loop3A_996 : vector<16xi32>
      %parallel_loop3A_998 = arith.addi %parallel_loop3A_997, %parallel_loop3A_994 : vector<16xi32>
      %parallel_loop3A_999 = arith.constant 256 : i32
      %parallel_loop3A_1000 = vector.broadcast %parallel_loop3A_999 : i32 to vector<16xi32>
      %parallel_loop3A_1001 = arith.select %parallel_loop3A_992, %parallel_loop3A_998, %parallel_loop3A_1000 : vector<16xi1>, vector<16xi32>
      %parallel_loop3A_1002 = arith.constant 4 : i32
      %parallel_loop3A_1003 = vector.broadcast %parallel_loop3A_1002 : i32 to vector<16xi32>
      %parallel_loop3A_1004 = arith.shli %parallel_loop3A_1001, %parallel_loop3A_1003 : vector<16xi32>
      %parallel_loop3A_1005 = arith.ori %parallel_loop3A_1004, %iota3A : vector<16xi32>
      %parallel_loop3A_1006 = arith.constant dense<true> : vector<16xi1>
      %parallel_loop3A_1007 = arith.constant -2147483648 : i32
      %parallel_loop3A_1008 = vector.broadcast %parallel_loop3A_1007 : i32 to vector<16xi32>
      %parallel_loop3A_1009 = arith.xori %parallel_loop3A_1005, %parallel_loop3A_1008 : vector<16xi32>
      %parallel_loop3A_1010, %parallel_loop3A_1011, %parallel_loop3A_1012 = tpu.sort %parallel_loop3A_1009, %parallel_loop3A_956 masked %parallel_loop3A_1006 : (vector<16xi32>, vector<16xi32>, vector<16xi1>) -> (vector<16xi1>, vector<16xi32>, vector<16xi32>)
      %parallel_loop3A_1013 = arith.xori %parallel_loop3A_1011, %parallel_loop3A_1008 : vector<16xi32>
      %parallel_loop3A_1014 = arith.constant 4 : i32
      %parallel_loop3A_1015 = vector.broadcast %parallel_loop3A_1014 : i32 to vector<16xi32>
      %parallel_loop3A_1016 = arith.shrsi %parallel_loop3A_1013, %parallel_loop3A_1015 : vector<16xi32>
      %parallel_loop3A_1017 = arith.constant 272 : i32
      %parallel_loop3A_1018 = arith.addi %parallel_loop3A_15, %parallel_loop3A_1017 : i32
      %parallel_loop3A_1019 = arith.index_cast %parallel_loop3A_1018 : i32 to index
      %parallel_loop3A_1020 = tpu.vector_load %arg5[%parallel_loop3A_1019] {strides = array<i32>} : memref<2304xi32, #tpu.memory_space<vmem>>, vector<16xi32>,
      tpu.vector_store %arg5[%parallel_loop3A_1019], %parallel_loop3A_1016 {strides = array<i32>} : memref<2304xi32, #tpu.memory_space<vmem>>, vector<16xi32>,
      %parallel_loop3A_1021 = arith.constant 1 : i32
      %parallel_loop3A_1022 = vector.broadcast %parallel_loop3A_1021 : i32 to vector<16xi32>
      %parallel_loop3A_1023 = arith.addi %iota3A, %parallel_loop3A_1022 : vector<16xi32>
      %parallel_loop3A_1024 = arith.constant 15 : i32
      %parallel_loop3A_1025 = vector.broadcast %parallel_loop3A_1024 : i32 to vector<16xi32>
      %parallel_loop3A_1026 = arith.minsi %parallel_loop3A_1023, %parallel_loop3A_1025 : vector<16xi32>
      %parallel_loop3A_1027 = arith.constant 272 : i32
      %parallel_loop3A_1028 = arith.addi %parallel_loop3A_15, %parallel_loop3A_1027 : i32
      %parallel_loop3A_1029 = vector.broadcast %parallel_loop3A_1028 : i32 to vector<16xi32>
      %parallel_loop3A_1030 = arith.addi %parallel_loop3A_1026, %parallel_loop3A_1029 : vector<16xi32>
      %parallel_loop3A_1031 = tpu.vector_load_idx %arg5[%parallel_loop3A_1030] : memref<2304xi32, #tpu.memory_space<vmem>>[vector<16xi32>], vector<16xi32>,
      %parallel_loop3A_1032 = arith.cmpi ne, %parallel_loop3A_1031, %parallel_loop3A_1016 : vector<16xi32>
      %parallel_loop3A_1033 = arith.constant 15 : i32
      %parallel_loop3A_1034 = vector.broadcast %parallel_loop3A_1033 : i32 to vector<16xi32>
      %parallel_loop3A_1035 = arith.cmpi eq, %iota3A, %parallel_loop3A_1034 : vector<16xi32>
      %parallel_loop3A_1036 = arith.ori %parallel_loop3A_1032, %parallel_loop3A_1035 : vector<16xi1>
      %parallel_loop3A_1037 = arith.constant 256 : i32
      %parallel_loop3A_1038 = vector.broadcast %parallel_loop3A_1037 : i32 to vector<16xi32>
      %parallel_loop3A_1039 = arith.cmpi slt, %parallel_loop3A_1016, %parallel_loop3A_1038 : vector<16xi32>
      %parallel_loop3A_1040 = arith.andi %parallel_loop3A_1036, %parallel_loop3A_1039 : vector<16xi1>
      %parallel_loop3A_1041 = vector.broadcast %parallel_loop3A_15 : i32 to vector<16xi32>
      %parallel_loop3A_1042 = arith.addi %parallel_loop3A_1016, %parallel_loop3A_1041 : vector<16xi32>
      tpu.vector_store_idx %arg5[%parallel_loop3A_1042], %parallel_loop3A_1012 masked %parallel_loop3A_1040 : memref<2304xi32, #tpu.memory_space<vmem>>[vector<16xi32>], vector<16xi32>, vector<16xi1>
      %parallel_loop3A_1043 = arith.constant 4096 : i32
      %parallel_loop3A_1044 = arith.muli %parallel_loop3A_12, %parallel_loop3A_1043 : i32
      %parallel_loop3A_1045 = arith.constant 1024 : i32
      %parallel_loop3A_1046 = arith.addi %parallel_loop3A_1044, %parallel_loop3A_1045 : i32
      %parallel_loop3A_1047 = arith.constant 0 : i32
      %parallel_loop3A_1048 = arith.addi %parallel_loop3A_1046, %parallel_loop3A_1047 : i32
      %parallel_loop3A_1049 = arith.index_cast %parallel_loop3A_1048 : i32 to index
      %parallel_loop3A_1050 = tpu.vector_load %arg6[%parallel_loop3A_1049] {strides = array<i32>} : memref<32768xf32, #tpu.memory_space<vmem>>, vector<16xf32>,
      tpu.vector_store %arg6[%parallel_loop3A_1049], %broadcast_in_dim3A_5 {strides = array<i32>} : memref<32768xf32, #tpu.memory_space<vmem>>, vector<16xf32>,
      %parallel_loop3A_1051 = arith.constant 4096 : i32
      %parallel_loop3A_1052 = arith.muli %parallel_loop3A_12, %parallel_loop3A_1051 : i32
      %parallel_loop3A_1053 = arith.constant 1024 : i32
      %parallel_loop3A_1054 = arith.addi %parallel_loop3A_1052, %parallel_loop3A_1053 : i32
      %parallel_loop3A_1055 = arith.constant 16 : i32
      %parallel_loop3A_1056 = arith.addi %parallel_loop3A_1054, %parallel_loop3A_1055 : i32
      %parallel_loop3A_1057 = arith.index_cast %parallel_loop3A_1056 : i32 to index
      %parallel_loop3A_1058 = tpu.vector_load %arg6[%parallel_loop3A_1057] {strides = array<i32>} : memref<32768xf32, #tpu.memory_space<vmem>>, vector<16xf32>,
      tpu.vector_store %arg6[%parallel_loop3A_1057], %broadcast_in_dim3A_5 {strides = array<i32>} : memref<32768xf32, #tpu.memory_space<vmem>>, vector<16xf32>,
      %parallel_loop3A_1059 = arith.constant 4096 : i32
      %parallel_loop3A_1060 = arith.muli %parallel_loop3A_12, %parallel_loop3A_1059 : i32
      %parallel_loop3A_1061 = arith.constant 1024 : i32
      %parallel_loop3A_1062 = arith.addi %parallel_loop3A_1060, %parallel_loop3A_1061 : i32
      %parallel_loop3A_1063 = arith.constant 32 : i32
      %parallel_loop3A_1064 = arith.addi %parallel_loop3A_1062, %parallel_loop3A_1063 : i32
      %parallel_loop3A_1065 = arith.index_cast %parallel_loop3A_1064 : i32 to index
      %parallel_loop3A_1066 = tpu.vector_load %arg6[%parallel_loop3A_1065] {strides = array<i32>} : memref<32768xf32, #tpu.memory_space<vmem>>, vector<16xf32>,
      tpu.vector_store %arg6[%parallel_loop3A_1065], %broadcast_in_dim3A_5 {strides = array<i32>} : memref<32768xf32, #tpu.memory_space<vmem>>, vector<16xf32>,
      %parallel_loop3A_1067 = arith.constant 4096 : i32
      %parallel_loop3A_1068 = arith.muli %parallel_loop3A_12, %parallel_loop3A_1067 : i32
      %parallel_loop3A_1069 = arith.constant 1024 : i32
      %parallel_loop3A_1070 = arith.addi %parallel_loop3A_1068, %parallel_loop3A_1069 : i32
      %parallel_loop3A_1071 = arith.constant 48 : i32
      %parallel_loop3A_1072 = arith.addi %parallel_loop3A_1070, %parallel_loop3A_1071 : i32
      %parallel_loop3A_1073 = arith.index_cast %parallel_loop3A_1072 : i32 to index
      %parallel_loop3A_1074 = tpu.vector_load %arg6[%parallel_loop3A_1073] {strides = array<i32>} : memref<32768xf32, #tpu.memory_space<vmem>>, vector<16xf32>,
      tpu.vector_store %arg6[%parallel_loop3A_1073], %broadcast_in_dim3A_5 {strides = array<i32>} : memref<32768xf32, #tpu.memory_space<vmem>>, vector<16xf32>,
      %parallel_loop3A_1075 = arith.constant 4096 : i32
      %parallel_loop3A_1076 = arith.muli %parallel_loop3A_12, %parallel_loop3A_1075 : i32
      %parallel_loop3A_1077 = arith.constant 1024 : i32
      %parallel_loop3A_1078 = arith.addi %parallel_loop3A_1076, %parallel_loop3A_1077 : i32
      %parallel_loop3A_1079 = arith.constant 64 : i32
      %parallel_loop3A_1080 = arith.addi %parallel_loop3A_1078, %parallel_loop3A_1079 : i32
      %parallel_loop3A_1081 = arith.index_cast %parallel_loop3A_1080 : i32 to index
      %parallel_loop3A_1082 = tpu.vector_load %arg6[%parallel_loop3A_1081] {strides = array<i32>} : memref<32768xf32, #tpu.memory_space<vmem>>, vector<16xf32>,
      tpu.vector_store %arg6[%parallel_loop3A_1081], %broadcast_in_dim3A_5 {strides = array<i32>} : memref<32768xf32, #tpu.memory_space<vmem>>, vector<16xf32>,
      %parallel_loop3A_1083 = arith.constant 4096 : i32
      %parallel_loop3A_1084 = arith.muli %parallel_loop3A_12, %parallel_loop3A_1083 : i32
      %parallel_loop3A_1085 = arith.constant 1024 : i32
      %parallel_loop3A_1086 = arith.addi %parallel_loop3A_1084, %parallel_loop3A_1085 : i32
      %parallel_loop3A_1087 = arith.constant 80 : i32
      %parallel_loop3A_1088 = arith.addi %parallel_loop3A_1086, %parallel_loop3A_1087 : i32
      %parallel_loop3A_1089 = arith.index_cast %parallel_loop3A_1088 : i32 to index
      %parallel_loop3A_1090 = tpu.vector_load %arg6[%parallel_loop3A_1089] {strides = array<i32>} : memref<32768xf32, #tpu.memory_space<vmem>>, vector<16xf32>,
      tpu.vector_store %arg6[%parallel_loop3A_1089], %broadcast_in_dim3A_5 {strides = array<i32>} : memref<32768xf32, #tpu.memory_space<vmem>>, vector<16xf32>,
      %parallel_loop3A_1091 = arith.constant 4096 : i32
      %parallel_loop3A_1092 = arith.muli %parallel_loop3A_12, %parallel_loop3A_1091 : i32
      %parallel_loop3A_1093 = arith.constant 1024 : i32
      %parallel_loop3A_1094 = arith.addi %parallel_loop3A_1092, %parallel_loop3A_1093 : i32
      %parallel_loop3A_1095 = arith.constant 96 : i32
      %parallel_loop3A_1096 = arith.addi %parallel_loop3A_1094, %parallel_loop3A_1095 : i32
      %parallel_loop3A_1097 = arith.index_cast %parallel_loop3A_1096 : i32 to index
      %parallel_loop3A_1098 = tpu.vector_load %arg6[%parallel_loop3A_1097] {strides = array<i32>} : memref<32768xf32, #tpu.memory_space<vmem>>, vector<16xf32>,
      tpu.vector_store %arg6[%parallel_loop3A_1097], %broadcast_in_dim3A_5 {strides = array<i32>} : memref<32768xf32, #tpu.memory_space<vmem>>, vector<16xf32>,
      %parallel_loop3A_1099 = arith.constant 4096 : i32
      %parallel_loop3A_1100 = arith.muli %parallel_loop3A_12, %parallel_loop3A_1099 : i32
      %parallel_loop3A_1101 = arith.constant 1024 : i32
      %parallel_loop3A_1102 = arith.addi %parallel_loop3A_1100, %parallel_loop3A_1101 : i32
      %parallel_loop3A_1103 = arith.constant 112 : i32
      %parallel_loop3A_1104 = arith.addi %parallel_loop3A_1102, %parallel_loop3A_1103 : i32
      %parallel_loop3A_1105 = arith.index_cast %parallel_loop3A_1104 : i32 to index
      %parallel_loop3A_1106 = tpu.vector_load %arg6[%parallel_loop3A_1105] {strides = array<i32>} : memref<32768xf32, #tpu.memory_space<vmem>>, vector<16xf32>,
      tpu.vector_store %arg6[%parallel_loop3A_1105], %broadcast_in_dim3A_5 {strides = array<i32>} : memref<32768xf32, #tpu.memory_space<vmem>>, vector<16xf32>,
      %parallel_loop3A_1107 = arith.constant 4096 : i32
      %parallel_loop3A_1108 = arith.muli %parallel_loop3A_12, %parallel_loop3A_1107 : i32
      %parallel_loop3A_1109 = arith.constant 1024 : i32
      %parallel_loop3A_1110 = arith.addi %parallel_loop3A_1108, %parallel_loop3A_1109 : i32
      %parallel_loop3A_1111 = arith.constant 128 : i32
      %parallel_loop3A_1112 = arith.addi %parallel_loop3A_1110, %parallel_loop3A_1111 : i32
      %parallel_loop3A_1113 = arith.index_cast %parallel_loop3A_1112 : i32 to index
      %parallel_loop3A_1114 = tpu.vector_load %arg6[%parallel_loop3A_1113] {strides = array<i32>} : memref<32768xf32, #tpu.memory_space<vmem>>, vector<16xf32>,
      tpu.vector_store %arg6[%parallel_loop3A_1113], %broadcast_in_dim3A_5 {strides = array<i32>} : memref<32768xf32, #tpu.memory_space<vmem>>, vector<16xf32>,
      %parallel_loop3A_1115 = arith.constant 4096 : i32
      %parallel_loop3A_1116 = arith.muli %parallel_loop3A_12, %parallel_loop3A_1115 : i32
      %parallel_loop3A_1117 = arith.constant 1024 : i32
      %parallel_loop3A_1118 = arith.addi %parallel_loop3A_1116, %parallel_loop3A_1117 : i32
      %parallel_loop3A_1119 = arith.constant 144 : i32
      %parallel_loop3A_1120 = arith.addi %parallel_loop3A_1118, %parallel_loop3A_1119 : i32
      %parallel_loop3A_1121 = arith.index_cast %parallel_loop3A_1120 : i32 to index
      %parallel_loop3A_1122 = tpu.vector_load %arg6[%parallel_loop3A_1121] {strides = array<i32>} : memref<32768xf32, #tpu.memory_space<vmem>>, vector<16xf32>,
      tpu.vector_store %arg6[%parallel_loop3A_1121], %broadcast_in_dim3A_5 {strides = array<i32>} : memref<32768xf32, #tpu.memory_space<vmem>>, vector<16xf32>,
      %parallel_loop3A_1123 = arith.constant 4096 : i32
      %parallel_loop3A_1124 = arith.muli %parallel_loop3A_12, %parallel_loop3A_1123 : i32
      %parallel_loop3A_1125 = arith.constant 1024 : i32
      %parallel_loop3A_1126 = arith.addi %parallel_loop3A_1124, %parallel_loop3A_1125 : i32
      %parallel_loop3A_1127 = arith.constant 160 : i32
      %parallel_loop3A_1128 = arith.addi %parallel_loop3A_1126, %parallel_loop3A_1127 : i32
      %parallel_loop3A_1129 = arith.index_cast %parallel_loop3A_1128 : i32 to index
      %parallel_loop3A_1130 = tpu.vector_load %arg6[%parallel_loop3A_1129] {strides = array<i32>} : memref<32768xf32, #tpu.memory_space<vmem>>, vector<16xf32>,
      tpu.vector_store %arg6[%parallel_loop3A_1129], %broadcast_in_dim3A_5 {strides = array<i32>} : memref<32768xf32, #tpu.memory_space<vmem>>, vector<16xf32>,
      %parallel_loop3A_1131 = arith.constant 4096 : i32
      %parallel_loop3A_1132 = arith.muli %parallel_loop3A_12, %parallel_loop3A_1131 : i32
      %parallel_loop3A_1133 = arith.constant 1024 : i32
      %parallel_loop3A_1134 = arith.addi %parallel_loop3A_1132, %parallel_loop3A_1133 : i32
      %parallel_loop3A_1135 = arith.constant 176 : i32
      %parallel_loop3A_1136 = arith.addi %parallel_loop3A_1134, %parallel_loop3A_1135 : i32
      %parallel_loop3A_1137 = arith.index_cast %parallel_loop3A_1136 : i32 to index
      %parallel_loop3A_1138 = tpu.vector_load %arg6[%parallel_loop3A_1137] {strides = array<i32>} : memref<32768xf32, #tpu.memory_space<vmem>>, vector<16xf32>,
      tpu.vector_store %arg6[%parallel_loop3A_1137], %broadcast_in_dim3A_5 {strides = array<i32>} : memref<32768xf32, #tpu.memory_space<vmem>>, vector<16xf32>,
      %parallel_loop3A_1139 = arith.constant 4096 : i32
      %parallel_loop3A_1140 = arith.muli %parallel_loop3A_12, %parallel_loop3A_1139 : i32
      %parallel_loop3A_1141 = arith.constant 1024 : i32
      %parallel_loop3A_1142 = arith.addi %parallel_loop3A_1140, %parallel_loop3A_1141 : i32
      %parallel_loop3A_1143 = arith.constant 192 : i32
      %parallel_loop3A_1144 = arith.addi %parallel_loop3A_1142, %parallel_loop3A_1143 : i32
      %parallel_loop3A_1145 = arith.index_cast %parallel_loop3A_1144 : i32 to index
      %parallel_loop3A_1146 = tpu.vector_load %arg6[%parallel_loop3A_1145] {strides = array<i32>} : memref<32768xf32, #tpu.memory_space<vmem>>, vector<16xf32>,
      tpu.vector_store %arg6[%parallel_loop3A_1145], %broadcast_in_dim3A_5 {strides = array<i32>} : memref<32768xf32, #tpu.memory_space<vmem>>, vector<16xf32>,
      %parallel_loop3A_1147 = arith.constant 4096 : i32
      %parallel_loop3A_1148 = arith.muli %parallel_loop3A_12, %parallel_loop3A_1147 : i32
      %parallel_loop3A_1149 = arith.constant 1024 : i32
      %parallel_loop3A_1150 = arith.addi %parallel_loop3A_1148, %parallel_loop3A_1149 : i32
      %parallel_loop3A_1151 = arith.constant 208 : i32
      %parallel_loop3A_1152 = arith.addi %parallel_loop3A_1150, %parallel_loop3A_1151 : i32
      %parallel_loop3A_1153 = arith.index_cast %parallel_loop3A_1152 : i32 to index
      %parallel_loop3A_1154 = tpu.vector_load %arg6[%parallel_loop3A_1153] {strides = array<i32>} : memref<32768xf32, #tpu.memory_space<vmem>>, vector<16xf32>,
      tpu.vector_store %arg6[%parallel_loop3A_1153], %broadcast_in_dim3A_5 {strides = array<i32>} : memref<32768xf32, #tpu.memory_space<vmem>>, vector<16xf32>,
      %parallel_loop3A_1155 = arith.constant 4096 : i32
      %parallel_loop3A_1156 = arith.muli %parallel_loop3A_12, %parallel_loop3A_1155 : i32
      %parallel_loop3A_1157 = arith.constant 1024 : i32
      %parallel_loop3A_1158 = arith.addi %parallel_loop3A_1156, %parallel_loop3A_1157 : i32
      %parallel_loop3A_1159 = arith.constant 224 : i32
      %parallel_loop3A_1160 = arith.addi %parallel_loop3A_1158, %parallel_loop3A_1159 : i32
      %parallel_loop3A_1161 = arith.index_cast %parallel_loop3A_1160 : i32 to index
      %parallel_loop3A_1162 = tpu.vector_load %arg6[%parallel_loop3A_1161] {strides = array<i32>} : memref<32768xf32, #tpu.memory_space<vmem>>, vector<16xf32>,
      tpu.vector_store %arg6[%parallel_loop3A_1161], %broadcast_in_dim3A_5 {strides = array<i32>} : memref<32768xf32, #tpu.memory_space<vmem>>, vector<16xf32>,
      %parallel_loop3A_1163 = arith.constant 4096 : i32
      %parallel_loop3A_1164 = arith.muli %parallel_loop3A_12, %parallel_loop3A_1163 : i32
      %parallel_loop3A_1165 = arith.constant 1024 : i32
      %parallel_loop3A_1166 = arith.addi %parallel_loop3A_1164, %parallel_loop3A_1165 : i32
      %parallel_loop3A_1167 = arith.constant 240 : i32
      %parallel_loop3A_1168 = arith.addi %parallel_loop3A_1166, %parallel_loop3A_1167 : i32
      %parallel_loop3A_1169 = arith.index_cast %parallel_loop3A_1168 : i32 to index
      %parallel_loop3A_1170 = tpu.vector_load %arg6[%parallel_loop3A_1169] {strides = array<i32>} : memref<32768xf32, #tpu.memory_space<vmem>>, vector<16xf32>,
      tpu.vector_store %arg6[%parallel_loop3A_1169], %broadcast_in_dim3A_5 {strides = array<i32>} : memref<32768xf32, #tpu.memory_space<vmem>>, vector<16xf32>,
      %parallel_loop3A_1171 = arith.constant 80 : i32
      %parallel_loop3A_1172 = vector.broadcast %parallel_loop3A_1171 : i32 to vector<16xi32>
      %parallel_loop3A_1173 = arith.addi %iota3A, %parallel_loop3A_1172 : vector<16xi32>
      %parallel_loop3A_1174 = arith.constant 80 : index
      %parallel_loop3A_1175 = tpu.vector_load %arg4[%parallel_loop3A_1174] {strides = array<i32>} : memref<512xf32, #tpu.memory_space<vmem>>, vector<16xf32>,
      %parallel_loop3A_1176 = arith.constant 336 : index
      %parallel_loop3A_1177 = tpu.vector_load %arg4[%parallel_loop3A_1176] {strides = array<i32>} : memref<512xf32, #tpu.memory_space<vmem>>, vector<16xf32>,
      %parallel_loop3A_1178 = arith.subf %parallel_loop3A_1175, %parallel_loop3A_17 : vector<16xf32>
      %parallel_loop3A_1179 = arith.constant 2.000000e+00 : f32
      %parallel_loop3A_1180 = vector.broadcast %parallel_loop3A_1179 : f32 to vector<16xf32>
      %parallel_loop3A_1181 = arith.mulf %parallel_loop3A_1178, %parallel_loop3A_1180 : vector<16xf32>
      %parallel_loop3A_1182 = arith.constant 8.000000e+00 : f32
      %parallel_loop3A_1183 = vector.broadcast %parallel_loop3A_1182 : f32 to vector<16xf32>
      %parallel_loop3A_1184 = arith.addf %parallel_loop3A_1181, %parallel_loop3A_1183 : vector<16xf32>
      %parallel_loop3A_1185 = arith.subf %parallel_loop3A_1177, %parallel_loop3A_21 : vector<16xf32>
      %parallel_loop3A_1186 = arith.constant 2.000000e+00 : f32
      %parallel_loop3A_1187 = vector.broadcast %parallel_loop3A_1186 : f32 to vector<16xf32>
      %parallel_loop3A_1188 = arith.mulf %parallel_loop3A_1185, %parallel_loop3A_1187 : vector<16xf32>
      %parallel_loop3A_1189 = arith.constant 8.000000e+00 : f32
      %parallel_loop3A_1190 = vector.broadcast %parallel_loop3A_1189 : f32 to vector<16xf32>
      %parallel_loop3A_1191 = arith.addf %parallel_loop3A_1188, %parallel_loop3A_1190 : vector<16xf32>
      %parallel_loop3A_1192 = arith.constant 0.000000e+00 : f32
      %parallel_loop3A_1193 = vector.broadcast %parallel_loop3A_1192 : f32 to vector<16xf32>
      %parallel_loop3A_1194 = arith.cmpf oge, %parallel_loop3A_1184, %parallel_loop3A_1193 : vector<16xf32>
      %parallel_loop3A_1195 = arith.constant 1.600000e+01 : f32
      %parallel_loop3A_1196 = vector.broadcast %parallel_loop3A_1195 : f32 to vector<16xf32>
      %parallel_loop3A_1197 = arith.cmpf olt, %parallel_loop3A_1184, %parallel_loop3A_1196 : vector<16xf32>
      %parallel_loop3A_1198 = arith.andi %parallel_loop3A_1194, %parallel_loop3A_1197 : vector<16xi1>
      %parallel_loop3A_1199 = arith.constant 0.000000e+00 : f32
      %parallel_loop3A_1200 = vector.broadcast %parallel_loop3A_1199 : f32 to vector<16xf32>
      %parallel_loop3A_1201 = arith.cmpf oge, %parallel_loop3A_1191, %parallel_loop3A_1200 : vector<16xf32>
      %parallel_loop3A_1202 = arith.andi %parallel_loop3A_1198, %parallel_loop3A_1201 : vector<16xi1>
      %parallel_loop3A_1203 = arith.constant 1.600000e+01 : f32
      %parallel_loop3A_1204 = vector.broadcast %parallel_loop3A_1203 : f32 to vector<16xf32>
      %parallel_loop3A_1205 = arith.cmpf olt, %parallel_loop3A_1191, %parallel_loop3A_1204 : vector<16xf32>
      %parallel_loop3A_1206 = arith.andi %parallel_loop3A_1202, %parallel_loop3A_1205 : vector<16xi1>
      %parallel_loop3A_1207 = vector.broadcast %parallel_loop3A_13 : i32 to vector<16xi32>
      %parallel_loop3A_1208 = arith.cmpi ne, %parallel_loop3A_1173, %parallel_loop3A_1207 : vector<16xi32>
      %parallel_loop3A_1209 = arith.andi %parallel_loop3A_1206, %parallel_loop3A_1208 : vector<16xi1>
      %parallel_loop3A_1210 = arith.fptosi %parallel_loop3A_1184 : vector<16xf32> to vector<16xi32>
      %parallel_loop3A_1211 = arith.fptosi %parallel_loop3A_1191 : vector<16xf32> to vector<16xi32>
      %parallel_loop3A_1212 = arith.constant 16 : i32
      %parallel_loop3A_1213 = vector.broadcast %parallel_loop3A_1212 : i32 to vector<16xi32>
      %parallel_loop3A_1214 = arith.muli %parallel_loop3A_1210, %parallel_loop3A_1213 : vector<16xi32>
      %parallel_loop3A_1215 = arith.addi %parallel_loop3A_1214, %parallel_loop3A_1211 : vector<16xi32>
      %parallel_loop3A_1216 = arith.constant 256 : i32
      %parallel_loop3A_1217 = vector.broadcast %parallel_loop3A_1216 : i32 to vector<16xi32>
      %parallel_loop3A_1218 = arith.select %parallel_loop3A_1209, %parallel_loop3A_1215, %parallel_loop3A_1217 : vector<16xi1>, vector<16xi32>
      %parallel_loop3A_1219 = arith.constant 4 : i32
      %parallel_loop3A_1220 = vector.broadcast %parallel_loop3A_1219 : i32 to vector<16xi32>
      %parallel_loop3A_1221 = arith.shli %parallel_loop3A_1218, %parallel_loop3A_1220 : vector<16xi32>
      %parallel_loop3A_1222 = arith.ori %parallel_loop3A_1221, %iota3A : vector<16xi32>
      %parallel_loop3A_1223 = arith.constant dense<true> : vector<16xi1>
      %parallel_loop3A_1224 = arith.constant -2147483648 : i32
      %parallel_loop3A_1225 = vector.broadcast %parallel_loop3A_1224 : i32 to vector<16xi32>
      %parallel_loop3A_1226 = arith.xori %parallel_loop3A_1222, %parallel_loop3A_1225 : vector<16xi32>
      %parallel_loop3A_1227, %parallel_loop3A_1228, %parallel_loop3A_1229 = tpu.sort %parallel_loop3A_1226, %parallel_loop3A_1173 masked %parallel_loop3A_1223 : (vector<16xi32>, vector<16xi32>, vector<16xi1>) -> (vector<16xi1>, vector<16xi32>, vector<16xi32>)
      %parallel_loop3A_1230 = arith.xori %parallel_loop3A_1228, %parallel_loop3A_1225 : vector<16xi32>
      %parallel_loop3A_1231 = arith.constant 4 : i32
      %parallel_loop3A_1232 = vector.broadcast %parallel_loop3A_1231 : i32 to vector<16xi32>
      %parallel_loop3A_1233 = arith.shrsi %parallel_loop3A_1230, %parallel_loop3A_1232 : vector<16xi32>
      %parallel_loop3A_1234 = arith.constant 272 : i32
      %parallel_loop3A_1235 = arith.addi %parallel_loop3A_15, %parallel_loop3A_1234 : i32
      %parallel_loop3A_1236 = arith.index_cast %parallel_loop3A_1235 : i32 to index
      %parallel_loop3A_1237 = tpu.vector_load %arg5[%parallel_loop3A_1236] {strides = array<i32>} : memref<2304xi32, #tpu.memory_space<vmem>>, vector<16xi32>,
      tpu.vector_store %arg5[%parallel_loop3A_1236], %parallel_loop3A_1233 {strides = array<i32>} : memref<2304xi32, #tpu.memory_space<vmem>>, vector<16xi32>,
      %parallel_loop3A_1238 = arith.constant 1 : i32
      %parallel_loop3A_1239 = vector.broadcast %parallel_loop3A_1238 : i32 to vector<16xi32>
      %parallel_loop3A_1240 = arith.addi %iota3A, %parallel_loop3A_1239 : vector<16xi32>
      %parallel_loop3A_1241 = arith.constant 15 : i32
      %parallel_loop3A_1242 = vector.broadcast %parallel_loop3A_1241 : i32 to vector<16xi32>
      %parallel_loop3A_1243 = arith.minsi %parallel_loop3A_1240, %parallel_loop3A_1242 : vector<16xi32>
      %parallel_loop3A_1244 = arith.constant 272 : i32
      %parallel_loop3A_1245 = arith.addi %parallel_loop3A_15, %parallel_loop3A_1244 : i32
      %parallel_loop3A_1246 = vector.broadcast %parallel_loop3A_1245 : i32 to vector<16xi32>
      %parallel_loop3A_1247 = arith.addi %parallel_loop3A_1243, %parallel_loop3A_1246 : vector<16xi32>
      %parallel_loop3A_1248 = tpu.vector_load_idx %arg5[%parallel_loop3A_1247] : memref<2304xi32, #tpu.memory_space<vmem>>[vector<16xi32>], vector<16xi32>,
      %parallel_loop3A_1249 = arith.cmpi ne, %parallel_loop3A_1248, %parallel_loop3A_1233 : vector<16xi32>
      %parallel_loop3A_1250 = arith.constant 15 : i32
      %parallel_loop3A_1251 = vector.broadcast %parallel_loop3A_1250 : i32 to vector<16xi32>
      %parallel_loop3A_1252 = arith.cmpi eq, %iota3A, %parallel_loop3A_1251 : vector<16xi32>
      %parallel_loop3A_1253 = arith.ori %parallel_loop3A_1249, %parallel_loop3A_1252 : vector<16xi1>
      %parallel_loop3A_1254 = arith.constant 256 : i32
      %parallel_loop3A_1255 = vector.broadcast %parallel_loop3A_1254 : i32 to vector<16xi32>
      %parallel_loop3A_1256 = arith.cmpi slt, %parallel_loop3A_1233, %parallel_loop3A_1255 : vector<16xi32>
      %parallel_loop3A_1257 = arith.andi %parallel_loop3A_1253, %parallel_loop3A_1256 : vector<16xi1>
      %parallel_loop3A_1258 = vector.broadcast %parallel_loop3A_15 : i32 to vector<16xi32>
      %parallel_loop3A_1259 = arith.addi %parallel_loop3A_1233, %parallel_loop3A_1258 : vector<16xi32>
      tpu.vector_store_idx %arg5[%parallel_loop3A_1259], %parallel_loop3A_1229 masked %parallel_loop3A_1257 : memref<2304xi32, #tpu.memory_space<vmem>>[vector<16xi32>], vector<16xi32>, vector<16xi1>
      %parallel_loop3A_1260 = arith.constant 4096 : i32
      %parallel_loop3A_1261 = arith.muli %parallel_loop3A_12, %parallel_loop3A_1260 : i32
      %parallel_loop3A_1262 = arith.constant 1280 : i32
      %parallel_loop3A_1263 = arith.addi %parallel_loop3A_1261, %parallel_loop3A_1262 : i32
      %parallel_loop3A_1264 = arith.constant 0 : i32
      %parallel_loop3A_1265 = arith.addi %parallel_loop3A_1263, %parallel_loop3A_1264 : i32
      %parallel_loop3A_1266 = arith.index_cast %parallel_loop3A_1265 : i32 to index
      %parallel_loop3A_1267 = tpu.vector_load %arg6[%parallel_loop3A_1266] {strides = array<i32>} : memref<32768xf32, #tpu.memory_space<vmem>>, vector<16xf32>,
      tpu.vector_store %arg6[%parallel_loop3A_1266], %broadcast_in_dim3A_5 {strides = array<i32>} : memref<32768xf32, #tpu.memory_space<vmem>>, vector<16xf32>,
      %parallel_loop3A_1268 = arith.constant 4096 : i32
      %parallel_loop3A_1269 = arith.muli %parallel_loop3A_12, %parallel_loop3A_1268 : i32
      %parallel_loop3A_1270 = arith.constant 1280 : i32
      %parallel_loop3A_1271 = arith.addi %parallel_loop3A_1269, %parallel_loop3A_1270 : i32
      %parallel_loop3A_1272 = arith.constant 16 : i32
      %parallel_loop3A_1273 = arith.addi %parallel_loop3A_1271, %parallel_loop3A_1272 : i32
      %parallel_loop3A_1274 = arith.index_cast %parallel_loop3A_1273 : i32 to index
      %parallel_loop3A_1275 = tpu.vector_load %arg6[%parallel_loop3A_1274] {strides = array<i32>} : memref<32768xf32, #tpu.memory_space<vmem>>, vector<16xf32>,
      tpu.vector_store %arg6[%parallel_loop3A_1274], %broadcast_in_dim3A_5 {strides = array<i32>} : memref<32768xf32, #tpu.memory_space<vmem>>, vector<16xf32>,
      %parallel_loop3A_1276 = arith.constant 4096 : i32
      %parallel_loop3A_1277 = arith.muli %parallel_loop3A_12, %parallel_loop3A_1276 : i32
      %parallel_loop3A_1278 = arith.constant 1280 : i32
      %parallel_loop3A_1279 = arith.addi %parallel_loop3A_1277, %parallel_loop3A_1278 : i32
      %parallel_loop3A_1280 = arith.constant 32 : i32
      %parallel_loop3A_1281 = arith.addi %parallel_loop3A_1279, %parallel_loop3A_1280 : i32
      %parallel_loop3A_1282 = arith.index_cast %parallel_loop3A_1281 : i32 to index
      %parallel_loop3A_1283 = tpu.vector_load %arg6[%parallel_loop3A_1282] {strides = array<i32>} : memref<32768xf32, #tpu.memory_space<vmem>>, vector<16xf32>,
      tpu.vector_store %arg6[%parallel_loop3A_1282], %broadcast_in_dim3A_5 {strides = array<i32>} : memref<32768xf32, #tpu.memory_space<vmem>>, vector<16xf32>,
      %parallel_loop3A_1284 = arith.constant 4096 : i32
      %parallel_loop3A_1285 = arith.muli %parallel_loop3A_12, %parallel_loop3A_1284 : i32
      %parallel_loop3A_1286 = arith.constant 1280 : i32
      %parallel_loop3A_1287 = arith.addi %parallel_loop3A_1285, %parallel_loop3A_1286 : i32
      %parallel_loop3A_1288 = arith.constant 48 : i32
      %parallel_loop3A_1289 = arith.addi %parallel_loop3A_1287, %parallel_loop3A_1288 : i32
      %parallel_loop3A_1290 = arith.index_cast %parallel_loop3A_1289 : i32 to index
      %parallel_loop3A_1291 = tpu.vector_load %arg6[%parallel_loop3A_1290] {strides = array<i32>} : memref<32768xf32, #tpu.memory_space<vmem>>, vector<16xf32>,
      tpu.vector_store %arg6[%parallel_loop3A_1290], %broadcast_in_dim3A_5 {strides = array<i32>} : memref<32768xf32, #tpu.memory_space<vmem>>, vector<16xf32>,
      %parallel_loop3A_1292 = arith.constant 4096 : i32
      %parallel_loop3A_1293 = arith.muli %parallel_loop3A_12, %parallel_loop3A_1292 : i32
      %parallel_loop3A_1294 = arith.constant 1280 : i32
      %parallel_loop3A_1295 = arith.addi %parallel_loop3A_1293, %parallel_loop3A_1294 : i32
      %parallel_loop3A_1296 = arith.constant 64 : i32
      %parallel_loop3A_1297 = arith.addi %parallel_loop3A_1295, %parallel_loop3A_1296 : i32
      %parallel_loop3A_1298 = arith.index_cast %parallel_loop3A_1297 : i32 to index
      %parallel_loop3A_1299 = tpu.vector_load %arg6[%parallel_loop3A_1298] {strides = array<i32>} : memref<32768xf32, #tpu.memory_space<vmem>>, vector<16xf32>,
      tpu.vector_store %arg6[%parallel_loop3A_1298], %broadcast_in_dim3A_5 {strides = array<i32>} : memref<32768xf32, #tpu.memory_space<vmem>>, vector<16xf32>,
      %parallel_loop3A_1300 = arith.constant 4096 : i32
      %parallel_loop3A_1301 = arith.muli %parallel_loop3A_12, %parallel_loop3A_1300 : i32
      %parallel_loop3A_1302 = arith.constant 1280 : i32
      %parallel_loop3A_1303 = arith.addi %parallel_loop3A_1301, %parallel_loop3A_1302 : i32
      %parallel_loop3A_1304 = arith.constant 80 : i32
      %parallel_loop3A_1305 = arith.addi %parallel_loop3A_1303, %parallel_loop3A_1304 : i32
      %parallel_loop3A_1306 = arith.index_cast %parallel_loop3A_1305 : i32 to index
      %parallel_loop3A_1307 = tpu.vector_load %arg6[%parallel_loop3A_1306] {strides = array<i32>} : memref<32768xf32, #tpu.memory_space<vmem>>, vector<16xf32>,
      tpu.vector_store %arg6[%parallel_loop3A_1306], %broadcast_in_dim3A_5 {strides = array<i32>} : memref<32768xf32, #tpu.memory_space<vmem>>, vector<16xf32>,
      %parallel_loop3A_1308 = arith.constant 4096 : i32
      %parallel_loop3A_1309 = arith.muli %parallel_loop3A_12, %parallel_loop3A_1308 : i32
      %parallel_loop3A_1310 = arith.constant 1280 : i32
      %parallel_loop3A_1311 = arith.addi %parallel_loop3A_1309, %parallel_loop3A_1310 : i32
      %parallel_loop3A_1312 = arith.constant 96 : i32
      %parallel_loop3A_1313 = arith.addi %parallel_loop3A_1311, %parallel_loop3A_1312 : i32
      %parallel_loop3A_1314 = arith.index_cast %parallel_loop3A_1313 : i32 to index
      %parallel_loop3A_1315 = tpu.vector_load %arg6[%parallel_loop3A_1314] {strides = array<i32>} : memref<32768xf32, #tpu.memory_space<vmem>>, vector<16xf32>,
      tpu.vector_store %arg6[%parallel_loop3A_1314], %broadcast_in_dim3A_5 {strides = array<i32>} : memref<32768xf32, #tpu.memory_space<vmem>>, vector<16xf32>,
      %parallel_loop3A_1316 = arith.constant 4096 : i32
      %parallel_loop3A_1317 = arith.muli %parallel_loop3A_12, %parallel_loop3A_1316 : i32
      %parallel_loop3A_1318 = arith.constant 1280 : i32
      %parallel_loop3A_1319 = arith.addi %parallel_loop3A_1317, %parallel_loop3A_1318 : i32
      %parallel_loop3A_1320 = arith.constant 112 : i32
      %parallel_loop3A_1321 = arith.addi %parallel_loop3A_1319, %parallel_loop3A_1320 : i32
      %parallel_loop3A_1322 = arith.index_cast %parallel_loop3A_1321 : i32 to index
      %parallel_loop3A_1323 = tpu.vector_load %arg6[%parallel_loop3A_1322] {strides = array<i32>} : memref<32768xf32, #tpu.memory_space<vmem>>, vector<16xf32>,
      tpu.vector_store %arg6[%parallel_loop3A_1322], %broadcast_in_dim3A_5 {strides = array<i32>} : memref<32768xf32, #tpu.memory_space<vmem>>, vector<16xf32>,
      %parallel_loop3A_1324 = arith.constant 4096 : i32
      %parallel_loop3A_1325 = arith.muli %parallel_loop3A_12, %parallel_loop3A_1324 : i32
      %parallel_loop3A_1326 = arith.constant 1280 : i32
      %parallel_loop3A_1327 = arith.addi %parallel_loop3A_1325, %parallel_loop3A_1326 : i32
      %parallel_loop3A_1328 = arith.constant 128 : i32
      %parallel_loop3A_1329 = arith.addi %parallel_loop3A_1327, %parallel_loop3A_1328 : i32
      %parallel_loop3A_1330 = arith.index_cast %parallel_loop3A_1329 : i32 to index
      %parallel_loop3A_1331 = tpu.vector_load %arg6[%parallel_loop3A_1330] {strides = array<i32>} : memref<32768xf32, #tpu.memory_space<vmem>>, vector<16xf32>,
      tpu.vector_store %arg6[%parallel_loop3A_1330], %broadcast_in_dim3A_5 {strides = array<i32>} : memref<32768xf32, #tpu.memory_space<vmem>>, vector<16xf32>,
      %parallel_loop3A_1332 = arith.constant 4096 : i32
      %parallel_loop3A_1333 = arith.muli %parallel_loop3A_12, %parallel_loop3A_1332 : i32
      %parallel_loop3A_1334 = arith.constant 1280 : i32
      %parallel_loop3A_1335 = arith.addi %parallel_loop3A_1333, %parallel_loop3A_1334 : i32
      %parallel_loop3A_1336 = arith.constant 144 : i32
      %parallel_loop3A_1337 = arith.addi %parallel_loop3A_1335, %parallel_loop3A_1336 : i32
      %parallel_loop3A_1338 = arith.index_cast %parallel_loop3A_1337 : i32 to index
      %parallel_loop3A_1339 = tpu.vector_load %arg6[%parallel_loop3A_1338] {strides = array<i32>} : memref<32768xf32, #tpu.memory_space<vmem>>, vector<16xf32>,
      tpu.vector_store %arg6[%parallel_loop3A_1338], %broadcast_in_dim3A_5 {strides = array<i32>} : memref<32768xf32, #tpu.memory_space<vmem>>, vector<16xf32>,
      %parallel_loop3A_1340 = arith.constant 4096 : i32
      %parallel_loop3A_1341 = arith.muli %parallel_loop3A_12, %parallel_loop3A_1340 : i32
      %parallel_loop3A_1342 = arith.constant 1280 : i32
      %parallel_loop3A_1343 = arith.addi %parallel_loop3A_1341, %parallel_loop3A_1342 : i32
      %parallel_loop3A_1344 = arith.constant 160 : i32
      %parallel_loop3A_1345 = arith.addi %parallel_loop3A_1343, %parallel_loop3A_1344 : i32
      %parallel_loop3A_1346 = arith.index_cast %parallel_loop3A_1345 : i32 to index
      %parallel_loop3A_1347 = tpu.vector_load %arg6[%parallel_loop3A_1346] {strides = array<i32>} : memref<32768xf32, #tpu.memory_space<vmem>>, vector<16xf32>,
      tpu.vector_store %arg6[%parallel_loop3A_1346], %broadcast_in_dim3A_5 {strides = array<i32>} : memref<32768xf32, #tpu.memory_space<vmem>>, vector<16xf32>,
      %parallel_loop3A_1348 = arith.constant 4096 : i32
      %parallel_loop3A_1349 = arith.muli %parallel_loop3A_12, %parallel_loop3A_1348 : i32
      %parallel_loop3A_1350 = arith.constant 1280 : i32
      %parallel_loop3A_1351 = arith.addi %parallel_loop3A_1349, %parallel_loop3A_1350 : i32
      %parallel_loop3A_1352 = arith.constant 176 : i32
      %parallel_loop3A_1353 = arith.addi %parallel_loop3A_1351, %parallel_loop3A_1352 : i32
      %parallel_loop3A_1354 = arith.index_cast %parallel_loop3A_1353 : i32 to index
      %parallel_loop3A_1355 = tpu.vector_load %arg6[%parallel_loop3A_1354] {strides = array<i32>} : memref<32768xf32, #tpu.memory_space<vmem>>, vector<16xf32>,
      tpu.vector_store %arg6[%parallel_loop3A_1354], %broadcast_in_dim3A_5 {strides = array<i32>} : memref<32768xf32, #tpu.memory_space<vmem>>, vector<16xf32>,
      %parallel_loop3A_1356 = arith.constant 4096 : i32
      %parallel_loop3A_1357 = arith.muli %parallel_loop3A_12, %parallel_loop3A_1356 : i32
      %parallel_loop3A_1358 = arith.constant 1280 : i32
      %parallel_loop3A_1359 = arith.addi %parallel_loop3A_1357, %parallel_loop3A_1358 : i32
      %parallel_loop3A_1360 = arith.constant 192 : i32
      %parallel_loop3A_1361 = arith.addi %parallel_loop3A_1359, %parallel_loop3A_1360 : i32
      %parallel_loop3A_1362 = arith.index_cast %parallel_loop3A_1361 : i32 to index
      %parallel_loop3A_1363 = tpu.vector_load %arg6[%parallel_loop3A_1362] {strides = array<i32>} : memref<32768xf32, #tpu.memory_space<vmem>>, vector<16xf32>,
      tpu.vector_store %arg6[%parallel_loop3A_1362], %broadcast_in_dim3A_5 {strides = array<i32>} : memref<32768xf32, #tpu.memory_space<vmem>>, vector<16xf32>,
      %parallel_loop3A_1364 = arith.constant 4096 : i32
      %parallel_loop3A_1365 = arith.muli %parallel_loop3A_12, %parallel_loop3A_1364 : i32
      %parallel_loop3A_1366 = arith.constant 1280 : i32
      %parallel_loop3A_1367 = arith.addi %parallel_loop3A_1365, %parallel_loop3A_1366 : i32
      %parallel_loop3A_1368 = arith.constant 208 : i32
      %parallel_loop3A_1369 = arith.addi %parallel_loop3A_1367, %parallel_loop3A_1368 : i32
      %parallel_loop3A_1370 = arith.index_cast %parallel_loop3A_1369 : i32 to index
      %parallel_loop3A_1371 = tpu.vector_load %arg6[%parallel_loop3A_1370] {strides = array<i32>} : memref<32768xf32, #tpu.memory_space<vmem>>, vector<16xf32>,
      tpu.vector_store %arg6[%parallel_loop3A_1370], %broadcast_in_dim3A_5 {strides = array<i32>} : memref<32768xf32, #tpu.memory_space<vmem>>, vector<16xf32>,
      %parallel_loop3A_1372 = arith.constant 4096 : i32
      %parallel_loop3A_1373 = arith.muli %parallel_loop3A_12, %parallel_loop3A_1372 : i32
      %parallel_loop3A_1374 = arith.constant 1280 : i32
      %parallel_loop3A_1375 = arith.addi %parallel_loop3A_1373, %parallel_loop3A_1374 : i32
      %parallel_loop3A_1376 = arith.constant 224 : i32
      %parallel_loop3A_1377 = arith.addi %parallel_loop3A_1375, %parallel_loop3A_1376 : i32
      %parallel_loop3A_1378 = arith.index_cast %parallel_loop3A_1377 : i32 to index
      %parallel_loop3A_1379 = tpu.vector_load %arg6[%parallel_loop3A_1378] {strides = array<i32>} : memref<32768xf32, #tpu.memory_space<vmem>>, vector<16xf32>,
      tpu.vector_store %arg6[%parallel_loop3A_1378], %broadcast_in_dim3A_5 {strides = array<i32>} : memref<32768xf32, #tpu.memory_space<vmem>>, vector<16xf32>,
      %parallel_loop3A_1380 = arith.constant 4096 : i32
      %parallel_loop3A_1381 = arith.muli %parallel_loop3A_12, %parallel_loop3A_1380 : i32
      %parallel_loop3A_1382 = arith.constant 1280 : i32
      %parallel_loop3A_1383 = arith.addi %parallel_loop3A_1381, %parallel_loop3A_1382 : i32
      %parallel_loop3A_1384 = arith.constant 240 : i32
      %parallel_loop3A_1385 = arith.addi %parallel_loop3A_1383, %parallel_loop3A_1384 : i32
      %parallel_loop3A_1386 = arith.index_cast %parallel_loop3A_1385 : i32 to index
      %parallel_loop3A_1387 = tpu.vector_load %arg6[%parallel_loop3A_1386] {strides = array<i32>} : memref<32768xf32, #tpu.memory_space<vmem>>, vector<16xf32>,
      tpu.vector_store %arg6[%parallel_loop3A_1386], %broadcast_in_dim3A_5 {strides = array<i32>} : memref<32768xf32, #tpu.memory_space<vmem>>, vector<16xf32>,
      %parallel_loop3A_1388 = arith.constant 96 : i32
      %parallel_loop3A_1389 = vector.broadcast %parallel_loop3A_1388 : i32 to vector<16xi32>
      %parallel_loop3A_1390 = arith.addi %iota3A, %parallel_loop3A_1389 : vector<16xi32>
      %parallel_loop3A_1391 = arith.constant 96 : index
      %parallel_loop3A_1392 = tpu.vector_load %arg4[%parallel_loop3A_1391] {strides = array<i32>} : memref<512xf32, #tpu.memory_space<vmem>>, vector<16xf32>,
      %parallel_loop3A_1393 = arith.constant 352 : index
      %parallel_loop3A_1394 = tpu.vector_load %arg4[%parallel_loop3A_1393] {strides = array<i32>} : memref<512xf32, #tpu.memory_space<vmem>>, vector<16xf32>,
      %parallel_loop3A_1395 = arith.subf %parallel_loop3A_1392, %parallel_loop3A_17 : vector<16xf32>
      %parallel_loop3A_1396 = arith.constant 2.000000e+00 : f32
      %parallel_loop3A_1397 = vector.broadcast %parallel_loop3A_1396 : f32 to vector<16xf32>
      %parallel_loop3A_1398 = arith.mulf %parallel_loop3A_1395, %parallel_loop3A_1397 : vector<16xf32>
      %parallel_loop3A_1399 = arith.constant 8.000000e+00 : f32
      %parallel_loop3A_1400 = vector.broadcast %parallel_loop3A_1399 : f32 to vector<16xf32>
      %parallel_loop3A_1401 = arith.addf %parallel_loop3A_1398, %parallel_loop3A_1400 : vector<16xf32>
      %parallel_loop3A_1402 = arith.subf %parallel_loop3A_1394, %parallel_loop3A_21 : vector<16xf32>
      %parallel_loop3A_1403 = arith.constant 2.000000e+00 : f32
      %parallel_loop3A_1404 = vector.broadcast %parallel_loop3A_1403 : f32 to vector<16xf32>
      %parallel_loop3A_1405 = arith.mulf %parallel_loop3A_1402, %parallel_loop3A_1404 : vector<16xf32>
      %parallel_loop3A_1406 = arith.constant 8.000000e+00 : f32
      %parallel_loop3A_1407 = vector.broadcast %parallel_loop3A_1406 : f32 to vector<16xf32>
      %parallel_loop3A_1408 = arith.addf %parallel_loop3A_1405, %parallel_loop3A_1407 : vector<16xf32>
      %parallel_loop3A_1409 = arith.constant 0.000000e+00 : f32
      %parallel_loop3A_1410 = vector.broadcast %parallel_loop3A_1409 : f32 to vector<16xf32>
      %parallel_loop3A_1411 = arith.cmpf oge, %parallel_loop3A_1401, %parallel_loop3A_1410 : vector<16xf32>
      %parallel_loop3A_1412 = arith.constant 1.600000e+01 : f32
      %parallel_loop3A_1413 = vector.broadcast %parallel_loop3A_1412 : f32 to vector<16xf32>
      %parallel_loop3A_1414 = arith.cmpf olt, %parallel_loop3A_1401, %parallel_loop3A_1413 : vector<16xf32>
      %parallel_loop3A_1415 = arith.andi %parallel_loop3A_1411, %parallel_loop3A_1414 : vector<16xi1>
      %parallel_loop3A_1416 = arith.constant 0.000000e+00 : f32
      %parallel_loop3A_1417 = vector.broadcast %parallel_loop3A_1416 : f32 to vector<16xf32>
      %parallel_loop3A_1418 = arith.cmpf oge, %parallel_loop3A_1408, %parallel_loop3A_1417 : vector<16xf32>
      %parallel_loop3A_1419 = arith.andi %parallel_loop3A_1415, %parallel_loop3A_1418 : vector<16xi1>
      %parallel_loop3A_1420 = arith.constant 1.600000e+01 : f32
      %parallel_loop3A_1421 = vector.broadcast %parallel_loop3A_1420 : f32 to vector<16xf32>
      %parallel_loop3A_1422 = arith.cmpf olt, %parallel_loop3A_1408, %parallel_loop3A_1421 : vector<16xf32>
      %parallel_loop3A_1423 = arith.andi %parallel_loop3A_1419, %parallel_loop3A_1422 : vector<16xi1>
      %parallel_loop3A_1424 = vector.broadcast %parallel_loop3A_13 : i32 to vector<16xi32>
      %parallel_loop3A_1425 = arith.cmpi ne, %parallel_loop3A_1390, %parallel_loop3A_1424 : vector<16xi32>
      %parallel_loop3A_1426 = arith.andi %parallel_loop3A_1423, %parallel_loop3A_1425 : vector<16xi1>
      %parallel_loop3A_1427 = arith.fptosi %parallel_loop3A_1401 : vector<16xf32> to vector<16xi32>
      %parallel_loop3A_1428 = arith.fptosi %parallel_loop3A_1408 : vector<16xf32> to vector<16xi32>
      %parallel_loop3A_1429 = arith.constant 16 : i32
      %parallel_loop3A_1430 = vector.broadcast %parallel_loop3A_1429 : i32 to vector<16xi32>
      %parallel_loop3A_1431 = arith.muli %parallel_loop3A_1427, %parallel_loop3A_1430 : vector<16xi32>
      %parallel_loop3A_1432 = arith.addi %parallel_loop3A_1431, %parallel_loop3A_1428 : vector<16xi32>
      %parallel_loop3A_1433 = arith.constant 256 : i32
      %parallel_loop3A_1434 = vector.broadcast %parallel_loop3A_1433 : i32 to vector<16xi32>
      %parallel_loop3A_1435 = arith.select %parallel_loop3A_1426, %parallel_loop3A_1432, %parallel_loop3A_1434 : vector<16xi1>, vector<16xi32>
      %parallel_loop3A_1436 = arith.constant 4 : i32
      %parallel_loop3A_1437 = vector.broadcast %parallel_loop3A_1436 : i32 to vector<16xi32>
      %parallel_loop3A_1438 = arith.shli %parallel_loop3A_1435, %parallel_loop3A_1437 : vector<16xi32>
      %parallel_loop3A_1439 = arith.ori %parallel_loop3A_1438, %iota3A : vector<16xi32>
      %parallel_loop3A_1440 = arith.constant dense<true> : vector<16xi1>
      %parallel_loop3A_1441 = arith.constant -2147483648 : i32
      %parallel_loop3A_1442 = vector.broadcast %parallel_loop3A_1441 : i32 to vector<16xi32>
      %parallel_loop3A_1443 = arith.xori %parallel_loop3A_1439, %parallel_loop3A_1442 : vector<16xi32>
      %parallel_loop3A_1444, %parallel_loop3A_1445, %parallel_loop3A_1446 = tpu.sort %parallel_loop3A_1443, %parallel_loop3A_1390 masked %parallel_loop3A_1440 : (vector<16xi32>, vector<16xi32>, vector<16xi1>) -> (vector<16xi1>, vector<16xi32>, vector<16xi32>)
      %parallel_loop3A_1447 = arith.xori %parallel_loop3A_1445, %parallel_loop3A_1442 : vector<16xi32>
      %parallel_loop3A_1448 = arith.constant 4 : i32
      %parallel_loop3A_1449 = vector.broadcast %parallel_loop3A_1448 : i32 to vector<16xi32>
      %parallel_loop3A_1450 = arith.shrsi %parallel_loop3A_1447, %parallel_loop3A_1449 : vector<16xi32>
      %parallel_loop3A_1451 = arith.constant 272 : i32
      %parallel_loop3A_1452 = arith.addi %parallel_loop3A_15, %parallel_loop3A_1451 : i32
      %parallel_loop3A_1453 = arith.index_cast %parallel_loop3A_1452 : i32 to index
      %parallel_loop3A_1454 = tpu.vector_load %arg5[%parallel_loop3A_1453] {strides = array<i32>} : memref<2304xi32, #tpu.memory_space<vmem>>, vector<16xi32>,
      tpu.vector_store %arg5[%parallel_loop3A_1453], %parallel_loop3A_1450 {strides = array<i32>} : memref<2304xi32, #tpu.memory_space<vmem>>, vector<16xi32>,
      %parallel_loop3A_1455 = arith.constant 1 : i32
      %parallel_loop3A_1456 = vector.broadcast %parallel_loop3A_1455 : i32 to vector<16xi32>
      %parallel_loop3A_1457 = arith.addi %iota3A, %parallel_loop3A_1456 : vector<16xi32>
      %parallel_loop3A_1458 = arith.constant 15 : i32
      %parallel_loop3A_1459 = vector.broadcast %parallel_loop3A_1458 : i32 to vector<16xi32>
      %parallel_loop3A_1460 = arith.minsi %parallel_loop3A_1457, %parallel_loop3A_1459 : vector<16xi32>
      %parallel_loop3A_1461 = arith.constant 272 : i32
      %parallel_loop3A_1462 = arith.addi %parallel_loop3A_15, %parallel_loop3A_1461 : i32
      %parallel_loop3A_1463 = vector.broadcast %parallel_loop3A_1462 : i32 to vector<16xi32>
      %parallel_loop3A_1464 = arith.addi %parallel_loop3A_1460, %parallel_loop3A_1463 : vector<16xi32>
      %parallel_loop3A_1465 = tpu.vector_load_idx %arg5[%parallel_loop3A_1464] : memref<2304xi32, #tpu.memory_space<vmem>>[vector<16xi32>], vector<16xi32>,
      %parallel_loop3A_1466 = arith.cmpi ne, %parallel_loop3A_1465, %parallel_loop3A_1450 : vector<16xi32>
      %parallel_loop3A_1467 = arith.constant 15 : i32
      %parallel_loop3A_1468 = vector.broadcast %parallel_loop3A_1467 : i32 to vector<16xi32>
      %parallel_loop3A_1469 = arith.cmpi eq, %iota3A, %parallel_loop3A_1468 : vector<16xi32>
      %parallel_loop3A_1470 = arith.ori %parallel_loop3A_1466, %parallel_loop3A_1469 : vector<16xi1>
      %parallel_loop3A_1471 = arith.constant 256 : i32
      %parallel_loop3A_1472 = vector.broadcast %parallel_loop3A_1471 : i32 to vector<16xi32>
      %parallel_loop3A_1473 = arith.cmpi slt, %parallel_loop3A_1450, %parallel_loop3A_1472 : vector<16xi32>
      %parallel_loop3A_1474 = arith.andi %parallel_loop3A_1470, %parallel_loop3A_1473 : vector<16xi1>
      %parallel_loop3A_1475 = vector.broadcast %parallel_loop3A_15 : i32 to vector<16xi32>
      %parallel_loop3A_1476 = arith.addi %parallel_loop3A_1450, %parallel_loop3A_1475 : vector<16xi32>
      tpu.vector_store_idx %arg5[%parallel_loop3A_1476], %parallel_loop3A_1446 masked %parallel_loop3A_1474 : memref<2304xi32, #tpu.memory_space<vmem>>[vector<16xi32>], vector<16xi32>, vector<16xi1>
      %parallel_loop3A_1477 = arith.constant 4096 : i32
      %parallel_loop3A_1478 = arith.muli %parallel_loop3A_12, %parallel_loop3A_1477 : i32
      %parallel_loop3A_1479 = arith.constant 1536 : i32
      %parallel_loop3A_1480 = arith.addi %parallel_loop3A_1478, %parallel_loop3A_1479 : i32
      %parallel_loop3A_1481 = arith.constant 0 : i32
      %parallel_loop3A_1482 = arith.addi %parallel_loop3A_1480, %parallel_loop3A_1481 : i32
      %parallel_loop3A_1483 = arith.index_cast %parallel_loop3A_1482 : i32 to index
      %parallel_loop3A_1484 = tpu.vector_load %arg6[%parallel_loop3A_1483] {strides = array<i32>} : memref<32768xf32, #tpu.memory_space<vmem>>, vector<16xf32>,
      tpu.vector_store %arg6[%parallel_loop3A_1483], %broadcast_in_dim3A_5 {strides = array<i32>} : memref<32768xf32, #tpu.memory_space<vmem>>, vector<16xf32>,
      %parallel_loop3A_1485 = arith.constant 4096 : i32
      %parallel_loop3A_1486 = arith.muli %parallel_loop3A_12, %parallel_loop3A_1485 : i32
      %parallel_loop3A_1487 = arith.constant 1536 : i32
      %parallel_loop3A_1488 = arith.addi %parallel_loop3A_1486, %parallel_loop3A_1487 : i32
      %parallel_loop3A_1489 = arith.constant 16 : i32
      %parallel_loop3A_1490 = arith.addi %parallel_loop3A_1488, %parallel_loop3A_1489 : i32
      %parallel_loop3A_1491 = arith.index_cast %parallel_loop3A_1490 : i32 to index
      %parallel_loop3A_1492 = tpu.vector_load %arg6[%parallel_loop3A_1491] {strides = array<i32>} : memref<32768xf32, #tpu.memory_space<vmem>>, vector<16xf32>,
      tpu.vector_store %arg6[%parallel_loop3A_1491], %broadcast_in_dim3A_5 {strides = array<i32>} : memref<32768xf32, #tpu.memory_space<vmem>>, vector<16xf32>,
      %parallel_loop3A_1493 = arith.constant 4096 : i32
      %parallel_loop3A_1494 = arith.muli %parallel_loop3A_12, %parallel_loop3A_1493 : i32
      %parallel_loop3A_1495 = arith.constant 1536 : i32
      %parallel_loop3A_1496 = arith.addi %parallel_loop3A_1494, %parallel_loop3A_1495 : i32
      %parallel_loop3A_1497 = arith.constant 32 : i32
      %parallel_loop3A_1498 = arith.addi %parallel_loop3A_1496, %parallel_loop3A_1497 : i32
      %parallel_loop3A_1499 = arith.index_cast %parallel_loop3A_1498 : i32 to index
      %parallel_loop3A_1500 = tpu.vector_load %arg6[%parallel_loop3A_1499] {strides = array<i32>} : memref<32768xf32, #tpu.memory_space<vmem>>, vector<16xf32>,
      tpu.vector_store %arg6[%parallel_loop3A_1499], %broadcast_in_dim3A_5 {strides = array<i32>} : memref<32768xf32, #tpu.memory_space<vmem>>, vector<16xf32>,
      %parallel_loop3A_1501 = arith.constant 4096 : i32
      %parallel_loop3A_1502 = arith.muli %parallel_loop3A_12, %parallel_loop3A_1501 : i32
      %parallel_loop3A_1503 = arith.constant 1536 : i32
      %parallel_loop3A_1504 = arith.addi %parallel_loop3A_1502, %parallel_loop3A_1503 : i32
      %parallel_loop3A_1505 = arith.constant 48 : i32
      %parallel_loop3A_1506 = arith.addi %parallel_loop3A_1504, %parallel_loop3A_1505 : i32
      %parallel_loop3A_1507 = arith.index_cast %parallel_loop3A_1506 : i32 to index
      %parallel_loop3A_1508 = tpu.vector_load %arg6[%parallel_loop3A_1507] {strides = array<i32>} : memref<32768xf32, #tpu.memory_space<vmem>>, vector<16xf32>,
      tpu.vector_store %arg6[%parallel_loop3A_1507], %broadcast_in_dim3A_5 {strides = array<i32>} : memref<32768xf32, #tpu.memory_space<vmem>>, vector<16xf32>,
      %parallel_loop3A_1509 = arith.constant 4096 : i32
      %parallel_loop3A_1510 = arith.muli %parallel_loop3A_12, %parallel_loop3A_1509 : i32
      %parallel_loop3A_1511 = arith.constant 1536 : i32
      %parallel_loop3A_1512 = arith.addi %parallel_loop3A_1510, %parallel_loop3A_1511 : i32
      %parallel_loop3A_1513 = arith.constant 64 : i32
      %parallel_loop3A_1514 = arith.addi %parallel_loop3A_1512, %parallel_loop3A_1513 : i32
      %parallel_loop3A_1515 = arith.index_cast %parallel_loop3A_1514 : i32 to index
      %parallel_loop3A_1516 = tpu.vector_load %arg6[%parallel_loop3A_1515] {strides = array<i32>} : memref<32768xf32, #tpu.memory_space<vmem>>, vector<16xf32>,
      tpu.vector_store %arg6[%parallel_loop3A_1515], %broadcast_in_dim3A_5 {strides = array<i32>} : memref<32768xf32, #tpu.memory_space<vmem>>, vector<16xf32>,
      %parallel_loop3A_1517 = arith.constant 4096 : i32
      %parallel_loop3A_1518 = arith.muli %parallel_loop3A_12, %parallel_loop3A_1517 : i32
      %parallel_loop3A_1519 = arith.constant 1536 : i32
      %parallel_loop3A_1520 = arith.addi %parallel_loop3A_1518, %parallel_loop3A_1519 : i32
      %parallel_loop3A_1521 = arith.constant 80 : i32
      %parallel_loop3A_1522 = arith.addi %parallel_loop3A_1520, %parallel_loop3A_1521 : i32
      %parallel_loop3A_1523 = arith.index_cast %parallel_loop3A_1522 : i32 to index
      %parallel_loop3A_1524 = tpu.vector_load %arg6[%parallel_loop3A_1523] {strides = array<i32>} : memref<32768xf32, #tpu.memory_space<vmem>>, vector<16xf32>,
      tpu.vector_store %arg6[%parallel_loop3A_1523], %broadcast_in_dim3A_5 {strides = array<i32>} : memref<32768xf32, #tpu.memory_space<vmem>>, vector<16xf32>,
      %parallel_loop3A_1525 = arith.constant 4096 : i32
      %parallel_loop3A_1526 = arith.muli %parallel_loop3A_12, %parallel_loop3A_1525 : i32
      %parallel_loop3A_1527 = arith.constant 1536 : i32
      %parallel_loop3A_1528 = arith.addi %parallel_loop3A_1526, %parallel_loop3A_1527 : i32
      %parallel_loop3A_1529 = arith.constant 96 : i32
      %parallel_loop3A_1530 = arith.addi %parallel_loop3A_1528, %parallel_loop3A_1529 : i32
      %parallel_loop3A_1531 = arith.index_cast %parallel_loop3A_1530 : i32 to index
      %parallel_loop3A_1532 = tpu.vector_load %arg6[%parallel_loop3A_1531] {strides = array<i32>} : memref<32768xf32, #tpu.memory_space<vmem>>, vector<16xf32>,
      tpu.vector_store %arg6[%parallel_loop3A_1531], %broadcast_in_dim3A_5 {strides = array<i32>} : memref<32768xf32, #tpu.memory_space<vmem>>, vector<16xf32>,
      %parallel_loop3A_1533 = arith.constant 4096 : i32
      %parallel_loop3A_1534 = arith.muli %parallel_loop3A_12, %parallel_loop3A_1533 : i32
      %parallel_loop3A_1535 = arith.constant 1536 : i32
      %parallel_loop3A_1536 = arith.addi %parallel_loop3A_1534, %parallel_loop3A_1535 : i32
      %parallel_loop3A_1537 = arith.constant 112 : i32
      %parallel_loop3A_1538 = arith.addi %parallel_loop3A_1536, %parallel_loop3A_1537 : i32
      %parallel_loop3A_1539 = arith.index_cast %parallel_loop3A_1538 : i32 to index
      %parallel_loop3A_1540 = tpu.vector_load %arg6[%parallel_loop3A_1539] {strides = array<i32>} : memref<32768xf32, #tpu.memory_space<vmem>>, vector<16xf32>,
      tpu.vector_store %arg6[%parallel_loop3A_1539], %broadcast_in_dim3A_5 {strides = array<i32>} : memref<32768xf32, #tpu.memory_space<vmem>>, vector<16xf32>,
      %parallel_loop3A_1541 = arith.constant 4096 : i32
      %parallel_loop3A_1542 = arith.muli %parallel_loop3A_12, %parallel_loop3A_1541 : i32
      %parallel_loop3A_1543 = arith.constant 1536 : i32
      %parallel_loop3A_1544 = arith.addi %parallel_loop3A_1542, %parallel_loop3A_1543 : i32
      %parallel_loop3A_1545 = arith.constant 128 : i32
      %parallel_loop3A_1546 = arith.addi %parallel_loop3A_1544, %parallel_loop3A_1545 : i32
      %parallel_loop3A_1547 = arith.index_cast %parallel_loop3A_1546 : i32 to index
      %parallel_loop3A_1548 = tpu.vector_load %arg6[%parallel_loop3A_1547] {strides = array<i32>} : memref<32768xf32, #tpu.memory_space<vmem>>, vector<16xf32>,
      tpu.vector_store %arg6[%parallel_loop3A_1547], %broadcast_in_dim3A_5 {strides = array<i32>} : memref<32768xf32, #tpu.memory_space<vmem>>, vector<16xf32>,
      %parallel_loop3A_1549 = arith.constant 4096 : i32
      %parallel_loop3A_1550 = arith.muli %parallel_loop3A_12, %parallel_loop3A_1549 : i32
      %parallel_loop3A_1551 = arith.constant 1536 : i32
      %parallel_loop3A_1552 = arith.addi %parallel_loop3A_1550, %parallel_loop3A_1551 : i32
      %parallel_loop3A_1553 = arith.constant 144 : i32
      %parallel_loop3A_1554 = arith.addi %parallel_loop3A_1552, %parallel_loop3A_1553 : i32
      %parallel_loop3A_1555 = arith.index_cast %parallel_loop3A_1554 : i32 to index
      %parallel_loop3A_1556 = tpu.vector_load %arg6[%parallel_loop3A_1555] {strides = array<i32>} : memref<32768xf32, #tpu.memory_space<vmem>>, vector<16xf32>,
      tpu.vector_store %arg6[%parallel_loop3A_1555], %broadcast_in_dim3A_5 {strides = array<i32>} : memref<32768xf32, #tpu.memory_space<vmem>>, vector<16xf32>,
      %parallel_loop3A_1557 = arith.constant 4096 : i32
      %parallel_loop3A_1558 = arith.muli %parallel_loop3A_12, %parallel_loop3A_1557 : i32
      %parallel_loop3A_1559 = arith.constant 1536 : i32
      %parallel_loop3A_1560 = arith.addi %parallel_loop3A_1558, %parallel_loop3A_1559 : i32
      %parallel_loop3A_1561 = arith.constant 160 : i32
      %parallel_loop3A_1562 = arith.addi %parallel_loop3A_1560, %parallel_loop3A_1561 : i32
      %parallel_loop3A_1563 = arith.index_cast %parallel_loop3A_1562 : i32 to index
      %parallel_loop3A_1564 = tpu.vector_load %arg6[%parallel_loop3A_1563] {strides = array<i32>} : memref<32768xf32, #tpu.memory_space<vmem>>, vector<16xf32>,
      tpu.vector_store %arg6[%parallel_loop3A_1563], %broadcast_in_dim3A_5 {strides = array<i32>} : memref<32768xf32, #tpu.memory_space<vmem>>, vector<16xf32>,
      %parallel_loop3A_1565 = arith.constant 4096 : i32
      %parallel_loop3A_1566 = arith.muli %parallel_loop3A_12, %parallel_loop3A_1565 : i32
      %parallel_loop3A_1567 = arith.constant 1536 : i32
      %parallel_loop3A_1568 = arith.addi %parallel_loop3A_1566, %parallel_loop3A_1567 : i32
      %parallel_loop3A_1569 = arith.constant 176 : i32
      %parallel_loop3A_1570 = arith.addi %parallel_loop3A_1568, %parallel_loop3A_1569 : i32
      %parallel_loop3A_1571 = arith.index_cast %parallel_loop3A_1570 : i32 to index
      %parallel_loop3A_1572 = tpu.vector_load %arg6[%parallel_loop3A_1571] {strides = array<i32>} : memref<32768xf32, #tpu.memory_space<vmem>>, vector<16xf32>,
      tpu.vector_store %arg6[%parallel_loop3A_1571], %broadcast_in_dim3A_5 {strides = array<i32>} : memref<32768xf32, #tpu.memory_space<vmem>>, vector<16xf32>,
      %parallel_loop3A_1573 = arith.constant 4096 : i32
      %parallel_loop3A_1574 = arith.muli %parallel_loop3A_12, %parallel_loop3A_1573 : i32
      %parallel_loop3A_1575 = arith.constant 1536 : i32
      %parallel_loop3A_1576 = arith.addi %parallel_loop3A_1574, %parallel_loop3A_1575 : i32
      %parallel_loop3A_1577 = arith.constant 192 : i32
      %parallel_loop3A_1578 = arith.addi %parallel_loop3A_1576, %parallel_loop3A_1577 : i32
      %parallel_loop3A_1579 = arith.index_cast %parallel_loop3A_1578 : i32 to index
      %parallel_loop3A_1580 = tpu.vector_load %arg6[%parallel_loop3A_1579] {strides = array<i32>} : memref<32768xf32, #tpu.memory_space<vmem>>, vector<16xf32>,
      tpu.vector_store %arg6[%parallel_loop3A_1579], %broadcast_in_dim3A_5 {strides = array<i32>} : memref<32768xf32, #tpu.memory_space<vmem>>, vector<16xf32>,
      %parallel_loop3A_1581 = arith.constant 4096 : i32
      %parallel_loop3A_1582 = arith.muli %parallel_loop3A_12, %parallel_loop3A_1581 : i32
      %parallel_loop3A_1583 = arith.constant 1536 : i32
      %parallel_loop3A_1584 = arith.addi %parallel_loop3A_1582, %parallel_loop3A_1583 : i32
      %parallel_loop3A_1585 = arith.constant 208 : i32
      %parallel_loop3A_1586 = arith.addi %parallel_loop3A_1584, %parallel_loop3A_1585 : i32
      %parallel_loop3A_1587 = arith.index_cast %parallel_loop3A_1586 : i32 to index
      %parallel_loop3A_1588 = tpu.vector_load %arg6[%parallel_loop3A_1587] {strides = array<i32>} : memref<32768xf32, #tpu.memory_space<vmem>>, vector<16xf32>,
      tpu.vector_store %arg6[%parallel_loop3A_1587], %broadcast_in_dim3A_5 {strides = array<i32>} : memref<32768xf32, #tpu.memory_space<vmem>>, vector<16xf32>,
      %parallel_loop3A_1589 = arith.constant 4096 : i32
      %parallel_loop3A_1590 = arith.muli %parallel_loop3A_12, %parallel_loop3A_1589 : i32
      %parallel_loop3A_1591 = arith.constant 1536 : i32
      %parallel_loop3A_1592 = arith.addi %parallel_loop3A_1590, %parallel_loop3A_1591 : i32
      %parallel_loop3A_1593 = arith.constant 224 : i32
      %parallel_loop3A_1594 = arith.addi %parallel_loop3A_1592, %parallel_loop3A_1593 : i32
      %parallel_loop3A_1595 = arith.index_cast %parallel_loop3A_1594 : i32 to index
      %parallel_loop3A_1596 = tpu.vector_load %arg6[%parallel_loop3A_1595] {strides = array<i32>} : memref<32768xf32, #tpu.memory_space<vmem>>, vector<16xf32>,
      tpu.vector_store %arg6[%parallel_loop3A_1595], %broadcast_in_dim3A_5 {strides = array<i32>} : memref<32768xf32, #tpu.memory_space<vmem>>, vector<16xf32>,
      %parallel_loop3A_1597 = arith.constant 4096 : i32
      %parallel_loop3A_1598 = arith.muli %parallel_loop3A_12, %parallel_loop3A_1597 : i32
      %parallel_loop3A_1599 = arith.constant 1536 : i32
      %parallel_loop3A_1600 = arith.addi %parallel_loop3A_1598, %parallel_loop3A_1599 : i32
      %parallel_loop3A_1601 = arith.constant 240 : i32
      %parallel_loop3A_1602 = arith.addi %parallel_loop3A_1600, %parallel_loop3A_1601 : i32
      %parallel_loop3A_1603 = arith.index_cast %parallel_loop3A_1602 : i32 to index
      %parallel_loop3A_1604 = tpu.vector_load %arg6[%parallel_loop3A_1603] {strides = array<i32>} : memref<32768xf32, #tpu.memory_space<vmem>>, vector<16xf32>,
      tpu.vector_store %arg6[%parallel_loop3A_1603], %broadcast_in_dim3A_5 {strides = array<i32>} : memref<32768xf32, #tpu.memory_space<vmem>>, vector<16xf32>,
      %parallel_loop3A_1605 = arith.constant 112 : i32
      %parallel_loop3A_1606 = vector.broadcast %parallel_loop3A_1605 : i32 to vector<16xi32>
      %parallel_loop3A_1607 = arith.addi %iota3A, %parallel_loop3A_1606 : vector<16xi32>
      %parallel_loop3A_1608 = arith.constant 112 : index
      %parallel_loop3A_1609 = tpu.vector_load %arg4[%parallel_loop3A_1608] {strides = array<i32>} : memref<512xf32, #tpu.memory_space<vmem>>, vector<16xf32>,
      %parallel_loop3A_1610 = arith.constant 368 : index
      %parallel_loop3A_1611 = tpu.vector_load %arg4[%parallel_loop3A_1610] {strides = array<i32>} : memref<512xf32, #tpu.memory_space<vmem>>, vector<16xf32>,
      %parallel_loop3A_1612 = arith.subf %parallel_loop3A_1609, %parallel_loop3A_17 : vector<16xf32>
      %parallel_loop3A_1613 = arith.constant 2.000000e+00 : f32
      %parallel_loop3A_1614 = vector.broadcast %parallel_loop3A_1613 : f32 to vector<16xf32>
      %parallel_loop3A_1615 = arith.mulf %parallel_loop3A_1612, %parallel_loop3A_1614 : vector<16xf32>
      %parallel_loop3A_1616 = arith.constant 8.000000e+00 : f32
      %parallel_loop3A_1617 = vector.broadcast %parallel_loop3A_1616 : f32 to vector<16xf32>
      %parallel_loop3A_1618 = arith.addf %parallel_loop3A_1615, %parallel_loop3A_1617 : vector<16xf32>
      %parallel_loop3A_1619 = arith.subf %parallel_loop3A_1611, %parallel_loop3A_21 : vector<16xf32>
      %parallel_loop3A_1620 = arith.constant 2.000000e+00 : f32
      %parallel_loop3A_1621 = vector.broadcast %parallel_loop3A_1620 : f32 to vector<16xf32>
      %parallel_loop3A_1622 = arith.mulf %parallel_loop3A_1619, %parallel_loop3A_1621 : vector<16xf32>
      %parallel_loop3A_1623 = arith.constant 8.000000e+00 : f32
      %parallel_loop3A_1624 = vector.broadcast %parallel_loop3A_1623 : f32 to vector<16xf32>
      %parallel_loop3A_1625 = arith.addf %parallel_loop3A_1622, %parallel_loop3A_1624 : vector<16xf32>
      %parallel_loop3A_1626 = arith.constant 0.000000e+00 : f32
      %parallel_loop3A_1627 = vector.broadcast %parallel_loop3A_1626 : f32 to vector<16xf32>
      %parallel_loop3A_1628 = arith.cmpf oge, %parallel_loop3A_1618, %parallel_loop3A_1627 : vector<16xf32>
      %parallel_loop3A_1629 = arith.constant 1.600000e+01 : f32
      %parallel_loop3A_1630 = vector.broadcast %parallel_loop3A_1629 : f32 to vector<16xf32>
      %parallel_loop3A_1631 = arith.cmpf olt, %parallel_loop3A_1618, %parallel_loop3A_1630 : vector<16xf32>
      %parallel_loop3A_1632 = arith.andi %parallel_loop3A_1628, %parallel_loop3A_1631 : vector<16xi1>
      %parallel_loop3A_1633 = arith.constant 0.000000e+00 : f32
      %parallel_loop3A_1634 = vector.broadcast %parallel_loop3A_1633 : f32 to vector<16xf32>
      %parallel_loop3A_1635 = arith.cmpf oge, %parallel_loop3A_1625, %parallel_loop3A_1634 : vector<16xf32>
      %parallel_loop3A_1636 = arith.andi %parallel_loop3A_1632, %parallel_loop3A_1635 : vector<16xi1>
      %parallel_loop3A_1637 = arith.constant 1.600000e+01 : f32
      %parallel_loop3A_1638 = vector.broadcast %parallel_loop3A_1637 : f32 to vector<16xf32>
      %parallel_loop3A_1639 = arith.cmpf olt, %parallel_loop3A_1625, %parallel_loop3A_1638 : vector<16xf32>
      %parallel_loop3A_1640 = arith.andi %parallel_loop3A_1636, %parallel_loop3A_1639 : vector<16xi1>
      %parallel_loop3A_1641 = vector.broadcast %parallel_loop3A_13 : i32 to vector<16xi32>
      %parallel_loop3A_1642 = arith.cmpi ne, %parallel_loop3A_1607, %parallel_loop3A_1641 : vector<16xi32>
      %parallel_loop3A_1643 = arith.andi %parallel_loop3A_1640, %parallel_loop3A_1642 : vector<16xi1>
      %parallel_loop3A_1644 = arith.fptosi %parallel_loop3A_1618 : vector<16xf32> to vector<16xi32>
      %parallel_loop3A_1645 = arith.fptosi %parallel_loop3A_1625 : vector<16xf32> to vector<16xi32>
      %parallel_loop3A_1646 = arith.constant 16 : i32
      %parallel_loop3A_1647 = vector.broadcast %parallel_loop3A_1646 : i32 to vector<16xi32>
      %parallel_loop3A_1648 = arith.muli %parallel_loop3A_1644, %parallel_loop3A_1647 : vector<16xi32>
      %parallel_loop3A_1649 = arith.addi %parallel_loop3A_1648, %parallel_loop3A_1645 : vector<16xi32>
      %parallel_loop3A_1650 = arith.constant 256 : i32
      %parallel_loop3A_1651 = vector.broadcast %parallel_loop3A_1650 : i32 to vector<16xi32>
      %parallel_loop3A_1652 = arith.select %parallel_loop3A_1643, %parallel_loop3A_1649, %parallel_loop3A_1651 : vector<16xi1>, vector<16xi32>
      %parallel_loop3A_1653 = arith.constant 4 : i32
      %parallel_loop3A_1654 = vector.broadcast %parallel_loop3A_1653 : i32 to vector<16xi32>
      %parallel_loop3A_1655 = arith.shli %parallel_loop3A_1652, %parallel_loop3A_1654 : vector<16xi32>
      %parallel_loop3A_1656 = arith.ori %parallel_loop3A_1655, %iota3A : vector<16xi32>
      %parallel_loop3A_1657 = arith.constant dense<true> : vector<16xi1>
      %parallel_loop3A_1658 = arith.constant -2147483648 : i32
      %parallel_loop3A_1659 = vector.broadcast %parallel_loop3A_1658 : i32 to vector<16xi32>
      %parallel_loop3A_1660 = arith.xori %parallel_loop3A_1656, %parallel_loop3A_1659 : vector<16xi32>
      %parallel_loop3A_1661, %parallel_loop3A_1662, %parallel_loop3A_1663 = tpu.sort %parallel_loop3A_1660, %parallel_loop3A_1607 masked %parallel_loop3A_1657 : (vector<16xi32>, vector<16xi32>, vector<16xi1>) -> (vector<16xi1>, vector<16xi32>, vector<16xi32>)
      %parallel_loop3A_1664 = arith.xori %parallel_loop3A_1662, %parallel_loop3A_1659 : vector<16xi32>
      %parallel_loop3A_1665 = arith.constant 4 : i32
      %parallel_loop3A_1666 = vector.broadcast %parallel_loop3A_1665 : i32 to vector<16xi32>
      %parallel_loop3A_1667 = arith.shrsi %parallel_loop3A_1664, %parallel_loop3A_1666 : vector<16xi32>
      %parallel_loop3A_1668 = arith.constant 272 : i32
      %parallel_loop3A_1669 = arith.addi %parallel_loop3A_15, %parallel_loop3A_1668 : i32
      %parallel_loop3A_1670 = arith.index_cast %parallel_loop3A_1669 : i32 to index
      %parallel_loop3A_1671 = tpu.vector_load %arg5[%parallel_loop3A_1670] {strides = array<i32>} : memref<2304xi32, #tpu.memory_space<vmem>>, vector<16xi32>,
      tpu.vector_store %arg5[%parallel_loop3A_1670], %parallel_loop3A_1667 {strides = array<i32>} : memref<2304xi32, #tpu.memory_space<vmem>>, vector<16xi32>,
      %parallel_loop3A_1672 = arith.constant 1 : i32
      %parallel_loop3A_1673 = vector.broadcast %parallel_loop3A_1672 : i32 to vector<16xi32>
      %parallel_loop3A_1674 = arith.addi %iota3A, %parallel_loop3A_1673 : vector<16xi32>
      %parallel_loop3A_1675 = arith.constant 15 : i32
      %parallel_loop3A_1676 = vector.broadcast %parallel_loop3A_1675 : i32 to vector<16xi32>
      %parallel_loop3A_1677 = arith.minsi %parallel_loop3A_1674, %parallel_loop3A_1676 : vector<16xi32>
      %parallel_loop3A_1678 = arith.constant 272 : i32
      %parallel_loop3A_1679 = arith.addi %parallel_loop3A_15, %parallel_loop3A_1678 : i32
      %parallel_loop3A_1680 = vector.broadcast %parallel_loop3A_1679 : i32 to vector<16xi32>
      %parallel_loop3A_1681 = arith.addi %parallel_loop3A_1677, %parallel_loop3A_1680 : vector<16xi32>
      %parallel_loop3A_1682 = tpu.vector_load_idx %arg5[%parallel_loop3A_1681] : memref<2304xi32, #tpu.memory_space<vmem>>[vector<16xi32>], vector<16xi32>,
      %parallel_loop3A_1683 = arith.cmpi ne, %parallel_loop3A_1682, %parallel_loop3A_1667 : vector<16xi32>
      %parallel_loop3A_1684 = arith.constant 15 : i32
      %parallel_loop3A_1685 = vector.broadcast %parallel_loop3A_1684 : i32 to vector<16xi32>
      %parallel_loop3A_1686 = arith.cmpi eq, %iota3A, %parallel_loop3A_1685 : vector<16xi32>
      %parallel_loop3A_1687 = arith.ori %parallel_loop3A_1683, %parallel_loop3A_1686 : vector<16xi1>
      %parallel_loop3A_1688 = arith.constant 256 : i32
      %parallel_loop3A_1689 = vector.broadcast %parallel_loop3A_1688 : i32 to vector<16xi32>
      %parallel_loop3A_1690 = arith.cmpi slt, %parallel_loop3A_1667, %parallel_loop3A_1689 : vector<16xi32>
      %parallel_loop3A_1691 = arith.andi %parallel_loop3A_1687, %parallel_loop3A_1690 : vector<16xi1>
      %parallel_loop3A_1692 = vector.broadcast %parallel_loop3A_15 : i32 to vector<16xi32>
      %parallel_loop3A_1693 = arith.addi %parallel_loop3A_1667, %parallel_loop3A_1692 : vector<16xi32>
      tpu.vector_store_idx %arg5[%parallel_loop3A_1693], %parallel_loop3A_1663 masked %parallel_loop3A_1691 : memref<2304xi32, #tpu.memory_space<vmem>>[vector<16xi32>], vector<16xi32>, vector<16xi1>
      %parallel_loop3A_1694 = arith.constant 4096 : i32
      %parallel_loop3A_1695 = arith.muli %parallel_loop3A_12, %parallel_loop3A_1694 : i32
      %parallel_loop3A_1696 = arith.constant 1792 : i32
      %parallel_loop3A_1697 = arith.addi %parallel_loop3A_1695, %parallel_loop3A_1696 : i32
      %parallel_loop3A_1698 = arith.constant 0 : i32
      %parallel_loop3A_1699 = arith.addi %parallel_loop3A_1697, %parallel_loop3A_1698 : i32
      %parallel_loop3A_1700 = arith.index_cast %parallel_loop3A_1699 : i32 to index
      %parallel_loop3A_1701 = tpu.vector_load %arg6[%parallel_loop3A_1700] {strides = array<i32>} : memref<32768xf32, #tpu.memory_space<vmem>>, vector<16xf32>,
      tpu.vector_store %arg6[%parallel_loop3A_1700], %broadcast_in_dim3A_5 {strides = array<i32>} : memref<32768xf32, #tpu.memory_space<vmem>>, vector<16xf32>,
      %parallel_loop3A_1702 = arith.constant 4096 : i32
      %parallel_loop3A_1703 = arith.muli %parallel_loop3A_12, %parallel_loop3A_1702 : i32
      %parallel_loop3A_1704 = arith.constant 1792 : i32
      %parallel_loop3A_1705 = arith.addi %parallel_loop3A_1703, %parallel_loop3A_1704 : i32
      %parallel_loop3A_1706 = arith.constant 16 : i32
      %parallel_loop3A_1707 = arith.addi %parallel_loop3A_1705, %parallel_loop3A_1706 : i32
      %parallel_loop3A_1708 = arith.index_cast %parallel_loop3A_1707 : i32 to index
      %parallel_loop3A_1709 = tpu.vector_load %arg6[%parallel_loop3A_1708] {strides = array<i32>} : memref<32768xf32, #tpu.memory_space<vmem>>, vector<16xf32>,
      tpu.vector_store %arg6[%parallel_loop3A_1708], %broadcast_in_dim3A_5 {strides = array<i32>} : memref<32768xf32, #tpu.memory_space<vmem>>, vector<16xf32>,
      %parallel_loop3A_1710 = arith.constant 4096 : i32
      %parallel_loop3A_1711 = arith.muli %parallel_loop3A_12, %parallel_loop3A_1710 : i32
      %parallel_loop3A_1712 = arith.constant 1792 : i32
      %parallel_loop3A_1713 = arith.addi %parallel_loop3A_1711, %parallel_loop3A_1712 : i32
      %parallel_loop3A_1714 = arith.constant 32 : i32
      %parallel_loop3A_1715 = arith.addi %parallel_loop3A_1713, %parallel_loop3A_1714 : i32
      %parallel_loop3A_1716 = arith.index_cast %parallel_loop3A_1715 : i32 to index
      %parallel_loop3A_1717 = tpu.vector_load %arg6[%parallel_loop3A_1716] {strides = array<i32>} : memref<32768xf32, #tpu.memory_space<vmem>>, vector<16xf32>,
      tpu.vector_store %arg6[%parallel_loop3A_1716], %broadcast_in_dim3A_5 {strides = array<i32>} : memref<32768xf32, #tpu.memory_space<vmem>>, vector<16xf32>,
      %parallel_loop3A_1718 = arith.constant 4096 : i32
      %parallel_loop3A_1719 = arith.muli %parallel_loop3A_12, %parallel_loop3A_1718 : i32
      %parallel_loop3A_1720 = arith.constant 1792 : i32
      %parallel_loop3A_1721 = arith.addi %parallel_loop3A_1719, %parallel_loop3A_1720 : i32
      %parallel_loop3A_1722 = arith.constant 48 : i32
      %parallel_loop3A_1723 = arith.addi %parallel_loop3A_1721, %parallel_loop3A_1722 : i32
      %parallel_loop3A_1724 = arith.index_cast %parallel_loop3A_1723 : i32 to index
      %parallel_loop3A_1725 = tpu.vector_load %arg6[%parallel_loop3A_1724] {strides = array<i32>} : memref<32768xf32, #tpu.memory_space<vmem>>, vector<16xf32>,
      tpu.vector_store %arg6[%parallel_loop3A_1724], %broadcast_in_dim3A_5 {strides = array<i32>} : memref<32768xf32, #tpu.memory_space<vmem>>, vector<16xf32>,
      %parallel_loop3A_1726 = arith.constant 4096 : i32
      %parallel_loop3A_1727 = arith.muli %parallel_loop3A_12, %parallel_loop3A_1726 : i32
      %parallel_loop3A_1728 = arith.constant 1792 : i32
      %parallel_loop3A_1729 = arith.addi %parallel_loop3A_1727, %parallel_loop3A_1728 : i32
      %parallel_loop3A_1730 = arith.constant 64 : i32
      %parallel_loop3A_1731 = arith.addi %parallel_loop3A_1729, %parallel_loop3A_1730 : i32
      %parallel_loop3A_1732 = arith.index_cast %parallel_loop3A_1731 : i32 to index
      %parallel_loop3A_1733 = tpu.vector_load %arg6[%parallel_loop3A_1732] {strides = array<i32>} : memref<32768xf32, #tpu.memory_space<vmem>>, vector<16xf32>,
      tpu.vector_store %arg6[%parallel_loop3A_1732], %broadcast_in_dim3A_5 {strides = array<i32>} : memref<32768xf32, #tpu.memory_space<vmem>>, vector<16xf32>,
      %parallel_loop3A_1734 = arith.constant 4096 : i32
      %parallel_loop3A_1735 = arith.muli %parallel_loop3A_12, %parallel_loop3A_1734 : i32
      %parallel_loop3A_1736 = arith.constant 1792 : i32
      %parallel_loop3A_1737 = arith.addi %parallel_loop3A_1735, %parallel_loop3A_1736 : i32
      %parallel_loop3A_1738 = arith.constant 80 : i32
      %parallel_loop3A_1739 = arith.addi %parallel_loop3A_1737, %parallel_loop3A_1738 : i32
      %parallel_loop3A_1740 = arith.index_cast %parallel_loop3A_1739 : i32 to index
      %parallel_loop3A_1741 = tpu.vector_load %arg6[%parallel_loop3A_1740] {strides = array<i32>} : memref<32768xf32, #tpu.memory_space<vmem>>, vector<16xf32>,
      tpu.vector_store %arg6[%parallel_loop3A_1740], %broadcast_in_dim3A_5 {strides = array<i32>} : memref<32768xf32, #tpu.memory_space<vmem>>, vector<16xf32>,
      %parallel_loop3A_1742 = arith.constant 4096 : i32
      %parallel_loop3A_1743 = arith.muli %parallel_loop3A_12, %parallel_loop3A_1742 : i32
      %parallel_loop3A_1744 = arith.constant 1792 : i32
      %parallel_loop3A_1745 = arith.addi %parallel_loop3A_1743, %parallel_loop3A_1744 : i32
      %parallel_loop3A_1746 = arith.constant 96 : i32
      %parallel_loop3A_1747 = arith.addi %parallel_loop3A_1745, %parallel_loop3A_1746 : i32
      %parallel_loop3A_1748 = arith.index_cast %parallel_loop3A_1747 : i32 to index
      %parallel_loop3A_1749 = tpu.vector_load %arg6[%parallel_loop3A_1748] {strides = array<i32>} : memref<32768xf32, #tpu.memory_space<vmem>>, vector<16xf32>,
      tpu.vector_store %arg6[%parallel_loop3A_1748], %broadcast_in_dim3A_5 {strides = array<i32>} : memref<32768xf32, #tpu.memory_space<vmem>>, vector<16xf32>,
      %parallel_loop3A_1750 = arith.constant 4096 : i32
      %parallel_loop3A_1751 = arith.muli %parallel_loop3A_12, %parallel_loop3A_1750 : i32
      %parallel_loop3A_1752 = arith.constant 1792 : i32
      %parallel_loop3A_1753 = arith.addi %parallel_loop3A_1751, %parallel_loop3A_1752 : i32
      %parallel_loop3A_1754 = arith.constant 112 : i32
      %parallel_loop3A_1755 = arith.addi %parallel_loop3A_1753, %parallel_loop3A_1754 : i32
      %parallel_loop3A_1756 = arith.index_cast %parallel_loop3A_1755 : i32 to index
      %parallel_loop3A_1757 = tpu.vector_load %arg6[%parallel_loop3A_1756] {strides = array<i32>} : memref<32768xf32, #tpu.memory_space<vmem>>, vector<16xf32>,
      tpu.vector_store %arg6[%parallel_loop3A_1756], %broadcast_in_dim3A_5 {strides = array<i32>} : memref<32768xf32, #tpu.memory_space<vmem>>, vector<16xf32>,
      %parallel_loop3A_1758 = arith.constant 4096 : i32
      %parallel_loop3A_1759 = arith.muli %parallel_loop3A_12, %parallel_loop3A_1758 : i32
      %parallel_loop3A_1760 = arith.constant 1792 : i32
      %parallel_loop3A_1761 = arith.addi %parallel_loop3A_1759, %parallel_loop3A_1760 : i32
      %parallel_loop3A_1762 = arith.constant 128 : i32
      %parallel_loop3A_1763 = arith.addi %parallel_loop3A_1761, %parallel_loop3A_1762 : i32
      %parallel_loop3A_1764 = arith.index_cast %parallel_loop3A_1763 : i32 to index
      %parallel_loop3A_1765 = tpu.vector_load %arg6[%parallel_loop3A_1764] {strides = array<i32>} : memref<32768xf32, #tpu.memory_space<vmem>>, vector<16xf32>,
      tpu.vector_store %arg6[%parallel_loop3A_1764], %broadcast_in_dim3A_5 {strides = array<i32>} : memref<32768xf32, #tpu.memory_space<vmem>>, vector<16xf32>,
      %parallel_loop3A_1766 = arith.constant 4096 : i32
      %parallel_loop3A_1767 = arith.muli %parallel_loop3A_12, %parallel_loop3A_1766 : i32
      %parallel_loop3A_1768 = arith.constant 1792 : i32
      %parallel_loop3A_1769 = arith.addi %parallel_loop3A_1767, %parallel_loop3A_1768 : i32
      %parallel_loop3A_1770 = arith.constant 144 : i32
      %parallel_loop3A_1771 = arith.addi %parallel_loop3A_1769, %parallel_loop3A_1770 : i32
      %parallel_loop3A_1772 = arith.index_cast %parallel_loop3A_1771 : i32 to index
      %parallel_loop3A_1773 = tpu.vector_load %arg6[%parallel_loop3A_1772] {strides = array<i32>} : memref<32768xf32, #tpu.memory_space<vmem>>, vector<16xf32>,
      tpu.vector_store %arg6[%parallel_loop3A_1772], %broadcast_in_dim3A_5 {strides = array<i32>} : memref<32768xf32, #tpu.memory_space<vmem>>, vector<16xf32>,
      %parallel_loop3A_1774 = arith.constant 4096 : i32
      %parallel_loop3A_1775 = arith.muli %parallel_loop3A_12, %parallel_loop3A_1774 : i32
      %parallel_loop3A_1776 = arith.constant 1792 : i32
      %parallel_loop3A_1777 = arith.addi %parallel_loop3A_1775, %parallel_loop3A_1776 : i32
      %parallel_loop3A_1778 = arith.constant 160 : i32
      %parallel_loop3A_1779 = arith.addi %parallel_loop3A_1777, %parallel_loop3A_1778 : i32
      %parallel_loop3A_1780 = arith.index_cast %parallel_loop3A_1779 : i32 to index
      %parallel_loop3A_1781 = tpu.vector_load %arg6[%parallel_loop3A_1780] {strides = array<i32>} : memref<32768xf32, #tpu.memory_space<vmem>>, vector<16xf32>,
      tpu.vector_store %arg6[%parallel_loop3A_1780], %broadcast_in_dim3A_5 {strides = array<i32>} : memref<32768xf32, #tpu.memory_space<vmem>>, vector<16xf32>,
      %parallel_loop3A_1782 = arith.constant 4096 : i32
      %parallel_loop3A_1783 = arith.muli %parallel_loop3A_12, %parallel_loop3A_1782 : i32
      %parallel_loop3A_1784 = arith.constant 1792 : i32
      %parallel_loop3A_1785 = arith.addi %parallel_loop3A_1783, %parallel_loop3A_1784 : i32
      %parallel_loop3A_1786 = arith.constant 176 : i32
      %parallel_loop3A_1787 = arith.addi %parallel_loop3A_1785, %parallel_loop3A_1786 : i32
      %parallel_loop3A_1788 = arith.index_cast %parallel_loop3A_1787 : i32 to index
      %parallel_loop3A_1789 = tpu.vector_load %arg6[%parallel_loop3A_1788] {strides = array<i32>} : memref<32768xf32, #tpu.memory_space<vmem>>, vector<16xf32>,
      tpu.vector_store %arg6[%parallel_loop3A_1788], %broadcast_in_dim3A_5 {strides = array<i32>} : memref<32768xf32, #tpu.memory_space<vmem>>, vector<16xf32>,
      %parallel_loop3A_1790 = arith.constant 4096 : i32
      %parallel_loop3A_1791 = arith.muli %parallel_loop3A_12, %parallel_loop3A_1790 : i32
      %parallel_loop3A_1792 = arith.constant 1792 : i32
      %parallel_loop3A_1793 = arith.addi %parallel_loop3A_1791, %parallel_loop3A_1792 : i32
      %parallel_loop3A_1794 = arith.constant 192 : i32
      %parallel_loop3A_1795 = arith.addi %parallel_loop3A_1793, %parallel_loop3A_1794 : i32
      %parallel_loop3A_1796 = arith.index_cast %parallel_loop3A_1795 : i32 to index
      %parallel_loop3A_1797 = tpu.vector_load %arg6[%parallel_loop3A_1796] {strides = array<i32>} : memref<32768xf32, #tpu.memory_space<vmem>>, vector<16xf32>,
      tpu.vector_store %arg6[%parallel_loop3A_1796], %broadcast_in_dim3A_5 {strides = array<i32>} : memref<32768xf32, #tpu.memory_space<vmem>>, vector<16xf32>,
      %parallel_loop3A_1798 = arith.constant 4096 : i32
      %parallel_loop3A_1799 = arith.muli %parallel_loop3A_12, %parallel_loop3A_1798 : i32
      %parallel_loop3A_1800 = arith.constant 1792 : i32
      %parallel_loop3A_1801 = arith.addi %parallel_loop3A_1799, %parallel_loop3A_1800 : i32
      %parallel_loop3A_1802 = arith.constant 208 : i32
      %parallel_loop3A_1803 = arith.addi %parallel_loop3A_1801, %parallel_loop3A_1802 : i32
      %parallel_loop3A_1804 = arith.index_cast %parallel_loop3A_1803 : i32 to index
      %parallel_loop3A_1805 = tpu.vector_load %arg6[%parallel_loop3A_1804] {strides = array<i32>} : memref<32768xf32, #tpu.memory_space<vmem>>, vector<16xf32>,
      tpu.vector_store %arg6[%parallel_loop3A_1804], %broadcast_in_dim3A_5 {strides = array<i32>} : memref<32768xf32, #tpu.memory_space<vmem>>, vector<16xf32>,
      %parallel_loop3A_1806 = arith.constant 4096 : i32
      %parallel_loop3A_1807 = arith.muli %parallel_loop3A_12, %parallel_loop3A_1806 : i32
      %parallel_loop3A_1808 = arith.constant 1792 : i32
      %parallel_loop3A_1809 = arith.addi %parallel_loop3A_1807, %parallel_loop3A_1808 : i32
      %parallel_loop3A_1810 = arith.constant 224 : i32
      %parallel_loop3A_1811 = arith.addi %parallel_loop3A_1809, %parallel_loop3A_1810 : i32
      %parallel_loop3A_1812 = arith.index_cast %parallel_loop3A_1811 : i32 to index
      %parallel_loop3A_1813 = tpu.vector_load %arg6[%parallel_loop3A_1812] {strides = array<i32>} : memref<32768xf32, #tpu.memory_space<vmem>>, vector<16xf32>,
      tpu.vector_store %arg6[%parallel_loop3A_1812], %broadcast_in_dim3A_5 {strides = array<i32>} : memref<32768xf32, #tpu.memory_space<vmem>>, vector<16xf32>,
      %parallel_loop3A_1814 = arith.constant 4096 : i32
      %parallel_loop3A_1815 = arith.muli %parallel_loop3A_12, %parallel_loop3A_1814 : i32
      %parallel_loop3A_1816 = arith.constant 1792 : i32
      %parallel_loop3A_1817 = arith.addi %parallel_loop3A_1815, %parallel_loop3A_1816 : i32
      %parallel_loop3A_1818 = arith.constant 240 : i32
      %parallel_loop3A_1819 = arith.addi %parallel_loop3A_1817, %parallel_loop3A_1818 : i32
      %parallel_loop3A_1820 = arith.index_cast %parallel_loop3A_1819 : i32 to index
      %parallel_loop3A_1821 = tpu.vector_load %arg6[%parallel_loop3A_1820] {strides = array<i32>} : memref<32768xf32, #tpu.memory_space<vmem>>, vector<16xf32>,
      tpu.vector_store %arg6[%parallel_loop3A_1820], %broadcast_in_dim3A_5 {strides = array<i32>} : memref<32768xf32, #tpu.memory_space<vmem>>, vector<16xf32>,
      %parallel_loop3A_1822 = arith.constant 128 : i32
      %parallel_loop3A_1823 = vector.broadcast %parallel_loop3A_1822 : i32 to vector<16xi32>
      %parallel_loop3A_1824 = arith.addi %iota3A, %parallel_loop3A_1823 : vector<16xi32>
      %parallel_loop3A_1825 = arith.constant 128 : index
      %parallel_loop3A_1826 = tpu.vector_load %arg4[%parallel_loop3A_1825] {strides = array<i32>} : memref<512xf32, #tpu.memory_space<vmem>>, vector<16xf32>,
      %parallel_loop3A_1827 = arith.constant 384 : index
      %parallel_loop3A_1828 = tpu.vector_load %arg4[%parallel_loop3A_1827] {strides = array<i32>} : memref<512xf32, #tpu.memory_space<vmem>>, vector<16xf32>,
      %parallel_loop3A_1829 = arith.subf %parallel_loop3A_1826, %parallel_loop3A_17 : vector<16xf32>
      %parallel_loop3A_1830 = arith.constant 2.000000e+00 : f32
      %parallel_loop3A_1831 = vector.broadcast %parallel_loop3A_1830 : f32 to vector<16xf32>
      %parallel_loop3A_1832 = arith.mulf %parallel_loop3A_1829, %parallel_loop3A_1831 : vector<16xf32>
      %parallel_loop3A_1833 = arith.constant 8.000000e+00 : f32
      %parallel_loop3A_1834 = vector.broadcast %parallel_loop3A_1833 : f32 to vector<16xf32>
      %parallel_loop3A_1835 = arith.addf %parallel_loop3A_1832, %parallel_loop3A_1834 : vector<16xf32>
      %parallel_loop3A_1836 = arith.subf %parallel_loop3A_1828, %parallel_loop3A_21 : vector<16xf32>
      %parallel_loop3A_1837 = arith.constant 2.000000e+00 : f32
      %parallel_loop3A_1838 = vector.broadcast %parallel_loop3A_1837 : f32 to vector<16xf32>
      %parallel_loop3A_1839 = arith.mulf %parallel_loop3A_1836, %parallel_loop3A_1838 : vector<16xf32>
      %parallel_loop3A_1840 = arith.constant 8.000000e+00 : f32
      %parallel_loop3A_1841 = vector.broadcast %parallel_loop3A_1840 : f32 to vector<16xf32>
      %parallel_loop3A_1842 = arith.addf %parallel_loop3A_1839, %parallel_loop3A_1841 : vector<16xf32>
      %parallel_loop3A_1843 = arith.constant 0.000000e+00 : f32
      %parallel_loop3A_1844 = vector.broadcast %parallel_loop3A_1843 : f32 to vector<16xf32>
      %parallel_loop3A_1845 = arith.cmpf oge, %parallel_loop3A_1835, %parallel_loop3A_1844 : vector<16xf32>
      %parallel_loop3A_1846 = arith.constant 1.600000e+01 : f32
      %parallel_loop3A_1847 = vector.broadcast %parallel_loop3A_1846 : f32 to vector<16xf32>
      %parallel_loop3A_1848 = arith.cmpf olt, %parallel_loop3A_1835, %parallel_loop3A_1847 : vector<16xf32>
      %parallel_loop3A_1849 = arith.andi %parallel_loop3A_1845, %parallel_loop3A_1848 : vector<16xi1>
      %parallel_loop3A_1850 = arith.constant 0.000000e+00 : f32
      %parallel_loop3A_1851 = vector.broadcast %parallel_loop3A_1850 : f32 to vector<16xf32>
      %parallel_loop3A_1852 = arith.cmpf oge, %parallel_loop3A_1842, %parallel_loop3A_1851 : vector<16xf32>
      %parallel_loop3A_1853 = arith.andi %parallel_loop3A_1849, %parallel_loop3A_1852 : vector<16xi1>
      %parallel_loop3A_1854 = arith.constant 1.600000e+01 : f32
      %parallel_loop3A_1855 = vector.broadcast %parallel_loop3A_1854 : f32 to vector<16xf32>
      %parallel_loop3A_1856 = arith.cmpf olt, %parallel_loop3A_1842, %parallel_loop3A_1855 : vector<16xf32>
      %parallel_loop3A_1857 = arith.andi %parallel_loop3A_1853, %parallel_loop3A_1856 : vector<16xi1>
      %parallel_loop3A_1858 = vector.broadcast %parallel_loop3A_13 : i32 to vector<16xi32>
      %parallel_loop3A_1859 = arith.cmpi ne, %parallel_loop3A_1824, %parallel_loop3A_1858 : vector<16xi32>
      %parallel_loop3A_1860 = arith.andi %parallel_loop3A_1857, %parallel_loop3A_1859 : vector<16xi1>
      %parallel_loop3A_1861 = arith.fptosi %parallel_loop3A_1835 : vector<16xf32> to vector<16xi32>
      %parallel_loop3A_1862 = arith.fptosi %parallel_loop3A_1842 : vector<16xf32> to vector<16xi32>
      %parallel_loop3A_1863 = arith.constant 16 : i32
      %parallel_loop3A_1864 = vector.broadcast %parallel_loop3A_1863 : i32 to vector<16xi32>
      %parallel_loop3A_1865 = arith.muli %parallel_loop3A_1861, %parallel_loop3A_1864 : vector<16xi32>
      %parallel_loop3A_1866 = arith.addi %parallel_loop3A_1865, %parallel_loop3A_1862 : vector<16xi32>
      %parallel_loop3A_1867 = arith.constant 256 : i32
      %parallel_loop3A_1868 = vector.broadcast %parallel_loop3A_1867 : i32 to vector<16xi32>
      %parallel_loop3A_1869 = arith.select %parallel_loop3A_1860, %parallel_loop3A_1866, %parallel_loop3A_1868 : vector<16xi1>, vector<16xi32>
      %parallel_loop3A_1870 = arith.constant 4 : i32
      %parallel_loop3A_1871 = vector.broadcast %parallel_loop3A_1870 : i32 to vector<16xi32>
      %parallel_loop3A_1872 = arith.shli %parallel_loop3A_1869, %parallel_loop3A_1871 : vector<16xi32>
      %parallel_loop3A_1873 = arith.ori %parallel_loop3A_1872, %iota3A : vector<16xi32>
      %parallel_loop3A_1874 = arith.constant dense<true> : vector<16xi1>
      %parallel_loop3A_1875 = arith.constant -2147483648 : i32
      %parallel_loop3A_1876 = vector.broadcast %parallel_loop3A_1875 : i32 to vector<16xi32>
      %parallel_loop3A_1877 = arith.xori %parallel_loop3A_1873, %parallel_loop3A_1876 : vector<16xi32>
      %parallel_loop3A_1878, %parallel_loop3A_1879, %parallel_loop3A_1880 = tpu.sort %parallel_loop3A_1877, %parallel_loop3A_1824 masked %parallel_loop3A_1874 : (vector<16xi32>, vector<16xi32>, vector<16xi1>) -> (vector<16xi1>, vector<16xi32>, vector<16xi32>)
      %parallel_loop3A_1881 = arith.xori %parallel_loop3A_1879, %parallel_loop3A_1876 : vector<16xi32>
      %parallel_loop3A_1882 = arith.constant 4 : i32
      %parallel_loop3A_1883 = vector.broadcast %parallel_loop3A_1882 : i32 to vector<16xi32>
      %parallel_loop3A_1884 = arith.shrsi %parallel_loop3A_1881, %parallel_loop3A_1883 : vector<16xi32>
      %parallel_loop3A_1885 = arith.constant 272 : i32
      %parallel_loop3A_1886 = arith.addi %parallel_loop3A_15, %parallel_loop3A_1885 : i32
      %parallel_loop3A_1887 = arith.index_cast %parallel_loop3A_1886 : i32 to index
      %parallel_loop3A_1888 = tpu.vector_load %arg5[%parallel_loop3A_1887] {strides = array<i32>} : memref<2304xi32, #tpu.memory_space<vmem>>, vector<16xi32>,
      tpu.vector_store %arg5[%parallel_loop3A_1887], %parallel_loop3A_1884 {strides = array<i32>} : memref<2304xi32, #tpu.memory_space<vmem>>, vector<16xi32>,
      %parallel_loop3A_1889 = arith.constant 1 : i32
      %parallel_loop3A_1890 = vector.broadcast %parallel_loop3A_1889 : i32 to vector<16xi32>
      %parallel_loop3A_1891 = arith.addi %iota3A, %parallel_loop3A_1890 : vector<16xi32>
      %parallel_loop3A_1892 = arith.constant 15 : i32
      %parallel_loop3A_1893 = vector.broadcast %parallel_loop3A_1892 : i32 to vector<16xi32>
      %parallel_loop3A_1894 = arith.minsi %parallel_loop3A_1891, %parallel_loop3A_1893 : vector<16xi32>
      %parallel_loop3A_1895 = arith.constant 272 : i32
      %parallel_loop3A_1896 = arith.addi %parallel_loop3A_15, %parallel_loop3A_1895 : i32
      %parallel_loop3A_1897 = vector.broadcast %parallel_loop3A_1896 : i32 to vector<16xi32>
      %parallel_loop3A_1898 = arith.addi %parallel_loop3A_1894, %parallel_loop3A_1897 : vector<16xi32>
      %parallel_loop3A_1899 = tpu.vector_load_idx %arg5[%parallel_loop3A_1898] : memref<2304xi32, #tpu.memory_space<vmem>>[vector<16xi32>], vector<16xi32>,
      %parallel_loop3A_1900 = arith.cmpi ne, %parallel_loop3A_1899, %parallel_loop3A_1884 : vector<16xi32>
      %parallel_loop3A_1901 = arith.constant 15 : i32
      %parallel_loop3A_1902 = vector.broadcast %parallel_loop3A_1901 : i32 to vector<16xi32>
      %parallel_loop3A_1903 = arith.cmpi eq, %iota3A, %parallel_loop3A_1902 : vector<16xi32>
      %parallel_loop3A_1904 = arith.ori %parallel_loop3A_1900, %parallel_loop3A_1903 : vector<16xi1>
      %parallel_loop3A_1905 = arith.constant 256 : i32
      %parallel_loop3A_1906 = vector.broadcast %parallel_loop3A_1905 : i32 to vector<16xi32>
      %parallel_loop3A_1907 = arith.cmpi slt, %parallel_loop3A_1884, %parallel_loop3A_1906 : vector<16xi32>
      %parallel_loop3A_1908 = arith.andi %parallel_loop3A_1904, %parallel_loop3A_1907 : vector<16xi1>
      %parallel_loop3A_1909 = vector.broadcast %parallel_loop3A_15 : i32 to vector<16xi32>
      %parallel_loop3A_1910 = arith.addi %parallel_loop3A_1884, %parallel_loop3A_1909 : vector<16xi32>
      tpu.vector_store_idx %arg5[%parallel_loop3A_1910], %parallel_loop3A_1880 masked %parallel_loop3A_1908 : memref<2304xi32, #tpu.memory_space<vmem>>[vector<16xi32>], vector<16xi32>, vector<16xi1>
      %parallel_loop3A_1911 = arith.constant 4096 : i32
      %parallel_loop3A_1912 = arith.muli %parallel_loop3A_12, %parallel_loop3A_1911 : i32
      %parallel_loop3A_1913 = arith.constant 2048 : i32
      %parallel_loop3A_1914 = arith.addi %parallel_loop3A_1912, %parallel_loop3A_1913 : i32
      %parallel_loop3A_1915 = arith.constant 0 : i32
      %parallel_loop3A_1916 = arith.addi %parallel_loop3A_1914, %parallel_loop3A_1915 : i32
      %parallel_loop3A_1917 = arith.index_cast %parallel_loop3A_1916 : i32 to index
      %parallel_loop3A_1918 = tpu.vector_load %arg6[%parallel_loop3A_1917] {strides = array<i32>} : memref<32768xf32, #tpu.memory_space<vmem>>, vector<16xf32>,
      tpu.vector_store %arg6[%parallel_loop3A_1917], %broadcast_in_dim3A_5 {strides = array<i32>} : memref<32768xf32, #tpu.memory_space<vmem>>, vector<16xf32>,
      %parallel_loop3A_1919 = arith.constant 4096 : i32
      %parallel_loop3A_1920 = arith.muli %parallel_loop3A_12, %parallel_loop3A_1919 : i32
      %parallel_loop3A_1921 = arith.constant 2048 : i32
      %parallel_loop3A_1922 = arith.addi %parallel_loop3A_1920, %parallel_loop3A_1921 : i32
      %parallel_loop3A_1923 = arith.constant 16 : i32
      %parallel_loop3A_1924 = arith.addi %parallel_loop3A_1922, %parallel_loop3A_1923 : i32
      %parallel_loop3A_1925 = arith.index_cast %parallel_loop3A_1924 : i32 to index
      %parallel_loop3A_1926 = tpu.vector_load %arg6[%parallel_loop3A_1925] {strides = array<i32>} : memref<32768xf32, #tpu.memory_space<vmem>>, vector<16xf32>,
      tpu.vector_store %arg6[%parallel_loop3A_1925], %broadcast_in_dim3A_5 {strides = array<i32>} : memref<32768xf32, #tpu.memory_space<vmem>>, vector<16xf32>,
      %parallel_loop3A_1927 = arith.constant 4096 : i32
      %parallel_loop3A_1928 = arith.muli %parallel_loop3A_12, %parallel_loop3A_1927 : i32
      %parallel_loop3A_1929 = arith.constant 2048 : i32
      %parallel_loop3A_1930 = arith.addi %parallel_loop3A_1928, %parallel_loop3A_1929 : i32
      %parallel_loop3A_1931 = arith.constant 32 : i32
      %parallel_loop3A_1932 = arith.addi %parallel_loop3A_1930, %parallel_loop3A_1931 : i32
      %parallel_loop3A_1933 = arith.index_cast %parallel_loop3A_1932 : i32 to index
      %parallel_loop3A_1934 = tpu.vector_load %arg6[%parallel_loop3A_1933] {strides = array<i32>} : memref<32768xf32, #tpu.memory_space<vmem>>, vector<16xf32>,
      tpu.vector_store %arg6[%parallel_loop3A_1933], %broadcast_in_dim3A_5 {strides = array<i32>} : memref<32768xf32, #tpu.memory_space<vmem>>, vector<16xf32>,
      %parallel_loop3A_1935 = arith.constant 4096 : i32
      %parallel_loop3A_1936 = arith.muli %parallel_loop3A_12, %parallel_loop3A_1935 : i32
      %parallel_loop3A_1937 = arith.constant 2048 : i32
      %parallel_loop3A_1938 = arith.addi %parallel_loop3A_1936, %parallel_loop3A_1937 : i32
      %parallel_loop3A_1939 = arith.constant 48 : i32
      %parallel_loop3A_1940 = arith.addi %parallel_loop3A_1938, %parallel_loop3A_1939 : i32
      %parallel_loop3A_1941 = arith.index_cast %parallel_loop3A_1940 : i32 to index
      %parallel_loop3A_1942 = tpu.vector_load %arg6[%parallel_loop3A_1941] {strides = array<i32>} : memref<32768xf32, #tpu.memory_space<vmem>>, vector<16xf32>,
      tpu.vector_store %arg6[%parallel_loop3A_1941], %broadcast_in_dim3A_5 {strides = array<i32>} : memref<32768xf32, #tpu.memory_space<vmem>>, vector<16xf32>,
      %parallel_loop3A_1943 = arith.constant 4096 : i32
      %parallel_loop3A_1944 = arith.muli %parallel_loop3A_12, %parallel_loop3A_1943 : i32
      %parallel_loop3A_1945 = arith.constant 2048 : i32
      %parallel_loop3A_1946 = arith.addi %parallel_loop3A_1944, %parallel_loop3A_1945 : i32
      %parallel_loop3A_1947 = arith.constant 64 : i32
      %parallel_loop3A_1948 = arith.addi %parallel_loop3A_1946, %parallel_loop3A_1947 : i32
      %parallel_loop3A_1949 = arith.index_cast %parallel_loop3A_1948 : i32 to index
      %parallel_loop3A_1950 = tpu.vector_load %arg6[%parallel_loop3A_1949] {strides = array<i32>} : memref<32768xf32, #tpu.memory_space<vmem>>, vector<16xf32>,
      tpu.vector_store %arg6[%parallel_loop3A_1949], %broadcast_in_dim3A_5 {strides = array<i32>} : memref<32768xf32, #tpu.memory_space<vmem>>, vector<16xf32>,
      %parallel_loop3A_1951 = arith.constant 4096 : i32
      %parallel_loop3A_1952 = arith.muli %parallel_loop3A_12, %parallel_loop3A_1951 : i32
      %parallel_loop3A_1953 = arith.constant 2048 : i32
      %parallel_loop3A_1954 = arith.addi %parallel_loop3A_1952, %parallel_loop3A_1953 : i32
      %parallel_loop3A_1955 = arith.constant 80 : i32
      %parallel_loop3A_1956 = arith.addi %parallel_loop3A_1954, %parallel_loop3A_1955 : i32
      %parallel_loop3A_1957 = arith.index_cast %parallel_loop3A_1956 : i32 to index
      %parallel_loop3A_1958 = tpu.vector_load %arg6[%parallel_loop3A_1957] {strides = array<i32>} : memref<32768xf32, #tpu.memory_space<vmem>>, vector<16xf32>,
      tpu.vector_store %arg6[%parallel_loop3A_1957], %broadcast_in_dim3A_5 {strides = array<i32>} : memref<32768xf32, #tpu.memory_space<vmem>>, vector<16xf32>,
      %parallel_loop3A_1959 = arith.constant 4096 : i32
      %parallel_loop3A_1960 = arith.muli %parallel_loop3A_12, %parallel_loop3A_1959 : i32
      %parallel_loop3A_1961 = arith.constant 2048 : i32
      %parallel_loop3A_1962 = arith.addi %parallel_loop3A_1960, %parallel_loop3A_1961 : i32
      %parallel_loop3A_1963 = arith.constant 96 : i32
      %parallel_loop3A_1964 = arith.addi %parallel_loop3A_1962, %parallel_loop3A_1963 : i32
      %parallel_loop3A_1965 = arith.index_cast %parallel_loop3A_1964 : i32 to index
      %parallel_loop3A_1966 = tpu.vector_load %arg6[%parallel_loop3A_1965] {strides = array<i32>} : memref<32768xf32, #tpu.memory_space<vmem>>, vector<16xf32>,
      tpu.vector_store %arg6[%parallel_loop3A_1965], %broadcast_in_dim3A_5 {strides = array<i32>} : memref<32768xf32, #tpu.memory_space<vmem>>, vector<16xf32>,
      %parallel_loop3A_1967 = arith.constant 4096 : i32
      %parallel_loop3A_1968 = arith.muli %parallel_loop3A_12, %parallel_loop3A_1967 : i32
      %parallel_loop3A_1969 = arith.constant 2048 : i32
      %parallel_loop3A_1970 = arith.addi %parallel_loop3A_1968, %parallel_loop3A_1969 : i32
      %parallel_loop3A_1971 = arith.constant 112 : i32
      %parallel_loop3A_1972 = arith.addi %parallel_loop3A_1970, %parallel_loop3A_1971 : i32
      %parallel_loop3A_1973 = arith.index_cast %parallel_loop3A_1972 : i32 to index
      %parallel_loop3A_1974 = tpu.vector_load %arg6[%parallel_loop3A_1973] {strides = array<i32>} : memref<32768xf32, #tpu.memory_space<vmem>>, vector<16xf32>,
      tpu.vector_store %arg6[%parallel_loop3A_1973], %broadcast_in_dim3A_5 {strides = array<i32>} : memref<32768xf32, #tpu.memory_space<vmem>>, vector<16xf32>,
      %parallel_loop3A_1975 = arith.constant 4096 : i32
      %parallel_loop3A_1976 = arith.muli %parallel_loop3A_12, %parallel_loop3A_1975 : i32
      %parallel_loop3A_1977 = arith.constant 2048 : i32
      %parallel_loop3A_1978 = arith.addi %parallel_loop3A_1976, %parallel_loop3A_1977 : i32
      %parallel_loop3A_1979 = arith.constant 128 : i32
      %parallel_loop3A_1980 = arith.addi %parallel_loop3A_1978, %parallel_loop3A_1979 : i32
      %parallel_loop3A_1981 = arith.index_cast %parallel_loop3A_1980 : i32 to index
      %parallel_loop3A_1982 = tpu.vector_load %arg6[%parallel_loop3A_1981] {strides = array<i32>} : memref<32768xf32, #tpu.memory_space<vmem>>, vector<16xf32>,
      tpu.vector_store %arg6[%parallel_loop3A_1981], %broadcast_in_dim3A_5 {strides = array<i32>} : memref<32768xf32, #tpu.memory_space<vmem>>, vector<16xf32>,
      %parallel_loop3A_1983 = arith.constant 4096 : i32
      %parallel_loop3A_1984 = arith.muli %parallel_loop3A_12, %parallel_loop3A_1983 : i32
      %parallel_loop3A_1985 = arith.constant 2048 : i32
      %parallel_loop3A_1986 = arith.addi %parallel_loop3A_1984, %parallel_loop3A_1985 : i32
      %parallel_loop3A_1987 = arith.constant 144 : i32
      %parallel_loop3A_1988 = arith.addi %parallel_loop3A_1986, %parallel_loop3A_1987 : i32
      %parallel_loop3A_1989 = arith.index_cast %parallel_loop3A_1988 : i32 to index
      %parallel_loop3A_1990 = tpu.vector_load %arg6[%parallel_loop3A_1989] {strides = array<i32>} : memref<32768xf32, #tpu.memory_space<vmem>>, vector<16xf32>,
      tpu.vector_store %arg6[%parallel_loop3A_1989], %broadcast_in_dim3A_5 {strides = array<i32>} : memref<32768xf32, #tpu.memory_space<vmem>>, vector<16xf32>,
      %parallel_loop3A_1991 = arith.constant 4096 : i32
      %parallel_loop3A_1992 = arith.muli %parallel_loop3A_12, %parallel_loop3A_1991 : i32
      %parallel_loop3A_1993 = arith.constant 2048 : i32
      %parallel_loop3A_1994 = arith.addi %parallel_loop3A_1992, %parallel_loop3A_1993 : i32
      %parallel_loop3A_1995 = arith.constant 160 : i32
      %parallel_loop3A_1996 = arith.addi %parallel_loop3A_1994, %parallel_loop3A_1995 : i32
      %parallel_loop3A_1997 = arith.index_cast %parallel_loop3A_1996 : i32 to index
      %parallel_loop3A_1998 = tpu.vector_load %arg6[%parallel_loop3A_1997] {strides = array<i32>} : memref<32768xf32, #tpu.memory_space<vmem>>, vector<16xf32>,
      tpu.vector_store %arg6[%parallel_loop3A_1997], %broadcast_in_dim3A_5 {strides = array<i32>} : memref<32768xf32, #tpu.memory_space<vmem>>, vector<16xf32>,
      %parallel_loop3A_1999 = arith.constant 4096 : i32
      %parallel_loop3A_2000 = arith.muli %parallel_loop3A_12, %parallel_loop3A_1999 : i32
      %parallel_loop3A_2001 = arith.constant 2048 : i32
      %parallel_loop3A_2002 = arith.addi %parallel_loop3A_2000, %parallel_loop3A_2001 : i32
      %parallel_loop3A_2003 = arith.constant 176 : i32
      %parallel_loop3A_2004 = arith.addi %parallel_loop3A_2002, %parallel_loop3A_2003 : i32
      %parallel_loop3A_2005 = arith.index_cast %parallel_loop3A_2004 : i32 to index
      %parallel_loop3A_2006 = tpu.vector_load %arg6[%parallel_loop3A_2005] {strides = array<i32>} : memref<32768xf32, #tpu.memory_space<vmem>>, vector<16xf32>,
      tpu.vector_store %arg6[%parallel_loop3A_2005], %broadcast_in_dim3A_5 {strides = array<i32>} : memref<32768xf32, #tpu.memory_space<vmem>>, vector<16xf32>,
      %parallel_loop3A_2007 = arith.constant 4096 : i32
      %parallel_loop3A_2008 = arith.muli %parallel_loop3A_12, %parallel_loop3A_2007 : i32
      %parallel_loop3A_2009 = arith.constant 2048 : i32
      %parallel_loop3A_2010 = arith.addi %parallel_loop3A_2008, %parallel_loop3A_2009 : i32
      %parallel_loop3A_2011 = arith.constant 192 : i32
      %parallel_loop3A_2012 = arith.addi %parallel_loop3A_2010, %parallel_loop3A_2011 : i32
      %parallel_loop3A_2013 = arith.index_cast %parallel_loop3A_2012 : i32 to index
      %parallel_loop3A_2014 = tpu.vector_load %arg6[%parallel_loop3A_2013] {strides = array<i32>} : memref<32768xf32, #tpu.memory_space<vmem>>, vector<16xf32>,
      tpu.vector_store %arg6[%parallel_loop3A_2013], %broadcast_in_dim3A_5 {strides = array<i32>} : memref<32768xf32, #tpu.memory_space<vmem>>, vector<16xf32>,
      %parallel_loop3A_2015 = arith.constant 4096 : i32
      %parallel_loop3A_2016 = arith.muli %parallel_loop3A_12, %parallel_loop3A_2015 : i32
      %parallel_loop3A_2017 = arith.constant 2048 : i32
      %parallel_loop3A_2018 = arith.addi %parallel_loop3A_2016, %parallel_loop3A_2017 : i32
      %parallel_loop3A_2019 = arith.constant 208 : i32
      %parallel_loop3A_2020 = arith.addi %parallel_loop3A_2018, %parallel_loop3A_2019 : i32
      %parallel_loop3A_2021 = arith.index_cast %parallel_loop3A_2020 : i32 to index
      %parallel_loop3A_2022 = tpu.vector_load %arg6[%parallel_loop3A_2021] {strides = array<i32>} : memref<32768xf32, #tpu.memory_space<vmem>>, vector<16xf32>,
      tpu.vector_store %arg6[%parallel_loop3A_2021], %broadcast_in_dim3A_5 {strides = array<i32>} : memref<32768xf32, #tpu.memory_space<vmem>>, vector<16xf32>,
      %parallel_loop3A_2023 = arith.constant 4096 : i32
      %parallel_loop3A_2024 = arith.muli %parallel_loop3A_12, %parallel_loop3A_2023 : i32
      %parallel_loop3A_2025 = arith.constant 2048 : i32
      %parallel_loop3A_2026 = arith.addi %parallel_loop3A_2024, %parallel_loop3A_2025 : i32
      %parallel_loop3A_2027 = arith.constant 224 : i32
      %parallel_loop3A_2028 = arith.addi %parallel_loop3A_2026, %parallel_loop3A_2027 : i32
      %parallel_loop3A_2029 = arith.index_cast %parallel_loop3A_2028 : i32 to index
      %parallel_loop3A_2030 = tpu.vector_load %arg6[%parallel_loop3A_2029] {strides = array<i32>} : memref<32768xf32, #tpu.memory_space<vmem>>, vector<16xf32>,
      tpu.vector_store %arg6[%parallel_loop3A_2029], %broadcast_in_dim3A_5 {strides = array<i32>} : memref<32768xf32, #tpu.memory_space<vmem>>, vector<16xf32>,
      %parallel_loop3A_2031 = arith.constant 4096 : i32
      %parallel_loop3A_2032 = arith.muli %parallel_loop3A_12, %parallel_loop3A_2031 : i32
      %parallel_loop3A_2033 = arith.constant 2048 : i32
      %parallel_loop3A_2034 = arith.addi %parallel_loop3A_2032, %parallel_loop3A_2033 : i32
      %parallel_loop3A_2035 = arith.constant 240 : i32
      %parallel_loop3A_2036 = arith.addi %parallel_loop3A_2034, %parallel_loop3A_2035 : i32
      %parallel_loop3A_2037 = arith.index_cast %parallel_loop3A_2036 : i32 to index
      %parallel_loop3A_2038 = tpu.vector_load %arg6[%parallel_loop3A_2037] {strides = array<i32>} : memref<32768xf32, #tpu.memory_space<vmem>>, vector<16xf32>,
      tpu.vector_store %arg6[%parallel_loop3A_2037], %broadcast_in_dim3A_5 {strides = array<i32>} : memref<32768xf32, #tpu.memory_space<vmem>>, vector<16xf32>,
      %parallel_loop3A_2039 = arith.constant 144 : i32
      %parallel_loop3A_2040 = vector.broadcast %parallel_loop3A_2039 : i32 to vector<16xi32>
      %parallel_loop3A_2041 = arith.addi %iota3A, %parallel_loop3A_2040 : vector<16xi32>
      %parallel_loop3A_2042 = arith.constant 144 : index
      %parallel_loop3A_2043 = tpu.vector_load %arg4[%parallel_loop3A_2042] {strides = array<i32>} : memref<512xf32, #tpu.memory_space<vmem>>, vector<16xf32>,
      %parallel_loop3A_2044 = arith.constant 400 : index
      %parallel_loop3A_2045 = tpu.vector_load %arg4[%parallel_loop3A_2044] {strides = array<i32>} : memref<512xf32, #tpu.memory_space<vmem>>, vector<16xf32>,
      %parallel_loop3A_2046 = arith.subf %parallel_loop3A_2043, %parallel_loop3A_17 : vector<16xf32>
      %parallel_loop3A_2047 = arith.constant 2.000000e+00 : f32
      %parallel_loop3A_2048 = vector.broadcast %parallel_loop3A_2047 : f32 to vector<16xf32>
      %parallel_loop3A_2049 = arith.mulf %parallel_loop3A_2046, %parallel_loop3A_2048 : vector<16xf32>
      %parallel_loop3A_2050 = arith.constant 8.000000e+00 : f32
      %parallel_loop3A_2051 = vector.broadcast %parallel_loop3A_2050 : f32 to vector<16xf32>
      %parallel_loop3A_2052 = arith.addf %parallel_loop3A_2049, %parallel_loop3A_2051 : vector<16xf32>
      %parallel_loop3A_2053 = arith.subf %parallel_loop3A_2045, %parallel_loop3A_21 : vector<16xf32>
      %parallel_loop3A_2054 = arith.constant 2.000000e+00 : f32
      %parallel_loop3A_2055 = vector.broadcast %parallel_loop3A_2054 : f32 to vector<16xf32>
      %parallel_loop3A_2056 = arith.mulf %parallel_loop3A_2053, %parallel_loop3A_2055 : vector<16xf32>
      %parallel_loop3A_2057 = arith.constant 8.000000e+00 : f32
      %parallel_loop3A_2058 = vector.broadcast %parallel_loop3A_2057 : f32 to vector<16xf32>
      %parallel_loop3A_2059 = arith.addf %parallel_loop3A_2056, %parallel_loop3A_2058 : vector<16xf32>
      %parallel_loop3A_2060 = arith.constant 0.000000e+00 : f32
      %parallel_loop3A_2061 = vector.broadcast %parallel_loop3A_2060 : f32 to vector<16xf32>
      %parallel_loop3A_2062 = arith.cmpf oge, %parallel_loop3A_2052, %parallel_loop3A_2061 : vector<16xf32>
      %parallel_loop3A_2063 = arith.constant 1.600000e+01 : f32
      %parallel_loop3A_2064 = vector.broadcast %parallel_loop3A_2063 : f32 to vector<16xf32>
      %parallel_loop3A_2065 = arith.cmpf olt, %parallel_loop3A_2052, %parallel_loop3A_2064 : vector<16xf32>
      %parallel_loop3A_2066 = arith.andi %parallel_loop3A_2062, %parallel_loop3A_2065 : vector<16xi1>
      %parallel_loop3A_2067 = arith.constant 0.000000e+00 : f32
      %parallel_loop3A_2068 = vector.broadcast %parallel_loop3A_2067 : f32 to vector<16xf32>
      %parallel_loop3A_2069 = arith.cmpf oge, %parallel_loop3A_2059, %parallel_loop3A_2068 : vector<16xf32>
      %parallel_loop3A_2070 = arith.andi %parallel_loop3A_2066, %parallel_loop3A_2069 : vector<16xi1>
      %parallel_loop3A_2071 = arith.constant 1.600000e+01 : f32
      %parallel_loop3A_2072 = vector.broadcast %parallel_loop3A_2071 : f32 to vector<16xf32>
      %parallel_loop3A_2073 = arith.cmpf olt, %parallel_loop3A_2059, %parallel_loop3A_2072 : vector<16xf32>
      %parallel_loop3A_2074 = arith.andi %parallel_loop3A_2070, %parallel_loop3A_2073 : vector<16xi1>
      %parallel_loop3A_2075 = vector.broadcast %parallel_loop3A_13 : i32 to vector<16xi32>
      %parallel_loop3A_2076 = arith.cmpi ne, %parallel_loop3A_2041, %parallel_loop3A_2075 : vector<16xi32>
      %parallel_loop3A_2077 = arith.andi %parallel_loop3A_2074, %parallel_loop3A_2076 : vector<16xi1>
      %parallel_loop3A_2078 = arith.fptosi %parallel_loop3A_2052 : vector<16xf32> to vector<16xi32>
      %parallel_loop3A_2079 = arith.fptosi %parallel_loop3A_2059 : vector<16xf32> to vector<16xi32>
      %parallel_loop3A_2080 = arith.constant 16 : i32
      %parallel_loop3A_2081 = vector.broadcast %parallel_loop3A_2080 : i32 to vector<16xi32>
      %parallel_loop3A_2082 = arith.muli %parallel_loop3A_2078, %parallel_loop3A_2081 : vector<16xi32>
      %parallel_loop3A_2083 = arith.addi %parallel_loop3A_2082, %parallel_loop3A_2079 : vector<16xi32>
      %parallel_loop3A_2084 = arith.constant 256 : i32
      %parallel_loop3A_2085 = vector.broadcast %parallel_loop3A_2084 : i32 to vector<16xi32>
      %parallel_loop3A_2086 = arith.select %parallel_loop3A_2077, %parallel_loop3A_2083, %parallel_loop3A_2085 : vector<16xi1>, vector<16xi32>
      %parallel_loop3A_2087 = arith.constant 4 : i32
      %parallel_loop3A_2088 = vector.broadcast %parallel_loop3A_2087 : i32 to vector<16xi32>
      %parallel_loop3A_2089 = arith.shli %parallel_loop3A_2086, %parallel_loop3A_2088 : vector<16xi32>
      %parallel_loop3A_2090 = arith.ori %parallel_loop3A_2089, %iota3A : vector<16xi32>
      %parallel_loop3A_2091 = arith.constant dense<true> : vector<16xi1>
      %parallel_loop3A_2092 = arith.constant -2147483648 : i32
      %parallel_loop3A_2093 = vector.broadcast %parallel_loop3A_2092 : i32 to vector<16xi32>
      %parallel_loop3A_2094 = arith.xori %parallel_loop3A_2090, %parallel_loop3A_2093 : vector<16xi32>
      %parallel_loop3A_2095, %parallel_loop3A_2096, %parallel_loop3A_2097 = tpu.sort %parallel_loop3A_2094, %parallel_loop3A_2041 masked %parallel_loop3A_2091 : (vector<16xi32>, vector<16xi32>, vector<16xi1>) -> (vector<16xi1>, vector<16xi32>, vector<16xi32>)
      %parallel_loop3A_2098 = arith.xori %parallel_loop3A_2096, %parallel_loop3A_2093 : vector<16xi32>
      %parallel_loop3A_2099 = arith.constant 4 : i32
      %parallel_loop3A_2100 = vector.broadcast %parallel_loop3A_2099 : i32 to vector<16xi32>
      %parallel_loop3A_2101 = arith.shrsi %parallel_loop3A_2098, %parallel_loop3A_2100 : vector<16xi32>
      %parallel_loop3A_2102 = arith.constant 272 : i32
      %parallel_loop3A_2103 = arith.addi %parallel_loop3A_15, %parallel_loop3A_2102 : i32
      %parallel_loop3A_2104 = arith.index_cast %parallel_loop3A_2103 : i32 to index
      %parallel_loop3A_2105 = tpu.vector_load %arg5[%parallel_loop3A_2104] {strides = array<i32>} : memref<2304xi32, #tpu.memory_space<vmem>>, vector<16xi32>,
      tpu.vector_store %arg5[%parallel_loop3A_2104], %parallel_loop3A_2101 {strides = array<i32>} : memref<2304xi32, #tpu.memory_space<vmem>>, vector<16xi32>,
      %parallel_loop3A_2106 = arith.constant 1 : i32
      %parallel_loop3A_2107 = vector.broadcast %parallel_loop3A_2106 : i32 to vector<16xi32>
      %parallel_loop3A_2108 = arith.addi %iota3A, %parallel_loop3A_2107 : vector<16xi32>
      %parallel_loop3A_2109 = arith.constant 15 : i32
      %parallel_loop3A_2110 = vector.broadcast %parallel_loop3A_2109 : i32 to vector<16xi32>
      %parallel_loop3A_2111 = arith.minsi %parallel_loop3A_2108, %parallel_loop3A_2110 : vector<16xi32>
      %parallel_loop3A_2112 = arith.constant 272 : i32
      %parallel_loop3A_2113 = arith.addi %parallel_loop3A_15, %parallel_loop3A_2112 : i32
      %parallel_loop3A_2114 = vector.broadcast %parallel_loop3A_2113 : i32 to vector<16xi32>
      %parallel_loop3A_2115 = arith.addi %parallel_loop3A_2111, %parallel_loop3A_2114 : vector<16xi32>
      %parallel_loop3A_2116 = tpu.vector_load_idx %arg5[%parallel_loop3A_2115] : memref<2304xi32, #tpu.memory_space<vmem>>[vector<16xi32>], vector<16xi32>,
      %parallel_loop3A_2117 = arith.cmpi ne, %parallel_loop3A_2116, %parallel_loop3A_2101 : vector<16xi32>
      %parallel_loop3A_2118 = arith.constant 15 : i32
      %parallel_loop3A_2119 = vector.broadcast %parallel_loop3A_2118 : i32 to vector<16xi32>
      %parallel_loop3A_2120 = arith.cmpi eq, %iota3A, %parallel_loop3A_2119 : vector<16xi32>
      %parallel_loop3A_2121 = arith.ori %parallel_loop3A_2117, %parallel_loop3A_2120 : vector<16xi1>
      %parallel_loop3A_2122 = arith.constant 256 : i32
      %parallel_loop3A_2123 = vector.broadcast %parallel_loop3A_2122 : i32 to vector<16xi32>
      %parallel_loop3A_2124 = arith.cmpi slt, %parallel_loop3A_2101, %parallel_loop3A_2123 : vector<16xi32>
      %parallel_loop3A_2125 = arith.andi %parallel_loop3A_2121, %parallel_loop3A_2124 : vector<16xi1>
      %parallel_loop3A_2126 = vector.broadcast %parallel_loop3A_15 : i32 to vector<16xi32>
      %parallel_loop3A_2127 = arith.addi %parallel_loop3A_2101, %parallel_loop3A_2126 : vector<16xi32>
      tpu.vector_store_idx %arg5[%parallel_loop3A_2127], %parallel_loop3A_2097 masked %parallel_loop3A_2125 : memref<2304xi32, #tpu.memory_space<vmem>>[vector<16xi32>], vector<16xi32>, vector<16xi1>
      %parallel_loop3A_2128 = arith.constant 4096 : i32
      %parallel_loop3A_2129 = arith.muli %parallel_loop3A_12, %parallel_loop3A_2128 : i32
      %parallel_loop3A_2130 = arith.constant 2304 : i32
      %parallel_loop3A_2131 = arith.addi %parallel_loop3A_2129, %parallel_loop3A_2130 : i32
      %parallel_loop3A_2132 = arith.constant 0 : i32
      %parallel_loop3A_2133 = arith.addi %parallel_loop3A_2131, %parallel_loop3A_2132 : i32
      %parallel_loop3A_2134 = arith.index_cast %parallel_loop3A_2133 : i32 to index
      %parallel_loop3A_2135 = tpu.vector_load %arg6[%parallel_loop3A_2134] {strides = array<i32>} : memref<32768xf32, #tpu.memory_space<vmem>>, vector<16xf32>,
      tpu.vector_store %arg6[%parallel_loop3A_2134], %broadcast_in_dim3A_5 {strides = array<i32>} : memref<32768xf32, #tpu.memory_space<vmem>>, vector<16xf32>,
      %parallel_loop3A_2136 = arith.constant 4096 : i32
      %parallel_loop3A_2137 = arith.muli %parallel_loop3A_12, %parallel_loop3A_2136 : i32
      %parallel_loop3A_2138 = arith.constant 2304 : i32
      %parallel_loop3A_2139 = arith.addi %parallel_loop3A_2137, %parallel_loop3A_2138 : i32
      %parallel_loop3A_2140 = arith.constant 16 : i32
      %parallel_loop3A_2141 = arith.addi %parallel_loop3A_2139, %parallel_loop3A_2140 : i32
      %parallel_loop3A_2142 = arith.index_cast %parallel_loop3A_2141 : i32 to index
      %parallel_loop3A_2143 = tpu.vector_load %arg6[%parallel_loop3A_2142] {strides = array<i32>} : memref<32768xf32, #tpu.memory_space<vmem>>, vector<16xf32>,
      tpu.vector_store %arg6[%parallel_loop3A_2142], %broadcast_in_dim3A_5 {strides = array<i32>} : memref<32768xf32, #tpu.memory_space<vmem>>, vector<16xf32>,
      %parallel_loop3A_2144 = arith.constant 4096 : i32
      %parallel_loop3A_2145 = arith.muli %parallel_loop3A_12, %parallel_loop3A_2144 : i32
      %parallel_loop3A_2146 = arith.constant 2304 : i32
      %parallel_loop3A_2147 = arith.addi %parallel_loop3A_2145, %parallel_loop3A_2146 : i32
      %parallel_loop3A_2148 = arith.constant 32 : i32
      %parallel_loop3A_2149 = arith.addi %parallel_loop3A_2147, %parallel_loop3A_2148 : i32
      %parallel_loop3A_2150 = arith.index_cast %parallel_loop3A_2149 : i32 to index
      %parallel_loop3A_2151 = tpu.vector_load %arg6[%parallel_loop3A_2150] {strides = array<i32>} : memref<32768xf32, #tpu.memory_space<vmem>>, vector<16xf32>,
      tpu.vector_store %arg6[%parallel_loop3A_2150], %broadcast_in_dim3A_5 {strides = array<i32>} : memref<32768xf32, #tpu.memory_space<vmem>>, vector<16xf32>,
      %parallel_loop3A_2152 = arith.constant 4096 : i32
      %parallel_loop3A_2153 = arith.muli %parallel_loop3A_12, %parallel_loop3A_2152 : i32
      %parallel_loop3A_2154 = arith.constant 2304 : i32
      %parallel_loop3A_2155 = arith.addi %parallel_loop3A_2153, %parallel_loop3A_2154 : i32
      %parallel_loop3A_2156 = arith.constant 48 : i32
      %parallel_loop3A_2157 = arith.addi %parallel_loop3A_2155, %parallel_loop3A_2156 : i32
      %parallel_loop3A_2158 = arith.index_cast %parallel_loop3A_2157 : i32 to index
      %parallel_loop3A_2159 = tpu.vector_load %arg6[%parallel_loop3A_2158] {strides = array<i32>} : memref<32768xf32, #tpu.memory_space<vmem>>, vector<16xf32>,
      tpu.vector_store %arg6[%parallel_loop3A_2158], %broadcast_in_dim3A_5 {strides = array<i32>} : memref<32768xf32, #tpu.memory_space<vmem>>, vector<16xf32>,
      %parallel_loop3A_2160 = arith.constant 4096 : i32
      %parallel_loop3A_2161 = arith.muli %parallel_loop3A_12, %parallel_loop3A_2160 : i32
      %parallel_loop3A_2162 = arith.constant 2304 : i32
      %parallel_loop3A_2163 = arith.addi %parallel_loop3A_2161, %parallel_loop3A_2162 : i32
      %parallel_loop3A_2164 = arith.constant 64 : i32
      %parallel_loop3A_2165 = arith.addi %parallel_loop3A_2163, %parallel_loop3A_2164 : i32
      %parallel_loop3A_2166 = arith.index_cast %parallel_loop3A_2165 : i32 to index
      %parallel_loop3A_2167 = tpu.vector_load %arg6[%parallel_loop3A_2166] {strides = array<i32>} : memref<32768xf32, #tpu.memory_space<vmem>>, vector<16xf32>,
      tpu.vector_store %arg6[%parallel_loop3A_2166], %broadcast_in_dim3A_5 {strides = array<i32>} : memref<32768xf32, #tpu.memory_space<vmem>>, vector<16xf32>,
      %parallel_loop3A_2168 = arith.constant 4096 : i32
      %parallel_loop3A_2169 = arith.muli %parallel_loop3A_12, %parallel_loop3A_2168 : i32
      %parallel_loop3A_2170 = arith.constant 2304 : i32
      %parallel_loop3A_2171 = arith.addi %parallel_loop3A_2169, %parallel_loop3A_2170 : i32
      %parallel_loop3A_2172 = arith.constant 80 : i32
      %parallel_loop3A_2173 = arith.addi %parallel_loop3A_2171, %parallel_loop3A_2172 : i32
      %parallel_loop3A_2174 = arith.index_cast %parallel_loop3A_2173 : i32 to index
      %parallel_loop3A_2175 = tpu.vector_load %arg6[%parallel_loop3A_2174] {strides = array<i32>} : memref<32768xf32, #tpu.memory_space<vmem>>, vector<16xf32>,
      tpu.vector_store %arg6[%parallel_loop3A_2174], %broadcast_in_dim3A_5 {strides = array<i32>} : memref<32768xf32, #tpu.memory_space<vmem>>, vector<16xf32>,
      %parallel_loop3A_2176 = arith.constant 4096 : i32
      %parallel_loop3A_2177 = arith.muli %parallel_loop3A_12, %parallel_loop3A_2176 : i32
      %parallel_loop3A_2178 = arith.constant 2304 : i32
      %parallel_loop3A_2179 = arith.addi %parallel_loop3A_2177, %parallel_loop3A_2178 : i32
      %parallel_loop3A_2180 = arith.constant 96 : i32
      %parallel_loop3A_2181 = arith.addi %parallel_loop3A_2179, %parallel_loop3A_2180 : i32
      %parallel_loop3A_2182 = arith.index_cast %parallel_loop3A_2181 : i32 to index
      %parallel_loop3A_2183 = tpu.vector_load %arg6[%parallel_loop3A_2182] {strides = array<i32>} : memref<32768xf32, #tpu.memory_space<vmem>>, vector<16xf32>,
      tpu.vector_store %arg6[%parallel_loop3A_2182], %broadcast_in_dim3A_5 {strides = array<i32>} : memref<32768xf32, #tpu.memory_space<vmem>>, vector<16xf32>,
      %parallel_loop3A_2184 = arith.constant 4096 : i32
      %parallel_loop3A_2185 = arith.muli %parallel_loop3A_12, %parallel_loop3A_2184 : i32
      %parallel_loop3A_2186 = arith.constant 2304 : i32
      %parallel_loop3A_2187 = arith.addi %parallel_loop3A_2185, %parallel_loop3A_2186 : i32
      %parallel_loop3A_2188 = arith.constant 112 : i32
      %parallel_loop3A_2189 = arith.addi %parallel_loop3A_2187, %parallel_loop3A_2188 : i32
      %parallel_loop3A_2190 = arith.index_cast %parallel_loop3A_2189 : i32 to index
      %parallel_loop3A_2191 = tpu.vector_load %arg6[%parallel_loop3A_2190] {strides = array<i32>} : memref<32768xf32, #tpu.memory_space<vmem>>, vector<16xf32>,
      tpu.vector_store %arg6[%parallel_loop3A_2190], %broadcast_in_dim3A_5 {strides = array<i32>} : memref<32768xf32, #tpu.memory_space<vmem>>, vector<16xf32>,
      %parallel_loop3A_2192 = arith.constant 4096 : i32
      %parallel_loop3A_2193 = arith.muli %parallel_loop3A_12, %parallel_loop3A_2192 : i32
      %parallel_loop3A_2194 = arith.constant 2304 : i32
      %parallel_loop3A_2195 = arith.addi %parallel_loop3A_2193, %parallel_loop3A_2194 : i32
      %parallel_loop3A_2196 = arith.constant 128 : i32
      %parallel_loop3A_2197 = arith.addi %parallel_loop3A_2195, %parallel_loop3A_2196 : i32
      %parallel_loop3A_2198 = arith.index_cast %parallel_loop3A_2197 : i32 to index
      %parallel_loop3A_2199 = tpu.vector_load %arg6[%parallel_loop3A_2198] {strides = array<i32>} : memref<32768xf32, #tpu.memory_space<vmem>>, vector<16xf32>,
      tpu.vector_store %arg6[%parallel_loop3A_2198], %broadcast_in_dim3A_5 {strides = array<i32>} : memref<32768xf32, #tpu.memory_space<vmem>>, vector<16xf32>,
      %parallel_loop3A_2200 = arith.constant 4096 : i32
      %parallel_loop3A_2201 = arith.muli %parallel_loop3A_12, %parallel_loop3A_2200 : i32
      %parallel_loop3A_2202 = arith.constant 2304 : i32
      %parallel_loop3A_2203 = arith.addi %parallel_loop3A_2201, %parallel_loop3A_2202 : i32
      %parallel_loop3A_2204 = arith.constant 144 : i32
      %parallel_loop3A_2205 = arith.addi %parallel_loop3A_2203, %parallel_loop3A_2204 : i32
      %parallel_loop3A_2206 = arith.index_cast %parallel_loop3A_2205 : i32 to index
      %parallel_loop3A_2207 = tpu.vector_load %arg6[%parallel_loop3A_2206] {strides = array<i32>} : memref<32768xf32, #tpu.memory_space<vmem>>, vector<16xf32>,
      tpu.vector_store %arg6[%parallel_loop3A_2206], %broadcast_in_dim3A_5 {strides = array<i32>} : memref<32768xf32, #tpu.memory_space<vmem>>, vector<16xf32>,
      %parallel_loop3A_2208 = arith.constant 4096 : i32
      %parallel_loop3A_2209 = arith.muli %parallel_loop3A_12, %parallel_loop3A_2208 : i32
      %parallel_loop3A_2210 = arith.constant 2304 : i32
      %parallel_loop3A_2211 = arith.addi %parallel_loop3A_2209, %parallel_loop3A_2210 : i32
      %parallel_loop3A_2212 = arith.constant 160 : i32
      %parallel_loop3A_2213 = arith.addi %parallel_loop3A_2211, %parallel_loop3A_2212 : i32
      %parallel_loop3A_2214 = arith.index_cast %parallel_loop3A_2213 : i32 to index
      %parallel_loop3A_2215 = tpu.vector_load %arg6[%parallel_loop3A_2214] {strides = array<i32>} : memref<32768xf32, #tpu.memory_space<vmem>>, vector<16xf32>,
      tpu.vector_store %arg6[%parallel_loop3A_2214], %broadcast_in_dim3A_5 {strides = array<i32>} : memref<32768xf32, #tpu.memory_space<vmem>>, vector<16xf32>,
      %parallel_loop3A_2216 = arith.constant 4096 : i32
      %parallel_loop3A_2217 = arith.muli %parallel_loop3A_12, %parallel_loop3A_2216 : i32
      %parallel_loop3A_2218 = arith.constant 2304 : i32
      %parallel_loop3A_2219 = arith.addi %parallel_loop3A_2217, %parallel_loop3A_2218 : i32
      %parallel_loop3A_2220 = arith.constant 176 : i32
      %parallel_loop3A_2221 = arith.addi %parallel_loop3A_2219, %parallel_loop3A_2220 : i32
      %parallel_loop3A_2222 = arith.index_cast %parallel_loop3A_2221 : i32 to index
      %parallel_loop3A_2223 = tpu.vector_load %arg6[%parallel_loop3A_2222] {strides = array<i32>} : memref<32768xf32, #tpu.memory_space<vmem>>, vector<16xf32>,
      tpu.vector_store %arg6[%parallel_loop3A_2222], %broadcast_in_dim3A_5 {strides = array<i32>} : memref<32768xf32, #tpu.memory_space<vmem>>, vector<16xf32>,
      %parallel_loop3A_2224 = arith.constant 4096 : i32
      %parallel_loop3A_2225 = arith.muli %parallel_loop3A_12, %parallel_loop3A_2224 : i32
      %parallel_loop3A_2226 = arith.constant 2304 : i32
      %parallel_loop3A_2227 = arith.addi %parallel_loop3A_2225, %parallel_loop3A_2226 : i32
      %parallel_loop3A_2228 = arith.constant 192 : i32
      %parallel_loop3A_2229 = arith.addi %parallel_loop3A_2227, %parallel_loop3A_2228 : i32
      %parallel_loop3A_2230 = arith.index_cast %parallel_loop3A_2229 : i32 to index
      %parallel_loop3A_2231 = tpu.vector_load %arg6[%parallel_loop3A_2230] {strides = array<i32>} : memref<32768xf32, #tpu.memory_space<vmem>>, vector<16xf32>,
      tpu.vector_store %arg6[%parallel_loop3A_2230], %broadcast_in_dim3A_5 {strides = array<i32>} : memref<32768xf32, #tpu.memory_space<vmem>>, vector<16xf32>,
      %parallel_loop3A_2232 = arith.constant 4096 : i32
      %parallel_loop3A_2233 = arith.muli %parallel_loop3A_12, %parallel_loop3A_2232 : i32
      %parallel_loop3A_2234 = arith.constant 2304 : i32
      %parallel_loop3A_2235 = arith.addi %parallel_loop3A_2233, %parallel_loop3A_2234 : i32
      %parallel_loop3A_2236 = arith.constant 208 : i32
      %parallel_loop3A_2237 = arith.addi %parallel_loop3A_2235, %parallel_loop3A_2236 : i32
      %parallel_loop3A_2238 = arith.index_cast %parallel_loop3A_2237 : i32 to index
      %parallel_loop3A_2239 = tpu.vector_load %arg6[%parallel_loop3A_2238] {strides = array<i32>} : memref<32768xf32, #tpu.memory_space<vmem>>, vector<16xf32>,
      tpu.vector_store %arg6[%parallel_loop3A_2238], %broadcast_in_dim3A_5 {strides = array<i32>} : memref<32768xf32, #tpu.memory_space<vmem>>, vector<16xf32>,
      %parallel_loop3A_2240 = arith.constant 4096 : i32
      %parallel_loop3A_2241 = arith.muli %parallel_loop3A_12, %parallel_loop3A_2240 : i32
      %parallel_loop3A_2242 = arith.constant 2304 : i32
      %parallel_loop3A_2243 = arith.addi %parallel_loop3A_2241, %parallel_loop3A_2242 : i32
      %parallel_loop3A_2244 = arith.constant 224 : i32
      %parallel_loop3A_2245 = arith.addi %parallel_loop3A_2243, %parallel_loop3A_2244 : i32
      %parallel_loop3A_2246 = arith.index_cast %parallel_loop3A_2245 : i32 to index
      %parallel_loop3A_2247 = tpu.vector_load %arg6[%parallel_loop3A_2246] {strides = array<i32>} : memref<32768xf32, #tpu.memory_space<vmem>>, vector<16xf32>,
      tpu.vector_store %arg6[%parallel_loop3A_2246], %broadcast_in_dim3A_5 {strides = array<i32>} : memref<32768xf32, #tpu.memory_space<vmem>>, vector<16xf32>,
      %parallel_loop3A_2248 = arith.constant 4096 : i32
      %parallel_loop3A_2249 = arith.muli %parallel_loop3A_12, %parallel_loop3A_2248 : i32
      %parallel_loop3A_2250 = arith.constant 2304 : i32
      %parallel_loop3A_2251 = arith.addi %parallel_loop3A_2249, %parallel_loop3A_2250 : i32
      %parallel_loop3A_2252 = arith.constant 240 : i32
      %parallel_loop3A_2253 = arith.addi %parallel_loop3A_2251, %parallel_loop3A_2252 : i32
      %parallel_loop3A_2254 = arith.index_cast %parallel_loop3A_2253 : i32 to index
      %parallel_loop3A_2255 = tpu.vector_load %arg6[%parallel_loop3A_2254] {strides = array<i32>} : memref<32768xf32, #tpu.memory_space<vmem>>, vector<16xf32>,
      tpu.vector_store %arg6[%parallel_loop3A_2254], %broadcast_in_dim3A_5 {strides = array<i32>} : memref<32768xf32, #tpu.memory_space<vmem>>, vector<16xf32>,
      %parallel_loop3A_2256 = arith.constant 160 : i32
      %parallel_loop3A_2257 = vector.broadcast %parallel_loop3A_2256 : i32 to vector<16xi32>
      %parallel_loop3A_2258 = arith.addi %iota3A, %parallel_loop3A_2257 : vector<16xi32>
      %parallel_loop3A_2259 = arith.constant 160 : index
      %parallel_loop3A_2260 = tpu.vector_load %arg4[%parallel_loop3A_2259] {strides = array<i32>} : memref<512xf32, #tpu.memory_space<vmem>>, vector<16xf32>,
      %parallel_loop3A_2261 = arith.constant 416 : index
      %parallel_loop3A_2262 = tpu.vector_load %arg4[%parallel_loop3A_2261] {strides = array<i32>} : memref<512xf32, #tpu.memory_space<vmem>>, vector<16xf32>,
      %parallel_loop3A_2263 = arith.subf %parallel_loop3A_2260, %parallel_loop3A_17 : vector<16xf32>
      %parallel_loop3A_2264 = arith.constant 2.000000e+00 : f32
      %parallel_loop3A_2265 = vector.broadcast %parallel_loop3A_2264 : f32 to vector<16xf32>
      %parallel_loop3A_2266 = arith.mulf %parallel_loop3A_2263, %parallel_loop3A_2265 : vector<16xf32>
      %parallel_loop3A_2267 = arith.constant 8.000000e+00 : f32
      %parallel_loop3A_2268 = vector.broadcast %parallel_loop3A_2267 : f32 to vector<16xf32>
      %parallel_loop3A_2269 = arith.addf %parallel_loop3A_2266, %parallel_loop3A_2268 : vector<16xf32>
      %parallel_loop3A_2270 = arith.subf %parallel_loop3A_2262, %parallel_loop3A_21 : vector<16xf32>
      %parallel_loop3A_2271 = arith.constant 2.000000e+00 : f32
      %parallel_loop3A_2272 = vector.broadcast %parallel_loop3A_2271 : f32 to vector<16xf32>
      %parallel_loop3A_2273 = arith.mulf %parallel_loop3A_2270, %parallel_loop3A_2272 : vector<16xf32>
      %parallel_loop3A_2274 = arith.constant 8.000000e+00 : f32
      %parallel_loop3A_2275 = vector.broadcast %parallel_loop3A_2274 : f32 to vector<16xf32>
      %parallel_loop3A_2276 = arith.addf %parallel_loop3A_2273, %parallel_loop3A_2275 : vector<16xf32>
      %parallel_loop3A_2277 = arith.constant 0.000000e+00 : f32
      %parallel_loop3A_2278 = vector.broadcast %parallel_loop3A_2277 : f32 to vector<16xf32>
      %parallel_loop3A_2279 = arith.cmpf oge, %parallel_loop3A_2269, %parallel_loop3A_2278 : vector<16xf32>
      %parallel_loop3A_2280 = arith.constant 1.600000e+01 : f32
      %parallel_loop3A_2281 = vector.broadcast %parallel_loop3A_2280 : f32 to vector<16xf32>
      %parallel_loop3A_2282 = arith.cmpf olt, %parallel_loop3A_2269, %parallel_loop3A_2281 : vector<16xf32>
      %parallel_loop3A_2283 = arith.andi %parallel_loop3A_2279, %parallel_loop3A_2282 : vector<16xi1>
      %parallel_loop3A_2284 = arith.constant 0.000000e+00 : f32
      %parallel_loop3A_2285 = vector.broadcast %parallel_loop3A_2284 : f32 to vector<16xf32>
      %parallel_loop3A_2286 = arith.cmpf oge, %parallel_loop3A_2276, %parallel_loop3A_2285 : vector<16xf32>
      %parallel_loop3A_2287 = arith.andi %parallel_loop3A_2283, %parallel_loop3A_2286 : vector<16xi1>
      %parallel_loop3A_2288 = arith.constant 1.600000e+01 : f32
      %parallel_loop3A_2289 = vector.broadcast %parallel_loop3A_2288 : f32 to vector<16xf32>
      %parallel_loop3A_2290 = arith.cmpf olt, %parallel_loop3A_2276, %parallel_loop3A_2289 : vector<16xf32>
      %parallel_loop3A_2291 = arith.andi %parallel_loop3A_2287, %parallel_loop3A_2290 : vector<16xi1>
      %parallel_loop3A_2292 = vector.broadcast %parallel_loop3A_13 : i32 to vector<16xi32>
      %parallel_loop3A_2293 = arith.cmpi ne, %parallel_loop3A_2258, %parallel_loop3A_2292 : vector<16xi32>
      %parallel_loop3A_2294 = arith.andi %parallel_loop3A_2291, %parallel_loop3A_2293 : vector<16xi1>
      %parallel_loop3A_2295 = arith.fptosi %parallel_loop3A_2269 : vector<16xf32> to vector<16xi32>
      %parallel_loop3A_2296 = arith.fptosi %parallel_loop3A_2276 : vector<16xf32> to vector<16xi32>
      %parallel_loop3A_2297 = arith.constant 16 : i32
      %parallel_loop3A_2298 = vector.broadcast %parallel_loop3A_2297 : i32 to vector<16xi32>
      %parallel_loop3A_2299 = arith.muli %parallel_loop3A_2295, %parallel_loop3A_2298 : vector<16xi32>
      %parallel_loop3A_2300 = arith.addi %parallel_loop3A_2299, %parallel_loop3A_2296 : vector<16xi32>
      %parallel_loop3A_2301 = arith.constant 256 : i32
      %parallel_loop3A_2302 = vector.broadcast %parallel_loop3A_2301 : i32 to vector<16xi32>
      %parallel_loop3A_2303 = arith.select %parallel_loop3A_2294, %parallel_loop3A_2300, %parallel_loop3A_2302 : vector<16xi1>, vector<16xi32>
      %parallel_loop3A_2304 = arith.constant 4 : i32
      %parallel_loop3A_2305 = vector.broadcast %parallel_loop3A_2304 : i32 to vector<16xi32>
      %parallel_loop3A_2306 = arith.shli %parallel_loop3A_2303, %parallel_loop3A_2305 : vector<16xi32>
      %parallel_loop3A_2307 = arith.ori %parallel_loop3A_2306, %iota3A : vector<16xi32>
      %parallel_loop3A_2308 = arith.constant dense<true> : vector<16xi1>
      %parallel_loop3A_2309 = arith.constant -2147483648 : i32
      %parallel_loop3A_2310 = vector.broadcast %parallel_loop3A_2309 : i32 to vector<16xi32>
      %parallel_loop3A_2311 = arith.xori %parallel_loop3A_2307, %parallel_loop3A_2310 : vector<16xi32>
      %parallel_loop3A_2312, %parallel_loop3A_2313, %parallel_loop3A_2314 = tpu.sort %parallel_loop3A_2311, %parallel_loop3A_2258 masked %parallel_loop3A_2308 : (vector<16xi32>, vector<16xi32>, vector<16xi1>) -> (vector<16xi1>, vector<16xi32>, vector<16xi32>)
      %parallel_loop3A_2315 = arith.xori %parallel_loop3A_2313, %parallel_loop3A_2310 : vector<16xi32>
      %parallel_loop3A_2316 = arith.constant 4 : i32
      %parallel_loop3A_2317 = vector.broadcast %parallel_loop3A_2316 : i32 to vector<16xi32>
      %parallel_loop3A_2318 = arith.shrsi %parallel_loop3A_2315, %parallel_loop3A_2317 : vector<16xi32>
      %parallel_loop3A_2319 = arith.constant 272 : i32
      %parallel_loop3A_2320 = arith.addi %parallel_loop3A_15, %parallel_loop3A_2319 : i32
      %parallel_loop3A_2321 = arith.index_cast %parallel_loop3A_2320 : i32 to index
      %parallel_loop3A_2322 = tpu.vector_load %arg5[%parallel_loop3A_2321] {strides = array<i32>} : memref<2304xi32, #tpu.memory_space<vmem>>, vector<16xi32>,
      tpu.vector_store %arg5[%parallel_loop3A_2321], %parallel_loop3A_2318 {strides = array<i32>} : memref<2304xi32, #tpu.memory_space<vmem>>, vector<16xi32>,
      %parallel_loop3A_2323 = arith.constant 1 : i32
      %parallel_loop3A_2324 = vector.broadcast %parallel_loop3A_2323 : i32 to vector<16xi32>
      %parallel_loop3A_2325 = arith.addi %iota3A, %parallel_loop3A_2324 : vector<16xi32>
      %parallel_loop3A_2326 = arith.constant 15 : i32
      %parallel_loop3A_2327 = vector.broadcast %parallel_loop3A_2326 : i32 to vector<16xi32>
      %parallel_loop3A_2328 = arith.minsi %parallel_loop3A_2325, %parallel_loop3A_2327 : vector<16xi32>
      %parallel_loop3A_2329 = arith.constant 272 : i32
      %parallel_loop3A_2330 = arith.addi %parallel_loop3A_15, %parallel_loop3A_2329 : i32
      %parallel_loop3A_2331 = vector.broadcast %parallel_loop3A_2330 : i32 to vector<16xi32>
      %parallel_loop3A_2332 = arith.addi %parallel_loop3A_2328, %parallel_loop3A_2331 : vector<16xi32>
      %parallel_loop3A_2333 = tpu.vector_load_idx %arg5[%parallel_loop3A_2332] : memref<2304xi32, #tpu.memory_space<vmem>>[vector<16xi32>], vector<16xi32>,
      %parallel_loop3A_2334 = arith.cmpi ne, %parallel_loop3A_2333, %parallel_loop3A_2318 : vector<16xi32>
      %parallel_loop3A_2335 = arith.constant 15 : i32
      %parallel_loop3A_2336 = vector.broadcast %parallel_loop3A_2335 : i32 to vector<16xi32>
      %parallel_loop3A_2337 = arith.cmpi eq, %iota3A, %parallel_loop3A_2336 : vector<16xi32>
      %parallel_loop3A_2338 = arith.ori %parallel_loop3A_2334, %parallel_loop3A_2337 : vector<16xi1>
      %parallel_loop3A_2339 = arith.constant 256 : i32
      %parallel_loop3A_2340 = vector.broadcast %parallel_loop3A_2339 : i32 to vector<16xi32>
      %parallel_loop3A_2341 = arith.cmpi slt, %parallel_loop3A_2318, %parallel_loop3A_2340 : vector<16xi32>
      %parallel_loop3A_2342 = arith.andi %parallel_loop3A_2338, %parallel_loop3A_2341 : vector<16xi1>
      %parallel_loop3A_2343 = vector.broadcast %parallel_loop3A_15 : i32 to vector<16xi32>
      %parallel_loop3A_2344 = arith.addi %parallel_loop3A_2318, %parallel_loop3A_2343 : vector<16xi32>
      tpu.vector_store_idx %arg5[%parallel_loop3A_2344], %parallel_loop3A_2314 masked %parallel_loop3A_2342 : memref<2304xi32, #tpu.memory_space<vmem>>[vector<16xi32>], vector<16xi32>, vector<16xi1>
      %parallel_loop3A_2345 = arith.constant 4096 : i32
      %parallel_loop3A_2346 = arith.muli %parallel_loop3A_12, %parallel_loop3A_2345 : i32
      %parallel_loop3A_2347 = arith.constant 2560 : i32
      %parallel_loop3A_2348 = arith.addi %parallel_loop3A_2346, %parallel_loop3A_2347 : i32
      %parallel_loop3A_2349 = arith.constant 0 : i32
      %parallel_loop3A_2350 = arith.addi %parallel_loop3A_2348, %parallel_loop3A_2349 : i32
      %parallel_loop3A_2351 = arith.index_cast %parallel_loop3A_2350 : i32 to index
      %parallel_loop3A_2352 = tpu.vector_load %arg6[%parallel_loop3A_2351] {strides = array<i32>} : memref<32768xf32, #tpu.memory_space<vmem>>, vector<16xf32>,
      tpu.vector_store %arg6[%parallel_loop3A_2351], %broadcast_in_dim3A_5 {strides = array<i32>} : memref<32768xf32, #tpu.memory_space<vmem>>, vector<16xf32>,
      %parallel_loop3A_2353 = arith.constant 4096 : i32
      %parallel_loop3A_2354 = arith.muli %parallel_loop3A_12, %parallel_loop3A_2353 : i32
      %parallel_loop3A_2355 = arith.constant 2560 : i32
      %parallel_loop3A_2356 = arith.addi %parallel_loop3A_2354, %parallel_loop3A_2355 : i32
      %parallel_loop3A_2357 = arith.constant 16 : i32
      %parallel_loop3A_2358 = arith.addi %parallel_loop3A_2356, %parallel_loop3A_2357 : i32
      %parallel_loop3A_2359 = arith.index_cast %parallel_loop3A_2358 : i32 to index
      %parallel_loop3A_2360 = tpu.vector_load %arg6[%parallel_loop3A_2359] {strides = array<i32>} : memref<32768xf32, #tpu.memory_space<vmem>>, vector<16xf32>,
      tpu.vector_store %arg6[%parallel_loop3A_2359], %broadcast_in_dim3A_5 {strides = array<i32>} : memref<32768xf32, #tpu.memory_space<vmem>>, vector<16xf32>,
      %parallel_loop3A_2361 = arith.constant 4096 : i32
      %parallel_loop3A_2362 = arith.muli %parallel_loop3A_12, %parallel_loop3A_2361 : i32
      %parallel_loop3A_2363 = arith.constant 2560 : i32
      %parallel_loop3A_2364 = arith.addi %parallel_loop3A_2362, %parallel_loop3A_2363 : i32
      %parallel_loop3A_2365 = arith.constant 32 : i32
      %parallel_loop3A_2366 = arith.addi %parallel_loop3A_2364, %parallel_loop3A_2365 : i32
      %parallel_loop3A_2367 = arith.index_cast %parallel_loop3A_2366 : i32 to index
      %parallel_loop3A_2368 = tpu.vector_load %arg6[%parallel_loop3A_2367] {strides = array<i32>} : memref<32768xf32, #tpu.memory_space<vmem>>, vector<16xf32>,
      tpu.vector_store %arg6[%parallel_loop3A_2367], %broadcast_in_dim3A_5 {strides = array<i32>} : memref<32768xf32, #tpu.memory_space<vmem>>, vector<16xf32>,
      %parallel_loop3A_2369 = arith.constant 4096 : i32
      %parallel_loop3A_2370 = arith.muli %parallel_loop3A_12, %parallel_loop3A_2369 : i32
      %parallel_loop3A_2371 = arith.constant 2560 : i32
      %parallel_loop3A_2372 = arith.addi %parallel_loop3A_2370, %parallel_loop3A_2371 : i32
      %parallel_loop3A_2373 = arith.constant 48 : i32
      %parallel_loop3A_2374 = arith.addi %parallel_loop3A_2372, %parallel_loop3A_2373 : i32
      %parallel_loop3A_2375 = arith.index_cast %parallel_loop3A_2374 : i32 to index
      %parallel_loop3A_2376 = tpu.vector_load %arg6[%parallel_loop3A_2375] {strides = array<i32>} : memref<32768xf32, #tpu.memory_space<vmem>>, vector<16xf32>,
      tpu.vector_store %arg6[%parallel_loop3A_2375], %broadcast_in_dim3A_5 {strides = array<i32>} : memref<32768xf32, #tpu.memory_space<vmem>>, vector<16xf32>,
      %parallel_loop3A_2377 = arith.constant 4096 : i32
      %parallel_loop3A_2378 = arith.muli %parallel_loop3A_12, %parallel_loop3A_2377 : i32
      %parallel_loop3A_2379 = arith.constant 2560 : i32
      %parallel_loop3A_2380 = arith.addi %parallel_loop3A_2378, %parallel_loop3A_2379 : i32
      %parallel_loop3A_2381 = arith.constant 64 : i32
      %parallel_loop3A_2382 = arith.addi %parallel_loop3A_2380, %parallel_loop3A_2381 : i32
      %parallel_loop3A_2383 = arith.index_cast %parallel_loop3A_2382 : i32 to index
      %parallel_loop3A_2384 = tpu.vector_load %arg6[%parallel_loop3A_2383] {strides = array<i32>} : memref<32768xf32, #tpu.memory_space<vmem>>, vector<16xf32>,
      tpu.vector_store %arg6[%parallel_loop3A_2383], %broadcast_in_dim3A_5 {strides = array<i32>} : memref<32768xf32, #tpu.memory_space<vmem>>, vector<16xf32>,
      %parallel_loop3A_2385 = arith.constant 4096 : i32
      %parallel_loop3A_2386 = arith.muli %parallel_loop3A_12, %parallel_loop3A_2385 : i32
      %parallel_loop3A_2387 = arith.constant 2560 : i32
      %parallel_loop3A_2388 = arith.addi %parallel_loop3A_2386, %parallel_loop3A_2387 : i32
      %parallel_loop3A_2389 = arith.constant 80 : i32
      %parallel_loop3A_2390 = arith.addi %parallel_loop3A_2388, %parallel_loop3A_2389 : i32
      %parallel_loop3A_2391 = arith.index_cast %parallel_loop3A_2390 : i32 to index
      %parallel_loop3A_2392 = tpu.vector_load %arg6[%parallel_loop3A_2391] {strides = array<i32>} : memref<32768xf32, #tpu.memory_space<vmem>>, vector<16xf32>,
      tpu.vector_store %arg6[%parallel_loop3A_2391], %broadcast_in_dim3A_5 {strides = array<i32>} : memref<32768xf32, #tpu.memory_space<vmem>>, vector<16xf32>,
      %parallel_loop3A_2393 = arith.constant 4096 : i32
      %parallel_loop3A_2394 = arith.muli %parallel_loop3A_12, %parallel_loop3A_2393 : i32
      %parallel_loop3A_2395 = arith.constant 2560 : i32
      %parallel_loop3A_2396 = arith.addi %parallel_loop3A_2394, %parallel_loop3A_2395 : i32
      %parallel_loop3A_2397 = arith.constant 96 : i32
      %parallel_loop3A_2398 = arith.addi %parallel_loop3A_2396, %parallel_loop3A_2397 : i32
      %parallel_loop3A_2399 = arith.index_cast %parallel_loop3A_2398 : i32 to index
      %parallel_loop3A_2400 = tpu.vector_load %arg6[%parallel_loop3A_2399] {strides = array<i32>} : memref<32768xf32, #tpu.memory_space<vmem>>, vector<16xf32>,
      tpu.vector_store %arg6[%parallel_loop3A_2399], %broadcast_in_dim3A_5 {strides = array<i32>} : memref<32768xf32, #tpu.memory_space<vmem>>, vector<16xf32>,
      %parallel_loop3A_2401 = arith.constant 4096 : i32
      %parallel_loop3A_2402 = arith.muli %parallel_loop3A_12, %parallel_loop3A_2401 : i32
      %parallel_loop3A_2403 = arith.constant 2560 : i32
      %parallel_loop3A_2404 = arith.addi %parallel_loop3A_2402, %parallel_loop3A_2403 : i32
      %parallel_loop3A_2405 = arith.constant 112 : i32
      %parallel_loop3A_2406 = arith.addi %parallel_loop3A_2404, %parallel_loop3A_2405 : i32
      %parallel_loop3A_2407 = arith.index_cast %parallel_loop3A_2406 : i32 to index
      %parallel_loop3A_2408 = tpu.vector_load %arg6[%parallel_loop3A_2407] {strides = array<i32>} : memref<32768xf32, #tpu.memory_space<vmem>>, vector<16xf32>,
      tpu.vector_store %arg6[%parallel_loop3A_2407], %broadcast_in_dim3A_5 {strides = array<i32>} : memref<32768xf32, #tpu.memory_space<vmem>>, vector<16xf32>,
      %parallel_loop3A_2409 = arith.constant 4096 : i32
      %parallel_loop3A_2410 = arith.muli %parallel_loop3A_12, %parallel_loop3A_2409 : i32
      %parallel_loop3A_2411 = arith.constant 2560 : i32
      %parallel_loop3A_2412 = arith.addi %parallel_loop3A_2410, %parallel_loop3A_2411 : i32
      %parallel_loop3A_2413 = arith.constant 128 : i32
      %parallel_loop3A_2414 = arith.addi %parallel_loop3A_2412, %parallel_loop3A_2413 : i32
      %parallel_loop3A_2415 = arith.index_cast %parallel_loop3A_2414 : i32 to index
      %parallel_loop3A_2416 = tpu.vector_load %arg6[%parallel_loop3A_2415] {strides = array<i32>} : memref<32768xf32, #tpu.memory_space<vmem>>, vector<16xf32>,
      tpu.vector_store %arg6[%parallel_loop3A_2415], %broadcast_in_dim3A_5 {strides = array<i32>} : memref<32768xf32, #tpu.memory_space<vmem>>, vector<16xf32>,
      %parallel_loop3A_2417 = arith.constant 4096 : i32
      %parallel_loop3A_2418 = arith.muli %parallel_loop3A_12, %parallel_loop3A_2417 : i32
      %parallel_loop3A_2419 = arith.constant 2560 : i32
      %parallel_loop3A_2420 = arith.addi %parallel_loop3A_2418, %parallel_loop3A_2419 : i32
      %parallel_loop3A_2421 = arith.constant 144 : i32
      %parallel_loop3A_2422 = arith.addi %parallel_loop3A_2420, %parallel_loop3A_2421 : i32
      %parallel_loop3A_2423 = arith.index_cast %parallel_loop3A_2422 : i32 to index
      %parallel_loop3A_2424 = tpu.vector_load %arg6[%parallel_loop3A_2423] {strides = array<i32>} : memref<32768xf32, #tpu.memory_space<vmem>>, vector<16xf32>,
      tpu.vector_store %arg6[%parallel_loop3A_2423], %broadcast_in_dim3A_5 {strides = array<i32>} : memref<32768xf32, #tpu.memory_space<vmem>>, vector<16xf32>,
      %parallel_loop3A_2425 = arith.constant 4096 : i32
      %parallel_loop3A_2426 = arith.muli %parallel_loop3A_12, %parallel_loop3A_2425 : i32
      %parallel_loop3A_2427 = arith.constant 2560 : i32
      %parallel_loop3A_2428 = arith.addi %parallel_loop3A_2426, %parallel_loop3A_2427 : i32
      %parallel_loop3A_2429 = arith.constant 160 : i32
      %parallel_loop3A_2430 = arith.addi %parallel_loop3A_2428, %parallel_loop3A_2429 : i32
      %parallel_loop3A_2431 = arith.index_cast %parallel_loop3A_2430 : i32 to index
      %parallel_loop3A_2432 = tpu.vector_load %arg6[%parallel_loop3A_2431] {strides = array<i32>} : memref<32768xf32, #tpu.memory_space<vmem>>, vector<16xf32>,
      tpu.vector_store %arg6[%parallel_loop3A_2431], %broadcast_in_dim3A_5 {strides = array<i32>} : memref<32768xf32, #tpu.memory_space<vmem>>, vector<16xf32>,
      %parallel_loop3A_2433 = arith.constant 4096 : i32
      %parallel_loop3A_2434 = arith.muli %parallel_loop3A_12, %parallel_loop3A_2433 : i32
      %parallel_loop3A_2435 = arith.constant 2560 : i32
      %parallel_loop3A_2436 = arith.addi %parallel_loop3A_2434, %parallel_loop3A_2435 : i32
      %parallel_loop3A_2437 = arith.constant 176 : i32
      %parallel_loop3A_2438 = arith.addi %parallel_loop3A_2436, %parallel_loop3A_2437 : i32
      %parallel_loop3A_2439 = arith.index_cast %parallel_loop3A_2438 : i32 to index
      %parallel_loop3A_2440 = tpu.vector_load %arg6[%parallel_loop3A_2439] {strides = array<i32>} : memref<32768xf32, #tpu.memory_space<vmem>>, vector<16xf32>,
      tpu.vector_store %arg6[%parallel_loop3A_2439], %broadcast_in_dim3A_5 {strides = array<i32>} : memref<32768xf32, #tpu.memory_space<vmem>>, vector<16xf32>,
      %parallel_loop3A_2441 = arith.constant 4096 : i32
      %parallel_loop3A_2442 = arith.muli %parallel_loop3A_12, %parallel_loop3A_2441 : i32
      %parallel_loop3A_2443 = arith.constant 2560 : i32
      %parallel_loop3A_2444 = arith.addi %parallel_loop3A_2442, %parallel_loop3A_2443 : i32
      %parallel_loop3A_2445 = arith.constant 192 : i32
      %parallel_loop3A_2446 = arith.addi %parallel_loop3A_2444, %parallel_loop3A_2445 : i32
      %parallel_loop3A_2447 = arith.index_cast %parallel_loop3A_2446 : i32 to index
      %parallel_loop3A_2448 = tpu.vector_load %arg6[%parallel_loop3A_2447] {strides = array<i32>} : memref<32768xf32, #tpu.memory_space<vmem>>, vector<16xf32>,
      tpu.vector_store %arg6[%parallel_loop3A_2447], %broadcast_in_dim3A_5 {strides = array<i32>} : memref<32768xf32, #tpu.memory_space<vmem>>, vector<16xf32>,
      %parallel_loop3A_2449 = arith.constant 4096 : i32
      %parallel_loop3A_2450 = arith.muli %parallel_loop3A_12, %parallel_loop3A_2449 : i32
      %parallel_loop3A_2451 = arith.constant 2560 : i32
      %parallel_loop3A_2452 = arith.addi %parallel_loop3A_2450, %parallel_loop3A_2451 : i32
      %parallel_loop3A_2453 = arith.constant 208 : i32
      %parallel_loop3A_2454 = arith.addi %parallel_loop3A_2452, %parallel_loop3A_2453 : i32
      %parallel_loop3A_2455 = arith.index_cast %parallel_loop3A_2454 : i32 to index
      %parallel_loop3A_2456 = tpu.vector_load %arg6[%parallel_loop3A_2455] {strides = array<i32>} : memref<32768xf32, #tpu.memory_space<vmem>>, vector<16xf32>,
      tpu.vector_store %arg6[%parallel_loop3A_2455], %broadcast_in_dim3A_5 {strides = array<i32>} : memref<32768xf32, #tpu.memory_space<vmem>>, vector<16xf32>,
      %parallel_loop3A_2457 = arith.constant 4096 : i32
      %parallel_loop3A_2458 = arith.muli %parallel_loop3A_12, %parallel_loop3A_2457 : i32
      %parallel_loop3A_2459 = arith.constant 2560 : i32
      %parallel_loop3A_2460 = arith.addi %parallel_loop3A_2458, %parallel_loop3A_2459 : i32
      %parallel_loop3A_2461 = arith.constant 224 : i32
      %parallel_loop3A_2462 = arith.addi %parallel_loop3A_2460, %parallel_loop3A_2461 : i32
      %parallel_loop3A_2463 = arith.index_cast %parallel_loop3A_2462 : i32 to index
      %parallel_loop3A_2464 = tpu.vector_load %arg6[%parallel_loop3A_2463] {strides = array<i32>} : memref<32768xf32, #tpu.memory_space<vmem>>, vector<16xf32>,
      tpu.vector_store %arg6[%parallel_loop3A_2463], %broadcast_in_dim3A_5 {strides = array<i32>} : memref<32768xf32, #tpu.memory_space<vmem>>, vector<16xf32>,
      %parallel_loop3A_2465 = arith.constant 4096 : i32
      %parallel_loop3A_2466 = arith.muli %parallel_loop3A_12, %parallel_loop3A_2465 : i32
      %parallel_loop3A_2467 = arith.constant 2560 : i32
      %parallel_loop3A_2468 = arith.addi %parallel_loop3A_2466, %parallel_loop3A_2467 : i32
      %parallel_loop3A_2469 = arith.constant 240 : i32
      %parallel_loop3A_2470 = arith.addi %parallel_loop3A_2468, %parallel_loop3A_2469 : i32
      %parallel_loop3A_2471 = arith.index_cast %parallel_loop3A_2470 : i32 to index
      %parallel_loop3A_2472 = tpu.vector_load %arg6[%parallel_loop3A_2471] {strides = array<i32>} : memref<32768xf32, #tpu.memory_space<vmem>>, vector<16xf32>,
      tpu.vector_store %arg6[%parallel_loop3A_2471], %broadcast_in_dim3A_5 {strides = array<i32>} : memref<32768xf32, #tpu.memory_space<vmem>>, vector<16xf32>,
      %parallel_loop3A_2473 = arith.constant 176 : i32
      %parallel_loop3A_2474 = vector.broadcast %parallel_loop3A_2473 : i32 to vector<16xi32>
      %parallel_loop3A_2475 = arith.addi %iota3A, %parallel_loop3A_2474 : vector<16xi32>
      %parallel_loop3A_2476 = arith.constant 176 : index
      %parallel_loop3A_2477 = tpu.vector_load %arg4[%parallel_loop3A_2476] {strides = array<i32>} : memref<512xf32, #tpu.memory_space<vmem>>, vector<16xf32>,
      %parallel_loop3A_2478 = arith.constant 432 : index
      %parallel_loop3A_2479 = tpu.vector_load %arg4[%parallel_loop3A_2478] {strides = array<i32>} : memref<512xf32, #tpu.memory_space<vmem>>, vector<16xf32>,
      %parallel_loop3A_2480 = arith.subf %parallel_loop3A_2477, %parallel_loop3A_17 : vector<16xf32>
      %parallel_loop3A_2481 = arith.constant 2.000000e+00 : f32
      %parallel_loop3A_2482 = vector.broadcast %parallel_loop3A_2481 : f32 to vector<16xf32>
      %parallel_loop3A_2483 = arith.mulf %parallel_loop3A_2480, %parallel_loop3A_2482 : vector<16xf32>
      %parallel_loop3A_2484 = arith.constant 8.000000e+00 : f32
      %parallel_loop3A_2485 = vector.broadcast %parallel_loop3A_2484 : f32 to vector<16xf32>
      %parallel_loop3A_2486 = arith.addf %parallel_loop3A_2483, %parallel_loop3A_2485 : vector<16xf32>
      %parallel_loop3A_2487 = arith.subf %parallel_loop3A_2479, %parallel_loop3A_21 : vector<16xf32>
      %parallel_loop3A_2488 = arith.constant 2.000000e+00 : f32
      %parallel_loop3A_2489 = vector.broadcast %parallel_loop3A_2488 : f32 to vector<16xf32>
      %parallel_loop3A_2490 = arith.mulf %parallel_loop3A_2487, %parallel_loop3A_2489 : vector<16xf32>
      %parallel_loop3A_2491 = arith.constant 8.000000e+00 : f32
      %parallel_loop3A_2492 = vector.broadcast %parallel_loop3A_2491 : f32 to vector<16xf32>
      %parallel_loop3A_2493 = arith.addf %parallel_loop3A_2490, %parallel_loop3A_2492 : vector<16xf32>
      %parallel_loop3A_2494 = arith.constant 0.000000e+00 : f32
      %parallel_loop3A_2495 = vector.broadcast %parallel_loop3A_2494 : f32 to vector<16xf32>
      %parallel_loop3A_2496 = arith.cmpf oge, %parallel_loop3A_2486, %parallel_loop3A_2495 : vector<16xf32>
      %parallel_loop3A_2497 = arith.constant 1.600000e+01 : f32
      %parallel_loop3A_2498 = vector.broadcast %parallel_loop3A_2497 : f32 to vector<16xf32>
      %parallel_loop3A_2499 = arith.cmpf olt, %parallel_loop3A_2486, %parallel_loop3A_2498 : vector<16xf32>
      %parallel_loop3A_2500 = arith.andi %parallel_loop3A_2496, %parallel_loop3A_2499 : vector<16xi1>
      %parallel_loop3A_2501 = arith.constant 0.000000e+00 : f32
      %parallel_loop3A_2502 = vector.broadcast %parallel_loop3A_2501 : f32 to vector<16xf32>
      %parallel_loop3A_2503 = arith.cmpf oge, %parallel_loop3A_2493, %parallel_loop3A_2502 : vector<16xf32>
      %parallel_loop3A_2504 = arith.andi %parallel_loop3A_2500, %parallel_loop3A_2503 : vector<16xi1>
      %parallel_loop3A_2505 = arith.constant 1.600000e+01 : f32
      %parallel_loop3A_2506 = vector.broadcast %parallel_loop3A_2505 : f32 to vector<16xf32>
      %parallel_loop3A_2507 = arith.cmpf olt, %parallel_loop3A_2493, %parallel_loop3A_2506 : vector<16xf32>
      %parallel_loop3A_2508 = arith.andi %parallel_loop3A_2504, %parallel_loop3A_2507 : vector<16xi1>
      %parallel_loop3A_2509 = vector.broadcast %parallel_loop3A_13 : i32 to vector<16xi32>
      %parallel_loop3A_2510 = arith.cmpi ne, %parallel_loop3A_2475, %parallel_loop3A_2509 : vector<16xi32>
      %parallel_loop3A_2511 = arith.andi %parallel_loop3A_2508, %parallel_loop3A_2510 : vector<16xi1>
      %parallel_loop3A_2512 = arith.fptosi %parallel_loop3A_2486 : vector<16xf32> to vector<16xi32>
      %parallel_loop3A_2513 = arith.fptosi %parallel_loop3A_2493 : vector<16xf32> to vector<16xi32>
      %parallel_loop3A_2514 = arith.constant 16 : i32
      %parallel_loop3A_2515 = vector.broadcast %parallel_loop3A_2514 : i32 to vector<16xi32>
      %parallel_loop3A_2516 = arith.muli %parallel_loop3A_2512, %parallel_loop3A_2515 : vector<16xi32>
      %parallel_loop3A_2517 = arith.addi %parallel_loop3A_2516, %parallel_loop3A_2513 : vector<16xi32>
      %parallel_loop3A_2518 = arith.constant 256 : i32
      %parallel_loop3A_2519 = vector.broadcast %parallel_loop3A_2518 : i32 to vector<16xi32>
      %parallel_loop3A_2520 = arith.select %parallel_loop3A_2511, %parallel_loop3A_2517, %parallel_loop3A_2519 : vector<16xi1>, vector<16xi32>
      %parallel_loop3A_2521 = arith.constant 4 : i32
      %parallel_loop3A_2522 = vector.broadcast %parallel_loop3A_2521 : i32 to vector<16xi32>
      %parallel_loop3A_2523 = arith.shli %parallel_loop3A_2520, %parallel_loop3A_2522 : vector<16xi32>
      %parallel_loop3A_2524 = arith.ori %parallel_loop3A_2523, %iota3A : vector<16xi32>
      %parallel_loop3A_2525 = arith.constant dense<true> : vector<16xi1>
      %parallel_loop3A_2526 = arith.constant -2147483648 : i32
      %parallel_loop3A_2527 = vector.broadcast %parallel_loop3A_2526 : i32 to vector<16xi32>
      %parallel_loop3A_2528 = arith.xori %parallel_loop3A_2524, %parallel_loop3A_2527 : vector<16xi32>
      %parallel_loop3A_2529, %parallel_loop3A_2530, %parallel_loop3A_2531 = tpu.sort %parallel_loop3A_2528, %parallel_loop3A_2475 masked %parallel_loop3A_2525 : (vector<16xi32>, vector<16xi32>, vector<16xi1>) -> (vector<16xi1>, vector<16xi32>, vector<16xi32>)
      %parallel_loop3A_2532 = arith.xori %parallel_loop3A_2530, %parallel_loop3A_2527 : vector<16xi32>
      %parallel_loop3A_2533 = arith.constant 4 : i32
      %parallel_loop3A_2534 = vector.broadcast %parallel_loop3A_2533 : i32 to vector<16xi32>
      %parallel_loop3A_2535 = arith.shrsi %parallel_loop3A_2532, %parallel_loop3A_2534 : vector<16xi32>
      %parallel_loop3A_2536 = arith.constant 272 : i32
      %parallel_loop3A_2537 = arith.addi %parallel_loop3A_15, %parallel_loop3A_2536 : i32
      %parallel_loop3A_2538 = arith.index_cast %parallel_loop3A_2537 : i32 to index
      %parallel_loop3A_2539 = tpu.vector_load %arg5[%parallel_loop3A_2538] {strides = array<i32>} : memref<2304xi32, #tpu.memory_space<vmem>>, vector<16xi32>,
      tpu.vector_store %arg5[%parallel_loop3A_2538], %parallel_loop3A_2535 {strides = array<i32>} : memref<2304xi32, #tpu.memory_space<vmem>>, vector<16xi32>,
      %parallel_loop3A_2540 = arith.constant 1 : i32
      %parallel_loop3A_2541 = vector.broadcast %parallel_loop3A_2540 : i32 to vector<16xi32>
      %parallel_loop3A_2542 = arith.addi %iota3A, %parallel_loop3A_2541 : vector<16xi32>
      %parallel_loop3A_2543 = arith.constant 15 : i32
      %parallel_loop3A_2544 = vector.broadcast %parallel_loop3A_2543 : i32 to vector<16xi32>
      %parallel_loop3A_2545 = arith.minsi %parallel_loop3A_2542, %parallel_loop3A_2544 : vector<16xi32>
      %parallel_loop3A_2546 = arith.constant 272 : i32
      %parallel_loop3A_2547 = arith.addi %parallel_loop3A_15, %parallel_loop3A_2546 : i32
      %parallel_loop3A_2548 = vector.broadcast %parallel_loop3A_2547 : i32 to vector<16xi32>
      %parallel_loop3A_2549 = arith.addi %parallel_loop3A_2545, %parallel_loop3A_2548 : vector<16xi32>
      %parallel_loop3A_2550 = tpu.vector_load_idx %arg5[%parallel_loop3A_2549] : memref<2304xi32, #tpu.memory_space<vmem>>[vector<16xi32>], vector<16xi32>,
      %parallel_loop3A_2551 = arith.cmpi ne, %parallel_loop3A_2550, %parallel_loop3A_2535 : vector<16xi32>
      %parallel_loop3A_2552 = arith.constant 15 : i32
      %parallel_loop3A_2553 = vector.broadcast %parallel_loop3A_2552 : i32 to vector<16xi32>
      %parallel_loop3A_2554 = arith.cmpi eq, %iota3A, %parallel_loop3A_2553 : vector<16xi32>
      %parallel_loop3A_2555 = arith.ori %parallel_loop3A_2551, %parallel_loop3A_2554 : vector<16xi1>
      %parallel_loop3A_2556 = arith.constant 256 : i32
      %parallel_loop3A_2557 = vector.broadcast %parallel_loop3A_2556 : i32 to vector<16xi32>
      %parallel_loop3A_2558 = arith.cmpi slt, %parallel_loop3A_2535, %parallel_loop3A_2557 : vector<16xi32>
      %parallel_loop3A_2559 = arith.andi %parallel_loop3A_2555, %parallel_loop3A_2558 : vector<16xi1>
      %parallel_loop3A_2560 = vector.broadcast %parallel_loop3A_15 : i32 to vector<16xi32>
      %parallel_loop3A_2561 = arith.addi %parallel_loop3A_2535, %parallel_loop3A_2560 : vector<16xi32>
      tpu.vector_store_idx %arg5[%parallel_loop3A_2561], %parallel_loop3A_2531 masked %parallel_loop3A_2559 : memref<2304xi32, #tpu.memory_space<vmem>>[vector<16xi32>], vector<16xi32>, vector<16xi1>
      %parallel_loop3A_2562 = arith.constant 4096 : i32
      %parallel_loop3A_2563 = arith.muli %parallel_loop3A_12, %parallel_loop3A_2562 : i32
      %parallel_loop3A_2564 = arith.constant 2816 : i32
      %parallel_loop3A_2565 = arith.addi %parallel_loop3A_2563, %parallel_loop3A_2564 : i32
      %parallel_loop3A_2566 = arith.constant 0 : i32
      %parallel_loop3A_2567 = arith.addi %parallel_loop3A_2565, %parallel_loop3A_2566 : i32
      %parallel_loop3A_2568 = arith.index_cast %parallel_loop3A_2567 : i32 to index
      %parallel_loop3A_2569 = tpu.vector_load %arg6[%parallel_loop3A_2568] {strides = array<i32>} : memref<32768xf32, #tpu.memory_space<vmem>>, vector<16xf32>,
      tpu.vector_store %arg6[%parallel_loop3A_2568], %broadcast_in_dim3A_5 {strides = array<i32>} : memref<32768xf32, #tpu.memory_space<vmem>>, vector<16xf32>,
      %parallel_loop3A_2570 = arith.constant 4096 : i32
      %parallel_loop3A_2571 = arith.muli %parallel_loop3A_12, %parallel_loop3A_2570 : i32
      %parallel_loop3A_2572 = arith.constant 2816 : i32
      %parallel_loop3A_2573 = arith.addi %parallel_loop3A_2571, %parallel_loop3A_2572 : i32
      %parallel_loop3A_2574 = arith.constant 16 : i32
      %parallel_loop3A_2575 = arith.addi %parallel_loop3A_2573, %parallel_loop3A_2574 : i32
      %parallel_loop3A_2576 = arith.index_cast %parallel_loop3A_2575 : i32 to index
      %parallel_loop3A_2577 = tpu.vector_load %arg6[%parallel_loop3A_2576] {strides = array<i32>} : memref<32768xf32, #tpu.memory_space<vmem>>, vector<16xf32>,
      tpu.vector_store %arg6[%parallel_loop3A_2576], %broadcast_in_dim3A_5 {strides = array<i32>} : memref<32768xf32, #tpu.memory_space<vmem>>, vector<16xf32>,
      %parallel_loop3A_2578 = arith.constant 4096 : i32
      %parallel_loop3A_2579 = arith.muli %parallel_loop3A_12, %parallel_loop3A_2578 : i32
      %parallel_loop3A_2580 = arith.constant 2816 : i32
      %parallel_loop3A_2581 = arith.addi %parallel_loop3A_2579, %parallel_loop3A_2580 : i32
      %parallel_loop3A_2582 = arith.constant 32 : i32
      %parallel_loop3A_2583 = arith.addi %parallel_loop3A_2581, %parallel_loop3A_2582 : i32
      %parallel_loop3A_2584 = arith.index_cast %parallel_loop3A_2583 : i32 to index
      %parallel_loop3A_2585 = tpu.vector_load %arg6[%parallel_loop3A_2584] {strides = array<i32>} : memref<32768xf32, #tpu.memory_space<vmem>>, vector<16xf32>,
      tpu.vector_store %arg6[%parallel_loop3A_2584], %broadcast_in_dim3A_5 {strides = array<i32>} : memref<32768xf32, #tpu.memory_space<vmem>>, vector<16xf32>,
      %parallel_loop3A_2586 = arith.constant 4096 : i32
      %parallel_loop3A_2587 = arith.muli %parallel_loop3A_12, %parallel_loop3A_2586 : i32
      %parallel_loop3A_2588 = arith.constant 2816 : i32
      %parallel_loop3A_2589 = arith.addi %parallel_loop3A_2587, %parallel_loop3A_2588 : i32
      %parallel_loop3A_2590 = arith.constant 48 : i32
      %parallel_loop3A_2591 = arith.addi %parallel_loop3A_2589, %parallel_loop3A_2590 : i32
      %parallel_loop3A_2592 = arith.index_cast %parallel_loop3A_2591 : i32 to index
      %parallel_loop3A_2593 = tpu.vector_load %arg6[%parallel_loop3A_2592] {strides = array<i32>} : memref<32768xf32, #tpu.memory_space<vmem>>, vector<16xf32>,
      tpu.vector_store %arg6[%parallel_loop3A_2592], %broadcast_in_dim3A_5 {strides = array<i32>} : memref<32768xf32, #tpu.memory_space<vmem>>, vector<16xf32>,
      %parallel_loop3A_2594 = arith.constant 4096 : i32
      %parallel_loop3A_2595 = arith.muli %parallel_loop3A_12, %parallel_loop3A_2594 : i32
      %parallel_loop3A_2596 = arith.constant 2816 : i32
      %parallel_loop3A_2597 = arith.addi %parallel_loop3A_2595, %parallel_loop3A_2596 : i32
      %parallel_loop3A_2598 = arith.constant 64 : i32
      %parallel_loop3A_2599 = arith.addi %parallel_loop3A_2597, %parallel_loop3A_2598 : i32
      %parallel_loop3A_2600 = arith.index_cast %parallel_loop3A_2599 : i32 to index
      %parallel_loop3A_2601 = tpu.vector_load %arg6[%parallel_loop3A_2600] {strides = array<i32>} : memref<32768xf32, #tpu.memory_space<vmem>>, vector<16xf32>,
      tpu.vector_store %arg6[%parallel_loop3A_2600], %broadcast_in_dim3A_5 {strides = array<i32>} : memref<32768xf32, #tpu.memory_space<vmem>>, vector<16xf32>,
      %parallel_loop3A_2602 = arith.constant 4096 : i32
      %parallel_loop3A_2603 = arith.muli %parallel_loop3A_12, %parallel_loop3A_2602 : i32
      %parallel_loop3A_2604 = arith.constant 2816 : i32
      %parallel_loop3A_2605 = arith.addi %parallel_loop3A_2603, %parallel_loop3A_2604 : i32
      %parallel_loop3A_2606 = arith.constant 80 : i32
      %parallel_loop3A_2607 = arith.addi %parallel_loop3A_2605, %parallel_loop3A_2606 : i32
      %parallel_loop3A_2608 = arith.index_cast %parallel_loop3A_2607 : i32 to index
      %parallel_loop3A_2609 = tpu.vector_load %arg6[%parallel_loop3A_2608] {strides = array<i32>} : memref<32768xf32, #tpu.memory_space<vmem>>, vector<16xf32>,
      tpu.vector_store %arg6[%parallel_loop3A_2608], %broadcast_in_dim3A_5 {strides = array<i32>} : memref<32768xf32, #tpu.memory_space<vmem>>, vector<16xf32>,
      %parallel_loop3A_2610 = arith.constant 4096 : i32
      %parallel_loop3A_2611 = arith.muli %parallel_loop3A_12, %parallel_loop3A_2610 : i32
      %parallel_loop3A_2612 = arith.constant 2816 : i32
      %parallel_loop3A_2613 = arith.addi %parallel_loop3A_2611, %parallel_loop3A_2612 : i32
      %parallel_loop3A_2614 = arith.constant 96 : i32
      %parallel_loop3A_2615 = arith.addi %parallel_loop3A_2613, %parallel_loop3A_2614 : i32
      %parallel_loop3A_2616 = arith.index_cast %parallel_loop3A_2615 : i32 to index
      %parallel_loop3A_2617 = tpu.vector_load %arg6[%parallel_loop3A_2616] {strides = array<i32>} : memref<32768xf32, #tpu.memory_space<vmem>>, vector<16xf32>,
      tpu.vector_store %arg6[%parallel_loop3A_2616], %broadcast_in_dim3A_5 {strides = array<i32>} : memref<32768xf32, #tpu.memory_space<vmem>>, vector<16xf32>,
      %parallel_loop3A_2618 = arith.constant 4096 : i32
      %parallel_loop3A_2619 = arith.muli %parallel_loop3A_12, %parallel_loop3A_2618 : i32
      %parallel_loop3A_2620 = arith.constant 2816 : i32
      %parallel_loop3A_2621 = arith.addi %parallel_loop3A_2619, %parallel_loop3A_2620 : i32
      %parallel_loop3A_2622 = arith.constant 112 : i32
      %parallel_loop3A_2623 = arith.addi %parallel_loop3A_2621, %parallel_loop3A_2622 : i32
      %parallel_loop3A_2624 = arith.index_cast %parallel_loop3A_2623 : i32 to index
      %parallel_loop3A_2625 = tpu.vector_load %arg6[%parallel_loop3A_2624] {strides = array<i32>} : memref<32768xf32, #tpu.memory_space<vmem>>, vector<16xf32>,
      tpu.vector_store %arg6[%parallel_loop3A_2624], %broadcast_in_dim3A_5 {strides = array<i32>} : memref<32768xf32, #tpu.memory_space<vmem>>, vector<16xf32>,
      %parallel_loop3A_2626 = arith.constant 4096 : i32
      %parallel_loop3A_2627 = arith.muli %parallel_loop3A_12, %parallel_loop3A_2626 : i32
      %parallel_loop3A_2628 = arith.constant 2816 : i32
      %parallel_loop3A_2629 = arith.addi %parallel_loop3A_2627, %parallel_loop3A_2628 : i32
      %parallel_loop3A_2630 = arith.constant 128 : i32
      %parallel_loop3A_2631 = arith.addi %parallel_loop3A_2629, %parallel_loop3A_2630 : i32
      %parallel_loop3A_2632 = arith.index_cast %parallel_loop3A_2631 : i32 to index
      %parallel_loop3A_2633 = tpu.vector_load %arg6[%parallel_loop3A_2632] {strides = array<i32>} : memref<32768xf32, #tpu.memory_space<vmem>>, vector<16xf32>,
      tpu.vector_store %arg6[%parallel_loop3A_2632], %broadcast_in_dim3A_5 {strides = array<i32>} : memref<32768xf32, #tpu.memory_space<vmem>>, vector<16xf32>,
      %parallel_loop3A_2634 = arith.constant 4096 : i32
      %parallel_loop3A_2635 = arith.muli %parallel_loop3A_12, %parallel_loop3A_2634 : i32
      %parallel_loop3A_2636 = arith.constant 2816 : i32
      %parallel_loop3A_2637 = arith.addi %parallel_loop3A_2635, %parallel_loop3A_2636 : i32
      %parallel_loop3A_2638 = arith.constant 144 : i32
      %parallel_loop3A_2639 = arith.addi %parallel_loop3A_2637, %parallel_loop3A_2638 : i32
      %parallel_loop3A_2640 = arith.index_cast %parallel_loop3A_2639 : i32 to index
      %parallel_loop3A_2641 = tpu.vector_load %arg6[%parallel_loop3A_2640] {strides = array<i32>} : memref<32768xf32, #tpu.memory_space<vmem>>, vector<16xf32>,
      tpu.vector_store %arg6[%parallel_loop3A_2640], %broadcast_in_dim3A_5 {strides = array<i32>} : memref<32768xf32, #tpu.memory_space<vmem>>, vector<16xf32>,
      %parallel_loop3A_2642 = arith.constant 4096 : i32
      %parallel_loop3A_2643 = arith.muli %parallel_loop3A_12, %parallel_loop3A_2642 : i32
      %parallel_loop3A_2644 = arith.constant 2816 : i32
      %parallel_loop3A_2645 = arith.addi %parallel_loop3A_2643, %parallel_loop3A_2644 : i32
      %parallel_loop3A_2646 = arith.constant 160 : i32
      %parallel_loop3A_2647 = arith.addi %parallel_loop3A_2645, %parallel_loop3A_2646 : i32
      %parallel_loop3A_2648 = arith.index_cast %parallel_loop3A_2647 : i32 to index
      %parallel_loop3A_2649 = tpu.vector_load %arg6[%parallel_loop3A_2648] {strides = array<i32>} : memref<32768xf32, #tpu.memory_space<vmem>>, vector<16xf32>,
      tpu.vector_store %arg6[%parallel_loop3A_2648], %broadcast_in_dim3A_5 {strides = array<i32>} : memref<32768xf32, #tpu.memory_space<vmem>>, vector<16xf32>,
      %parallel_loop3A_2650 = arith.constant 4096 : i32
      %parallel_loop3A_2651 = arith.muli %parallel_loop3A_12, %parallel_loop3A_2650 : i32
      %parallel_loop3A_2652 = arith.constant 2816 : i32
      %parallel_loop3A_2653 = arith.addi %parallel_loop3A_2651, %parallel_loop3A_2652 : i32
      %parallel_loop3A_2654 = arith.constant 176 : i32
      %parallel_loop3A_2655 = arith.addi %parallel_loop3A_2653, %parallel_loop3A_2654 : i32
      %parallel_loop3A_2656 = arith.index_cast %parallel_loop3A_2655 : i32 to index
      %parallel_loop3A_2657 = tpu.vector_load %arg6[%parallel_loop3A_2656] {strides = array<i32>} : memref<32768xf32, #tpu.memory_space<vmem>>, vector<16xf32>,
      tpu.vector_store %arg6[%parallel_loop3A_2656], %broadcast_in_dim3A_5 {strides = array<i32>} : memref<32768xf32, #tpu.memory_space<vmem>>, vector<16xf32>,
      %parallel_loop3A_2658 = arith.constant 4096 : i32
      %parallel_loop3A_2659 = arith.muli %parallel_loop3A_12, %parallel_loop3A_2658 : i32
      %parallel_loop3A_2660 = arith.constant 2816 : i32
      %parallel_loop3A_2661 = arith.addi %parallel_loop3A_2659, %parallel_loop3A_2660 : i32
      %parallel_loop3A_2662 = arith.constant 192 : i32
      %parallel_loop3A_2663 = arith.addi %parallel_loop3A_2661, %parallel_loop3A_2662 : i32
      %parallel_loop3A_2664 = arith.index_cast %parallel_loop3A_2663 : i32 to index
      %parallel_loop3A_2665 = tpu.vector_load %arg6[%parallel_loop3A_2664] {strides = array<i32>} : memref<32768xf32, #tpu.memory_space<vmem>>, vector<16xf32>,
      tpu.vector_store %arg6[%parallel_loop3A_2664], %broadcast_in_dim3A_5 {strides = array<i32>} : memref<32768xf32, #tpu.memory_space<vmem>>, vector<16xf32>,
      %parallel_loop3A_2666 = arith.constant 4096 : i32
      %parallel_loop3A_2667 = arith.muli %parallel_loop3A_12, %parallel_loop3A_2666 : i32
      %parallel_loop3A_2668 = arith.constant 2816 : i32
      %parallel_loop3A_2669 = arith.addi %parallel_loop3A_2667, %parallel_loop3A_2668 : i32
      %parallel_loop3A_2670 = arith.constant 208 : i32
      %parallel_loop3A_2671 = arith.addi %parallel_loop3A_2669, %parallel_loop3A_2670 : i32
      %parallel_loop3A_2672 = arith.index_cast %parallel_loop3A_2671 : i32 to index
      %parallel_loop3A_2673 = tpu.vector_load %arg6[%parallel_loop3A_2672] {strides = array<i32>} : memref<32768xf32, #tpu.memory_space<vmem>>, vector<16xf32>,
      tpu.vector_store %arg6[%parallel_loop3A_2672], %broadcast_in_dim3A_5 {strides = array<i32>} : memref<32768xf32, #tpu.memory_space<vmem>>, vector<16xf32>,
      %parallel_loop3A_2674 = arith.constant 4096 : i32
      %parallel_loop3A_2675 = arith.muli %parallel_loop3A_12, %parallel_loop3A_2674 : i32
      %parallel_loop3A_2676 = arith.constant 2816 : i32
      %parallel_loop3A_2677 = arith.addi %parallel_loop3A_2675, %parallel_loop3A_2676 : i32
      %parallel_loop3A_2678 = arith.constant 224 : i32
      %parallel_loop3A_2679 = arith.addi %parallel_loop3A_2677, %parallel_loop3A_2678 : i32
      %parallel_loop3A_2680 = arith.index_cast %parallel_loop3A_2679 : i32 to index
      %parallel_loop3A_2681 = tpu.vector_load %arg6[%parallel_loop3A_2680] {strides = array<i32>} : memref<32768xf32, #tpu.memory_space<vmem>>, vector<16xf32>,
      tpu.vector_store %arg6[%parallel_loop3A_2680], %broadcast_in_dim3A_5 {strides = array<i32>} : memref<32768xf32, #tpu.memory_space<vmem>>, vector<16xf32>,
      %parallel_loop3A_2682 = arith.constant 4096 : i32
      %parallel_loop3A_2683 = arith.muli %parallel_loop3A_12, %parallel_loop3A_2682 : i32
      %parallel_loop3A_2684 = arith.constant 2816 : i32
      %parallel_loop3A_2685 = arith.addi %parallel_loop3A_2683, %parallel_loop3A_2684 : i32
      %parallel_loop3A_2686 = arith.constant 240 : i32
      %parallel_loop3A_2687 = arith.addi %parallel_loop3A_2685, %parallel_loop3A_2686 : i32
      %parallel_loop3A_2688 = arith.index_cast %parallel_loop3A_2687 : i32 to index
      %parallel_loop3A_2689 = tpu.vector_load %arg6[%parallel_loop3A_2688] {strides = array<i32>} : memref<32768xf32, #tpu.memory_space<vmem>>, vector<16xf32>,
      tpu.vector_store %arg6[%parallel_loop3A_2688], %broadcast_in_dim3A_5 {strides = array<i32>} : memref<32768xf32, #tpu.memory_space<vmem>>, vector<16xf32>,
      %parallel_loop3A_2690 = arith.constant 192 : i32
      %parallel_loop3A_2691 = vector.broadcast %parallel_loop3A_2690 : i32 to vector<16xi32>
      %parallel_loop3A_2692 = arith.addi %iota3A, %parallel_loop3A_2691 : vector<16xi32>
      %parallel_loop3A_2693 = arith.constant 192 : index
      %parallel_loop3A_2694 = tpu.vector_load %arg4[%parallel_loop3A_2693] {strides = array<i32>} : memref<512xf32, #tpu.memory_space<vmem>>, vector<16xf32>,
      %parallel_loop3A_2695 = arith.constant 448 : index
      %parallel_loop3A_2696 = tpu.vector_load %arg4[%parallel_loop3A_2695] {strides = array<i32>} : memref<512xf32, #tpu.memory_space<vmem>>, vector<16xf32>,
      %parallel_loop3A_2697 = arith.subf %parallel_loop3A_2694, %parallel_loop3A_17 : vector<16xf32>
      %parallel_loop3A_2698 = arith.constant 2.000000e+00 : f32
      %parallel_loop3A_2699 = vector.broadcast %parallel_loop3A_2698 : f32 to vector<16xf32>
      %parallel_loop3A_2700 = arith.mulf %parallel_loop3A_2697, %parallel_loop3A_2699 : vector<16xf32>
      %parallel_loop3A_2701 = arith.constant 8.000000e+00 : f32
      %parallel_loop3A_2702 = vector.broadcast %parallel_loop3A_2701 : f32 to vector<16xf32>
      %parallel_loop3A_2703 = arith.addf %parallel_loop3A_2700, %parallel_loop3A_2702 : vector<16xf32>
      %parallel_loop3A_2704 = arith.subf %parallel_loop3A_2696, %parallel_loop3A_21 : vector<16xf32>
      %parallel_loop3A_2705 = arith.constant 2.000000e+00 : f32
      %parallel_loop3A_2706 = vector.broadcast %parallel_loop3A_2705 : f32 to vector<16xf32>
      %parallel_loop3A_2707 = arith.mulf %parallel_loop3A_2704, %parallel_loop3A_2706 : vector<16xf32>
      %parallel_loop3A_2708 = arith.constant 8.000000e+00 : f32
      %parallel_loop3A_2709 = vector.broadcast %parallel_loop3A_2708 : f32 to vector<16xf32>
      %parallel_loop3A_2710 = arith.addf %parallel_loop3A_2707, %parallel_loop3A_2709 : vector<16xf32>
      %parallel_loop3A_2711 = arith.constant 0.000000e+00 : f32
      %parallel_loop3A_2712 = vector.broadcast %parallel_loop3A_2711 : f32 to vector<16xf32>
      %parallel_loop3A_2713 = arith.cmpf oge, %parallel_loop3A_2703, %parallel_loop3A_2712 : vector<16xf32>
      %parallel_loop3A_2714 = arith.constant 1.600000e+01 : f32
      %parallel_loop3A_2715 = vector.broadcast %parallel_loop3A_2714 : f32 to vector<16xf32>
      %parallel_loop3A_2716 = arith.cmpf olt, %parallel_loop3A_2703, %parallel_loop3A_2715 : vector<16xf32>
      %parallel_loop3A_2717 = arith.andi %parallel_loop3A_2713, %parallel_loop3A_2716 : vector<16xi1>
      %parallel_loop3A_2718 = arith.constant 0.000000e+00 : f32
      %parallel_loop3A_2719 = vector.broadcast %parallel_loop3A_2718 : f32 to vector<16xf32>
      %parallel_loop3A_2720 = arith.cmpf oge, %parallel_loop3A_2710, %parallel_loop3A_2719 : vector<16xf32>
      %parallel_loop3A_2721 = arith.andi %parallel_loop3A_2717, %parallel_loop3A_2720 : vector<16xi1>
      %parallel_loop3A_2722 = arith.constant 1.600000e+01 : f32
      %parallel_loop3A_2723 = vector.broadcast %parallel_loop3A_2722 : f32 to vector<16xf32>
      %parallel_loop3A_2724 = arith.cmpf olt, %parallel_loop3A_2710, %parallel_loop3A_2723 : vector<16xf32>
      %parallel_loop3A_2725 = arith.andi %parallel_loop3A_2721, %parallel_loop3A_2724 : vector<16xi1>
      %parallel_loop3A_2726 = vector.broadcast %parallel_loop3A_13 : i32 to vector<16xi32>
      %parallel_loop3A_2727 = arith.cmpi ne, %parallel_loop3A_2692, %parallel_loop3A_2726 : vector<16xi32>
      %parallel_loop3A_2728 = arith.andi %parallel_loop3A_2725, %parallel_loop3A_2727 : vector<16xi1>
      %parallel_loop3A_2729 = arith.fptosi %parallel_loop3A_2703 : vector<16xf32> to vector<16xi32>
      %parallel_loop3A_2730 = arith.fptosi %parallel_loop3A_2710 : vector<16xf32> to vector<16xi32>
      %parallel_loop3A_2731 = arith.constant 16 : i32
      %parallel_loop3A_2732 = vector.broadcast %parallel_loop3A_2731 : i32 to vector<16xi32>
      %parallel_loop3A_2733 = arith.muli %parallel_loop3A_2729, %parallel_loop3A_2732 : vector<16xi32>
      %parallel_loop3A_2734 = arith.addi %parallel_loop3A_2733, %parallel_loop3A_2730 : vector<16xi32>
      %parallel_loop3A_2735 = arith.constant 256 : i32
      %parallel_loop3A_2736 = vector.broadcast %parallel_loop3A_2735 : i32 to vector<16xi32>
      %parallel_loop3A_2737 = arith.select %parallel_loop3A_2728, %parallel_loop3A_2734, %parallel_loop3A_2736 : vector<16xi1>, vector<16xi32>
      %parallel_loop3A_2738 = arith.constant 4 : i32
      %parallel_loop3A_2739 = vector.broadcast %parallel_loop3A_2738 : i32 to vector<16xi32>
      %parallel_loop3A_2740 = arith.shli %parallel_loop3A_2737, %parallel_loop3A_2739 : vector<16xi32>
      %parallel_loop3A_2741 = arith.ori %parallel_loop3A_2740, %iota3A : vector<16xi32>
      %parallel_loop3A_2742 = arith.constant dense<true> : vector<16xi1>
      %parallel_loop3A_2743 = arith.constant -2147483648 : i32
      %parallel_loop3A_2744 = vector.broadcast %parallel_loop3A_2743 : i32 to vector<16xi32>
      %parallel_loop3A_2745 = arith.xori %parallel_loop3A_2741, %parallel_loop3A_2744 : vector<16xi32>
      %parallel_loop3A_2746, %parallel_loop3A_2747, %parallel_loop3A_2748 = tpu.sort %parallel_loop3A_2745, %parallel_loop3A_2692 masked %parallel_loop3A_2742 : (vector<16xi32>, vector<16xi32>, vector<16xi1>) -> (vector<16xi1>, vector<16xi32>, vector<16xi32>)
      %parallel_loop3A_2749 = arith.xori %parallel_loop3A_2747, %parallel_loop3A_2744 : vector<16xi32>
      %parallel_loop3A_2750 = arith.constant 4 : i32
      %parallel_loop3A_2751 = vector.broadcast %parallel_loop3A_2750 : i32 to vector<16xi32>
      %parallel_loop3A_2752 = arith.shrsi %parallel_loop3A_2749, %parallel_loop3A_2751 : vector<16xi32>
      %parallel_loop3A_2753 = arith.constant 272 : i32
      %parallel_loop3A_2754 = arith.addi %parallel_loop3A_15, %parallel_loop3A_2753 : i32
      %parallel_loop3A_2755 = arith.index_cast %parallel_loop3A_2754 : i32 to index
      %parallel_loop3A_2756 = tpu.vector_load %arg5[%parallel_loop3A_2755] {strides = array<i32>} : memref<2304xi32, #tpu.memory_space<vmem>>, vector<16xi32>,
      tpu.vector_store %arg5[%parallel_loop3A_2755], %parallel_loop3A_2752 {strides = array<i32>} : memref<2304xi32, #tpu.memory_space<vmem>>, vector<16xi32>,
      %parallel_loop3A_2757 = arith.constant 1 : i32
      %parallel_loop3A_2758 = vector.broadcast %parallel_loop3A_2757 : i32 to vector<16xi32>
      %parallel_loop3A_2759 = arith.addi %iota3A, %parallel_loop3A_2758 : vector<16xi32>
      %parallel_loop3A_2760 = arith.constant 15 : i32
      %parallel_loop3A_2761 = vector.broadcast %parallel_loop3A_2760 : i32 to vector<16xi32>
      %parallel_loop3A_2762 = arith.minsi %parallel_loop3A_2759, %parallel_loop3A_2761 : vector<16xi32>
      %parallel_loop3A_2763 = arith.constant 272 : i32
      %parallel_loop3A_2764 = arith.addi %parallel_loop3A_15, %parallel_loop3A_2763 : i32
      %parallel_loop3A_2765 = vector.broadcast %parallel_loop3A_2764 : i32 to vector<16xi32>
      %parallel_loop3A_2766 = arith.addi %parallel_loop3A_2762, %parallel_loop3A_2765 : vector<16xi32>
      %parallel_loop3A_2767 = tpu.vector_load_idx %arg5[%parallel_loop3A_2766] : memref<2304xi32, #tpu.memory_space<vmem>>[vector<16xi32>], vector<16xi32>,
      %parallel_loop3A_2768 = arith.cmpi ne, %parallel_loop3A_2767, %parallel_loop3A_2752 : vector<16xi32>
      %parallel_loop3A_2769 = arith.constant 15 : i32
      %parallel_loop3A_2770 = vector.broadcast %parallel_loop3A_2769 : i32 to vector<16xi32>
      %parallel_loop3A_2771 = arith.cmpi eq, %iota3A, %parallel_loop3A_2770 : vector<16xi32>
      %parallel_loop3A_2772 = arith.ori %parallel_loop3A_2768, %parallel_loop3A_2771 : vector<16xi1>
      %parallel_loop3A_2773 = arith.constant 256 : i32
      %parallel_loop3A_2774 = vector.broadcast %parallel_loop3A_2773 : i32 to vector<16xi32>
      %parallel_loop3A_2775 = arith.cmpi slt, %parallel_loop3A_2752, %parallel_loop3A_2774 : vector<16xi32>
      %parallel_loop3A_2776 = arith.andi %parallel_loop3A_2772, %parallel_loop3A_2775 : vector<16xi1>
      %parallel_loop3A_2777 = vector.broadcast %parallel_loop3A_15 : i32 to vector<16xi32>
      %parallel_loop3A_2778 = arith.addi %parallel_loop3A_2752, %parallel_loop3A_2777 : vector<16xi32>
      tpu.vector_store_idx %arg5[%parallel_loop3A_2778], %parallel_loop3A_2748 masked %parallel_loop3A_2776 : memref<2304xi32, #tpu.memory_space<vmem>>[vector<16xi32>], vector<16xi32>, vector<16xi1>
      %parallel_loop3A_2779 = arith.constant 4096 : i32
      %parallel_loop3A_2780 = arith.muli %parallel_loop3A_12, %parallel_loop3A_2779 : i32
      %parallel_loop3A_2781 = arith.constant 3072 : i32
      %parallel_loop3A_2782 = arith.addi %parallel_loop3A_2780, %parallel_loop3A_2781 : i32
      %parallel_loop3A_2783 = arith.constant 0 : i32
      %parallel_loop3A_2784 = arith.addi %parallel_loop3A_2782, %parallel_loop3A_2783 : i32
      %parallel_loop3A_2785 = arith.index_cast %parallel_loop3A_2784 : i32 to index
      %parallel_loop3A_2786 = tpu.vector_load %arg6[%parallel_loop3A_2785] {strides = array<i32>} : memref<32768xf32, #tpu.memory_space<vmem>>, vector<16xf32>,
      tpu.vector_store %arg6[%parallel_loop3A_2785], %broadcast_in_dim3A_5 {strides = array<i32>} : memref<32768xf32, #tpu.memory_space<vmem>>, vector<16xf32>,
      %parallel_loop3A_2787 = arith.constant 4096 : i32
      %parallel_loop3A_2788 = arith.muli %parallel_loop3A_12, %parallel_loop3A_2787 : i32
      %parallel_loop3A_2789 = arith.constant 3072 : i32
      %parallel_loop3A_2790 = arith.addi %parallel_loop3A_2788, %parallel_loop3A_2789 : i32
      %parallel_loop3A_2791 = arith.constant 16 : i32
      %parallel_loop3A_2792 = arith.addi %parallel_loop3A_2790, %parallel_loop3A_2791 : i32
      %parallel_loop3A_2793 = arith.index_cast %parallel_loop3A_2792 : i32 to index
      %parallel_loop3A_2794 = tpu.vector_load %arg6[%parallel_loop3A_2793] {strides = array<i32>} : memref<32768xf32, #tpu.memory_space<vmem>>, vector<16xf32>,
      tpu.vector_store %arg6[%parallel_loop3A_2793], %broadcast_in_dim3A_5 {strides = array<i32>} : memref<32768xf32, #tpu.memory_space<vmem>>, vector<16xf32>,
      %parallel_loop3A_2795 = arith.constant 4096 : i32
      %parallel_loop3A_2796 = arith.muli %parallel_loop3A_12, %parallel_loop3A_2795 : i32
      %parallel_loop3A_2797 = arith.constant 3072 : i32
      %parallel_loop3A_2798 = arith.addi %parallel_loop3A_2796, %parallel_loop3A_2797 : i32
      %parallel_loop3A_2799 = arith.constant 32 : i32
      %parallel_loop3A_2800 = arith.addi %parallel_loop3A_2798, %parallel_loop3A_2799 : i32
      %parallel_loop3A_2801 = arith.index_cast %parallel_loop3A_2800 : i32 to index
      %parallel_loop3A_2802 = tpu.vector_load %arg6[%parallel_loop3A_2801] {strides = array<i32>} : memref<32768xf32, #tpu.memory_space<vmem>>, vector<16xf32>,
      tpu.vector_store %arg6[%parallel_loop3A_2801], %broadcast_in_dim3A_5 {strides = array<i32>} : memref<32768xf32, #tpu.memory_space<vmem>>, vector<16xf32>,
      %parallel_loop3A_2803 = arith.constant 4096 : i32
      %parallel_loop3A_2804 = arith.muli %parallel_loop3A_12, %parallel_loop3A_2803 : i32
      %parallel_loop3A_2805 = arith.constant 3072 : i32
      %parallel_loop3A_2806 = arith.addi %parallel_loop3A_2804, %parallel_loop3A_2805 : i32
      %parallel_loop3A_2807 = arith.constant 48 : i32
      %parallel_loop3A_2808 = arith.addi %parallel_loop3A_2806, %parallel_loop3A_2807 : i32
      %parallel_loop3A_2809 = arith.index_cast %parallel_loop3A_2808 : i32 to index
      %parallel_loop3A_2810 = tpu.vector_load %arg6[%parallel_loop3A_2809] {strides = array<i32>} : memref<32768xf32, #tpu.memory_space<vmem>>, vector<16xf32>,
      tpu.vector_store %arg6[%parallel_loop3A_2809], %broadcast_in_dim3A_5 {strides = array<i32>} : memref<32768xf32, #tpu.memory_space<vmem>>, vector<16xf32>,
      %parallel_loop3A_2811 = arith.constant 4096 : i32
      %parallel_loop3A_2812 = arith.muli %parallel_loop3A_12, %parallel_loop3A_2811 : i32
      %parallel_loop3A_2813 = arith.constant 3072 : i32
      %parallel_loop3A_2814 = arith.addi %parallel_loop3A_2812, %parallel_loop3A_2813 : i32
      %parallel_loop3A_2815 = arith.constant 64 : i32
      %parallel_loop3A_2816 = arith.addi %parallel_loop3A_2814, %parallel_loop3A_2815 : i32
      %parallel_loop3A_2817 = arith.index_cast %parallel_loop3A_2816 : i32 to index
      %parallel_loop3A_2818 = tpu.vector_load %arg6[%parallel_loop3A_2817] {strides = array<i32>} : memref<32768xf32, #tpu.memory_space<vmem>>, vector<16xf32>,
      tpu.vector_store %arg6[%parallel_loop3A_2817], %broadcast_in_dim3A_5 {strides = array<i32>} : memref<32768xf32, #tpu.memory_space<vmem>>, vector<16xf32>,
      %parallel_loop3A_2819 = arith.constant 4096 : i32
      %parallel_loop3A_2820 = arith.muli %parallel_loop3A_12, %parallel_loop3A_2819 : i32
      %parallel_loop3A_2821 = arith.constant 3072 : i32
      %parallel_loop3A_2822 = arith.addi %parallel_loop3A_2820, %parallel_loop3A_2821 : i32
      %parallel_loop3A_2823 = arith.constant 80 : i32
      %parallel_loop3A_2824 = arith.addi %parallel_loop3A_2822, %parallel_loop3A_2823 : i32
      %parallel_loop3A_2825 = arith.index_cast %parallel_loop3A_2824 : i32 to index
      %parallel_loop3A_2826 = tpu.vector_load %arg6[%parallel_loop3A_2825] {strides = array<i32>} : memref<32768xf32, #tpu.memory_space<vmem>>, vector<16xf32>,
      tpu.vector_store %arg6[%parallel_loop3A_2825], %broadcast_in_dim3A_5 {strides = array<i32>} : memref<32768xf32, #tpu.memory_space<vmem>>, vector<16xf32>,
      %parallel_loop3A_2827 = arith.constant 4096 : i32
      %parallel_loop3A_2828 = arith.muli %parallel_loop3A_12, %parallel_loop3A_2827 : i32
      %parallel_loop3A_2829 = arith.constant 3072 : i32
      %parallel_loop3A_2830 = arith.addi %parallel_loop3A_2828, %parallel_loop3A_2829 : i32
      %parallel_loop3A_2831 = arith.constant 96 : i32
      %parallel_loop3A_2832 = arith.addi %parallel_loop3A_2830, %parallel_loop3A_2831 : i32
      %parallel_loop3A_2833 = arith.index_cast %parallel_loop3A_2832 : i32 to index
      %parallel_loop3A_2834 = tpu.vector_load %arg6[%parallel_loop3A_2833] {strides = array<i32>} : memref<32768xf32, #tpu.memory_space<vmem>>, vector<16xf32>,
      tpu.vector_store %arg6[%parallel_loop3A_2833], %broadcast_in_dim3A_5 {strides = array<i32>} : memref<32768xf32, #tpu.memory_space<vmem>>, vector<16xf32>,
      %parallel_loop3A_2835 = arith.constant 4096 : i32
      %parallel_loop3A_2836 = arith.muli %parallel_loop3A_12, %parallel_loop3A_2835 : i32
      %parallel_loop3A_2837 = arith.constant 3072 : i32
      %parallel_loop3A_2838 = arith.addi %parallel_loop3A_2836, %parallel_loop3A_2837 : i32
      %parallel_loop3A_2839 = arith.constant 112 : i32
      %parallel_loop3A_2840 = arith.addi %parallel_loop3A_2838, %parallel_loop3A_2839 : i32
      %parallel_loop3A_2841 = arith.index_cast %parallel_loop3A_2840 : i32 to index
      %parallel_loop3A_2842 = tpu.vector_load %arg6[%parallel_loop3A_2841] {strides = array<i32>} : memref<32768xf32, #tpu.memory_space<vmem>>, vector<16xf32>,
      tpu.vector_store %arg6[%parallel_loop3A_2841], %broadcast_in_dim3A_5 {strides = array<i32>} : memref<32768xf32, #tpu.memory_space<vmem>>, vector<16xf32>,
      %parallel_loop3A_2843 = arith.constant 4096 : i32
      %parallel_loop3A_2844 = arith.muli %parallel_loop3A_12, %parallel_loop3A_2843 : i32
      %parallel_loop3A_2845 = arith.constant 3072 : i32
      %parallel_loop3A_2846 = arith.addi %parallel_loop3A_2844, %parallel_loop3A_2845 : i32
      %parallel_loop3A_2847 = arith.constant 128 : i32
      %parallel_loop3A_2848 = arith.addi %parallel_loop3A_2846, %parallel_loop3A_2847 : i32
      %parallel_loop3A_2849 = arith.index_cast %parallel_loop3A_2848 : i32 to index
      %parallel_loop3A_2850 = tpu.vector_load %arg6[%parallel_loop3A_2849] {strides = array<i32>} : memref<32768xf32, #tpu.memory_space<vmem>>, vector<16xf32>,
      tpu.vector_store %arg6[%parallel_loop3A_2849], %broadcast_in_dim3A_5 {strides = array<i32>} : memref<32768xf32, #tpu.memory_space<vmem>>, vector<16xf32>,
      %parallel_loop3A_2851 = arith.constant 4096 : i32
      %parallel_loop3A_2852 = arith.muli %parallel_loop3A_12, %parallel_loop3A_2851 : i32
      %parallel_loop3A_2853 = arith.constant 3072 : i32
      %parallel_loop3A_2854 = arith.addi %parallel_loop3A_2852, %parallel_loop3A_2853 : i32
      %parallel_loop3A_2855 = arith.constant 144 : i32
      %parallel_loop3A_2856 = arith.addi %parallel_loop3A_2854, %parallel_loop3A_2855 : i32
      %parallel_loop3A_2857 = arith.index_cast %parallel_loop3A_2856 : i32 to index
      %parallel_loop3A_2858 = tpu.vector_load %arg6[%parallel_loop3A_2857] {strides = array<i32>} : memref<32768xf32, #tpu.memory_space<vmem>>, vector<16xf32>,
      tpu.vector_store %arg6[%parallel_loop3A_2857], %broadcast_in_dim3A_5 {strides = array<i32>} : memref<32768xf32, #tpu.memory_space<vmem>>, vector<16xf32>,
      %parallel_loop3A_2859 = arith.constant 4096 : i32
      %parallel_loop3A_2860 = arith.muli %parallel_loop3A_12, %parallel_loop3A_2859 : i32
      %parallel_loop3A_2861 = arith.constant 3072 : i32
      %parallel_loop3A_2862 = arith.addi %parallel_loop3A_2860, %parallel_loop3A_2861 : i32
      %parallel_loop3A_2863 = arith.constant 160 : i32
      %parallel_loop3A_2864 = arith.addi %parallel_loop3A_2862, %parallel_loop3A_2863 : i32
      %parallel_loop3A_2865 = arith.index_cast %parallel_loop3A_2864 : i32 to index
      %parallel_loop3A_2866 = tpu.vector_load %arg6[%parallel_loop3A_2865] {strides = array<i32>} : memref<32768xf32, #tpu.memory_space<vmem>>, vector<16xf32>,
      tpu.vector_store %arg6[%parallel_loop3A_2865], %broadcast_in_dim3A_5 {strides = array<i32>} : memref<32768xf32, #tpu.memory_space<vmem>>, vector<16xf32>,
      %parallel_loop3A_2867 = arith.constant 4096 : i32
      %parallel_loop3A_2868 = arith.muli %parallel_loop3A_12, %parallel_loop3A_2867 : i32
      %parallel_loop3A_2869 = arith.constant 3072 : i32
      %parallel_loop3A_2870 = arith.addi %parallel_loop3A_2868, %parallel_loop3A_2869 : i32
      %parallel_loop3A_2871 = arith.constant 176 : i32
      %parallel_loop3A_2872 = arith.addi %parallel_loop3A_2870, %parallel_loop3A_2871 : i32
      %parallel_loop3A_2873 = arith.index_cast %parallel_loop3A_2872 : i32 to index
      %parallel_loop3A_2874 = tpu.vector_load %arg6[%parallel_loop3A_2873] {strides = array<i32>} : memref<32768xf32, #tpu.memory_space<vmem>>, vector<16xf32>,
      tpu.vector_store %arg6[%parallel_loop3A_2873], %broadcast_in_dim3A_5 {strides = array<i32>} : memref<32768xf32, #tpu.memory_space<vmem>>, vector<16xf32>,
      %parallel_loop3A_2875 = arith.constant 4096 : i32
      %parallel_loop3A_2876 = arith.muli %parallel_loop3A_12, %parallel_loop3A_2875 : i32
      %parallel_loop3A_2877 = arith.constant 3072 : i32
      %parallel_loop3A_2878 = arith.addi %parallel_loop3A_2876, %parallel_loop3A_2877 : i32
      %parallel_loop3A_2879 = arith.constant 192 : i32
      %parallel_loop3A_2880 = arith.addi %parallel_loop3A_2878, %parallel_loop3A_2879 : i32
      %parallel_loop3A_2881 = arith.index_cast %parallel_loop3A_2880 : i32 to index
      %parallel_loop3A_2882 = tpu.vector_load %arg6[%parallel_loop3A_2881] {strides = array<i32>} : memref<32768xf32, #tpu.memory_space<vmem>>, vector<16xf32>,
      tpu.vector_store %arg6[%parallel_loop3A_2881], %broadcast_in_dim3A_5 {strides = array<i32>} : memref<32768xf32, #tpu.memory_space<vmem>>, vector<16xf32>,
      %parallel_loop3A_2883 = arith.constant 4096 : i32
      %parallel_loop3A_2884 = arith.muli %parallel_loop3A_12, %parallel_loop3A_2883 : i32
      %parallel_loop3A_2885 = arith.constant 3072 : i32
      %parallel_loop3A_2886 = arith.addi %parallel_loop3A_2884, %parallel_loop3A_2885 : i32
      %parallel_loop3A_2887 = arith.constant 208 : i32
      %parallel_loop3A_2888 = arith.addi %parallel_loop3A_2886, %parallel_loop3A_2887 : i32
      %parallel_loop3A_2889 = arith.index_cast %parallel_loop3A_2888 : i32 to index
      %parallel_loop3A_2890 = tpu.vector_load %arg6[%parallel_loop3A_2889] {strides = array<i32>} : memref<32768xf32, #tpu.memory_space<vmem>>, vector<16xf32>,
      tpu.vector_store %arg6[%parallel_loop3A_2889], %broadcast_in_dim3A_5 {strides = array<i32>} : memref<32768xf32, #tpu.memory_space<vmem>>, vector<16xf32>,
      %parallel_loop3A_2891 = arith.constant 4096 : i32
      %parallel_loop3A_2892 = arith.muli %parallel_loop3A_12, %parallel_loop3A_2891 : i32
      %parallel_loop3A_2893 = arith.constant 3072 : i32
      %parallel_loop3A_2894 = arith.addi %parallel_loop3A_2892, %parallel_loop3A_2893 : i32
      %parallel_loop3A_2895 = arith.constant 224 : i32
      %parallel_loop3A_2896 = arith.addi %parallel_loop3A_2894, %parallel_loop3A_2895 : i32
      %parallel_loop3A_2897 = arith.index_cast %parallel_loop3A_2896 : i32 to index
      %parallel_loop3A_2898 = tpu.vector_load %arg6[%parallel_loop3A_2897] {strides = array<i32>} : memref<32768xf32, #tpu.memory_space<vmem>>, vector<16xf32>,
      tpu.vector_store %arg6[%parallel_loop3A_2897], %broadcast_in_dim3A_5 {strides = array<i32>} : memref<32768xf32, #tpu.memory_space<vmem>>, vector<16xf32>,
      %parallel_loop3A_2899 = arith.constant 4096 : i32
      %parallel_loop3A_2900 = arith.muli %parallel_loop3A_12, %parallel_loop3A_2899 : i32
      %parallel_loop3A_2901 = arith.constant 3072 : i32
      %parallel_loop3A_2902 = arith.addi %parallel_loop3A_2900, %parallel_loop3A_2901 : i32
      %parallel_loop3A_2903 = arith.constant 240 : i32
      %parallel_loop3A_2904 = arith.addi %parallel_loop3A_2902, %parallel_loop3A_2903 : i32
      %parallel_loop3A_2905 = arith.index_cast %parallel_loop3A_2904 : i32 to index
      %parallel_loop3A_2906 = tpu.vector_load %arg6[%parallel_loop3A_2905] {strides = array<i32>} : memref<32768xf32, #tpu.memory_space<vmem>>, vector<16xf32>,
      tpu.vector_store %arg6[%parallel_loop3A_2905], %broadcast_in_dim3A_5 {strides = array<i32>} : memref<32768xf32, #tpu.memory_space<vmem>>, vector<16xf32>,
      %parallel_loop3A_2907 = arith.constant 208 : i32
      %parallel_loop3A_2908 = vector.broadcast %parallel_loop3A_2907 : i32 to vector<16xi32>
      %parallel_loop3A_2909 = arith.addi %iota3A, %parallel_loop3A_2908 : vector<16xi32>
      %parallel_loop3A_2910 = arith.constant 208 : index
      %parallel_loop3A_2911 = tpu.vector_load %arg4[%parallel_loop3A_2910] {strides = array<i32>} : memref<512xf32, #tpu.memory_space<vmem>>, vector<16xf32>,
      %parallel_loop3A_2912 = arith.constant 464 : index
      %parallel_loop3A_2913 = tpu.vector_load %arg4[%parallel_loop3A_2912] {strides = array<i32>} : memref<512xf32, #tpu.memory_space<vmem>>, vector<16xf32>,
      %parallel_loop3A_2914 = arith.subf %parallel_loop3A_2911, %parallel_loop3A_17 : vector<16xf32>
      %parallel_loop3A_2915 = arith.constant 2.000000e+00 : f32
      %parallel_loop3A_2916 = vector.broadcast %parallel_loop3A_2915 : f32 to vector<16xf32>
      %parallel_loop3A_2917 = arith.mulf %parallel_loop3A_2914, %parallel_loop3A_2916 : vector<16xf32>
      %parallel_loop3A_2918 = arith.constant 8.000000e+00 : f32
      %parallel_loop3A_2919 = vector.broadcast %parallel_loop3A_2918 : f32 to vector<16xf32>
      %parallel_loop3A_2920 = arith.addf %parallel_loop3A_2917, %parallel_loop3A_2919 : vector<16xf32>
      %parallel_loop3A_2921 = arith.subf %parallel_loop3A_2913, %parallel_loop3A_21 : vector<16xf32>
      %parallel_loop3A_2922 = arith.constant 2.000000e+00 : f32
      %parallel_loop3A_2923 = vector.broadcast %parallel_loop3A_2922 : f32 to vector<16xf32>
      %parallel_loop3A_2924 = arith.mulf %parallel_loop3A_2921, %parallel_loop3A_2923 : vector<16xf32>
      %parallel_loop3A_2925 = arith.constant 8.000000e+00 : f32
      %parallel_loop3A_2926 = vector.broadcast %parallel_loop3A_2925 : f32 to vector<16xf32>
      %parallel_loop3A_2927 = arith.addf %parallel_loop3A_2924, %parallel_loop3A_2926 : vector<16xf32>
      %parallel_loop3A_2928 = arith.constant 0.000000e+00 : f32
      %parallel_loop3A_2929 = vector.broadcast %parallel_loop3A_2928 : f32 to vector<16xf32>
      %parallel_loop3A_2930 = arith.cmpf oge, %parallel_loop3A_2920, %parallel_loop3A_2929 : vector<16xf32>
      %parallel_loop3A_2931 = arith.constant 1.600000e+01 : f32
      %parallel_loop3A_2932 = vector.broadcast %parallel_loop3A_2931 : f32 to vector<16xf32>
      %parallel_loop3A_2933 = arith.cmpf olt, %parallel_loop3A_2920, %parallel_loop3A_2932 : vector<16xf32>
      %parallel_loop3A_2934 = arith.andi %parallel_loop3A_2930, %parallel_loop3A_2933 : vector<16xi1>
      %parallel_loop3A_2935 = arith.constant 0.000000e+00 : f32
      %parallel_loop3A_2936 = vector.broadcast %parallel_loop3A_2935 : f32 to vector<16xf32>
      %parallel_loop3A_2937 = arith.cmpf oge, %parallel_loop3A_2927, %parallel_loop3A_2936 : vector<16xf32>
      %parallel_loop3A_2938 = arith.andi %parallel_loop3A_2934, %parallel_loop3A_2937 : vector<16xi1>
      %parallel_loop3A_2939 = arith.constant 1.600000e+01 : f32
      %parallel_loop3A_2940 = vector.broadcast %parallel_loop3A_2939 : f32 to vector<16xf32>
      %parallel_loop3A_2941 = arith.cmpf olt, %parallel_loop3A_2927, %parallel_loop3A_2940 : vector<16xf32>
      %parallel_loop3A_2942 = arith.andi %parallel_loop3A_2938, %parallel_loop3A_2941 : vector<16xi1>
      %parallel_loop3A_2943 = vector.broadcast %parallel_loop3A_13 : i32 to vector<16xi32>
      %parallel_loop3A_2944 = arith.cmpi ne, %parallel_loop3A_2909, %parallel_loop3A_2943 : vector<16xi32>
      %parallel_loop3A_2945 = arith.andi %parallel_loop3A_2942, %parallel_loop3A_2944 : vector<16xi1>
      %parallel_loop3A_2946 = arith.fptosi %parallel_loop3A_2920 : vector<16xf32> to vector<16xi32>
      %parallel_loop3A_2947 = arith.fptosi %parallel_loop3A_2927 : vector<16xf32> to vector<16xi32>
      %parallel_loop3A_2948 = arith.constant 16 : i32
      %parallel_loop3A_2949 = vector.broadcast %parallel_loop3A_2948 : i32 to vector<16xi32>
      %parallel_loop3A_2950 = arith.muli %parallel_loop3A_2946, %parallel_loop3A_2949 : vector<16xi32>
      %parallel_loop3A_2951 = arith.addi %parallel_loop3A_2950, %parallel_loop3A_2947 : vector<16xi32>
      %parallel_loop3A_2952 = arith.constant 256 : i32
      %parallel_loop3A_2953 = vector.broadcast %parallel_loop3A_2952 : i32 to vector<16xi32>
      %parallel_loop3A_2954 = arith.select %parallel_loop3A_2945, %parallel_loop3A_2951, %parallel_loop3A_2953 : vector<16xi1>, vector<16xi32>
      %parallel_loop3A_2955 = arith.constant 4 : i32
      %parallel_loop3A_2956 = vector.broadcast %parallel_loop3A_2955 : i32 to vector<16xi32>
      %parallel_loop3A_2957 = arith.shli %parallel_loop3A_2954, %parallel_loop3A_2956 : vector<16xi32>
      %parallel_loop3A_2958 = arith.ori %parallel_loop3A_2957, %iota3A : vector<16xi32>
      %parallel_loop3A_2959 = arith.constant dense<true> : vector<16xi1>
      %parallel_loop3A_2960 = arith.constant -2147483648 : i32
      %parallel_loop3A_2961 = vector.broadcast %parallel_loop3A_2960 : i32 to vector<16xi32>
      %parallel_loop3A_2962 = arith.xori %parallel_loop3A_2958, %parallel_loop3A_2961 : vector<16xi32>
      %parallel_loop3A_2963, %parallel_loop3A_2964, %parallel_loop3A_2965 = tpu.sort %parallel_loop3A_2962, %parallel_loop3A_2909 masked %parallel_loop3A_2959 : (vector<16xi32>, vector<16xi32>, vector<16xi1>) -> (vector<16xi1>, vector<16xi32>, vector<16xi32>)
      %parallel_loop3A_2966 = arith.xori %parallel_loop3A_2964, %parallel_loop3A_2961 : vector<16xi32>
      %parallel_loop3A_2967 = arith.constant 4 : i32
      %parallel_loop3A_2968 = vector.broadcast %parallel_loop3A_2967 : i32 to vector<16xi32>
      %parallel_loop3A_2969 = arith.shrsi %parallel_loop3A_2966, %parallel_loop3A_2968 : vector<16xi32>
      %parallel_loop3A_2970 = arith.constant 272 : i32
      %parallel_loop3A_2971 = arith.addi %parallel_loop3A_15, %parallel_loop3A_2970 : i32
      %parallel_loop3A_2972 = arith.index_cast %parallel_loop3A_2971 : i32 to index
      %parallel_loop3A_2973 = tpu.vector_load %arg5[%parallel_loop3A_2972] {strides = array<i32>} : memref<2304xi32, #tpu.memory_space<vmem>>, vector<16xi32>,
      tpu.vector_store %arg5[%parallel_loop3A_2972], %parallel_loop3A_2969 {strides = array<i32>} : memref<2304xi32, #tpu.memory_space<vmem>>, vector<16xi32>,
      %parallel_loop3A_2974 = arith.constant 1 : i32
      %parallel_loop3A_2975 = vector.broadcast %parallel_loop3A_2974 : i32 to vector<16xi32>
      %parallel_loop3A_2976 = arith.addi %iota3A, %parallel_loop3A_2975 : vector<16xi32>
      %parallel_loop3A_2977 = arith.constant 15 : i32
      %parallel_loop3A_2978 = vector.broadcast %parallel_loop3A_2977 : i32 to vector<16xi32>
      %parallel_loop3A_2979 = arith.minsi %parallel_loop3A_2976, %parallel_loop3A_2978 : vector<16xi32>
      %parallel_loop3A_2980 = arith.constant 272 : i32
      %parallel_loop3A_2981 = arith.addi %parallel_loop3A_15, %parallel_loop3A_2980 : i32
      %parallel_loop3A_2982 = vector.broadcast %parallel_loop3A_2981 : i32 to vector<16xi32>
      %parallel_loop3A_2983 = arith.addi %parallel_loop3A_2979, %parallel_loop3A_2982 : vector<16xi32>
      %parallel_loop3A_2984 = tpu.vector_load_idx %arg5[%parallel_loop3A_2983] : memref<2304xi32, #tpu.memory_space<vmem>>[vector<16xi32>], vector<16xi32>,
      %parallel_loop3A_2985 = arith.cmpi ne, %parallel_loop3A_2984, %parallel_loop3A_2969 : vector<16xi32>
      %parallel_loop3A_2986 = arith.constant 15 : i32
      %parallel_loop3A_2987 = vector.broadcast %parallel_loop3A_2986 : i32 to vector<16xi32>
      %parallel_loop3A_2988 = arith.cmpi eq, %iota3A, %parallel_loop3A_2987 : vector<16xi32>
      %parallel_loop3A_2989 = arith.ori %parallel_loop3A_2985, %parallel_loop3A_2988 : vector<16xi1>
      %parallel_loop3A_2990 = arith.constant 256 : i32
      %parallel_loop3A_2991 = vector.broadcast %parallel_loop3A_2990 : i32 to vector<16xi32>
      %parallel_loop3A_2992 = arith.cmpi slt, %parallel_loop3A_2969, %parallel_loop3A_2991 : vector<16xi32>
      %parallel_loop3A_2993 = arith.andi %parallel_loop3A_2989, %parallel_loop3A_2992 : vector<16xi1>
      %parallel_loop3A_2994 = vector.broadcast %parallel_loop3A_15 : i32 to vector<16xi32>
      %parallel_loop3A_2995 = arith.addi %parallel_loop3A_2969, %parallel_loop3A_2994 : vector<16xi32>
      tpu.vector_store_idx %arg5[%parallel_loop3A_2995], %parallel_loop3A_2965 masked %parallel_loop3A_2993 : memref<2304xi32, #tpu.memory_space<vmem>>[vector<16xi32>], vector<16xi32>, vector<16xi1>
      %parallel_loop3A_2996 = arith.constant 4096 : i32
      %parallel_loop3A_2997 = arith.muli %parallel_loop3A_12, %parallel_loop3A_2996 : i32
      %parallel_loop3A_2998 = arith.constant 3328 : i32
      %parallel_loop3A_2999 = arith.addi %parallel_loop3A_2997, %parallel_loop3A_2998 : i32
      %parallel_loop3A_3000 = arith.constant 0 : i32
      %parallel_loop3A_3001 = arith.addi %parallel_loop3A_2999, %parallel_loop3A_3000 : i32
      %parallel_loop3A_3002 = arith.index_cast %parallel_loop3A_3001 : i32 to index
      %parallel_loop3A_3003 = tpu.vector_load %arg6[%parallel_loop3A_3002] {strides = array<i32>} : memref<32768xf32, #tpu.memory_space<vmem>>, vector<16xf32>,
      tpu.vector_store %arg6[%parallel_loop3A_3002], %broadcast_in_dim3A_5 {strides = array<i32>} : memref<32768xf32, #tpu.memory_space<vmem>>, vector<16xf32>,
      %parallel_loop3A_3004 = arith.constant 4096 : i32
      %parallel_loop3A_3005 = arith.muli %parallel_loop3A_12, %parallel_loop3A_3004 : i32
      %parallel_loop3A_3006 = arith.constant 3328 : i32
      %parallel_loop3A_3007 = arith.addi %parallel_loop3A_3005, %parallel_loop3A_3006 : i32
      %parallel_loop3A_3008 = arith.constant 16 : i32
      %parallel_loop3A_3009 = arith.addi %parallel_loop3A_3007, %parallel_loop3A_3008 : i32
      %parallel_loop3A_3010 = arith.index_cast %parallel_loop3A_3009 : i32 to index
      %parallel_loop3A_3011 = tpu.vector_load %arg6[%parallel_loop3A_3010] {strides = array<i32>} : memref<32768xf32, #tpu.memory_space<vmem>>, vector<16xf32>,
      tpu.vector_store %arg6[%parallel_loop3A_3010], %broadcast_in_dim3A_5 {strides = array<i32>} : memref<32768xf32, #tpu.memory_space<vmem>>, vector<16xf32>,
      %parallel_loop3A_3012 = arith.constant 4096 : i32
      %parallel_loop3A_3013 = arith.muli %parallel_loop3A_12, %parallel_loop3A_3012 : i32
      %parallel_loop3A_3014 = arith.constant 3328 : i32
      %parallel_loop3A_3015 = arith.addi %parallel_loop3A_3013, %parallel_loop3A_3014 : i32
      %parallel_loop3A_3016 = arith.constant 32 : i32
      %parallel_loop3A_3017 = arith.addi %parallel_loop3A_3015, %parallel_loop3A_3016 : i32
      %parallel_loop3A_3018 = arith.index_cast %parallel_loop3A_3017 : i32 to index
      %parallel_loop3A_3019 = tpu.vector_load %arg6[%parallel_loop3A_3018] {strides = array<i32>} : memref<32768xf32, #tpu.memory_space<vmem>>, vector<16xf32>,
      tpu.vector_store %arg6[%parallel_loop3A_3018], %broadcast_in_dim3A_5 {strides = array<i32>} : memref<32768xf32, #tpu.memory_space<vmem>>, vector<16xf32>,
      %parallel_loop3A_3020 = arith.constant 4096 : i32
      %parallel_loop3A_3021 = arith.muli %parallel_loop3A_12, %parallel_loop3A_3020 : i32
      %parallel_loop3A_3022 = arith.constant 3328 : i32
      %parallel_loop3A_3023 = arith.addi %parallel_loop3A_3021, %parallel_loop3A_3022 : i32
      %parallel_loop3A_3024 = arith.constant 48 : i32
      %parallel_loop3A_3025 = arith.addi %parallel_loop3A_3023, %parallel_loop3A_3024 : i32
      %parallel_loop3A_3026 = arith.index_cast %parallel_loop3A_3025 : i32 to index
      %parallel_loop3A_3027 = tpu.vector_load %arg6[%parallel_loop3A_3026] {strides = array<i32>} : memref<32768xf32, #tpu.memory_space<vmem>>, vector<16xf32>,
      tpu.vector_store %arg6[%parallel_loop3A_3026], %broadcast_in_dim3A_5 {strides = array<i32>} : memref<32768xf32, #tpu.memory_space<vmem>>, vector<16xf32>,
      %parallel_loop3A_3028 = arith.constant 4096 : i32
      %parallel_loop3A_3029 = arith.muli %parallel_loop3A_12, %parallel_loop3A_3028 : i32
      %parallel_loop3A_3030 = arith.constant 3328 : i32
      %parallel_loop3A_3031 = arith.addi %parallel_loop3A_3029, %parallel_loop3A_3030 : i32
      %parallel_loop3A_3032 = arith.constant 64 : i32
      %parallel_loop3A_3033 = arith.addi %parallel_loop3A_3031, %parallel_loop3A_3032 : i32
      %parallel_loop3A_3034 = arith.index_cast %parallel_loop3A_3033 : i32 to index
      %parallel_loop3A_3035 = tpu.vector_load %arg6[%parallel_loop3A_3034] {strides = array<i32>} : memref<32768xf32, #tpu.memory_space<vmem>>, vector<16xf32>,
      tpu.vector_store %arg6[%parallel_loop3A_3034], %broadcast_in_dim3A_5 {strides = array<i32>} : memref<32768xf32, #tpu.memory_space<vmem>>, vector<16xf32>,
      %parallel_loop3A_3036 = arith.constant 4096 : i32
      %parallel_loop3A_3037 = arith.muli %parallel_loop3A_12, %parallel_loop3A_3036 : i32
      %parallel_loop3A_3038 = arith.constant 3328 : i32
      %parallel_loop3A_3039 = arith.addi %parallel_loop3A_3037, %parallel_loop3A_3038 : i32
      %parallel_loop3A_3040 = arith.constant 80 : i32
      %parallel_loop3A_3041 = arith.addi %parallel_loop3A_3039, %parallel_loop3A_3040 : i32
      %parallel_loop3A_3042 = arith.index_cast %parallel_loop3A_3041 : i32 to index
      %parallel_loop3A_3043 = tpu.vector_load %arg6[%parallel_loop3A_3042] {strides = array<i32>} : memref<32768xf32, #tpu.memory_space<vmem>>, vector<16xf32>,
      tpu.vector_store %arg6[%parallel_loop3A_3042], %broadcast_in_dim3A_5 {strides = array<i32>} : memref<32768xf32, #tpu.memory_space<vmem>>, vector<16xf32>,
      %parallel_loop3A_3044 = arith.constant 4096 : i32
      %parallel_loop3A_3045 = arith.muli %parallel_loop3A_12, %parallel_loop3A_3044 : i32
      %parallel_loop3A_3046 = arith.constant 3328 : i32
      %parallel_loop3A_3047 = arith.addi %parallel_loop3A_3045, %parallel_loop3A_3046 : i32
      %parallel_loop3A_3048 = arith.constant 96 : i32
      %parallel_loop3A_3049 = arith.addi %parallel_loop3A_3047, %parallel_loop3A_3048 : i32
      %parallel_loop3A_3050 = arith.index_cast %parallel_loop3A_3049 : i32 to index
      %parallel_loop3A_3051 = tpu.vector_load %arg6[%parallel_loop3A_3050] {strides = array<i32>} : memref<32768xf32, #tpu.memory_space<vmem>>, vector<16xf32>,
      tpu.vector_store %arg6[%parallel_loop3A_3050], %broadcast_in_dim3A_5 {strides = array<i32>} : memref<32768xf32, #tpu.memory_space<vmem>>, vector<16xf32>,
      %parallel_loop3A_3052 = arith.constant 4096 : i32
      %parallel_loop3A_3053 = arith.muli %parallel_loop3A_12, %parallel_loop3A_3052 : i32
      %parallel_loop3A_3054 = arith.constant 3328 : i32
      %parallel_loop3A_3055 = arith.addi %parallel_loop3A_3053, %parallel_loop3A_3054 : i32
      %parallel_loop3A_3056 = arith.constant 112 : i32
      %parallel_loop3A_3057 = arith.addi %parallel_loop3A_3055, %parallel_loop3A_3056 : i32
      %parallel_loop3A_3058 = arith.index_cast %parallel_loop3A_3057 : i32 to index
      %parallel_loop3A_3059 = tpu.vector_load %arg6[%parallel_loop3A_3058] {strides = array<i32>} : memref<32768xf32, #tpu.memory_space<vmem>>, vector<16xf32>,
      tpu.vector_store %arg6[%parallel_loop3A_3058], %broadcast_in_dim3A_5 {strides = array<i32>} : memref<32768xf32, #tpu.memory_space<vmem>>, vector<16xf32>,
      %parallel_loop3A_3060 = arith.constant 4096 : i32
      %parallel_loop3A_3061 = arith.muli %parallel_loop3A_12, %parallel_loop3A_3060 : i32
      %parallel_loop3A_3062 = arith.constant 3328 : i32
      %parallel_loop3A_3063 = arith.addi %parallel_loop3A_3061, %parallel_loop3A_3062 : i32
      %parallel_loop3A_3064 = arith.constant 128 : i32
      %parallel_loop3A_3065 = arith.addi %parallel_loop3A_3063, %parallel_loop3A_3064 : i32
      %parallel_loop3A_3066 = arith.index_cast %parallel_loop3A_3065 : i32 to index
      %parallel_loop3A_3067 = tpu.vector_load %arg6[%parallel_loop3A_3066] {strides = array<i32>} : memref<32768xf32, #tpu.memory_space<vmem>>, vector<16xf32>,
      tpu.vector_store %arg6[%parallel_loop3A_3066], %broadcast_in_dim3A_5 {strides = array<i32>} : memref<32768xf32, #tpu.memory_space<vmem>>, vector<16xf32>,
      %parallel_loop3A_3068 = arith.constant 4096 : i32
      %parallel_loop3A_3069 = arith.muli %parallel_loop3A_12, %parallel_loop3A_3068 : i32
      %parallel_loop3A_3070 = arith.constant 3328 : i32
      %parallel_loop3A_3071 = arith.addi %parallel_loop3A_3069, %parallel_loop3A_3070 : i32
      %parallel_loop3A_3072 = arith.constant 144 : i32
      %parallel_loop3A_3073 = arith.addi %parallel_loop3A_3071, %parallel_loop3A_3072 : i32
      %parallel_loop3A_3074 = arith.index_cast %parallel_loop3A_3073 : i32 to index
      %parallel_loop3A_3075 = tpu.vector_load %arg6[%parallel_loop3A_3074] {strides = array<i32>} : memref<32768xf32, #tpu.memory_space<vmem>>, vector<16xf32>,
      tpu.vector_store %arg6[%parallel_loop3A_3074], %broadcast_in_dim3A_5 {strides = array<i32>} : memref<32768xf32, #tpu.memory_space<vmem>>, vector<16xf32>,
      %parallel_loop3A_3076 = arith.constant 4096 : i32
      %parallel_loop3A_3077 = arith.muli %parallel_loop3A_12, %parallel_loop3A_3076 : i32
      %parallel_loop3A_3078 = arith.constant 3328 : i32
      %parallel_loop3A_3079 = arith.addi %parallel_loop3A_3077, %parallel_loop3A_3078 : i32
      %parallel_loop3A_3080 = arith.constant 160 : i32
      %parallel_loop3A_3081 = arith.addi %parallel_loop3A_3079, %parallel_loop3A_3080 : i32
      %parallel_loop3A_3082 = arith.index_cast %parallel_loop3A_3081 : i32 to index
      %parallel_loop3A_3083 = tpu.vector_load %arg6[%parallel_loop3A_3082] {strides = array<i32>} : memref<32768xf32, #tpu.memory_space<vmem>>, vector<16xf32>,
      tpu.vector_store %arg6[%parallel_loop3A_3082], %broadcast_in_dim3A_5 {strides = array<i32>} : memref<32768xf32, #tpu.memory_space<vmem>>, vector<16xf32>,
      %parallel_loop3A_3084 = arith.constant 4096 : i32
      %parallel_loop3A_3085 = arith.muli %parallel_loop3A_12, %parallel_loop3A_3084 : i32
      %parallel_loop3A_3086 = arith.constant 3328 : i32
      %parallel_loop3A_3087 = arith.addi %parallel_loop3A_3085, %parallel_loop3A_3086 : i32
      %parallel_loop3A_3088 = arith.constant 176 : i32
      %parallel_loop3A_3089 = arith.addi %parallel_loop3A_3087, %parallel_loop3A_3088 : i32
      %parallel_loop3A_3090 = arith.index_cast %parallel_loop3A_3089 : i32 to index
      %parallel_loop3A_3091 = tpu.vector_load %arg6[%parallel_loop3A_3090] {strides = array<i32>} : memref<32768xf32, #tpu.memory_space<vmem>>, vector<16xf32>,
      tpu.vector_store %arg6[%parallel_loop3A_3090], %broadcast_in_dim3A_5 {strides = array<i32>} : memref<32768xf32, #tpu.memory_space<vmem>>, vector<16xf32>,
      %parallel_loop3A_3092 = arith.constant 4096 : i32
      %parallel_loop3A_3093 = arith.muli %parallel_loop3A_12, %parallel_loop3A_3092 : i32
      %parallel_loop3A_3094 = arith.constant 3328 : i32
      %parallel_loop3A_3095 = arith.addi %parallel_loop3A_3093, %parallel_loop3A_3094 : i32
      %parallel_loop3A_3096 = arith.constant 192 : i32
      %parallel_loop3A_3097 = arith.addi %parallel_loop3A_3095, %parallel_loop3A_3096 : i32
      %parallel_loop3A_3098 = arith.index_cast %parallel_loop3A_3097 : i32 to index
      %parallel_loop3A_3099 = tpu.vector_load %arg6[%parallel_loop3A_3098] {strides = array<i32>} : memref<32768xf32, #tpu.memory_space<vmem>>, vector<16xf32>,
      tpu.vector_store %arg6[%parallel_loop3A_3098], %broadcast_in_dim3A_5 {strides = array<i32>} : memref<32768xf32, #tpu.memory_space<vmem>>, vector<16xf32>,
      %parallel_loop3A_3100 = arith.constant 4096 : i32
      %parallel_loop3A_3101 = arith.muli %parallel_loop3A_12, %parallel_loop3A_3100 : i32
      %parallel_loop3A_3102 = arith.constant 3328 : i32
      %parallel_loop3A_3103 = arith.addi %parallel_loop3A_3101, %parallel_loop3A_3102 : i32
      %parallel_loop3A_3104 = arith.constant 208 : i32
      %parallel_loop3A_3105 = arith.addi %parallel_loop3A_3103, %parallel_loop3A_3104 : i32
      %parallel_loop3A_3106 = arith.index_cast %parallel_loop3A_3105 : i32 to index
      %parallel_loop3A_3107 = tpu.vector_load %arg6[%parallel_loop3A_3106] {strides = array<i32>} : memref<32768xf32, #tpu.memory_space<vmem>>, vector<16xf32>,
      tpu.vector_store %arg6[%parallel_loop3A_3106], %broadcast_in_dim3A_5 {strides = array<i32>} : memref<32768xf32, #tpu.memory_space<vmem>>, vector<16xf32>,
      %parallel_loop3A_3108 = arith.constant 4096 : i32
      %parallel_loop3A_3109 = arith.muli %parallel_loop3A_12, %parallel_loop3A_3108 : i32
      %parallel_loop3A_3110 = arith.constant 3328 : i32
      %parallel_loop3A_3111 = arith.addi %parallel_loop3A_3109, %parallel_loop3A_3110 : i32
      %parallel_loop3A_3112 = arith.constant 224 : i32
      %parallel_loop3A_3113 = arith.addi %parallel_loop3A_3111, %parallel_loop3A_3112 : i32
      %parallel_loop3A_3114 = arith.index_cast %parallel_loop3A_3113 : i32 to index
      %parallel_loop3A_3115 = tpu.vector_load %arg6[%parallel_loop3A_3114] {strides = array<i32>} : memref<32768xf32, #tpu.memory_space<vmem>>, vector<16xf32>,
      tpu.vector_store %arg6[%parallel_loop3A_3114], %broadcast_in_dim3A_5 {strides = array<i32>} : memref<32768xf32, #tpu.memory_space<vmem>>, vector<16xf32>,
      %parallel_loop3A_3116 = arith.constant 4096 : i32
      %parallel_loop3A_3117 = arith.muli %parallel_loop3A_12, %parallel_loop3A_3116 : i32
      %parallel_loop3A_3118 = arith.constant 3328 : i32
      %parallel_loop3A_3119 = arith.addi %parallel_loop3A_3117, %parallel_loop3A_3118 : i32
      %parallel_loop3A_3120 = arith.constant 240 : i32
      %parallel_loop3A_3121 = arith.addi %parallel_loop3A_3119, %parallel_loop3A_3120 : i32
      %parallel_loop3A_3122 = arith.index_cast %parallel_loop3A_3121 : i32 to index
      %parallel_loop3A_3123 = tpu.vector_load %arg6[%parallel_loop3A_3122] {strides = array<i32>} : memref<32768xf32, #tpu.memory_space<vmem>>, vector<16xf32>,
      tpu.vector_store %arg6[%parallel_loop3A_3122], %broadcast_in_dim3A_5 {strides = array<i32>} : memref<32768xf32, #tpu.memory_space<vmem>>, vector<16xf32>,
      %parallel_loop3A_3124 = arith.constant 224 : i32
      %parallel_loop3A_3125 = vector.broadcast %parallel_loop3A_3124 : i32 to vector<16xi32>
      %parallel_loop3A_3126 = arith.addi %iota3A, %parallel_loop3A_3125 : vector<16xi32>
      %parallel_loop3A_3127 = arith.constant 224 : index
      %parallel_loop3A_3128 = tpu.vector_load %arg4[%parallel_loop3A_3127] {strides = array<i32>} : memref<512xf32, #tpu.memory_space<vmem>>, vector<16xf32>,
      %parallel_loop3A_3129 = arith.constant 480 : index
      %parallel_loop3A_3130 = tpu.vector_load %arg4[%parallel_loop3A_3129] {strides = array<i32>} : memref<512xf32, #tpu.memory_space<vmem>>, vector<16xf32>,
      %parallel_loop3A_3131 = arith.subf %parallel_loop3A_3128, %parallel_loop3A_17 : vector<16xf32>
      %parallel_loop3A_3132 = arith.constant 2.000000e+00 : f32
      %parallel_loop3A_3133 = vector.broadcast %parallel_loop3A_3132 : f32 to vector<16xf32>
      %parallel_loop3A_3134 = arith.mulf %parallel_loop3A_3131, %parallel_loop3A_3133 : vector<16xf32>
      %parallel_loop3A_3135 = arith.constant 8.000000e+00 : f32
      %parallel_loop3A_3136 = vector.broadcast %parallel_loop3A_3135 : f32 to vector<16xf32>
      %parallel_loop3A_3137 = arith.addf %parallel_loop3A_3134, %parallel_loop3A_3136 : vector<16xf32>
      %parallel_loop3A_3138 = arith.subf %parallel_loop3A_3130, %parallel_loop3A_21 : vector<16xf32>
      %parallel_loop3A_3139 = arith.constant 2.000000e+00 : f32
      %parallel_loop3A_3140 = vector.broadcast %parallel_loop3A_3139 : f32 to vector<16xf32>
      %parallel_loop3A_3141 = arith.mulf %parallel_loop3A_3138, %parallel_loop3A_3140 : vector<16xf32>
      %parallel_loop3A_3142 = arith.constant 8.000000e+00 : f32
      %parallel_loop3A_3143 = vector.broadcast %parallel_loop3A_3142 : f32 to vector<16xf32>
      %parallel_loop3A_3144 = arith.addf %parallel_loop3A_3141, %parallel_loop3A_3143 : vector<16xf32>
      %parallel_loop3A_3145 = arith.constant 0.000000e+00 : f32
      %parallel_loop3A_3146 = vector.broadcast %parallel_loop3A_3145 : f32 to vector<16xf32>
      %parallel_loop3A_3147 = arith.cmpf oge, %parallel_loop3A_3137, %parallel_loop3A_3146 : vector<16xf32>
      %parallel_loop3A_3148 = arith.constant 1.600000e+01 : f32
      %parallel_loop3A_3149 = vector.broadcast %parallel_loop3A_3148 : f32 to vector<16xf32>
      %parallel_loop3A_3150 = arith.cmpf olt, %parallel_loop3A_3137, %parallel_loop3A_3149 : vector<16xf32>
      %parallel_loop3A_3151 = arith.andi %parallel_loop3A_3147, %parallel_loop3A_3150 : vector<16xi1>
      %parallel_loop3A_3152 = arith.constant 0.000000e+00 : f32
      %parallel_loop3A_3153 = vector.broadcast %parallel_loop3A_3152 : f32 to vector<16xf32>
      %parallel_loop3A_3154 = arith.cmpf oge, %parallel_loop3A_3144, %parallel_loop3A_3153 : vector<16xf32>
      %parallel_loop3A_3155 = arith.andi %parallel_loop3A_3151, %parallel_loop3A_3154 : vector<16xi1>
      %parallel_loop3A_3156 = arith.constant 1.600000e+01 : f32
      %parallel_loop3A_3157 = vector.broadcast %parallel_loop3A_3156 : f32 to vector<16xf32>
      %parallel_loop3A_3158 = arith.cmpf olt, %parallel_loop3A_3144, %parallel_loop3A_3157 : vector<16xf32>
      %parallel_loop3A_3159 = arith.andi %parallel_loop3A_3155, %parallel_loop3A_3158 : vector<16xi1>
      %parallel_loop3A_3160 = vector.broadcast %parallel_loop3A_13 : i32 to vector<16xi32>
      %parallel_loop3A_3161 = arith.cmpi ne, %parallel_loop3A_3126, %parallel_loop3A_3160 : vector<16xi32>
      %parallel_loop3A_3162 = arith.andi %parallel_loop3A_3159, %parallel_loop3A_3161 : vector<16xi1>
      %parallel_loop3A_3163 = arith.fptosi %parallel_loop3A_3137 : vector<16xf32> to vector<16xi32>
      %parallel_loop3A_3164 = arith.fptosi %parallel_loop3A_3144 : vector<16xf32> to vector<16xi32>
      %parallel_loop3A_3165 = arith.constant 16 : i32
      %parallel_loop3A_3166 = vector.broadcast %parallel_loop3A_3165 : i32 to vector<16xi32>
      %parallel_loop3A_3167 = arith.muli %parallel_loop3A_3163, %parallel_loop3A_3166 : vector<16xi32>
      %parallel_loop3A_3168 = arith.addi %parallel_loop3A_3167, %parallel_loop3A_3164 : vector<16xi32>
      %parallel_loop3A_3169 = arith.constant 256 : i32
      %parallel_loop3A_3170 = vector.broadcast %parallel_loop3A_3169 : i32 to vector<16xi32>
      %parallel_loop3A_3171 = arith.select %parallel_loop3A_3162, %parallel_loop3A_3168, %parallel_loop3A_3170 : vector<16xi1>, vector<16xi32>
      %parallel_loop3A_3172 = arith.constant 4 : i32
      %parallel_loop3A_3173 = vector.broadcast %parallel_loop3A_3172 : i32 to vector<16xi32>
      %parallel_loop3A_3174 = arith.shli %parallel_loop3A_3171, %parallel_loop3A_3173 : vector<16xi32>
      %parallel_loop3A_3175 = arith.ori %parallel_loop3A_3174, %iota3A : vector<16xi32>
      %parallel_loop3A_3176 = arith.constant dense<true> : vector<16xi1>
      %parallel_loop3A_3177 = arith.constant -2147483648 : i32
      %parallel_loop3A_3178 = vector.broadcast %parallel_loop3A_3177 : i32 to vector<16xi32>
      %parallel_loop3A_3179 = arith.xori %parallel_loop3A_3175, %parallel_loop3A_3178 : vector<16xi32>
      %parallel_loop3A_3180, %parallel_loop3A_3181, %parallel_loop3A_3182 = tpu.sort %parallel_loop3A_3179, %parallel_loop3A_3126 masked %parallel_loop3A_3176 : (vector<16xi32>, vector<16xi32>, vector<16xi1>) -> (vector<16xi1>, vector<16xi32>, vector<16xi32>)
      %parallel_loop3A_3183 = arith.xori %parallel_loop3A_3181, %parallel_loop3A_3178 : vector<16xi32>
      %parallel_loop3A_3184 = arith.constant 4 : i32
      %parallel_loop3A_3185 = vector.broadcast %parallel_loop3A_3184 : i32 to vector<16xi32>
      %parallel_loop3A_3186 = arith.shrsi %parallel_loop3A_3183, %parallel_loop3A_3185 : vector<16xi32>
      %parallel_loop3A_3187 = arith.constant 272 : i32
      %parallel_loop3A_3188 = arith.addi %parallel_loop3A_15, %parallel_loop3A_3187 : i32
      %parallel_loop3A_3189 = arith.index_cast %parallel_loop3A_3188 : i32 to index
      %parallel_loop3A_3190 = tpu.vector_load %arg5[%parallel_loop3A_3189] {strides = array<i32>} : memref<2304xi32, #tpu.memory_space<vmem>>, vector<16xi32>,
      tpu.vector_store %arg5[%parallel_loop3A_3189], %parallel_loop3A_3186 {strides = array<i32>} : memref<2304xi32, #tpu.memory_space<vmem>>, vector<16xi32>,
      %parallel_loop3A_3191 = arith.constant 1 : i32
      %parallel_loop3A_3192 = vector.broadcast %parallel_loop3A_3191 : i32 to vector<16xi32>
      %parallel_loop3A_3193 = arith.addi %iota3A, %parallel_loop3A_3192 : vector<16xi32>
      %parallel_loop3A_3194 = arith.constant 15 : i32
      %parallel_loop3A_3195 = vector.broadcast %parallel_loop3A_3194 : i32 to vector<16xi32>
      %parallel_loop3A_3196 = arith.minsi %parallel_loop3A_3193, %parallel_loop3A_3195 : vector<16xi32>
      %parallel_loop3A_3197 = arith.constant 272 : i32
      %parallel_loop3A_3198 = arith.addi %parallel_loop3A_15, %parallel_loop3A_3197 : i32
      %parallel_loop3A_3199 = vector.broadcast %parallel_loop3A_3198 : i32 to vector<16xi32>
      %parallel_loop3A_3200 = arith.addi %parallel_loop3A_3196, %parallel_loop3A_3199 : vector<16xi32>
      %parallel_loop3A_3201 = tpu.vector_load_idx %arg5[%parallel_loop3A_3200] : memref<2304xi32, #tpu.memory_space<vmem>>[vector<16xi32>], vector<16xi32>,
      %parallel_loop3A_3202 = arith.cmpi ne, %parallel_loop3A_3201, %parallel_loop3A_3186 : vector<16xi32>
      %parallel_loop3A_3203 = arith.constant 15 : i32
      %parallel_loop3A_3204 = vector.broadcast %parallel_loop3A_3203 : i32 to vector<16xi32>
      %parallel_loop3A_3205 = arith.cmpi eq, %iota3A, %parallel_loop3A_3204 : vector<16xi32>
      %parallel_loop3A_3206 = arith.ori %parallel_loop3A_3202, %parallel_loop3A_3205 : vector<16xi1>
      %parallel_loop3A_3207 = arith.constant 256 : i32
      %parallel_loop3A_3208 = vector.broadcast %parallel_loop3A_3207 : i32 to vector<16xi32>
      %parallel_loop3A_3209 = arith.cmpi slt, %parallel_loop3A_3186, %parallel_loop3A_3208 : vector<16xi32>
      %parallel_loop3A_3210 = arith.andi %parallel_loop3A_3206, %parallel_loop3A_3209 : vector<16xi1>
      %parallel_loop3A_3211 = vector.broadcast %parallel_loop3A_15 : i32 to vector<16xi32>
      %parallel_loop3A_3212 = arith.addi %parallel_loop3A_3186, %parallel_loop3A_3211 : vector<16xi32>
      tpu.vector_store_idx %arg5[%parallel_loop3A_3212], %parallel_loop3A_3182 masked %parallel_loop3A_3210 : memref<2304xi32, #tpu.memory_space<vmem>>[vector<16xi32>], vector<16xi32>, vector<16xi1>
      %parallel_loop3A_3213 = arith.constant 4096 : i32
      %parallel_loop3A_3214 = arith.muli %parallel_loop3A_12, %parallel_loop3A_3213 : i32
      %parallel_loop3A_3215 = arith.constant 3584 : i32
      %parallel_loop3A_3216 = arith.addi %parallel_loop3A_3214, %parallel_loop3A_3215 : i32
      %parallel_loop3A_3217 = arith.constant 0 : i32
      %parallel_loop3A_3218 = arith.addi %parallel_loop3A_3216, %parallel_loop3A_3217 : i32
      %parallel_loop3A_3219 = arith.index_cast %parallel_loop3A_3218 : i32 to index
      %parallel_loop3A_3220 = tpu.vector_load %arg6[%parallel_loop3A_3219] {strides = array<i32>} : memref<32768xf32, #tpu.memory_space<vmem>>, vector<16xf32>,
      tpu.vector_store %arg6[%parallel_loop3A_3219], %broadcast_in_dim3A_5 {strides = array<i32>} : memref<32768xf32, #tpu.memory_space<vmem>>, vector<16xf32>,
      %parallel_loop3A_3221 = arith.constant 4096 : i32
      %parallel_loop3A_3222 = arith.muli %parallel_loop3A_12, %parallel_loop3A_3221 : i32
      %parallel_loop3A_3223 = arith.constant 3584 : i32
      %parallel_loop3A_3224 = arith.addi %parallel_loop3A_3222, %parallel_loop3A_3223 : i32
      %parallel_loop3A_3225 = arith.constant 16 : i32
      %parallel_loop3A_3226 = arith.addi %parallel_loop3A_3224, %parallel_loop3A_3225 : i32
      %parallel_loop3A_3227 = arith.index_cast %parallel_loop3A_3226 : i32 to index
      %parallel_loop3A_3228 = tpu.vector_load %arg6[%parallel_loop3A_3227] {strides = array<i32>} : memref<32768xf32, #tpu.memory_space<vmem>>, vector<16xf32>,
      tpu.vector_store %arg6[%parallel_loop3A_3227], %broadcast_in_dim3A_5 {strides = array<i32>} : memref<32768xf32, #tpu.memory_space<vmem>>, vector<16xf32>,
      %parallel_loop3A_3229 = arith.constant 4096 : i32
      %parallel_loop3A_3230 = arith.muli %parallel_loop3A_12, %parallel_loop3A_3229 : i32
      %parallel_loop3A_3231 = arith.constant 3584 : i32
      %parallel_loop3A_3232 = arith.addi %parallel_loop3A_3230, %parallel_loop3A_3231 : i32
      %parallel_loop3A_3233 = arith.constant 32 : i32
      %parallel_loop3A_3234 = arith.addi %parallel_loop3A_3232, %parallel_loop3A_3233 : i32
      %parallel_loop3A_3235 = arith.index_cast %parallel_loop3A_3234 : i32 to index
      %parallel_loop3A_3236 = tpu.vector_load %arg6[%parallel_loop3A_3235] {strides = array<i32>} : memref<32768xf32, #tpu.memory_space<vmem>>, vector<16xf32>,
      tpu.vector_store %arg6[%parallel_loop3A_3235], %broadcast_in_dim3A_5 {strides = array<i32>} : memref<32768xf32, #tpu.memory_space<vmem>>, vector<16xf32>,
      %parallel_loop3A_3237 = arith.constant 4096 : i32
      %parallel_loop3A_3238 = arith.muli %parallel_loop3A_12, %parallel_loop3A_3237 : i32
      %parallel_loop3A_3239 = arith.constant 3584 : i32
      %parallel_loop3A_3240 = arith.addi %parallel_loop3A_3238, %parallel_loop3A_3239 : i32
      %parallel_loop3A_3241 = arith.constant 48 : i32
      %parallel_loop3A_3242 = arith.addi %parallel_loop3A_3240, %parallel_loop3A_3241 : i32
      %parallel_loop3A_3243 = arith.index_cast %parallel_loop3A_3242 : i32 to index
      %parallel_loop3A_3244 = tpu.vector_load %arg6[%parallel_loop3A_3243] {strides = array<i32>} : memref<32768xf32, #tpu.memory_space<vmem>>, vector<16xf32>,
      tpu.vector_store %arg6[%parallel_loop3A_3243], %broadcast_in_dim3A_5 {strides = array<i32>} : memref<32768xf32, #tpu.memory_space<vmem>>, vector<16xf32>,
      %parallel_loop3A_3245 = arith.constant 4096 : i32
      %parallel_loop3A_3246 = arith.muli %parallel_loop3A_12, %parallel_loop3A_3245 : i32
      %parallel_loop3A_3247 = arith.constant 3584 : i32
      %parallel_loop3A_3248 = arith.addi %parallel_loop3A_3246, %parallel_loop3A_3247 : i32
      %parallel_loop3A_3249 = arith.constant 64 : i32
      %parallel_loop3A_3250 = arith.addi %parallel_loop3A_3248, %parallel_loop3A_3249 : i32
      %parallel_loop3A_3251 = arith.index_cast %parallel_loop3A_3250 : i32 to index
      %parallel_loop3A_3252 = tpu.vector_load %arg6[%parallel_loop3A_3251] {strides = array<i32>} : memref<32768xf32, #tpu.memory_space<vmem>>, vector<16xf32>,
      tpu.vector_store %arg6[%parallel_loop3A_3251], %broadcast_in_dim3A_5 {strides = array<i32>} : memref<32768xf32, #tpu.memory_space<vmem>>, vector<16xf32>,
      %parallel_loop3A_3253 = arith.constant 4096 : i32
      %parallel_loop3A_3254 = arith.muli %parallel_loop3A_12, %parallel_loop3A_3253 : i32
      %parallel_loop3A_3255 = arith.constant 3584 : i32
      %parallel_loop3A_3256 = arith.addi %parallel_loop3A_3254, %parallel_loop3A_3255 : i32
      %parallel_loop3A_3257 = arith.constant 80 : i32
      %parallel_loop3A_3258 = arith.addi %parallel_loop3A_3256, %parallel_loop3A_3257 : i32
      %parallel_loop3A_3259 = arith.index_cast %parallel_loop3A_3258 : i32 to index
      %parallel_loop3A_3260 = tpu.vector_load %arg6[%parallel_loop3A_3259] {strides = array<i32>} : memref<32768xf32, #tpu.memory_space<vmem>>, vector<16xf32>,
      tpu.vector_store %arg6[%parallel_loop3A_3259], %broadcast_in_dim3A_5 {strides = array<i32>} : memref<32768xf32, #tpu.memory_space<vmem>>, vector<16xf32>,
      %parallel_loop3A_3261 = arith.constant 4096 : i32
      %parallel_loop3A_3262 = arith.muli %parallel_loop3A_12, %parallel_loop3A_3261 : i32
      %parallel_loop3A_3263 = arith.constant 3584 : i32
      %parallel_loop3A_3264 = arith.addi %parallel_loop3A_3262, %parallel_loop3A_3263 : i32
      %parallel_loop3A_3265 = arith.constant 96 : i32
      %parallel_loop3A_3266 = arith.addi %parallel_loop3A_3264, %parallel_loop3A_3265 : i32
      %parallel_loop3A_3267 = arith.index_cast %parallel_loop3A_3266 : i32 to index
      %parallel_loop3A_3268 = tpu.vector_load %arg6[%parallel_loop3A_3267] {strides = array<i32>} : memref<32768xf32, #tpu.memory_space<vmem>>, vector<16xf32>,
      tpu.vector_store %arg6[%parallel_loop3A_3267], %broadcast_in_dim3A_5 {strides = array<i32>} : memref<32768xf32, #tpu.memory_space<vmem>>, vector<16xf32>,
      %parallel_loop3A_3269 = arith.constant 4096 : i32
      %parallel_loop3A_3270 = arith.muli %parallel_loop3A_12, %parallel_loop3A_3269 : i32
      %parallel_loop3A_3271 = arith.constant 3584 : i32
      %parallel_loop3A_3272 = arith.addi %parallel_loop3A_3270, %parallel_loop3A_3271 : i32
      %parallel_loop3A_3273 = arith.constant 112 : i32
      %parallel_loop3A_3274 = arith.addi %parallel_loop3A_3272, %parallel_loop3A_3273 : i32
      %parallel_loop3A_3275 = arith.index_cast %parallel_loop3A_3274 : i32 to index
      %parallel_loop3A_3276 = tpu.vector_load %arg6[%parallel_loop3A_3275] {strides = array<i32>} : memref<32768xf32, #tpu.memory_space<vmem>>, vector<16xf32>,
      tpu.vector_store %arg6[%parallel_loop3A_3275], %broadcast_in_dim3A_5 {strides = array<i32>} : memref<32768xf32, #tpu.memory_space<vmem>>, vector<16xf32>,
      %parallel_loop3A_3277 = arith.constant 4096 : i32
      %parallel_loop3A_3278 = arith.muli %parallel_loop3A_12, %parallel_loop3A_3277 : i32
      %parallel_loop3A_3279 = arith.constant 3584 : i32
      %parallel_loop3A_3280 = arith.addi %parallel_loop3A_3278, %parallel_loop3A_3279 : i32
      %parallel_loop3A_3281 = arith.constant 128 : i32
      %parallel_loop3A_3282 = arith.addi %parallel_loop3A_3280, %parallel_loop3A_3281 : i32
      %parallel_loop3A_3283 = arith.index_cast %parallel_loop3A_3282 : i32 to index
      %parallel_loop3A_3284 = tpu.vector_load %arg6[%parallel_loop3A_3283] {strides = array<i32>} : memref<32768xf32, #tpu.memory_space<vmem>>, vector<16xf32>,
      tpu.vector_store %arg6[%parallel_loop3A_3283], %broadcast_in_dim3A_5 {strides = array<i32>} : memref<32768xf32, #tpu.memory_space<vmem>>, vector<16xf32>,
      %parallel_loop3A_3285 = arith.constant 4096 : i32
      %parallel_loop3A_3286 = arith.muli %parallel_loop3A_12, %parallel_loop3A_3285 : i32
      %parallel_loop3A_3287 = arith.constant 3584 : i32
      %parallel_loop3A_3288 = arith.addi %parallel_loop3A_3286, %parallel_loop3A_3287 : i32
      %parallel_loop3A_3289 = arith.constant 144 : i32
      %parallel_loop3A_3290 = arith.addi %parallel_loop3A_3288, %parallel_loop3A_3289 : i32
      %parallel_loop3A_3291 = arith.index_cast %parallel_loop3A_3290 : i32 to index
      %parallel_loop3A_3292 = tpu.vector_load %arg6[%parallel_loop3A_3291] {strides = array<i32>} : memref<32768xf32, #tpu.memory_space<vmem>>, vector<16xf32>,
      tpu.vector_store %arg6[%parallel_loop3A_3291], %broadcast_in_dim3A_5 {strides = array<i32>} : memref<32768xf32, #tpu.memory_space<vmem>>, vector<16xf32>,
      %parallel_loop3A_3293 = arith.constant 4096 : i32
      %parallel_loop3A_3294 = arith.muli %parallel_loop3A_12, %parallel_loop3A_3293 : i32
      %parallel_loop3A_3295 = arith.constant 3584 : i32
      %parallel_loop3A_3296 = arith.addi %parallel_loop3A_3294, %parallel_loop3A_3295 : i32
      %parallel_loop3A_3297 = arith.constant 160 : i32
      %parallel_loop3A_3298 = arith.addi %parallel_loop3A_3296, %parallel_loop3A_3297 : i32
      %parallel_loop3A_3299 = arith.index_cast %parallel_loop3A_3298 : i32 to index
      %parallel_loop3A_3300 = tpu.vector_load %arg6[%parallel_loop3A_3299] {strides = array<i32>} : memref<32768xf32, #tpu.memory_space<vmem>>, vector<16xf32>,
      tpu.vector_store %arg6[%parallel_loop3A_3299], %broadcast_in_dim3A_5 {strides = array<i32>} : memref<32768xf32, #tpu.memory_space<vmem>>, vector<16xf32>,
      %parallel_loop3A_3301 = arith.constant 4096 : i32
      %parallel_loop3A_3302 = arith.muli %parallel_loop3A_12, %parallel_loop3A_3301 : i32
      %parallel_loop3A_3303 = arith.constant 3584 : i32
      %parallel_loop3A_3304 = arith.addi %parallel_loop3A_3302, %parallel_loop3A_3303 : i32
      %parallel_loop3A_3305 = arith.constant 176 : i32
      %parallel_loop3A_3306 = arith.addi %parallel_loop3A_3304, %parallel_loop3A_3305 : i32
      %parallel_loop3A_3307 = arith.index_cast %parallel_loop3A_3306 : i32 to index
      %parallel_loop3A_3308 = tpu.vector_load %arg6[%parallel_loop3A_3307] {strides = array<i32>} : memref<32768xf32, #tpu.memory_space<vmem>>, vector<16xf32>,
      tpu.vector_store %arg6[%parallel_loop3A_3307], %broadcast_in_dim3A_5 {strides = array<i32>} : memref<32768xf32, #tpu.memory_space<vmem>>, vector<16xf32>,
      %parallel_loop3A_3309 = arith.constant 4096 : i32
      %parallel_loop3A_3310 = arith.muli %parallel_loop3A_12, %parallel_loop3A_3309 : i32
      %parallel_loop3A_3311 = arith.constant 3584 : i32
      %parallel_loop3A_3312 = arith.addi %parallel_loop3A_3310, %parallel_loop3A_3311 : i32
      %parallel_loop3A_3313 = arith.constant 192 : i32
      %parallel_loop3A_3314 = arith.addi %parallel_loop3A_3312, %parallel_loop3A_3313 : i32
      %parallel_loop3A_3315 = arith.index_cast %parallel_loop3A_3314 : i32 to index
      %parallel_loop3A_3316 = tpu.vector_load %arg6[%parallel_loop3A_3315] {strides = array<i32>} : memref<32768xf32, #tpu.memory_space<vmem>>, vector<16xf32>,
      tpu.vector_store %arg6[%parallel_loop3A_3315], %broadcast_in_dim3A_5 {strides = array<i32>} : memref<32768xf32, #tpu.memory_space<vmem>>, vector<16xf32>,
      %parallel_loop3A_3317 = arith.constant 4096 : i32
      %parallel_loop3A_3318 = arith.muli %parallel_loop3A_12, %parallel_loop3A_3317 : i32
      %parallel_loop3A_3319 = arith.constant 3584 : i32
      %parallel_loop3A_3320 = arith.addi %parallel_loop3A_3318, %parallel_loop3A_3319 : i32
      %parallel_loop3A_3321 = arith.constant 208 : i32
      %parallel_loop3A_3322 = arith.addi %parallel_loop3A_3320, %parallel_loop3A_3321 : i32
      %parallel_loop3A_3323 = arith.index_cast %parallel_loop3A_3322 : i32 to index
      %parallel_loop3A_3324 = tpu.vector_load %arg6[%parallel_loop3A_3323] {strides = array<i32>} : memref<32768xf32, #tpu.memory_space<vmem>>, vector<16xf32>,
      tpu.vector_store %arg6[%parallel_loop3A_3323], %broadcast_in_dim3A_5 {strides = array<i32>} : memref<32768xf32, #tpu.memory_space<vmem>>, vector<16xf32>,
      %parallel_loop3A_3325 = arith.constant 4096 : i32
      %parallel_loop3A_3326 = arith.muli %parallel_loop3A_12, %parallel_loop3A_3325 : i32
      %parallel_loop3A_3327 = arith.constant 3584 : i32
      %parallel_loop3A_3328 = arith.addi %parallel_loop3A_3326, %parallel_loop3A_3327 : i32
      %parallel_loop3A_3329 = arith.constant 224 : i32
      %parallel_loop3A_3330 = arith.addi %parallel_loop3A_3328, %parallel_loop3A_3329 : i32
      %parallel_loop3A_3331 = arith.index_cast %parallel_loop3A_3330 : i32 to index
      %parallel_loop3A_3332 = tpu.vector_load %arg6[%parallel_loop3A_3331] {strides = array<i32>} : memref<32768xf32, #tpu.memory_space<vmem>>, vector<16xf32>,
      tpu.vector_store %arg6[%parallel_loop3A_3331], %broadcast_in_dim3A_5 {strides = array<i32>} : memref<32768xf32, #tpu.memory_space<vmem>>, vector<16xf32>,
      %parallel_loop3A_3333 = arith.constant 4096 : i32
      %parallel_loop3A_3334 = arith.muli %parallel_loop3A_12, %parallel_loop3A_3333 : i32
      %parallel_loop3A_3335 = arith.constant 3584 : i32
      %parallel_loop3A_3336 = arith.addi %parallel_loop3A_3334, %parallel_loop3A_3335 : i32
      %parallel_loop3A_3337 = arith.constant 240 : i32
      %parallel_loop3A_3338 = arith.addi %parallel_loop3A_3336, %parallel_loop3A_3337 : i32
      %parallel_loop3A_3339 = arith.index_cast %parallel_loop3A_3338 : i32 to index
      %parallel_loop3A_3340 = tpu.vector_load %arg6[%parallel_loop3A_3339] {strides = array<i32>} : memref<32768xf32, #tpu.memory_space<vmem>>, vector<16xf32>,
      tpu.vector_store %arg6[%parallel_loop3A_3339], %broadcast_in_dim3A_5 {strides = array<i32>} : memref<32768xf32, #tpu.memory_space<vmem>>, vector<16xf32>,
      %parallel_loop3A_3341 = arith.constant 240 : i32
      %parallel_loop3A_3342 = vector.broadcast %parallel_loop3A_3341 : i32 to vector<16xi32>
      %parallel_loop3A_3343 = arith.addi %iota3A, %parallel_loop3A_3342 : vector<16xi32>
      %parallel_loop3A_3344 = arith.constant 240 : index
      %parallel_loop3A_3345 = tpu.vector_load %arg4[%parallel_loop3A_3344] {strides = array<i32>} : memref<512xf32, #tpu.memory_space<vmem>>, vector<16xf32>,
      %parallel_loop3A_3346 = arith.constant 496 : index
      %parallel_loop3A_3347 = tpu.vector_load %arg4[%parallel_loop3A_3346] {strides = array<i32>} : memref<512xf32, #tpu.memory_space<vmem>>, vector<16xf32>,
      %parallel_loop3A_3348 = arith.subf %parallel_loop3A_3345, %parallel_loop3A_17 : vector<16xf32>
      %parallel_loop3A_3349 = arith.constant 2.000000e+00 : f32
      %parallel_loop3A_3350 = vector.broadcast %parallel_loop3A_3349 : f32 to vector<16xf32>
      %parallel_loop3A_3351 = arith.mulf %parallel_loop3A_3348, %parallel_loop3A_3350 : vector<16xf32>
      %parallel_loop3A_3352 = arith.constant 8.000000e+00 : f32
      %parallel_loop3A_3353 = vector.broadcast %parallel_loop3A_3352 : f32 to vector<16xf32>
      %parallel_loop3A_3354 = arith.addf %parallel_loop3A_3351, %parallel_loop3A_3353 : vector<16xf32>
      %parallel_loop3A_3355 = arith.subf %parallel_loop3A_3347, %parallel_loop3A_21 : vector<16xf32>
      %parallel_loop3A_3356 = arith.constant 2.000000e+00 : f32
      %parallel_loop3A_3357 = vector.broadcast %parallel_loop3A_3356 : f32 to vector<16xf32>
      %parallel_loop3A_3358 = arith.mulf %parallel_loop3A_3355, %parallel_loop3A_3357 : vector<16xf32>
      %parallel_loop3A_3359 = arith.constant 8.000000e+00 : f32
      %parallel_loop3A_3360 = vector.broadcast %parallel_loop3A_3359 : f32 to vector<16xf32>
      %parallel_loop3A_3361 = arith.addf %parallel_loop3A_3358, %parallel_loop3A_3360 : vector<16xf32>
      %parallel_loop3A_3362 = arith.constant 0.000000e+00 : f32
      %parallel_loop3A_3363 = vector.broadcast %parallel_loop3A_3362 : f32 to vector<16xf32>
      %parallel_loop3A_3364 = arith.cmpf oge, %parallel_loop3A_3354, %parallel_loop3A_3363 : vector<16xf32>
      %parallel_loop3A_3365 = arith.constant 1.600000e+01 : f32
      %parallel_loop3A_3366 = vector.broadcast %parallel_loop3A_3365 : f32 to vector<16xf32>
      %parallel_loop3A_3367 = arith.cmpf olt, %parallel_loop3A_3354, %parallel_loop3A_3366 : vector<16xf32>
      %parallel_loop3A_3368 = arith.andi %parallel_loop3A_3364, %parallel_loop3A_3367 : vector<16xi1>
      %parallel_loop3A_3369 = arith.constant 0.000000e+00 : f32
      %parallel_loop3A_3370 = vector.broadcast %parallel_loop3A_3369 : f32 to vector<16xf32>
      %parallel_loop3A_3371 = arith.cmpf oge, %parallel_loop3A_3361, %parallel_loop3A_3370 : vector<16xf32>
      %parallel_loop3A_3372 = arith.andi %parallel_loop3A_3368, %parallel_loop3A_3371 : vector<16xi1>
      %parallel_loop3A_3373 = arith.constant 1.600000e+01 : f32
      %parallel_loop3A_3374 = vector.broadcast %parallel_loop3A_3373 : f32 to vector<16xf32>
      %parallel_loop3A_3375 = arith.cmpf olt, %parallel_loop3A_3361, %parallel_loop3A_3374 : vector<16xf32>
      %parallel_loop3A_3376 = arith.andi %parallel_loop3A_3372, %parallel_loop3A_3375 : vector<16xi1>
      %parallel_loop3A_3377 = vector.broadcast %parallel_loop3A_13 : i32 to vector<16xi32>
      %parallel_loop3A_3378 = arith.cmpi ne, %parallel_loop3A_3343, %parallel_loop3A_3377 : vector<16xi32>
      %parallel_loop3A_3379 = arith.andi %parallel_loop3A_3376, %parallel_loop3A_3378 : vector<16xi1>
      %parallel_loop3A_3380 = arith.fptosi %parallel_loop3A_3354 : vector<16xf32> to vector<16xi32>
      %parallel_loop3A_3381 = arith.fptosi %parallel_loop3A_3361 : vector<16xf32> to vector<16xi32>
      %parallel_loop3A_3382 = arith.constant 16 : i32
      %parallel_loop3A_3383 = vector.broadcast %parallel_loop3A_3382 : i32 to vector<16xi32>
      %parallel_loop3A_3384 = arith.muli %parallel_loop3A_3380, %parallel_loop3A_3383 : vector<16xi32>
      %parallel_loop3A_3385 = arith.addi %parallel_loop3A_3384, %parallel_loop3A_3381 : vector<16xi32>
      %parallel_loop3A_3386 = arith.constant 256 : i32
      %parallel_loop3A_3387 = vector.broadcast %parallel_loop3A_3386 : i32 to vector<16xi32>
      %parallel_loop3A_3388 = arith.select %parallel_loop3A_3379, %parallel_loop3A_3385, %parallel_loop3A_3387 : vector<16xi1>, vector<16xi32>
      %parallel_loop3A_3389 = arith.constant 4 : i32
      %parallel_loop3A_3390 = vector.broadcast %parallel_loop3A_3389 : i32 to vector<16xi32>
      %parallel_loop3A_3391 = arith.shli %parallel_loop3A_3388, %parallel_loop3A_3390 : vector<16xi32>
      %parallel_loop3A_3392 = arith.ori %parallel_loop3A_3391, %iota3A : vector<16xi32>
      %parallel_loop3A_3393 = arith.constant dense<true> : vector<16xi1>
      %parallel_loop3A_3394 = arith.constant -2147483648 : i32
      %parallel_loop3A_3395 = vector.broadcast %parallel_loop3A_3394 : i32 to vector<16xi32>
      %parallel_loop3A_3396 = arith.xori %parallel_loop3A_3392, %parallel_loop3A_3395 : vector<16xi32>
      %parallel_loop3A_3397, %parallel_loop3A_3398, %parallel_loop3A_3399 = tpu.sort %parallel_loop3A_3396, %parallel_loop3A_3343 masked %parallel_loop3A_3393 : (vector<16xi32>, vector<16xi32>, vector<16xi1>) -> (vector<16xi1>, vector<16xi32>, vector<16xi32>)
      %parallel_loop3A_3400 = arith.xori %parallel_loop3A_3398, %parallel_loop3A_3395 : vector<16xi32>
      %parallel_loop3A_3401 = arith.constant 4 : i32
      %parallel_loop3A_3402 = vector.broadcast %parallel_loop3A_3401 : i32 to vector<16xi32>
      %parallel_loop3A_3403 = arith.shrsi %parallel_loop3A_3400, %parallel_loop3A_3402 : vector<16xi32>
      %parallel_loop3A_3404 = arith.constant 272 : i32
      %parallel_loop3A_3405 = arith.addi %parallel_loop3A_15, %parallel_loop3A_3404 : i32
      %parallel_loop3A_3406 = arith.index_cast %parallel_loop3A_3405 : i32 to index
      %parallel_loop3A_3407 = tpu.vector_load %arg5[%parallel_loop3A_3406] {strides = array<i32>} : memref<2304xi32, #tpu.memory_space<vmem>>, vector<16xi32>,
      tpu.vector_store %arg5[%parallel_loop3A_3406], %parallel_loop3A_3403 {strides = array<i32>} : memref<2304xi32, #tpu.memory_space<vmem>>, vector<16xi32>,
      %parallel_loop3A_3408 = arith.constant 1 : i32
      %parallel_loop3A_3409 = vector.broadcast %parallel_loop3A_3408 : i32 to vector<16xi32>
      %parallel_loop3A_3410 = arith.addi %iota3A, %parallel_loop3A_3409 : vector<16xi32>
      %parallel_loop3A_3411 = arith.constant 15 : i32
      %parallel_loop3A_3412 = vector.broadcast %parallel_loop3A_3411 : i32 to vector<16xi32>
      %parallel_loop3A_3413 = arith.minsi %parallel_loop3A_3410, %parallel_loop3A_3412 : vector<16xi32>
      %parallel_loop3A_3414 = arith.constant 272 : i32
      %parallel_loop3A_3415 = arith.addi %parallel_loop3A_15, %parallel_loop3A_3414 : i32
      %parallel_loop3A_3416 = vector.broadcast %parallel_loop3A_3415 : i32 to vector<16xi32>
      %parallel_loop3A_3417 = arith.addi %parallel_loop3A_3413, %parallel_loop3A_3416 : vector<16xi32>
      %parallel_loop3A_3418 = tpu.vector_load_idx %arg5[%parallel_loop3A_3417] : memref<2304xi32, #tpu.memory_space<vmem>>[vector<16xi32>], vector<16xi32>,
      %parallel_loop3A_3419 = arith.cmpi ne, %parallel_loop3A_3418, %parallel_loop3A_3403 : vector<16xi32>
      %parallel_loop3A_3420 = arith.constant 15 : i32
      %parallel_loop3A_3421 = vector.broadcast %parallel_loop3A_3420 : i32 to vector<16xi32>
      %parallel_loop3A_3422 = arith.cmpi eq, %iota3A, %parallel_loop3A_3421 : vector<16xi32>
      %parallel_loop3A_3423 = arith.ori %parallel_loop3A_3419, %parallel_loop3A_3422 : vector<16xi1>
      %parallel_loop3A_3424 = arith.constant 256 : i32
      %parallel_loop3A_3425 = vector.broadcast %parallel_loop3A_3424 : i32 to vector<16xi32>
      %parallel_loop3A_3426 = arith.cmpi slt, %parallel_loop3A_3403, %parallel_loop3A_3425 : vector<16xi32>
      %parallel_loop3A_3427 = arith.andi %parallel_loop3A_3423, %parallel_loop3A_3426 : vector<16xi1>
      %parallel_loop3A_3428 = vector.broadcast %parallel_loop3A_15 : i32 to vector<16xi32>
      %parallel_loop3A_3429 = arith.addi %parallel_loop3A_3403, %parallel_loop3A_3428 : vector<16xi32>
      tpu.vector_store_idx %arg5[%parallel_loop3A_3429], %parallel_loop3A_3399 masked %parallel_loop3A_3427 : memref<2304xi32, #tpu.memory_space<vmem>>[vector<16xi32>], vector<16xi32>, vector<16xi1>
      %parallel_loop3A_3430 = arith.constant 4096 : i32
      %parallel_loop3A_3431 = arith.muli %parallel_loop3A_12, %parallel_loop3A_3430 : i32
      %parallel_loop3A_3432 = arith.constant 3840 : i32
      %parallel_loop3A_3433 = arith.addi %parallel_loop3A_3431, %parallel_loop3A_3432 : i32
      %parallel_loop3A_3434 = arith.constant 0 : i32
      %parallel_loop3A_3435 = arith.addi %parallel_loop3A_3433, %parallel_loop3A_3434 : i32
      %parallel_loop3A_3436 = arith.index_cast %parallel_loop3A_3435 : i32 to index
      %parallel_loop3A_3437 = tpu.vector_load %arg6[%parallel_loop3A_3436] {strides = array<i32>} : memref<32768xf32, #tpu.memory_space<vmem>>, vector<16xf32>,
      tpu.vector_store %arg6[%parallel_loop3A_3436], %broadcast_in_dim3A_5 {strides = array<i32>} : memref<32768xf32, #tpu.memory_space<vmem>>, vector<16xf32>,
      %parallel_loop3A_3438 = arith.constant 4096 : i32
      %parallel_loop3A_3439 = arith.muli %parallel_loop3A_12, %parallel_loop3A_3438 : i32
      %parallel_loop3A_3440 = arith.constant 3840 : i32
      %parallel_loop3A_3441 = arith.addi %parallel_loop3A_3439, %parallel_loop3A_3440 : i32
      %parallel_loop3A_3442 = arith.constant 16 : i32
      %parallel_loop3A_3443 = arith.addi %parallel_loop3A_3441, %parallel_loop3A_3442 : i32
      %parallel_loop3A_3444 = arith.index_cast %parallel_loop3A_3443 : i32 to index
      %parallel_loop3A_3445 = tpu.vector_load %arg6[%parallel_loop3A_3444] {strides = array<i32>} : memref<32768xf32, #tpu.memory_space<vmem>>, vector<16xf32>,
      tpu.vector_store %arg6[%parallel_loop3A_3444], %broadcast_in_dim3A_5 {strides = array<i32>} : memref<32768xf32, #tpu.memory_space<vmem>>, vector<16xf32>,
      %parallel_loop3A_3446 = arith.constant 4096 : i32
      %parallel_loop3A_3447 = arith.muli %parallel_loop3A_12, %parallel_loop3A_3446 : i32
      %parallel_loop3A_3448 = arith.constant 3840 : i32
      %parallel_loop3A_3449 = arith.addi %parallel_loop3A_3447, %parallel_loop3A_3448 : i32
      %parallel_loop3A_3450 = arith.constant 32 : i32
      %parallel_loop3A_3451 = arith.addi %parallel_loop3A_3449, %parallel_loop3A_3450 : i32
      %parallel_loop3A_3452 = arith.index_cast %parallel_loop3A_3451 : i32 to index
      %parallel_loop3A_3453 = tpu.vector_load %arg6[%parallel_loop3A_3452] {strides = array<i32>} : memref<32768xf32, #tpu.memory_space<vmem>>, vector<16xf32>,
      tpu.vector_store %arg6[%parallel_loop3A_3452], %broadcast_in_dim3A_5 {strides = array<i32>} : memref<32768xf32, #tpu.memory_space<vmem>>, vector<16xf32>,
      %parallel_loop3A_3454 = arith.constant 4096 : i32
      %parallel_loop3A_3455 = arith.muli %parallel_loop3A_12, %parallel_loop3A_3454 : i32
      %parallel_loop3A_3456 = arith.constant 3840 : i32
      %parallel_loop3A_3457 = arith.addi %parallel_loop3A_3455, %parallel_loop3A_3456 : i32
      %parallel_loop3A_3458 = arith.constant 48 : i32
      %parallel_loop3A_3459 = arith.addi %parallel_loop3A_3457, %parallel_loop3A_3458 : i32
      %parallel_loop3A_3460 = arith.index_cast %parallel_loop3A_3459 : i32 to index
      %parallel_loop3A_3461 = tpu.vector_load %arg6[%parallel_loop3A_3460] {strides = array<i32>} : memref<32768xf32, #tpu.memory_space<vmem>>, vector<16xf32>,
      tpu.vector_store %arg6[%parallel_loop3A_3460], %broadcast_in_dim3A_5 {strides = array<i32>} : memref<32768xf32, #tpu.memory_space<vmem>>, vector<16xf32>,
      %parallel_loop3A_3462 = arith.constant 4096 : i32
      %parallel_loop3A_3463 = arith.muli %parallel_loop3A_12, %parallel_loop3A_3462 : i32
      %parallel_loop3A_3464 = arith.constant 3840 : i32
      %parallel_loop3A_3465 = arith.addi %parallel_loop3A_3463, %parallel_loop3A_3464 : i32
      %parallel_loop3A_3466 = arith.constant 64 : i32
      %parallel_loop3A_3467 = arith.addi %parallel_loop3A_3465, %parallel_loop3A_3466 : i32
      %parallel_loop3A_3468 = arith.index_cast %parallel_loop3A_3467 : i32 to index
      %parallel_loop3A_3469 = tpu.vector_load %arg6[%parallel_loop3A_3468] {strides = array<i32>} : memref<32768xf32, #tpu.memory_space<vmem>>, vector<16xf32>,
      tpu.vector_store %arg6[%parallel_loop3A_3468], %broadcast_in_dim3A_5 {strides = array<i32>} : memref<32768xf32, #tpu.memory_space<vmem>>, vector<16xf32>,
      %parallel_loop3A_3470 = arith.constant 4096 : i32
      %parallel_loop3A_3471 = arith.muli %parallel_loop3A_12, %parallel_loop3A_3470 : i32
      %parallel_loop3A_3472 = arith.constant 3840 : i32
      %parallel_loop3A_3473 = arith.addi %parallel_loop3A_3471, %parallel_loop3A_3472 : i32
      %parallel_loop3A_3474 = arith.constant 80 : i32
      %parallel_loop3A_3475 = arith.addi %parallel_loop3A_3473, %parallel_loop3A_3474 : i32
      %parallel_loop3A_3476 = arith.index_cast %parallel_loop3A_3475 : i32 to index
      %parallel_loop3A_3477 = tpu.vector_load %arg6[%parallel_loop3A_3476] {strides = array<i32>} : memref<32768xf32, #tpu.memory_space<vmem>>, vector<16xf32>,
      tpu.vector_store %arg6[%parallel_loop3A_3476], %broadcast_in_dim3A_5 {strides = array<i32>} : memref<32768xf32, #tpu.memory_space<vmem>>, vector<16xf32>,
      %parallel_loop3A_3478 = arith.constant 4096 : i32
      %parallel_loop3A_3479 = arith.muli %parallel_loop3A_12, %parallel_loop3A_3478 : i32
      %parallel_loop3A_3480 = arith.constant 3840 : i32
      %parallel_loop3A_3481 = arith.addi %parallel_loop3A_3479, %parallel_loop3A_3480 : i32
      %parallel_loop3A_3482 = arith.constant 96 : i32
      %parallel_loop3A_3483 = arith.addi %parallel_loop3A_3481, %parallel_loop3A_3482 : i32
      %parallel_loop3A_3484 = arith.index_cast %parallel_loop3A_3483 : i32 to index
      %parallel_loop3A_3485 = tpu.vector_load %arg6[%parallel_loop3A_3484] {strides = array<i32>} : memref<32768xf32, #tpu.memory_space<vmem>>, vector<16xf32>,
      tpu.vector_store %arg6[%parallel_loop3A_3484], %broadcast_in_dim3A_5 {strides = array<i32>} : memref<32768xf32, #tpu.memory_space<vmem>>, vector<16xf32>,
      %parallel_loop3A_3486 = arith.constant 4096 : i32
      %parallel_loop3A_3487 = arith.muli %parallel_loop3A_12, %parallel_loop3A_3486 : i32
      %parallel_loop3A_3488 = arith.constant 3840 : i32
      %parallel_loop3A_3489 = arith.addi %parallel_loop3A_3487, %parallel_loop3A_3488 : i32
      %parallel_loop3A_3490 = arith.constant 112 : i32
      %parallel_loop3A_3491 = arith.addi %parallel_loop3A_3489, %parallel_loop3A_3490 : i32
      %parallel_loop3A_3492 = arith.index_cast %parallel_loop3A_3491 : i32 to index
      %parallel_loop3A_3493 = tpu.vector_load %arg6[%parallel_loop3A_3492] {strides = array<i32>} : memref<32768xf32, #tpu.memory_space<vmem>>, vector<16xf32>,
      tpu.vector_store %arg6[%parallel_loop3A_3492], %broadcast_in_dim3A_5 {strides = array<i32>} : memref<32768xf32, #tpu.memory_space<vmem>>, vector<16xf32>,
      %parallel_loop3A_3494 = arith.constant 4096 : i32
      %parallel_loop3A_3495 = arith.muli %parallel_loop3A_12, %parallel_loop3A_3494 : i32
      %parallel_loop3A_3496 = arith.constant 3840 : i32
      %parallel_loop3A_3497 = arith.addi %parallel_loop3A_3495, %parallel_loop3A_3496 : i32
      %parallel_loop3A_3498 = arith.constant 128 : i32
      %parallel_loop3A_3499 = arith.addi %parallel_loop3A_3497, %parallel_loop3A_3498 : i32
      %parallel_loop3A_3500 = arith.index_cast %parallel_loop3A_3499 : i32 to index
      %parallel_loop3A_3501 = tpu.vector_load %arg6[%parallel_loop3A_3500] {strides = array<i32>} : memref<32768xf32, #tpu.memory_space<vmem>>, vector<16xf32>,
      tpu.vector_store %arg6[%parallel_loop3A_3500], %broadcast_in_dim3A_5 {strides = array<i32>} : memref<32768xf32, #tpu.memory_space<vmem>>, vector<16xf32>,
      %parallel_loop3A_3502 = arith.constant 4096 : i32
      %parallel_loop3A_3503 = arith.muli %parallel_loop3A_12, %parallel_loop3A_3502 : i32
      %parallel_loop3A_3504 = arith.constant 3840 : i32
      %parallel_loop3A_3505 = arith.addi %parallel_loop3A_3503, %parallel_loop3A_3504 : i32
      %parallel_loop3A_3506 = arith.constant 144 : i32
      %parallel_loop3A_3507 = arith.addi %parallel_loop3A_3505, %parallel_loop3A_3506 : i32
      %parallel_loop3A_3508 = arith.index_cast %parallel_loop3A_3507 : i32 to index
      %parallel_loop3A_3509 = tpu.vector_load %arg6[%parallel_loop3A_3508] {strides = array<i32>} : memref<32768xf32, #tpu.memory_space<vmem>>, vector<16xf32>,
      tpu.vector_store %arg6[%parallel_loop3A_3508], %broadcast_in_dim3A_5 {strides = array<i32>} : memref<32768xf32, #tpu.memory_space<vmem>>, vector<16xf32>,
      %parallel_loop3A_3510 = arith.constant 4096 : i32
      %parallel_loop3A_3511 = arith.muli %parallel_loop3A_12, %parallel_loop3A_3510 : i32
      %parallel_loop3A_3512 = arith.constant 3840 : i32
      %parallel_loop3A_3513 = arith.addi %parallel_loop3A_3511, %parallel_loop3A_3512 : i32
      %parallel_loop3A_3514 = arith.constant 160 : i32
      %parallel_loop3A_3515 = arith.addi %parallel_loop3A_3513, %parallel_loop3A_3514 : i32
      %parallel_loop3A_3516 = arith.index_cast %parallel_loop3A_3515 : i32 to index
      %parallel_loop3A_3517 = tpu.vector_load %arg6[%parallel_loop3A_3516] {strides = array<i32>} : memref<32768xf32, #tpu.memory_space<vmem>>, vector<16xf32>,
      tpu.vector_store %arg6[%parallel_loop3A_3516], %broadcast_in_dim3A_5 {strides = array<i32>} : memref<32768xf32, #tpu.memory_space<vmem>>, vector<16xf32>,
      %parallel_loop3A_3518 = arith.constant 4096 : i32
      %parallel_loop3A_3519 = arith.muli %parallel_loop3A_12, %parallel_loop3A_3518 : i32
      %parallel_loop3A_3520 = arith.constant 3840 : i32
      %parallel_loop3A_3521 = arith.addi %parallel_loop3A_3519, %parallel_loop3A_3520 : i32
      %parallel_loop3A_3522 = arith.constant 176 : i32
      %parallel_loop3A_3523 = arith.addi %parallel_loop3A_3521, %parallel_loop3A_3522 : i32
      %parallel_loop3A_3524 = arith.index_cast %parallel_loop3A_3523 : i32 to index
      %parallel_loop3A_3525 = tpu.vector_load %arg6[%parallel_loop3A_3524] {strides = array<i32>} : memref<32768xf32, #tpu.memory_space<vmem>>, vector<16xf32>,
      tpu.vector_store %arg6[%parallel_loop3A_3524], %broadcast_in_dim3A_5 {strides = array<i32>} : memref<32768xf32, #tpu.memory_space<vmem>>, vector<16xf32>,
      %parallel_loop3A_3526 = arith.constant 4096 : i32
      %parallel_loop3A_3527 = arith.muli %parallel_loop3A_12, %parallel_loop3A_3526 : i32
      %parallel_loop3A_3528 = arith.constant 3840 : i32
      %parallel_loop3A_3529 = arith.addi %parallel_loop3A_3527, %parallel_loop3A_3528 : i32
      %parallel_loop3A_3530 = arith.constant 192 : i32
      %parallel_loop3A_3531 = arith.addi %parallel_loop3A_3529, %parallel_loop3A_3530 : i32
      %parallel_loop3A_3532 = arith.index_cast %parallel_loop3A_3531 : i32 to index
      %parallel_loop3A_3533 = tpu.vector_load %arg6[%parallel_loop3A_3532] {strides = array<i32>} : memref<32768xf32, #tpu.memory_space<vmem>>, vector<16xf32>,
      tpu.vector_store %arg6[%parallel_loop3A_3532], %broadcast_in_dim3A_5 {strides = array<i32>} : memref<32768xf32, #tpu.memory_space<vmem>>, vector<16xf32>,
      %parallel_loop3A_3534 = arith.constant 4096 : i32
      %parallel_loop3A_3535 = arith.muli %parallel_loop3A_12, %parallel_loop3A_3534 : i32
      %parallel_loop3A_3536 = arith.constant 3840 : i32
      %parallel_loop3A_3537 = arith.addi %parallel_loop3A_3535, %parallel_loop3A_3536 : i32
      %parallel_loop3A_3538 = arith.constant 208 : i32
      %parallel_loop3A_3539 = arith.addi %parallel_loop3A_3537, %parallel_loop3A_3538 : i32
      %parallel_loop3A_3540 = arith.index_cast %parallel_loop3A_3539 : i32 to index
      %parallel_loop3A_3541 = tpu.vector_load %arg6[%parallel_loop3A_3540] {strides = array<i32>} : memref<32768xf32, #tpu.memory_space<vmem>>, vector<16xf32>,
      tpu.vector_store %arg6[%parallel_loop3A_3540], %broadcast_in_dim3A_5 {strides = array<i32>} : memref<32768xf32, #tpu.memory_space<vmem>>, vector<16xf32>,
      %parallel_loop3A_3542 = arith.constant 4096 : i32
      %parallel_loop3A_3543 = arith.muli %parallel_loop3A_12, %parallel_loop3A_3542 : i32
      %parallel_loop3A_3544 = arith.constant 3840 : i32
      %parallel_loop3A_3545 = arith.addi %parallel_loop3A_3543, %parallel_loop3A_3544 : i32
      %parallel_loop3A_3546 = arith.constant 224 : i32
      %parallel_loop3A_3547 = arith.addi %parallel_loop3A_3545, %parallel_loop3A_3546 : i32
      %parallel_loop3A_3548 = arith.index_cast %parallel_loop3A_3547 : i32 to index
      %parallel_loop3A_3549 = tpu.vector_load %arg6[%parallel_loop3A_3548] {strides = array<i32>} : memref<32768xf32, #tpu.memory_space<vmem>>, vector<16xf32>,
      tpu.vector_store %arg6[%parallel_loop3A_3548], %broadcast_in_dim3A_5 {strides = array<i32>} : memref<32768xf32, #tpu.memory_space<vmem>>, vector<16xf32>,
      %parallel_loop3A_3550 = arith.constant 4096 : i32
      %parallel_loop3A_3551 = arith.muli %parallel_loop3A_12, %parallel_loop3A_3550 : i32
      %parallel_loop3A_3552 = arith.constant 3840 : i32
      %parallel_loop3A_3553 = arith.addi %parallel_loop3A_3551, %parallel_loop3A_3552 : i32
      %parallel_loop3A_3554 = arith.constant 240 : i32
      %parallel_loop3A_3555 = arith.addi %parallel_loop3A_3553, %parallel_loop3A_3554 : i32
      %parallel_loop3A_3556 = arith.index_cast %parallel_loop3A_3555 : i32 to index
      %parallel_loop3A_3557 = tpu.vector_load %arg6[%parallel_loop3A_3556] {strides = array<i32>} : memref<32768xf32, #tpu.memory_space<vmem>>, vector<16xf32>,
      tpu.vector_store %arg6[%parallel_loop3A_3556], %broadcast_in_dim3A_5 {strides = array<i32>} : memref<32768xf32, #tpu.memory_space<vmem>>, vector<16xf32>,
      %parallel_loop3A_3558 = arith.constant 0 : i32
      %parallel_loop3A_3559 = arith.addi %parallel_loop3A_15, %parallel_loop3A_3558 : i32
      %parallel_loop3A_3560 = arith.index_cast %parallel_loop3A_3559 : i32 to index
      %parallel_loop3A_3561 = tpu.vector_load %arg5[%parallel_loop3A_3560] {strides = array<i32>} : memref<2304xi32, #tpu.memory_space<vmem>>, vector<16xi32>,
      %parallel_loop3A_3562 = arith.constant 0 : i32
      %parallel_loop3A_3563 = vector.broadcast %parallel_loop3A_3562 : i32 to vector<16xi32>
      %parallel_loop3A_3564 = arith.cmpi sge, %parallel_loop3A_3561, %parallel_loop3A_3563 : vector<16xi32>
      %parallel_loop3A_3565 = arith.constant 2 : i32
      %parallel_loop3A_3566 = vector.broadcast %parallel_loop3A_3565 : i32 to vector<16xi32>
      %parallel_loop3A_3567 = arith.shrsi %iota3A, %parallel_loop3A_3566 : vector<16xi32>
      %parallel_loop3A_3568 = arith.constant 0 : i32
      %parallel_loop3A_3569 = vector.broadcast %parallel_loop3A_3568 : i32 to vector<16xi32>
      %parallel_loop3A_3570 = arith.addi %parallel_loop3A_3567, %parallel_loop3A_3569 : vector<16xi32>
      %parallel_loop3A_3571 = arith.constant 4096 : i32
      %parallel_loop3A_3572 = arith.muli %parallel_loop3A_12, %parallel_loop3A_3571 : i32
      %parallel_loop3A_3573 = arith.constant 256 : i32
      %parallel_loop3A_3574 = vector.broadcast %parallel_loop3A_3573 : i32 to vector<16xi32>
      %parallel_loop3A_3575 = arith.muli %parallel_loop3A_3570, %parallel_loop3A_3574 : vector<16xi32>
      %parallel_loop3A_3576 = vector.broadcast %parallel_loop3A_3572 : i32 to vector<16xi32>
      %parallel_loop3A_3577 = arith.addi %parallel_loop3A_3576, %parallel_loop3A_3575 : vector<16xi32>
      %parallel_loop3A_3578 = arith.addi %parallel_loop3A_3577, %parallel_loop3A_3561 : vector<16xi32>
      %parallel_loop3A_3579 = arith.constant 0 : i32
      %parallel_loop3A_3580 = vector.broadcast %parallel_loop3A_3579 : i32 to vector<16xi32>
      %parallel_loop3A_3581 = arith.select %parallel_loop3A_3564, %parallel_loop3A_3578, %parallel_loop3A_3580 : vector<16xi1>, vector<16xi32>
      tpu.vector_store_idx %arg6[%parallel_loop3A_3581], %broadcast_in_dim3A_3 masked %parallel_loop3A_3564 : memref<32768xf32, #tpu.memory_space<vmem>>[vector<16xi32>], vector<16xf32>, vector<16xi1>
      %parallel_loop3A_3582 = arith.constant 16 : i32
      %parallel_loop3A_3583 = arith.addi %parallel_loop3A_15, %parallel_loop3A_3582 : i32
      %parallel_loop3A_3584 = arith.index_cast %parallel_loop3A_3583 : i32 to index
      %parallel_loop3A_3585 = tpu.vector_load %arg5[%parallel_loop3A_3584] {strides = array<i32>} : memref<2304xi32, #tpu.memory_space<vmem>>, vector<16xi32>,
      %parallel_loop3A_3586 = arith.constant 0 : i32
      %parallel_loop3A_3587 = vector.broadcast %parallel_loop3A_3586 : i32 to vector<16xi32>
      %parallel_loop3A_3588 = arith.cmpi sge, %parallel_loop3A_3585, %parallel_loop3A_3587 : vector<16xi32>
      %parallel_loop3A_3589 = arith.constant 2 : i32
      %parallel_loop3A_3590 = vector.broadcast %parallel_loop3A_3589 : i32 to vector<16xi32>
      %parallel_loop3A_3591 = arith.shrsi %iota3A, %parallel_loop3A_3590 : vector<16xi32>
      %parallel_loop3A_3592 = arith.constant 0 : i32
      %parallel_loop3A_3593 = vector.broadcast %parallel_loop3A_3592 : i32 to vector<16xi32>
      %parallel_loop3A_3594 = arith.addi %parallel_loop3A_3591, %parallel_loop3A_3593 : vector<16xi32>
      %parallel_loop3A_3595 = arith.constant 4096 : i32
      %parallel_loop3A_3596 = arith.muli %parallel_loop3A_12, %parallel_loop3A_3595 : i32
      %parallel_loop3A_3597 = arith.constant 256 : i32
      %parallel_loop3A_3598 = vector.broadcast %parallel_loop3A_3597 : i32 to vector<16xi32>
      %parallel_loop3A_3599 = arith.muli %parallel_loop3A_3594, %parallel_loop3A_3598 : vector<16xi32>
      %parallel_loop3A_3600 = vector.broadcast %parallel_loop3A_3596 : i32 to vector<16xi32>
      %parallel_loop3A_3601 = arith.addi %parallel_loop3A_3600, %parallel_loop3A_3599 : vector<16xi32>
      %parallel_loop3A_3602 = arith.addi %parallel_loop3A_3601, %parallel_loop3A_3585 : vector<16xi32>
      %parallel_loop3A_3603 = arith.constant 0 : i32
      %parallel_loop3A_3604 = vector.broadcast %parallel_loop3A_3603 : i32 to vector<16xi32>
      %parallel_loop3A_3605 = arith.select %parallel_loop3A_3588, %parallel_loop3A_3602, %parallel_loop3A_3604 : vector<16xi1>, vector<16xi32>
      tpu.vector_store_idx %arg6[%parallel_loop3A_3605], %broadcast_in_dim3A_3 masked %parallel_loop3A_3588 : memref<32768xf32, #tpu.memory_space<vmem>>[vector<16xi32>], vector<16xf32>, vector<16xi1>
      %parallel_loop3A_3606 = arith.constant 32 : i32
      %parallel_loop3A_3607 = arith.addi %parallel_loop3A_15, %parallel_loop3A_3606 : i32
      %parallel_loop3A_3608 = arith.index_cast %parallel_loop3A_3607 : i32 to index
      %parallel_loop3A_3609 = tpu.vector_load %arg5[%parallel_loop3A_3608] {strides = array<i32>} : memref<2304xi32, #tpu.memory_space<vmem>>, vector<16xi32>,
      %parallel_loop3A_3610 = arith.constant 0 : i32
      %parallel_loop3A_3611 = vector.broadcast %parallel_loop3A_3610 : i32 to vector<16xi32>
      %parallel_loop3A_3612 = arith.cmpi sge, %parallel_loop3A_3609, %parallel_loop3A_3611 : vector<16xi32>
      %parallel_loop3A_3613 = arith.constant 2 : i32
      %parallel_loop3A_3614 = vector.broadcast %parallel_loop3A_3613 : i32 to vector<16xi32>
      %parallel_loop3A_3615 = arith.shrsi %iota3A, %parallel_loop3A_3614 : vector<16xi32>
      %parallel_loop3A_3616 = arith.constant 0 : i32
      %parallel_loop3A_3617 = vector.broadcast %parallel_loop3A_3616 : i32 to vector<16xi32>
      %parallel_loop3A_3618 = arith.addi %parallel_loop3A_3615, %parallel_loop3A_3617 : vector<16xi32>
      %parallel_loop3A_3619 = arith.constant 4096 : i32
      %parallel_loop3A_3620 = arith.muli %parallel_loop3A_12, %parallel_loop3A_3619 : i32
      %parallel_loop3A_3621 = arith.constant 256 : i32
      %parallel_loop3A_3622 = vector.broadcast %parallel_loop3A_3621 : i32 to vector<16xi32>
      %parallel_loop3A_3623 = arith.muli %parallel_loop3A_3618, %parallel_loop3A_3622 : vector<16xi32>
      %parallel_loop3A_3624 = vector.broadcast %parallel_loop3A_3620 : i32 to vector<16xi32>
      %parallel_loop3A_3625 = arith.addi %parallel_loop3A_3624, %parallel_loop3A_3623 : vector<16xi32>
      %parallel_loop3A_3626 = arith.addi %parallel_loop3A_3625, %parallel_loop3A_3609 : vector<16xi32>
      %parallel_loop3A_3627 = arith.constant 0 : i32
      %parallel_loop3A_3628 = vector.broadcast %parallel_loop3A_3627 : i32 to vector<16xi32>
      %parallel_loop3A_3629 = arith.select %parallel_loop3A_3612, %parallel_loop3A_3626, %parallel_loop3A_3628 : vector<16xi1>, vector<16xi32>
      tpu.vector_store_idx %arg6[%parallel_loop3A_3629], %broadcast_in_dim3A_3 masked %parallel_loop3A_3612 : memref<32768xf32, #tpu.memory_space<vmem>>[vector<16xi32>], vector<16xf32>, vector<16xi1>
      %parallel_loop3A_3630 = arith.constant 48 : i32
      %parallel_loop3A_3631 = arith.addi %parallel_loop3A_15, %parallel_loop3A_3630 : i32
      %parallel_loop3A_3632 = arith.index_cast %parallel_loop3A_3631 : i32 to index
      %parallel_loop3A_3633 = tpu.vector_load %arg5[%parallel_loop3A_3632] {strides = array<i32>} : memref<2304xi32, #tpu.memory_space<vmem>>, vector<16xi32>,
      %parallel_loop3A_3634 = arith.constant 0 : i32
      %parallel_loop3A_3635 = vector.broadcast %parallel_loop3A_3634 : i32 to vector<16xi32>
      %parallel_loop3A_3636 = arith.cmpi sge, %parallel_loop3A_3633, %parallel_loop3A_3635 : vector<16xi32>
      %parallel_loop3A_3637 = arith.constant 2 : i32
      %parallel_loop3A_3638 = vector.broadcast %parallel_loop3A_3637 : i32 to vector<16xi32>
      %parallel_loop3A_3639 = arith.shrsi %iota3A, %parallel_loop3A_3638 : vector<16xi32>
      %parallel_loop3A_3640 = arith.constant 0 : i32
      %parallel_loop3A_3641 = vector.broadcast %parallel_loop3A_3640 : i32 to vector<16xi32>
      %parallel_loop3A_3642 = arith.addi %parallel_loop3A_3639, %parallel_loop3A_3641 : vector<16xi32>
      %parallel_loop3A_3643 = arith.constant 4096 : i32
      %parallel_loop3A_3644 = arith.muli %parallel_loop3A_12, %parallel_loop3A_3643 : i32
      %parallel_loop3A_3645 = arith.constant 256 : i32
      %parallel_loop3A_3646 = vector.broadcast %parallel_loop3A_3645 : i32 to vector<16xi32>
      %parallel_loop3A_3647 = arith.muli %parallel_loop3A_3642, %parallel_loop3A_3646 : vector<16xi32>
      %parallel_loop3A_3648 = vector.broadcast %parallel_loop3A_3644 : i32 to vector<16xi32>
      %parallel_loop3A_3649 = arith.addi %parallel_loop3A_3648, %parallel_loop3A_3647 : vector<16xi32>
      %parallel_loop3A_3650 = arith.addi %parallel_loop3A_3649, %parallel_loop3A_3633 : vector<16xi32>
      %parallel_loop3A_3651 = arith.constant 0 : i32
      %parallel_loop3A_3652 = vector.broadcast %parallel_loop3A_3651 : i32 to vector<16xi32>
      %parallel_loop3A_3653 = arith.select %parallel_loop3A_3636, %parallel_loop3A_3650, %parallel_loop3A_3652 : vector<16xi1>, vector<16xi32>
      tpu.vector_store_idx %arg6[%parallel_loop3A_3653], %broadcast_in_dim3A_3 masked %parallel_loop3A_3636 : memref<32768xf32, #tpu.memory_space<vmem>>[vector<16xi32>], vector<16xf32>, vector<16xi1>
      %parallel_loop3A_3654 = arith.constant 64 : i32
      %parallel_loop3A_3655 = arith.addi %parallel_loop3A_15, %parallel_loop3A_3654 : i32
      %parallel_loop3A_3656 = arith.index_cast %parallel_loop3A_3655 : i32 to index
      %parallel_loop3A_3657 = tpu.vector_load %arg5[%parallel_loop3A_3656] {strides = array<i32>} : memref<2304xi32, #tpu.memory_space<vmem>>, vector<16xi32>,
      %parallel_loop3A_3658 = arith.constant 0 : i32
      %parallel_loop3A_3659 = vector.broadcast %parallel_loop3A_3658 : i32 to vector<16xi32>
      %parallel_loop3A_3660 = arith.cmpi sge, %parallel_loop3A_3657, %parallel_loop3A_3659 : vector<16xi32>
      %parallel_loop3A_3661 = arith.constant 2 : i32
      %parallel_loop3A_3662 = vector.broadcast %parallel_loop3A_3661 : i32 to vector<16xi32>
      %parallel_loop3A_3663 = arith.shrsi %iota3A, %parallel_loop3A_3662 : vector<16xi32>
      %parallel_loop3A_3664 = arith.constant 4 : i32
      %parallel_loop3A_3665 = vector.broadcast %parallel_loop3A_3664 : i32 to vector<16xi32>
      %parallel_loop3A_3666 = arith.addi %parallel_loop3A_3663, %parallel_loop3A_3665 : vector<16xi32>
      %parallel_loop3A_3667 = arith.constant 4096 : i32
      %parallel_loop3A_3668 = arith.muli %parallel_loop3A_12, %parallel_loop3A_3667 : i32
      %parallel_loop3A_3669 = arith.constant 256 : i32
      %parallel_loop3A_3670 = vector.broadcast %parallel_loop3A_3669 : i32 to vector<16xi32>
      %parallel_loop3A_3671 = arith.muli %parallel_loop3A_3666, %parallel_loop3A_3670 : vector<16xi32>
      %parallel_loop3A_3672 = vector.broadcast %parallel_loop3A_3668 : i32 to vector<16xi32>
      %parallel_loop3A_3673 = arith.addi %parallel_loop3A_3672, %parallel_loop3A_3671 : vector<16xi32>
      %parallel_loop3A_3674 = arith.addi %parallel_loop3A_3673, %parallel_loop3A_3657 : vector<16xi32>
      %parallel_loop3A_3675 = arith.constant 0 : i32
      %parallel_loop3A_3676 = vector.broadcast %parallel_loop3A_3675 : i32 to vector<16xi32>
      %parallel_loop3A_3677 = arith.select %parallel_loop3A_3660, %parallel_loop3A_3674, %parallel_loop3A_3676 : vector<16xi1>, vector<16xi32>
      tpu.vector_store_idx %arg6[%parallel_loop3A_3677], %broadcast_in_dim3A_3 masked %parallel_loop3A_3660 : memref<32768xf32, #tpu.memory_space<vmem>>[vector<16xi32>], vector<16xf32>, vector<16xi1>
      %parallel_loop3A_3678 = arith.constant 80 : i32
      %parallel_loop3A_3679 = arith.addi %parallel_loop3A_15, %parallel_loop3A_3678 : i32
      %parallel_loop3A_3680 = arith.index_cast %parallel_loop3A_3679 : i32 to index
      %parallel_loop3A_3681 = tpu.vector_load %arg5[%parallel_loop3A_3680] {strides = array<i32>} : memref<2304xi32, #tpu.memory_space<vmem>>, vector<16xi32>,
      %parallel_loop3A_3682 = arith.constant 0 : i32
      %parallel_loop3A_3683 = vector.broadcast %parallel_loop3A_3682 : i32 to vector<16xi32>
      %parallel_loop3A_3684 = arith.cmpi sge, %parallel_loop3A_3681, %parallel_loop3A_3683 : vector<16xi32>
      %parallel_loop3A_3685 = arith.constant 2 : i32
      %parallel_loop3A_3686 = vector.broadcast %parallel_loop3A_3685 : i32 to vector<16xi32>
      %parallel_loop3A_3687 = arith.shrsi %iota3A, %parallel_loop3A_3686 : vector<16xi32>
      %parallel_loop3A_3688 = arith.constant 4 : i32
      %parallel_loop3A_3689 = vector.broadcast %parallel_loop3A_3688 : i32 to vector<16xi32>
      %parallel_loop3A_3690 = arith.addi %parallel_loop3A_3687, %parallel_loop3A_3689 : vector<16xi32>
      %parallel_loop3A_3691 = arith.constant 4096 : i32
      %parallel_loop3A_3692 = arith.muli %parallel_loop3A_12, %parallel_loop3A_3691 : i32
      %parallel_loop3A_3693 = arith.constant 256 : i32
      %parallel_loop3A_3694 = vector.broadcast %parallel_loop3A_3693 : i32 to vector<16xi32>
      %parallel_loop3A_3695 = arith.muli %parallel_loop3A_3690, %parallel_loop3A_3694 : vector<16xi32>
      %parallel_loop3A_3696 = vector.broadcast %parallel_loop3A_3692 : i32 to vector<16xi32>
      %parallel_loop3A_3697 = arith.addi %parallel_loop3A_3696, %parallel_loop3A_3695 : vector<16xi32>
      %parallel_loop3A_3698 = arith.addi %parallel_loop3A_3697, %parallel_loop3A_3681 : vector<16xi32>
      %parallel_loop3A_3699 = arith.constant 0 : i32
      %parallel_loop3A_3700 = vector.broadcast %parallel_loop3A_3699 : i32 to vector<16xi32>
      %parallel_loop3A_3701 = arith.select %parallel_loop3A_3684, %parallel_loop3A_3698, %parallel_loop3A_3700 : vector<16xi1>, vector<16xi32>
      tpu.vector_store_idx %arg6[%parallel_loop3A_3701], %broadcast_in_dim3A_3 masked %parallel_loop3A_3684 : memref<32768xf32, #tpu.memory_space<vmem>>[vector<16xi32>], vector<16xf32>, vector<16xi1>
      %parallel_loop3A_3702 = arith.constant 96 : i32
      %parallel_loop3A_3703 = arith.addi %parallel_loop3A_15, %parallel_loop3A_3702 : i32
      %parallel_loop3A_3704 = arith.index_cast %parallel_loop3A_3703 : i32 to index
      %parallel_loop3A_3705 = tpu.vector_load %arg5[%parallel_loop3A_3704] {strides = array<i32>} : memref<2304xi32, #tpu.memory_space<vmem>>, vector<16xi32>,
      %parallel_loop3A_3706 = arith.constant 0 : i32
      %parallel_loop3A_3707 = vector.broadcast %parallel_loop3A_3706 : i32 to vector<16xi32>
      %parallel_loop3A_3708 = arith.cmpi sge, %parallel_loop3A_3705, %parallel_loop3A_3707 : vector<16xi32>
      %parallel_loop3A_3709 = arith.constant 2 : i32
      %parallel_loop3A_3710 = vector.broadcast %parallel_loop3A_3709 : i32 to vector<16xi32>
      %parallel_loop3A_3711 = arith.shrsi %iota3A, %parallel_loop3A_3710 : vector<16xi32>
      %parallel_loop3A_3712 = arith.constant 4 : i32
      %parallel_loop3A_3713 = vector.broadcast %parallel_loop3A_3712 : i32 to vector<16xi32>
      %parallel_loop3A_3714 = arith.addi %parallel_loop3A_3711, %parallel_loop3A_3713 : vector<16xi32>
      %parallel_loop3A_3715 = arith.constant 4096 : i32
      %parallel_loop3A_3716 = arith.muli %parallel_loop3A_12, %parallel_loop3A_3715 : i32
      %parallel_loop3A_3717 = arith.constant 256 : i32
      %parallel_loop3A_3718 = vector.broadcast %parallel_loop3A_3717 : i32 to vector<16xi32>
      %parallel_loop3A_3719 = arith.muli %parallel_loop3A_3714, %parallel_loop3A_3718 : vector<16xi32>
      %parallel_loop3A_3720 = vector.broadcast %parallel_loop3A_3716 : i32 to vector<16xi32>
      %parallel_loop3A_3721 = arith.addi %parallel_loop3A_3720, %parallel_loop3A_3719 : vector<16xi32>
      %parallel_loop3A_3722 = arith.addi %parallel_loop3A_3721, %parallel_loop3A_3705 : vector<16xi32>
      %parallel_loop3A_3723 = arith.constant 0 : i32
      %parallel_loop3A_3724 = vector.broadcast %parallel_loop3A_3723 : i32 to vector<16xi32>
      %parallel_loop3A_3725 = arith.select %parallel_loop3A_3708, %parallel_loop3A_3722, %parallel_loop3A_3724 : vector<16xi1>, vector<16xi32>
      tpu.vector_store_idx %arg6[%parallel_loop3A_3725], %broadcast_in_dim3A_3 masked %parallel_loop3A_3708 : memref<32768xf32, #tpu.memory_space<vmem>>[vector<16xi32>], vector<16xf32>, vector<16xi1>
      %parallel_loop3A_3726 = arith.constant 112 : i32
      %parallel_loop3A_3727 = arith.addi %parallel_loop3A_15, %parallel_loop3A_3726 : i32
      %parallel_loop3A_3728 = arith.index_cast %parallel_loop3A_3727 : i32 to index
      %parallel_loop3A_3729 = tpu.vector_load %arg5[%parallel_loop3A_3728] {strides = array<i32>} : memref<2304xi32, #tpu.memory_space<vmem>>, vector<16xi32>,
      %parallel_loop3A_3730 = arith.constant 0 : i32
      %parallel_loop3A_3731 = vector.broadcast %parallel_loop3A_3730 : i32 to vector<16xi32>
      %parallel_loop3A_3732 = arith.cmpi sge, %parallel_loop3A_3729, %parallel_loop3A_3731 : vector<16xi32>
      %parallel_loop3A_3733 = arith.constant 2 : i32
      %parallel_loop3A_3734 = vector.broadcast %parallel_loop3A_3733 : i32 to vector<16xi32>
      %parallel_loop3A_3735 = arith.shrsi %iota3A, %parallel_loop3A_3734 : vector<16xi32>
      %parallel_loop3A_3736 = arith.constant 4 : i32
      %parallel_loop3A_3737 = vector.broadcast %parallel_loop3A_3736 : i32 to vector<16xi32>
      %parallel_loop3A_3738 = arith.addi %parallel_loop3A_3735, %parallel_loop3A_3737 : vector<16xi32>
      %parallel_loop3A_3739 = arith.constant 4096 : i32
      %parallel_loop3A_3740 = arith.muli %parallel_loop3A_12, %parallel_loop3A_3739 : i32
      %parallel_loop3A_3741 = arith.constant 256 : i32
      %parallel_loop3A_3742 = vector.broadcast %parallel_loop3A_3741 : i32 to vector<16xi32>
      %parallel_loop3A_3743 = arith.muli %parallel_loop3A_3738, %parallel_loop3A_3742 : vector<16xi32>
      %parallel_loop3A_3744 = vector.broadcast %parallel_loop3A_3740 : i32 to vector<16xi32>
      %parallel_loop3A_3745 = arith.addi %parallel_loop3A_3744, %parallel_loop3A_3743 : vector<16xi32>
      %parallel_loop3A_3746 = arith.addi %parallel_loop3A_3745, %parallel_loop3A_3729 : vector<16xi32>
      %parallel_loop3A_3747 = arith.constant 0 : i32
      %parallel_loop3A_3748 = vector.broadcast %parallel_loop3A_3747 : i32 to vector<16xi32>
      %parallel_loop3A_3749 = arith.select %parallel_loop3A_3732, %parallel_loop3A_3746, %parallel_loop3A_3748 : vector<16xi1>, vector<16xi32>
      tpu.vector_store_idx %arg6[%parallel_loop3A_3749], %broadcast_in_dim3A_3 masked %parallel_loop3A_3732 : memref<32768xf32, #tpu.memory_space<vmem>>[vector<16xi32>], vector<16xf32>, vector<16xi1>
      %parallel_loop3A_3750 = arith.constant 128 : i32
      %parallel_loop3A_3751 = arith.addi %parallel_loop3A_15, %parallel_loop3A_3750 : i32
      %parallel_loop3A_3752 = arith.index_cast %parallel_loop3A_3751 : i32 to index
      %parallel_loop3A_3753 = tpu.vector_load %arg5[%parallel_loop3A_3752] {strides = array<i32>} : memref<2304xi32, #tpu.memory_space<vmem>>, vector<16xi32>,
      %parallel_loop3A_3754 = arith.constant 0 : i32
      %parallel_loop3A_3755 = vector.broadcast %parallel_loop3A_3754 : i32 to vector<16xi32>
      %parallel_loop3A_3756 = arith.cmpi sge, %parallel_loop3A_3753, %parallel_loop3A_3755 : vector<16xi32>
      %parallel_loop3A_3757 = arith.constant 2 : i32
      %parallel_loop3A_3758 = vector.broadcast %parallel_loop3A_3757 : i32 to vector<16xi32>
      %parallel_loop3A_3759 = arith.shrsi %iota3A, %parallel_loop3A_3758 : vector<16xi32>
      %parallel_loop3A_3760 = arith.constant 8 : i32
      %parallel_loop3A_3761 = vector.broadcast %parallel_loop3A_3760 : i32 to vector<16xi32>
      %parallel_loop3A_3762 = arith.addi %parallel_loop3A_3759, %parallel_loop3A_3761 : vector<16xi32>
      %parallel_loop3A_3763 = arith.constant 4096 : i32
      %parallel_loop3A_3764 = arith.muli %parallel_loop3A_12, %parallel_loop3A_3763 : i32
      %parallel_loop3A_3765 = arith.constant 256 : i32
      %parallel_loop3A_3766 = vector.broadcast %parallel_loop3A_3765 : i32 to vector<16xi32>
      %parallel_loop3A_3767 = arith.muli %parallel_loop3A_3762, %parallel_loop3A_3766 : vector<16xi32>
      %parallel_loop3A_3768 = vector.broadcast %parallel_loop3A_3764 : i32 to vector<16xi32>
      %parallel_loop3A_3769 = arith.addi %parallel_loop3A_3768, %parallel_loop3A_3767 : vector<16xi32>
      %parallel_loop3A_3770 = arith.addi %parallel_loop3A_3769, %parallel_loop3A_3753 : vector<16xi32>
      %parallel_loop3A_3771 = arith.constant 0 : i32
      %parallel_loop3A_3772 = vector.broadcast %parallel_loop3A_3771 : i32 to vector<16xi32>
      %parallel_loop3A_3773 = arith.select %parallel_loop3A_3756, %parallel_loop3A_3770, %parallel_loop3A_3772 : vector<16xi1>, vector<16xi32>
      tpu.vector_store_idx %arg6[%parallel_loop3A_3773], %broadcast_in_dim3A_3 masked %parallel_loop3A_3756 : memref<32768xf32, #tpu.memory_space<vmem>>[vector<16xi32>], vector<16xf32>, vector<16xi1>
      %parallel_loop3A_3774 = arith.constant 144 : i32
      %parallel_loop3A_3775 = arith.addi %parallel_loop3A_15, %parallel_loop3A_3774 : i32
      %parallel_loop3A_3776 = arith.index_cast %parallel_loop3A_3775 : i32 to index
      %parallel_loop3A_3777 = tpu.vector_load %arg5[%parallel_loop3A_3776] {strides = array<i32>} : memref<2304xi32, #tpu.memory_space<vmem>>, vector<16xi32>,
      %parallel_loop3A_3778 = arith.constant 0 : i32
      %parallel_loop3A_3779 = vector.broadcast %parallel_loop3A_3778 : i32 to vector<16xi32>
      %parallel_loop3A_3780 = arith.cmpi sge, %parallel_loop3A_3777, %parallel_loop3A_3779 : vector<16xi32>
      %parallel_loop3A_3781 = arith.constant 2 : i32
      %parallel_loop3A_3782 = vector.broadcast %parallel_loop3A_3781 : i32 to vector<16xi32>
      %parallel_loop3A_3783 = arith.shrsi %iota3A, %parallel_loop3A_3782 : vector<16xi32>
      %parallel_loop3A_3784 = arith.constant 8 : i32
      %parallel_loop3A_3785 = vector.broadcast %parallel_loop3A_3784 : i32 to vector<16xi32>
      %parallel_loop3A_3786 = arith.addi %parallel_loop3A_3783, %parallel_loop3A_3785 : vector<16xi32>
      %parallel_loop3A_3787 = arith.constant 4096 : i32
      %parallel_loop3A_3788 = arith.muli %parallel_loop3A_12, %parallel_loop3A_3787 : i32
      %parallel_loop3A_3789 = arith.constant 256 : i32
      %parallel_loop3A_3790 = vector.broadcast %parallel_loop3A_3789 : i32 to vector<16xi32>
      %parallel_loop3A_3791 = arith.muli %parallel_loop3A_3786, %parallel_loop3A_3790 : vector<16xi32>
      %parallel_loop3A_3792 = vector.broadcast %parallel_loop3A_3788 : i32 to vector<16xi32>
      %parallel_loop3A_3793 = arith.addi %parallel_loop3A_3792, %parallel_loop3A_3791 : vector<16xi32>
      %parallel_loop3A_3794 = arith.addi %parallel_loop3A_3793, %parallel_loop3A_3777 : vector<16xi32>
      %parallel_loop3A_3795 = arith.constant 0 : i32
      %parallel_loop3A_3796 = vector.broadcast %parallel_loop3A_3795 : i32 to vector<16xi32>
      %parallel_loop3A_3797 = arith.select %parallel_loop3A_3780, %parallel_loop3A_3794, %parallel_loop3A_3796 : vector<16xi1>, vector<16xi32>
      tpu.vector_store_idx %arg6[%parallel_loop3A_3797], %broadcast_in_dim3A_3 masked %parallel_loop3A_3780 : memref<32768xf32, #tpu.memory_space<vmem>>[vector<16xi32>], vector<16xf32>, vector<16xi1>
      %parallel_loop3A_3798 = arith.constant 160 : i32
      %parallel_loop3A_3799 = arith.addi %parallel_loop3A_15, %parallel_loop3A_3798 : i32
      %parallel_loop3A_3800 = arith.index_cast %parallel_loop3A_3799 : i32 to index
      %parallel_loop3A_3801 = tpu.vector_load %arg5[%parallel_loop3A_3800] {strides = array<i32>} : memref<2304xi32, #tpu.memory_space<vmem>>, vector<16xi32>,
      %parallel_loop3A_3802 = arith.constant 0 : i32
      %parallel_loop3A_3803 = vector.broadcast %parallel_loop3A_3802 : i32 to vector<16xi32>
      %parallel_loop3A_3804 = arith.cmpi sge, %parallel_loop3A_3801, %parallel_loop3A_3803 : vector<16xi32>
      %parallel_loop3A_3805 = arith.constant 2 : i32
      %parallel_loop3A_3806 = vector.broadcast %parallel_loop3A_3805 : i32 to vector<16xi32>
      %parallel_loop3A_3807 = arith.shrsi %iota3A, %parallel_loop3A_3806 : vector<16xi32>
      %parallel_loop3A_3808 = arith.constant 8 : i32
      %parallel_loop3A_3809 = vector.broadcast %parallel_loop3A_3808 : i32 to vector<16xi32>
      %parallel_loop3A_3810 = arith.addi %parallel_loop3A_3807, %parallel_loop3A_3809 : vector<16xi32>
      %parallel_loop3A_3811 = arith.constant 4096 : i32
      %parallel_loop3A_3812 = arith.muli %parallel_loop3A_12, %parallel_loop3A_3811 : i32
      %parallel_loop3A_3813 = arith.constant 256 : i32
      %parallel_loop3A_3814 = vector.broadcast %parallel_loop3A_3813 : i32 to vector<16xi32>
      %parallel_loop3A_3815 = arith.muli %parallel_loop3A_3810, %parallel_loop3A_3814 : vector<16xi32>
      %parallel_loop3A_3816 = vector.broadcast %parallel_loop3A_3812 : i32 to vector<16xi32>
      %parallel_loop3A_3817 = arith.addi %parallel_loop3A_3816, %parallel_loop3A_3815 : vector<16xi32>
      %parallel_loop3A_3818 = arith.addi %parallel_loop3A_3817, %parallel_loop3A_3801 : vector<16xi32>
      %parallel_loop3A_3819 = arith.constant 0 : i32
      %parallel_loop3A_3820 = vector.broadcast %parallel_loop3A_3819 : i32 to vector<16xi32>
      %parallel_loop3A_3821 = arith.select %parallel_loop3A_3804, %parallel_loop3A_3818, %parallel_loop3A_3820 : vector<16xi1>, vector<16xi32>
      tpu.vector_store_idx %arg6[%parallel_loop3A_3821], %broadcast_in_dim3A_3 masked %parallel_loop3A_3804 : memref<32768xf32, #tpu.memory_space<vmem>>[vector<16xi32>], vector<16xf32>, vector<16xi1>
      %parallel_loop3A_3822 = arith.constant 176 : i32
      %parallel_loop3A_3823 = arith.addi %parallel_loop3A_15, %parallel_loop3A_3822 : i32
      %parallel_loop3A_3824 = arith.index_cast %parallel_loop3A_3823 : i32 to index
      %parallel_loop3A_3825 = tpu.vector_load %arg5[%parallel_loop3A_3824] {strides = array<i32>} : memref<2304xi32, #tpu.memory_space<vmem>>, vector<16xi32>,
      %parallel_loop3A_3826 = arith.constant 0 : i32
      %parallel_loop3A_3827 = vector.broadcast %parallel_loop3A_3826 : i32 to vector<16xi32>
      %parallel_loop3A_3828 = arith.cmpi sge, %parallel_loop3A_3825, %parallel_loop3A_3827 : vector<16xi32>
      %parallel_loop3A_3829 = arith.constant 2 : i32
      %parallel_loop3A_3830 = vector.broadcast %parallel_loop3A_3829 : i32 to vector<16xi32>
      %parallel_loop3A_3831 = arith.shrsi %iota3A, %parallel_loop3A_3830 : vector<16xi32>
      %parallel_loop3A_3832 = arith.constant 8 : i32
      %parallel_loop3A_3833 = vector.broadcast %parallel_loop3A_3832 : i32 to vector<16xi32>
      %parallel_loop3A_3834 = arith.addi %parallel_loop3A_3831, %parallel_loop3A_3833 : vector<16xi32>
      %parallel_loop3A_3835 = arith.constant 4096 : i32
      %parallel_loop3A_3836 = arith.muli %parallel_loop3A_12, %parallel_loop3A_3835 : i32
      %parallel_loop3A_3837 = arith.constant 256 : i32
      %parallel_loop3A_3838 = vector.broadcast %parallel_loop3A_3837 : i32 to vector<16xi32>
      %parallel_loop3A_3839 = arith.muli %parallel_loop3A_3834, %parallel_loop3A_3838 : vector<16xi32>
      %parallel_loop3A_3840 = vector.broadcast %parallel_loop3A_3836 : i32 to vector<16xi32>
      %parallel_loop3A_3841 = arith.addi %parallel_loop3A_3840, %parallel_loop3A_3839 : vector<16xi32>
      %parallel_loop3A_3842 = arith.addi %parallel_loop3A_3841, %parallel_loop3A_3825 : vector<16xi32>
      %parallel_loop3A_3843 = arith.constant 0 : i32
      %parallel_loop3A_3844 = vector.broadcast %parallel_loop3A_3843 : i32 to vector<16xi32>
      %parallel_loop3A_3845 = arith.select %parallel_loop3A_3828, %parallel_loop3A_3842, %parallel_loop3A_3844 : vector<16xi1>, vector<16xi32>
      tpu.vector_store_idx %arg6[%parallel_loop3A_3845], %broadcast_in_dim3A_3 masked %parallel_loop3A_3828 : memref<32768xf32, #tpu.memory_space<vmem>>[vector<16xi32>], vector<16xf32>, vector<16xi1>
      %parallel_loop3A_3846 = arith.constant 192 : i32
      %parallel_loop3A_3847 = arith.addi %parallel_loop3A_15, %parallel_loop3A_3846 : i32
      %parallel_loop3A_3848 = arith.index_cast %parallel_loop3A_3847 : i32 to index
      %parallel_loop3A_3849 = tpu.vector_load %arg5[%parallel_loop3A_3848] {strides = array<i32>} : memref<2304xi32, #tpu.memory_space<vmem>>, vector<16xi32>,
      %parallel_loop3A_3850 = arith.constant 0 : i32
      %parallel_loop3A_3851 = vector.broadcast %parallel_loop3A_3850 : i32 to vector<16xi32>
      %parallel_loop3A_3852 = arith.cmpi sge, %parallel_loop3A_3849, %parallel_loop3A_3851 : vector<16xi32>
      %parallel_loop3A_3853 = arith.constant 2 : i32
      %parallel_loop3A_3854 = vector.broadcast %parallel_loop3A_3853 : i32 to vector<16xi32>
      %parallel_loop3A_3855 = arith.shrsi %iota3A, %parallel_loop3A_3854 : vector<16xi32>
      %parallel_loop3A_3856 = arith.constant 12 : i32
      %parallel_loop3A_3857 = vector.broadcast %parallel_loop3A_3856 : i32 to vector<16xi32>
      %parallel_loop3A_3858 = arith.addi %parallel_loop3A_3855, %parallel_loop3A_3857 : vector<16xi32>
      %parallel_loop3A_3859 = arith.constant 4096 : i32
      %parallel_loop3A_3860 = arith.muli %parallel_loop3A_12, %parallel_loop3A_3859 : i32
      %parallel_loop3A_3861 = arith.constant 256 : i32
      %parallel_loop3A_3862 = vector.broadcast %parallel_loop3A_3861 : i32 to vector<16xi32>
      %parallel_loop3A_3863 = arith.muli %parallel_loop3A_3858, %parallel_loop3A_3862 : vector<16xi32>
      %parallel_loop3A_3864 = vector.broadcast %parallel_loop3A_3860 : i32 to vector<16xi32>
      %parallel_loop3A_3865 = arith.addi %parallel_loop3A_3864, %parallel_loop3A_3863 : vector<16xi32>
      %parallel_loop3A_3866 = arith.addi %parallel_loop3A_3865, %parallel_loop3A_3849 : vector<16xi32>
      %parallel_loop3A_3867 = arith.constant 0 : i32
      %parallel_loop3A_3868 = vector.broadcast %parallel_loop3A_3867 : i32 to vector<16xi32>
      %parallel_loop3A_3869 = arith.select %parallel_loop3A_3852, %parallel_loop3A_3866, %parallel_loop3A_3868 : vector<16xi1>, vector<16xi32>
      tpu.vector_store_idx %arg6[%parallel_loop3A_3869], %broadcast_in_dim3A_3 masked %parallel_loop3A_3852 : memref<32768xf32, #tpu.memory_space<vmem>>[vector<16xi32>], vector<16xf32>, vector<16xi1>
      %parallel_loop3A_3870 = arith.constant 208 : i32
      %parallel_loop3A_3871 = arith.addi %parallel_loop3A_15, %parallel_loop3A_3870 : i32
      %parallel_loop3A_3872 = arith.index_cast %parallel_loop3A_3871 : i32 to index
      %parallel_loop3A_3873 = tpu.vector_load %arg5[%parallel_loop3A_3872] {strides = array<i32>} : memref<2304xi32, #tpu.memory_space<vmem>>, vector<16xi32>,
      %parallel_loop3A_3874 = arith.constant 0 : i32
      %parallel_loop3A_3875 = vector.broadcast %parallel_loop3A_3874 : i32 to vector<16xi32>
      %parallel_loop3A_3876 = arith.cmpi sge, %parallel_loop3A_3873, %parallel_loop3A_3875 : vector<16xi32>
      %parallel_loop3A_3877 = arith.constant 2 : i32
      %parallel_loop3A_3878 = vector.broadcast %parallel_loop3A_3877 : i32 to vector<16xi32>
      %parallel_loop3A_3879 = arith.shrsi %iota3A, %parallel_loop3A_3878 : vector<16xi32>
      %parallel_loop3A_3880 = arith.constant 12 : i32
      %parallel_loop3A_3881 = vector.broadcast %parallel_loop3A_3880 : i32 to vector<16xi32>
      %parallel_loop3A_3882 = arith.addi %parallel_loop3A_3879, %parallel_loop3A_3881 : vector<16xi32>
      %parallel_loop3A_3883 = arith.constant 4096 : i32
      %parallel_loop3A_3884 = arith.muli %parallel_loop3A_12, %parallel_loop3A_3883 : i32
      %parallel_loop3A_3885 = arith.constant 256 : i32
      %parallel_loop3A_3886 = vector.broadcast %parallel_loop3A_3885 : i32 to vector<16xi32>
      %parallel_loop3A_3887 = arith.muli %parallel_loop3A_3882, %parallel_loop3A_3886 : vector<16xi32>
      %parallel_loop3A_3888 = vector.broadcast %parallel_loop3A_3884 : i32 to vector<16xi32>
      %parallel_loop3A_3889 = arith.addi %parallel_loop3A_3888, %parallel_loop3A_3887 : vector<16xi32>
      %parallel_loop3A_3890 = arith.addi %parallel_loop3A_3889, %parallel_loop3A_3873 : vector<16xi32>
      %parallel_loop3A_3891 = arith.constant 0 : i32
      %parallel_loop3A_3892 = vector.broadcast %parallel_loop3A_3891 : i32 to vector<16xi32>
      %parallel_loop3A_3893 = arith.select %parallel_loop3A_3876, %parallel_loop3A_3890, %parallel_loop3A_3892 : vector<16xi1>, vector<16xi32>
      tpu.vector_store_idx %arg6[%parallel_loop3A_3893], %broadcast_in_dim3A_3 masked %parallel_loop3A_3876 : memref<32768xf32, #tpu.memory_space<vmem>>[vector<16xi32>], vector<16xf32>, vector<16xi1>
      %parallel_loop3A_3894 = arith.constant 224 : i32
      %parallel_loop3A_3895 = arith.addi %parallel_loop3A_15, %parallel_loop3A_3894 : i32
      %parallel_loop3A_3896 = arith.index_cast %parallel_loop3A_3895 : i32 to index
      %parallel_loop3A_3897 = tpu.vector_load %arg5[%parallel_loop3A_3896] {strides = array<i32>} : memref<2304xi32, #tpu.memory_space<vmem>>, vector<16xi32>,
      %parallel_loop3A_3898 = arith.constant 0 : i32
      %parallel_loop3A_3899 = vector.broadcast %parallel_loop3A_3898 : i32 to vector<16xi32>
      %parallel_loop3A_3900 = arith.cmpi sge, %parallel_loop3A_3897, %parallel_loop3A_3899 : vector<16xi32>
      %parallel_loop3A_3901 = arith.constant 2 : i32
      %parallel_loop3A_3902 = vector.broadcast %parallel_loop3A_3901 : i32 to vector<16xi32>
      %parallel_loop3A_3903 = arith.shrsi %iota3A, %parallel_loop3A_3902 : vector<16xi32>
      %parallel_loop3A_3904 = arith.constant 12 : i32
      %parallel_loop3A_3905 = vector.broadcast %parallel_loop3A_3904 : i32 to vector<16xi32>
      %parallel_loop3A_3906 = arith.addi %parallel_loop3A_3903, %parallel_loop3A_3905 : vector<16xi32>
      %parallel_loop3A_3907 = arith.constant 4096 : i32
      %parallel_loop3A_3908 = arith.muli %parallel_loop3A_12, %parallel_loop3A_3907 : i32
      %parallel_loop3A_3909 = arith.constant 256 : i32
      %parallel_loop3A_3910 = vector.broadcast %parallel_loop3A_3909 : i32 to vector<16xi32>
      %parallel_loop3A_3911 = arith.muli %parallel_loop3A_3906, %parallel_loop3A_3910 : vector<16xi32>
      %parallel_loop3A_3912 = vector.broadcast %parallel_loop3A_3908 : i32 to vector<16xi32>
      %parallel_loop3A_3913 = arith.addi %parallel_loop3A_3912, %parallel_loop3A_3911 : vector<16xi32>
      %parallel_loop3A_3914 = arith.addi %parallel_loop3A_3913, %parallel_loop3A_3897 : vector<16xi32>
      %parallel_loop3A_3915 = arith.constant 0 : i32
      %parallel_loop3A_3916 = vector.broadcast %parallel_loop3A_3915 : i32 to vector<16xi32>
      %parallel_loop3A_3917 = arith.select %parallel_loop3A_3900, %parallel_loop3A_3914, %parallel_loop3A_3916 : vector<16xi1>, vector<16xi32>
      tpu.vector_store_idx %arg6[%parallel_loop3A_3917], %broadcast_in_dim3A_3 masked %parallel_loop3A_3900 : memref<32768xf32, #tpu.memory_space<vmem>>[vector<16xi32>], vector<16xf32>, vector<16xi1>
      %parallel_loop3A_3918 = arith.constant 240 : i32
      %parallel_loop3A_3919 = arith.addi %parallel_loop3A_15, %parallel_loop3A_3918 : i32
      %parallel_loop3A_3920 = arith.index_cast %parallel_loop3A_3919 : i32 to index
      %parallel_loop3A_3921 = tpu.vector_load %arg5[%parallel_loop3A_3920] {strides = array<i32>} : memref<2304xi32, #tpu.memory_space<vmem>>, vector<16xi32>,
      %parallel_loop3A_3922 = arith.constant 0 : i32
      %parallel_loop3A_3923 = vector.broadcast %parallel_loop3A_3922 : i32 to vector<16xi32>
      %parallel_loop3A_3924 = arith.cmpi sge, %parallel_loop3A_3921, %parallel_loop3A_3923 : vector<16xi32>
      %parallel_loop3A_3925 = arith.constant 2 : i32
      %parallel_loop3A_3926 = vector.broadcast %parallel_loop3A_3925 : i32 to vector<16xi32>
      %parallel_loop3A_3927 = arith.shrsi %iota3A, %parallel_loop3A_3926 : vector<16xi32>
      %parallel_loop3A_3928 = arith.constant 12 : i32
      %parallel_loop3A_3929 = vector.broadcast %parallel_loop3A_3928 : i32 to vector<16xi32>
      %parallel_loop3A_3930 = arith.addi %parallel_loop3A_3927, %parallel_loop3A_3929 : vector<16xi32>
      %parallel_loop3A_3931 = arith.constant 4096 : i32
      %parallel_loop3A_3932 = arith.muli %parallel_loop3A_12, %parallel_loop3A_3931 : i32
      %parallel_loop3A_3933 = arith.constant 256 : i32
      %parallel_loop3A_3934 = vector.broadcast %parallel_loop3A_3933 : i32 to vector<16xi32>
      %parallel_loop3A_3935 = arith.muli %parallel_loop3A_3930, %parallel_loop3A_3934 : vector<16xi32>
      %parallel_loop3A_3936 = vector.broadcast %parallel_loop3A_3932 : i32 to vector<16xi32>
      %parallel_loop3A_3937 = arith.addi %parallel_loop3A_3936, %parallel_loop3A_3935 : vector<16xi32>
      %parallel_loop3A_3938 = arith.addi %parallel_loop3A_3937, %parallel_loop3A_3921 : vector<16xi32>
      %parallel_loop3A_3939 = arith.constant 0 : i32
      %parallel_loop3A_3940 = vector.broadcast %parallel_loop3A_3939 : i32 to vector<16xi32>
      %parallel_loop3A_3941 = arith.select %parallel_loop3A_3924, %parallel_loop3A_3938, %parallel_loop3A_3940 : vector<16xi1>, vector<16xi32>
      tpu.vector_store_idx %arg6[%parallel_loop3A_3941], %broadcast_in_dim3A_3 masked %parallel_loop3A_3924 : memref<32768xf32, #tpu.memory_space<vmem>>[vector<16xi32>], vector<16xf32>, vector<16xi1>
    } {sc.loop_unroll_factor = 1 : i64, sc.parallel_access}
    %mul3A_10 = arith.constant 4096 : i32
    %mul3A_11 = arith.muli %mul3A_2, %mul3A_10 : i32
    "tpu.region"() ({
      %run_scoped3A = tpu.sem_alloc : memref<!tpu.dma_semaphore, #tpu.memory_space<semaphore_mem>>
      %dma_start3A = tpu.memref_slice %arg3[%mul3A_11] : memref<1048576xf32, #tpu.memory_space<hbm>> -> memref<32768xf32, #tpu.memory_space<hbm>>
      %dma_start3A_12 = tpu.memref_slice %arg3[%mul3A_11] : memref<1048576xf32, #tpu.memory_space<hbm>> -> memref<32768xf32, #tpu.memory_space<hbm>>
      tpu.enqueue_dma source(%arg6 : memref<32768xf32, #tpu.memory_space<vmem>>) target(%dma_start3A_12 : memref<32768xf32, #tpu.memory_space<hbm>>) target_semaphore(%run_scoped3A : memref<!tpu.dma_semaphore, #tpu.memory_space<semaphore_mem>>)
      %dma_wait3A = tpu.memref_slice %arg3[%mul3A_11] : memref<1048576xf32, #tpu.memory_space<hbm>> -> memref<32768xf32, #tpu.memory_space<hbm>>
      %dma_wait3A_13 = tpu.memref_slice %arg3[%mul3A_11] : memref<1048576xf32, #tpu.memory_space<hbm>> -> memref<32768xf32, #tpu.memory_space<hbm>>
      tpu.wait_dma2 semaphore(%run_scoped3A : memref<!tpu.dma_semaphore, #tpu.memory_space<semaphore_mem>>) src(%arg6 : memref<32768xf32, #tpu.memory_space<vmem>>) dst(%dma_wait3A_13 : memref<32768xf32, #tpu.memory_space<hbm>>)
      tpu.yield
    }) : () -> ()
    return
  }
}

module attributes {stable_mosaic.version = 14 : i64} {
  func.func @_bc_kernel(%arg0: i32, %arg1: memref<256x256xf32, #tpu.memory_space<vmem>>, %arg2: memref<256x512xf32, #tpu.memory_space<vmem>>, %arg3: memref<1x512x512xbf16, #tpu.memory_space<vmem>>, %arg4: memref<1x512xf32, #tpu.memory_space<vmem>>, %arg5: memref<256x512xf32, #tpu.memory_space<vmem>>, %arg6: memref<256x512xf32, #tpu.memory_space<vmem>>) attributes {dimension_semantics = [#tpu.dimension_semantics<arbitrary>], iteration_bounds = array<i64: 16>, scalar_prefetch = 0 : i64, scratch_operands = 1 : i64, tpu.core_type = #tpu.core_type<tc>, window_params = [{transform_indices = @transform_0, window_bounds = array<i64: 256, 256>}, {pipeline_mode = #tpu.pipeline_mode<synchronous>, transform_indices = @transform_1, window_bounds = array<i64: 256, 512>}, {transform_indices = @transform_2, window_bounds = array<i64: 1, 512, 512>}, {pipeline_mode = #tpu.pipeline_mode<synchronous>, transform_indices = @transform_3, window_bounds = array<i64: 1, 512>}, {pipeline_mode = #tpu.pipeline_mode<synchronous>, transform_indices = @transform_4, window_bounds = array<i64: 256, 512>}]} {
    %eq3A = arith.constant 0 : i32
    %eq3A_0 = arith.cmpi eq, %arg0, %eq3A : i32
    %convert_element_type3A = arith.extui %eq3A_0 : i1 to i32
    %cond3A = arith.constant 0 : i32
    %cond3A_1 = arith.cmpi ne, %convert_element_type3A, %cond3A : i32
    scf.if %cond3A_1 {
      %broadcast_in_dim3A = arith.constant 0.000000e+00 : f32
      %broadcast_in_dim3A_28 = vector.broadcast %broadcast_in_dim3A : f32 to vector<256x512xf32>
      %swap3A_29 = arith.constant 0 : index
      %swap3A_30 = arith.constant 0 : index
      %swap3A_31 = vector.load %arg6[%swap3A_29, %swap3A_30] : memref<256x512xf32, #tpu.memory_space<vmem>>, vector<256x512xf32>
      tpu.vector_store %arg6[%swap3A_29, %swap3A_30], %broadcast_in_dim3A_28 {strides = array<i32>} : memref<256x512xf32, #tpu.memory_space<vmem>>, vector<256x512xf32>,
    } else {
    }
    %get3A = arith.constant 0 : index
    %get3A_2 = arith.constant 0 : index
    %get3A_3 = vector.load %arg2[%get3A, %get3A_2] : memref<256x512xf32, #tpu.memory_space<vmem>>, vector<256x512xf32>
    %convert_element_type3A_4 = arith.truncf %get3A_3 : vector<256x512xf32> to vector<256x512xbf16>
    %get3A_5 = arith.constant 0 : index
    %get3A_6 = arith.constant 0 : index
    %get3A_7 = arith.constant 0 : index
    %get3A_8 = vector.load %arg3[%get3A_5, %get3A_6, %get3A_7] : memref<1x512x512xbf16, #tpu.memory_space<vmem>>, vector<1x512x512xbf16>
    %get3A_9 = vector.shape_cast %get3A_8 : vector<1x512x512xbf16> to vector<512x512xbf16>
    %dot_general3A = arith.constant dense<0.000000e+00> : vector<256x512xf32>
    %dot_general3A_10 = tpu.matmul %convert_element_type3A_4, %get3A_9, %dot_general3A {dimension_numbers = #tpu.dot_dimension_numbers<[1], [0], [0], [1], [0, 0, 1, 1], [], []>, transpose_lhs_hint = false} : vector<256x512xbf16>, vector<512x512xbf16>, vector<256x512xf32> -> vector<256x512xf32>
    %convert_element_type3A_11 = arith.truncf %dot_general3A_10 : vector<256x512xf32> to vector<256x512xbf16>
    %get3A_12 = arith.constant 0 : index
    %get3A_13 = arith.constant 0 : index
    %get3A_14 = vector.load %arg1[%get3A_12, %get3A_13] : memref<256x256xf32, #tpu.memory_space<vmem>>, vector<256x256xf32>
    %convert_element_type3A_15 = arith.truncf %get3A_14 : vector<256x256xf32> to vector<256x256xbf16>
    %get3A_16 = arith.constant 0 : index
    %get3A_17 = arith.constant 0 : index
    %get3A_18 = vector.load %arg6[%get3A_16, %get3A_17] : memref<256x512xf32, #tpu.memory_space<vmem>>, vector<256x512xf32>
    %dot_general3A_19 = arith.constant dense<0.000000e+00> : vector<256x512xf32>
    %dot_general3A_20 = tpu.matmul %convert_element_type3A_15, %convert_element_type3A_11, %dot_general3A_19 {dimension_numbers = #tpu.dot_dimension_numbers<[1], [0], [0], [1], [0, 0, 1, 1], [], []>, transpose_lhs_hint = false} : vector<256x256xbf16>, vector<256x512xbf16>, vector<256x512xf32> -> vector<256x512xf32>
    %add3A = arith.addf %get3A_18, %dot_general3A_20 : vector<256x512xf32>
    %swap3A = arith.constant 0 : index
    %swap3A_21 = arith.constant 0 : index
    %swap3A_22 = vector.load %arg6[%swap3A, %swap3A_21] : memref<256x512xf32, #tpu.memory_space<vmem>>, vector<256x512xf32>
    tpu.vector_store %arg6[%swap3A, %swap3A_21], %add3A {strides = array<i32>} : memref<256x512xf32, #tpu.memory_space<vmem>>, vector<256x512xf32>,
    %eq3A_23 = arith.constant 15 : i32
    %eq3A_24 = arith.cmpi eq, %arg0, %eq3A_23 : i32
    %convert_element_type3A_25 = arith.extui %eq3A_24 : i1 to i32
    %cond3A_26 = arith.constant 0 : i32
    %cond3A_27 = arith.cmpi ne, %convert_element_type3A_25, %cond3A_26 : i32
    scf.if %cond3A_27 {
      %get3A_28 = arith.constant 0 : index
      %get3A_29 = arith.constant 0 : index
      %get3A_30 = vector.load %arg6[%get3A_28, %get3A_29] : memref<256x512xf32, #tpu.memory_space<vmem>>, vector<256x512xf32>
      %get3A_31 = arith.constant 0 : index
      %get3A_32 = arith.constant 0 : index
      %get3A_33 = vector.load %arg4[%get3A_31, %get3A_32] : memref<1x512xf32, #tpu.memory_space<vmem>>, vector<1x512xf32>
      %add3A_34 = vector.broadcast %get3A_33 : vector<1x512xf32> to vector<256x512xf32>
      %add3A_35 = arith.addf %get3A_30, %add3A_34 : vector<256x512xf32>
      %max3A = arith.constant 0.000000e+00 : f32
      %max3A_36 = vector.broadcast %max3A : f32 to vector<256x512xf32>
      %max3A_37 = arith.maximumf %add3A_35, %max3A_36 : vector<256x512xf32>
      %swap3A_38 = arith.constant 0 : index
      %swap3A_39 = arith.constant 0 : index
      %swap3A_40 = vector.load %arg5[%swap3A_38, %swap3A_39] : memref<256x512xf32, #tpu.memory_space<vmem>>, vector<256x512xf32>
      tpu.vector_store %arg5[%swap3A_38, %swap3A_39], %max3A_37 {strides = array<i32>} : memref<256x512xf32, #tpu.memory_space<vmem>>, vector<256x512xf32>,
    } else {
    }
    return
  }
  func.func @transform_0(%arg0: i32) -> (i32, i32) {
    %c0_i32 = arith.constant 0 : i32
    %c0_i32_0 = arith.constant 0 : i32
    return %c0_i32, %arg0 : i32, i32
  }
  func.func @transform_1(%arg0: i32) -> (i32, i32) {
    %c0_i32 = arith.constant 0 : i32
    %c0_i32_0 = arith.constant 0 : i32
    %c0_i32_1 = arith.constant 0 : i32
    return %c0_i32, %c0_i32_0 : i32, i32
  }
  func.func @transform_2(%arg0: i32) -> (i32, i32, i32) {
    %c0_i32 = arith.constant 0 : i32
    %c0_i32_0 = arith.constant 0 : i32
    %c0_i32_1 = arith.constant 0 : i32
    return %arg0, %c0_i32, %c0_i32_0 : i32, i32, i32
  }
  func.func @transform_3(%arg0: i32) -> (i32, i32) {
    %c0_i32 = arith.constant 0 : i32
    %c0_i32_0 = arith.constant 0 : i32
    %c0_i32_1 = arith.constant 0 : i32
    return %c0_i32, %c0_i32_0 : i32, i32
  }
  func.func @transform_4(%arg0: i32) -> (i32, i32) {
    %c0_i32 = arith.constant 0 : i32
    %c0_i32_0 = arith.constant 0 : i32
    %c0_i32_1 = arith.constant 0 : i32
    return %c0_i32, %c0_i32_0 : i32, i32
  }
}

</mosaic_0001>

<sc_bundles>
// kernel: kernel.4.cloned.1.call-start
scs
__scs_entry_jumppad:
0x0: {  	(pc) =	sbr.rel $0x88, $3  }
0x1: {  	(tag) =	ssettag $0x0;
	lr =	simm.s32 $0x1  }
0x2: {  	[smem:$0x3F9D] =	sst lr;
	_ =	strace $0xD0000000  }
0x3: {  	_ = 	snop  }
0x4: {  	_ = 	snop  }
0x5: {  	_ = 	snop  }
0x6: {  	_ = 	snop  }
0x7: {  	_ = 	snop  }
__scs_overlays_trampoline_lowered:
0x8: {  	[smem:$0x3FAC] =	sst s0  }
0x9: {  	[smem:$0x3FAD] =	sst s1  }
0xa: {  	[smem:$0x3FAE] =	sst s2  }
0xb: {  	[smem:$0x3FAF] =	sst s3  }
0xc: {  	[smem:$0x3FB0] =	sst s4  }
0xd: {  	[smem:$0x3FB1] =	sst s5  }
0xe: {  	[smem:$0x3FB2] =	sst s6  }
0xf: {  	[smem:$0x3FB3] =	sst s7  }
0x10: {  	[smem:$0x3FB4] =	sst s8  }
0x11: {  	[smem:$0x3FB5] =	sst s9;
	s0 =	simm.s32 @!p0 $0x0  }
0x12: {  	s1 =	sld [smem:$0x3F9B];
	s0 =	simm.s32 @p0 $0x1  }
0x13: {  	[smem:$0x3FB6] =	sst s0;
	s0 =	simm.s32 @!p1 $0x0  }
0x14: {  	s2 =	sld [smem:$0x3F9A];
	s0 =	simm.s32 @p1 $0x1  }
0x15: {  	[smem:$0x3FB7] =	sst s0;
	s0 =	simm.s32 @!p2 $0x0  }
0x16: {  	s3 =	sld [smem:$0x3FDB];
	s0 =	simm.s32 @p2 $0x1  }
0x17: {  	s4 =	simm.s32 $0x1BF5;
	[smem:$0x3FB9] =	sst s0  }
0x18: {  	s0 =	sld [smem:$0x3F9C];
	_ =	swait.ge [sflag:s4], $0x0  }
0x19: {  	s7 =	sld [smem:$0x3F9D]  }
0x1a: {  	s8 =	sadd.s32 $0xFFFFE003, lr  }
0x1b: {  	s9 =	sadd.s32 $0xFFFFFEF7, lr;
	s5 =	simm.s32 $0xFFFFFFFF;
	p2 =	slt.u32 s8, $0xFFFFF086  }
0x1c: {  	p1 =	slt.u32 s9, $0xF7A;
	s5 =	simm.s32 @!p2 $0x0  }
0x1d: {  	s5 =	simm.s32 @p1 $0x1;
	p0 =	seq.s32 s7, s2  }
0x1e: {  	s7 =	smul.u32 @!p0 $0xF7A, s2;
	p2 =	seq.s32 @!p0 s5, $0x0  }
0x1f: {  	s9 =	smul.u32 $0xF7A, s1;
	s8 =	simm.s32 @!p0 $0x1BF5;
	p2 =	por !p2, p0  }
0x20: {  	[sflag:s8] =	ssyncset.s32 @!p0 $0xFFFFF086;
	s6 =	sadd.s32 @!p0 s3, s7;
	s7 =	simm.s32 @!p0 $0x108  }
0x21: {  	s3 =	sadd.s32 s3, s9;
	s6 =	sadd.s32 @!p0 $0x88, s6;
	s7 =	simm.s32 @p2 $0x1082  }
0x22: {  	[simem:s7], [sflag:s8] =	dma.local @!p0 [hbm:s6], $0xF7A  }
0x23: {  	s9 =	sor.u32 $0xD0000000, s2;
	s6 =	simm.s32 $0x108;
	_ =	swait.ge @!p0 [sflag:s8], $0x0  }
0x24: {  	s3 =	sadd.s32 $0x88, s3;
	s6 =	simm.s32 @!p1 $0x1082;
	[sflag:s4] =	ssyncset.s32 $0xFFFFF086  }
0x25: {  	[simem:s6], [sflag:s4] =	dma.local [hbm:s3], $0xF7A  }
0x26: {  	[smem:$0x3F9D] =	sst s1;
	(tag) =	ssettag s2;
	_ =	strace s9  }
0x27: {  	s1 =	sld [smem:$0x3FAD]  }
0x28: {  	s2 =	sld [smem:$0x3FAE]  }
0x29: {  	s4 =	sld [smem:$0x3FB0]  }
0x2a: {  	p0 =	seq.s32 s5, $0x0;
	s5 =	sld [smem:$0x3FB1]  }
0x2b: {  	s6 =	sld [smem:$0x3FB2]  }
0x2c: {  	s7 =	sld [smem:$0x3FB3]  }
0x2d: {  	s3 =	simm.s32 $0x108;
	s8 =	sld [smem:$0x3FB4]  }
0x2e: {  	s3 =	simm.s32 @!p0 $0x1082;
	s9 =	sld [smem:$0x3FB5]  }
0x2f: {  	lr =	sadd.s32 s0, s3;
	s0 =	sld [smem:$0x3FAC]  }
0x30: {  	s3 =	sld [smem:$0x3FAF]  }
0x31: {  	[smem:$0x3FB8] =	sst s10  }
0x32: {  	s10 =	sld [smem:$0x3FB6];
	_ =	sdelay $0x3  }
0x33: {  	p0 =	seq.s32 s10, $0x1;
	s10 =	sld [smem:$0x3FB8];
	_ =	sdelay $0x3  }
0x34: {  	[smem:$0x3FB8] =	sst s10  }
0x35: {  	s10 =	sld [smem:$0x3FB7];
	_ =	sdelay $0x3  }
0x36: {  	p1 =	seq.s32 s10, $0x1;
	s10 =	sld [smem:$0x3FB8];
	_ =	sdelay $0x3  }
0x37: {  	[smem:$0x3FB8] =	sst s10  }
0x38: {  	s10 =	sld [smem:$0x3FB9]  }
0x39: {  	_ = 	snop;
	(pc) =	sbr.ind lr, $3  }
0x3a: {  	_ = 	snop  }
0x3b: {  	_ = 	snop  }
0x3c: {  	p2 =	seq.s32 s10, $0x1;
	s10 =	sld [smem:$0x3FB8]  }
0x3d: {  	_ =	shalt  }
0x3e: {  	_ =	shalt  }
0x3f: {  	_ =	shalt  }
0x40: {  	_ =	shalt  }
0x41: {  	_ =	shalt  }
0x42: {  	_ =	shalt  }
0x43: {  	_ =	shalt  }
0x44: {  	_ =	shalt  }
0x45: {  	_ =	shalt  }
0x46: {  	_ =	shalt  }
0x47: {  	_ =	shalt  }
0x48: {  	_ =	shalt  }
0x49: {  	_ =	shalt  }
0x4a: {  	_ =	shalt  }
0x4b: {  	_ =	shalt  }
0x4c: {  	_ =	shalt  }
0x4d: {  	_ =	shalt  }
0x4e: {  	_ =	shalt  }
0x4f: {  	_ =	shalt  }
0x50: {  	_ =	shalt  }
0x51: {  	_ =	shalt  }
0x52: {  	_ =	shalt  }
0x53: {  	_ =	shalt  }
0x54: {  	_ =	shalt  }
0x55: {  	_ =	shalt  }
0x56: {  	_ =	shalt  }
0x57: {  	_ =	shalt  }
0x58: {  	_ =	shalt  }
0x59: {  	_ =	shalt  }
0x5a: {  	_ =	shalt  }
0x5b: {  	_ =	shalt  }
0x5c: {  	_ =	shalt  }
0x5d: {  	_ =	shalt  }
0x5e: {  	_ =	shalt  }
0x5f: {  	_ =	shalt  }
0x60: {  	_ =	shalt  }
0x61: {  	_ =	shalt  }
0x62: {  	_ =	shalt  }
0x63: {  	_ =	shalt  }
0x64: {  	_ =	shalt  }
0x65: {  	_ =	shalt  }
0x66: {  	_ =	shalt  }
0x67: {  	_ =	shalt  }
0x68: {  	_ =	shalt  }
0x69: {  	_ =	shalt  }
0x6a: {  	_ =	shalt  }
0x6b: {  	_ =	shalt  }
0x6c: {  	_ =	shalt  }
0x6d: {  	_ =	shalt  }
0x6e: {  	_ =	shalt  }
0x6f: {  	_ =	shalt  }
0x70: {  	_ =	shalt  }
0x71: {  	_ =	shalt  }
0x72: {  	_ =	shalt  }
0x73: {  	_ =	shalt  }
0x74: {  	_ =	shalt  }
0x75: {  	_ =	shalt  }
0x76: {  	_ =	shalt  }
0x77: {  	_ =	shalt  }
0x78: {  	_ =	shalt  }
0x79: {  	_ =	shalt  }
0x7a: {  	_ =	shalt  }
0x7b: {  	_ =	shalt  }
0x7c: {  	_ =	shalt  }
0x7d: {  	_ =	shalt  }
0x7e: {  	_ =	shalt  }
0x7f: {  	_ =	shalt  }
0x80: {  	_ =	shalt  }
0x81: {  	_ =	shalt  }
0x82: {  	_ =	shalt  }
0x83: {  	_ =	shalt  }
0x84: {  	_ =	shalt  }
0x85: {  	_ =	shalt  }
0x86: {  	_ =	shalt  }
0x87: {  	_ =	shalt  }
.Lfunc_end0:
.L_simem_size_0:
called_computation_lowered:
.L_overlay_start_0:
0x88: {  	s2 =	sld [smem:$0x3FD9]  }
0x89: {  	s3 =	sld [smem:$0x3FFE];
	_ =	sdelay $0x1  }
0x8a: {  	s1 =	srdreg.scid  }
0x8b: {  	s0 =	sand.u32 $0x1, s1  }
0x8c: {  	s17 =	sshll.u32 s0, $0xA;
	s2 =	sadd.s32 s3, s2  }
0x8d: {  	s2 =	sadd.s32 s2, s17  }
0x8e: {  	[smem:$0x3FC4] =	sst s2  }
0x8f: {  	_ = 	snop  }
0x90: {  	s2 =	sld [smem:$0x3FD0];
	(tm) =	ssettm $0x1  }
0x91: {  	s18 =	sld [smem:$0x3FFB];
	_ =	sdelay $0x3  }
0x92: {  	_ =	strace s18  }
0x93: {  	s3 =	sld [smem:$0x3FFC];
	_ =	sdelay $0x3  }
0x94: {  	_ =	strace s3  }
0x95: {  	s3 =	sld [smem:$0x3FFD];
	_ =	sdelay $0x3  }
0x96: {  	_ =	strace s3  }
0x97: {  	_ =	strace $0x8FFFFFFF  }
0x98: {  	s19 =	sld [smem:$0x3FDB];
	_ =	sdelay $0x1  }
0x99: {  	s4 =	simm.s32 $_scs_section_size  }
0x9a: {  	s5 =	simm.s32 $_size__tile_overlayer_lowered;
	s6 =	simm.s32 $_tile_overlayer_lowered  }
0x9b: {  	s22 =	simm.s32 $0x1BFF;
	s21 =	sshll.u32 s6, $0x1;
	s3 =	sadd.s32 s4, s19  }
0x9c: {  	s7 =	simm.s32 $0x0;
	s20 =	sshll.u32 s5, $0x1;
	s5 =	sadd.s32 s21, s3  }
0x9d: {  	[timem:s7], [sflag:s22] =	dma.local [hbm:s5], s20  }
0x9e: {  	_ =	swait.ge [sflag:s22], s20  }
0x9f: {  	s4 =	ssub.s32 $0x0, s20;
	[sflag:s22] =	ssyncset.done $0x0  }
0xa0: {  	[sflag:s22] =	ssyncadd.s32 s4;
	_ =	sdelay $0x1  }
0xa1: {  	s23 =	simm.s32 $0x1B8B  }
0xa2: {  	_ =	swait.ge [sflag:s23], $0x1  }
0xa3: {  	[sflag:s23] =	ssyncset.done $0x0  }
0xa4: {  	s25 =	simm.s32 $0x1B8E;
	s24 =	sld [smem:$0x3FFE];
	[sflag:s23] =	ssyncadd.s32 $0xFFFFFFFF  }
0xa5: {  	s26 =	simm.s32 $execute0_lowered;
	[smem:$0x3FD2] =	sst s25  }
0xa6: {  	s5 =	sshll.u32 s26, $0x1;
	_ =	strace $0x80000046;
	[dreg:$0x1] =	wrdreg $0xFFFFFFFF  }
0xa7: {  	s28 =	simm.s32 $_size_execute0_lowered;
	s3 =	sadd.s32 s3, s5;
	[dreg:$0x0] =	wrdreg $0x0  }
0xa8: {  	s5 =	sshll.u32 s28, $0x1;
	[dreg:$0x2] =	wrdreg s3  }
0xa9: {  	[dreg:$0x3] =	wrdreg s5  }
0xaa: {  	[dreg:$0x4] =	wrdreg $0xC0  }
0xab: {  	_ =	task [dreg:s7], $0x5FFFF  }
0xac: {  	[dreg:$0x1] =	wrdreg $0xFFFFFFFF  }
0xad: {  	[dreg:$0x0] =	wrdreg $0x60  }
0xae: {  	[dreg:$0x2] =	wrdreg s2  }
0xaf: {  	[dreg:$0x3] =	wrdreg s24  }
0xb0: {  	[dreg:$0x4] =	wrdreg $0x9  }
0xb1: {  	_ =	task.clear_ibuf [dreg:s7], $0x5FFFF;
	_ =	strace $0x90000046  }
0xb2: {  	s29 =	simm.s32 $0x9;
	_ =	strace $0x80000048  }
0xb3: {  	_ =	swait.ge [sflag:s29], $0x1  }
0xb4: {  	[sflag:s29] =	ssyncadd.s32 $0xFFFFFFFF  }
0xb5: {  	_ =	strace $0x90000048  }
0xb6: {  	_ =	sfence  }
0xb7: {  	s30 =	sld [smem:$0x0];
	_ =	sdelay $0x2  }
0xb8: {  	s31 =	sshll.u32 s1, $0xD;
	s1 =	sshrl.u32 s1, $0x2  }
0xb9: {  	s3 =	sand.u32 $0x4000, s31;
	s1 =	sadd.s32 s1, s30  }
0xba: {  	s0 =	sor.u32 s3, s0;
	s1 =	sshll.u32 s1, $0x11  }
0xbb: {  	s0 =	sor.u32 s1, s0  }
0xbc: {  	s0 =	sadd.s32 $0x8F2B, s0  }
0xbd: {  	[sflag:s0] =	ssyncadd.remote.s32 $0x1  }
0xbe: {  	_ =	sfence.sel $0xFFFF  }
0xbf: {  	[dreg:$0x0] =	wrdreg $0xFFFFFFFF;
	(pc) =	sbr.abs _section_cstart, $3  }
0xc0: {  	[dreg:$0x1] =	wrdreg $0xFFFFFFFF  }
0xc1: {  	_ =	task.clear_ibuf [dreg:s7], $0x2FFFF;
	_ =	strace $0x9FFFFFFF  }
0xc2: {  	(tm) =	ssettm $0x7FFFFFFF  }
0xc3: {  	_ =	shalt  }
tec
execute0_lowered:
.L_overlay_start_1:
0x0: {  	(tag) =	ssettag $0x1  }
0x1: {  	v0 =	vimm.s32 $0xFFEDCBA9  }
0x2: {  	v1 =	vimm.s32 $0x87654321;
	v0 =	vunpack.c.l.s4.s8 v0  }
0x3: {  	vm0 =	vcmask $0x3F3C;
	v1 =	vunpack.c.l.s4.s8 v1  }
0x4: {  	s0 =	rddreg [dreg:$0x0];
	v22 =	vimm.f32 $1.000000000e+00;
	v2 =	vunpack.c.0.s8.s32 v0;
	v0 =	vlaneseq.u32  }
0x5: {  	s4 =	rddreg [dreg:$0x1];
	v1 =	vunpack.c.0.s8.s32 v1;
	v3 =	vor.u32 $0x80000000, v0;
	v4 =	vor.u32 $0x80001000, v0  }
0x6: {  	s1 =	rddreg [dreg:$0x2];
	v6 =	vor.u32 $0x10, v0;
	v7 =	vor.u32 $0x20, v0;
	v8 =	vor.u32 $0x30, v0  }
0x7: {  	s5 =	srdreg.scid;
	s2 =	stileid.u32;
	v9 =	vor.u32 $0x40, v0;
	v10 =	vor.u32 $0x50, v0;
	v11 =	vor.u32 $0x60, v0  }
0x8: {  	s3 =	simm.s32 $0x0;
	s5 =	sand.u32 $0x1, s5;
	s6 =	sshll.u32 s2, $0x1;
	v12 =	vor.u32 $0x70, v0;
	v13 =	vor.u32 $0x80, v0;
	v14 =	vor.u32 $0x90, v0  }
0x9: {  	s9 =	simm.s32 $0xB00;
	s10 =	simm.s32 $0x0;
	s6 =	sor.u32 s5, s6;
	v15 =	vor.u32 $0xA0, v0;
	v16 =	vor.u32 $0xB0, v0;
	v19 =	vshrl.u32 v0, $0x2  }
0xa: {  	[smem:$0x7FF] =	sst s3;
	s5 =	ssub.s32 $0x2, s5;
	s7 =	sshll.u32 s6, $0xC;
	v17 =	vor.u32 $0xC0, v0;
	v18 =	vor.u32 $0xD0, v0;
	v5 =	vcombine.low v1, v2  }
0xb: {  	_ =	strace $0x80000047;
	s8 =	sshrl.u32 s5, $0x1;
	s7 =	sadd.s32 s7, s4;
	v20 =	vor.u32 $0xE0, v0;
	v21 =	vor.u32 $0xF0, v0;
	v19 =	vmul.u32 $0x100, v19  }
0xc: {  	s8 =	ssub.s32 s5, s8;
	s4 =	sshll.u32 s6, $0x3;
	v1 =	vimm.s32 $0xFFFFFFFF;
	v2 =	vimm.f32 $0.0e+00;
	s5 =	sadd.s32 $0x800, s7;
	v5 =	vand.u32 $0xF, v5  }
0xd: {  	s6 =	smax.u32 s8, $0x1;
	s7 =	simm.s32 $0x1;
	s8 =	simm.s32 $0x200;
	v23 =	vor.u32 $0x400, v19;
	v24 =	vor.u32 $0x800, v19;
	v25 =	vor.u32 $0xC00, v19  }
.LBB2_1:
0xe: {  	[tilespmem:s3], [sflag:$0x1] =	stream.linear.gather [hbm4b:s0+s3], $0x200, $0x38;
	[tilespmem:$0x8B00] =	vst v63  }
0xf: {  	_ =	swait.ge [sflag:s7], $0x200  }
0x10: {  	[sflag:s7] =	ssyncset.done $0x0  }
0x11: {  	s11 =	simm.s32 $0x0;
	[sflag:s7] =	ssyncadd.s32 $0xFFFFFE00  }
.LBB2_2:
0x12: {  	s12 =	sadd.s32 s4, s11  }
0x13: {  	v26 =	vmov s12  }
0x14: {  	v27 =	vand.u32 $0x7FFFFFFF, v26  }
0x15: {  	v28 =	vadd.s32 $0x100, v27;
	_ =	sdelay $0x2  }
0x16: {  	s30 =	smul.u32 $0x120, s11  }
0x17: {  	v27 =	vld.idx.msk [tilespmem:v26+s3+$0x0], $0xffff  }
0x18: {  	v28 =	vld.idx.msk [tilespmem:v28+s3+$0x0], $0xffff;
	[tilespmem:s30+$0x200] =	vst v1  }
0x19: {  	[tilespmem:s30+$0x210] =	vst v1  }
0x1a: {  	[tilespmem:s30+$0x220] =	vst v1  }
0x1b: {  	[tilespmem:s30+$0x230] =	vst v1  }
0x1c: {  	[tilespmem:s30+$0x240] =	vst v1  }
0x1d: {  	[tilespmem:s30+$0x250] =	vst v1  }
0x1e: {  	[tilespmem:s30+$0x260] =	vst v1  }
0x1f: {  	s13 =	sand.u32 $0x7E0, s30;
	[tilespmem:s30+$0x270] =	vst v1  }
0x20: {  	[tilespmem:s13+$0x280] =	vst v1  }
0x21: {  	[tilespmem:s30+$0x290] =	vst v1  }
0x22: {  	[tilespmem:s30+$0x2A0] =	vst v1  }
0x23: {  	[tilespmem:s30+$0x2B0] =	vst v1  }
0x24: {  	[tilespmem:s30+$0x2C0] =	vst v1  }
0x25: {  	[tilespmem:s30+$0x2D0] =	vst v1  }
0x26: {  	[tilespmem:s30+$0x2E0] =	vst v1  }
0x27: {  	[tilespmem:s30+$0x2F0] =	vst v1  }
0x28: {  	v29 =	vld [tilespmem:$0x0]  }
0x29: {  	v30 =	vld [tilespmem:$0x100];
	_ =	sdelay $0x3  }
0x2a: {  	v29 =	vsub.f32 v29, v27  }
0x2b: {  	v30 =	vsub.f32 v30, v28  }
0x2c: {  	v29 =	vadd.f32 v29, v29  }
0x2d: {  	v30 =	vadd.f32 v30, v30  }
0x2e: {  	v29 =	vadd.f32 $8.000000000e+00, v29  }
0x2f: {  	v30 =	vadd.f32 $8.000000000e+00, v30  }
0x30: {  	vm1 =	vge.f32 v29, $0.0e+00;
	vm2 =	vlt.f32 v29, $1.600000000e+01  }
0x31: {  	vm3 =	vge.f32 v30, $0.0e+00;
	v29 =	vtrunc.f32 v29;
	v31 =	vtrunc.f32 v30  }
0x32: {  	vm1 =	vmand vm1, vm3;
	v29 =	vcvt.f32.s32 v29;
	v31 =	vcvt.f32.s32 v31  }
0x33: {  	vm1 =	vmand vm1, vm2  }
0x34: {  	vm2 =	vlt.f32 v30, $1.600000000e+01;
	v29 =	vshll.u32 v29, $0x8;
	v59 =	vshll.u32 v31, $0x4  }
0x35: {  	vm1 =	vmand vm2, vm1;
	vm2 =	vne.s32 v26, v0;
	v29 =	vadd.s32 v29, v59  }
0x36: {  	vm1 =	vmand vm2, vm1;
	v29 =	vxor.u32 v3, v29  }
0x37: {  	v29 =	vsel vm1, v29, v4  }
0x38: {  	(xrf1) =	vsort.ascd.msk.u32 $0xffff, v29, v0;
	_ =	sdelay $0xb  }
0x39: {  	s14 =	sadd.s32 $0x110, s30  }
0x3a: {  	v29 =	vor.u32 s14, v5  }
0x3b: {  	v60, v31, _ =	vpop (xrf1)  }
0x3c: {  	v30 =	vshra.s32 v60, $0x4  }
0x3d: {  	v30 =	vxor.u32 $0xF8000000, v30  }
0x3e: {  	[tilespmem:s30+$0x310] =	vst v30  }
0x3f: {  	v32 =	vld.idx.msk [tilespmem:v29+s8+$0x0], $0xffff;
	_ =	sdelay $0x4  }
0x40: {  	vm1 =	vne.s32 v32, v30  }
0x41: {  	vm2 =	vlt.s32 v30, $0x100;
	vm1 =	vmor vm1, vm0  }
0x42: {  	vm1 =	vmand vm2, vm1  }
0x43: {  	v30 =	vadd.s32 s30, v30;
	_ =	sdelay $0x4  }
0x44: {  	s31 =	sshll.u32 s11, $0xC;
	[tilespmem:v30+s8+$0x0] =	vst.idx.msk vm1, v31  }
0x45: {  	[tilespmem:s31+$0xB00] =	vst v2  }
0x46: {  	[tilespmem:s31+$0xB10] =	vst v2  }
0x47: {  	[tilespmem:s31+$0xB20] =	vst v2  }
0x48: {  	[tilespmem:s31+$0xB30] =	vst v2  }
0x49: {  	[tilespmem:s31+$0xB40] =	vst v2  }
0x4a: {  	[tilespmem:s31+$0xB50] =	vst v2  }
0x4b: {  	[tilespmem:s31+$0xB60] =	vst v2  }
0x4c: {  	[tilespmem:s31+$0xB70] =	vst v2  }
0x4d: {  	[tilespmem:s31+$0xB80] =	vst v2  }
0x4e: {  	[tilespmem:s31+$0xB90] =	vst v2  }
0x4f: {  	[tilespmem:s31+$0xBA0] =	vst v2  }
0x50: {  	[tilespmem:s31+$0xBB0] =	vst v2  }
0x51: {  	[tilespmem:s31+$0xBC0] =	vst v2  }
0x52: {  	[tilespmem:s31+$0xBD0] =	vst v2  }
0x53: {  	[tilespmem:s31+$0xBE0] =	vst v2  }
0x54: {  	[tilespmem:s31+$0xBF0] =	vst v2  }
0x55: {  	v30 =	vld [tilespmem:$0x10]  }
0x56: {  	v31 =	vld [tilespmem:$0x110];
	_ =	sdelay $0x3  }
0x57: {  	v30 =	vsub.f32 v30, v27  }
0x58: {  	v31 =	vsub.f32 v31, v28  }
0x59: {  	v30 =	vadd.f32 v30, v30  }
0x5a: {  	v31 =	vadd.f32 v31, v31  }
0x5b: {  	v30 =	vadd.f32 $8.000000000e+00, v30  }
0x5c: {  	v31 =	vadd.f32 $8.000000000e+00, v31  }
0x5d: {  	vm1 =	vge.f32 v30, $0.0e+00;
	vm2 =	vlt.f32 v30, $1.600000000e+01  }
0x5e: {  	vm3 =	vge.f32 v31, $0.0e+00;
	v30 =	vtrunc.f32 v30;
	v61 =	vtrunc.f32 v31  }
0x5f: {  	vm1 =	vmand vm1, vm3;
	v30 =	vcvt.f32.s32 v30;
	v32 =	vcvt.f32.s32 v61  }
0x60: {  	vm1 =	vmand vm1, vm2  }
0x61: {  	vm2 =	vlt.f32 v31, $1.600000000e+01;
	v30 =	vshll.u32 v30, $0x8;
	v62 =	vshll.u32 v32, $0x4  }
0x62: {  	vm1 =	vmand vm2, vm1;
	vm2 =	vne.s32 v26, v6;
	v30 =	vadd.s32 v30, v62  }
0x63: {  	vm1 =	vmand vm2, vm1;
	v30 =	vxor.u32 v3, v30  }
0x64: {  	v30 =	vsel vm1, v30, v4  }
0x65: {  	(xrf1) =	vsort.ascd.msk.u32 $0xffff, v30, v6;
	_ =	sdelay $0xd  }
0x66: {  	v30, v63, _ =	vpop (xrf1)  }
0x67: {  	v30 =	vshra.s32 v30, $0x4  }
0x68: {  	v30 =	vxor.u32 $0xF8000000, v30  }
0x69: {  	[tilespmem:s30+$0x310] =	vst v30  }
0x6a: {  	v36 =	vld.idx.msk [tilespmem:v29+s8+$0x0], $0xffff;
	_ =	sdelay $0x4  }
0x6b: {  	vm1 =	vne.s32 v36, v30  }
0x6c: {  	vm2 =	vlt.s32 v30, $0x100;
	vm1 =	vmor vm1, vm0  }
0x6d: {  	vm1 =	vmand vm2, vm1  }
0x6e: {  	v30 =	vadd.s32 s30, v30;
	_ =	sdelay $0x4  }
0x6f: {  	[tilespmem:v30+s8+$0x0] =	vst.idx.msk vm1, v63  }
0x70: {  	[tilespmem:s31+$0xC00] =	vst v2  }
0x71: {  	[tilespmem:s31+$0xC10] =	vst v2  }
0x72: {  	[tilespmem:s31+$0xC20] =	vst v2  }
0x73: {  	[tilespmem:s31+$0xC30] =	vst v2  }
0x74: {  	[tilespmem:s31+$0xC40] =	vst v2  }
0x75: {  	[tilespmem:s31+$0xC50] =	vst v2  }
0x76: {  	[tilespmem:s31+$0xC60] =	vst v2  }
0x77: {  	[tilespmem:s31+$0xC70] =	vst v2  }
0x78: {  	[tilespmem:s31+$0xC80] =	vst v2  }
0x79: {  	[tilespmem:s31+$0xC90] =	vst v2  }
0x7a: {  	[tilespmem:s31+$0xCA0] =	vst v2  }
0x7b: {  	[tilespmem:s31+$0xCB0] =	vst v2  }
0x7c: {  	[tilespmem:s31+$0xCC0] =	vst v2  }
0x7d: {  	[tilespmem:s31+$0xCD0] =	vst v2  }
0x7e: {  	[tilespmem:s31+$0xCE0] =	vst v2  }
0x7f: {  	[tilespmem:s31+$0xCF0] =	vst v2  }
0x80: {  	v30 =	vld [tilespmem:$0x20]  }
0x81: {  	v31 =	vld [tilespmem:$0x120];
	_ =	sdelay $0x3  }
0x82: {  	v30 =	vsub.f32 v30, v27  }
0x83: {  	v31 =	vsub.f32 v31, v28  }
0x84: {  	v30 =	vadd.f32 v30, v30  }
0x85: {  	v31 =	vadd.f32 v31, v31  }
0x86: {  	v30 =	vadd.f32 $8.000000000e+00, v30  }
0x87: {  	v31 =	vadd.f32 $8.000000000e+00, v31  }
0x88: {  	vm1 =	vge.f32 v30, $0.0e+00;
	vm2 =	vlt.f32 v30, $1.600000000e+01  }
0x89: {  	vm3 =	vge.f32 v31, $0.0e+00;
	v30 =	vtrunc.f32 v30;
	v37 =	vtrunc.f32 v31  }
0x8a: {  	vm1 =	vmand vm1, vm3;
	v30 =	vcvt.f32.s32 v30;
	v32 =	vcvt.f32.s32 v37  }
0x8b: {  	vm1 =	vmand vm1, vm2  }
0x8c: {  	vm2 =	vlt.f32 v31, $1.600000000e+01;
	v30 =	vshll.u32 v30, $0x8;
	v38 =	vshll.u32 v32, $0x4  }
0x8d: {  	vm1 =	vmand vm2, vm1;
	vm2 =	vne.s32 v26, v7;
	v30 =	vadd.s32 v30, v38  }
0x8e: {  	vm1 =	vmand vm2, vm1;
	v30 =	vxor.u32 v3, v30  }
0x8f: {  	v30 =	vsel vm1, v30, v4  }
0x90: {  	(xrf1) =	vsort.ascd.msk.u32 $0xffff, v30, v7;
	_ =	sdelay $0xd  }
0x91: {  	v30, v39, _ =	vpop (xrf1)  }
0x92: {  	v30 =	vshra.s32 v30, $0x4  }
0x93: {  	v30 =	vxor.u32 $0xF8000000, v30  }
0x94: {  	[tilespmem:s30+$0x310] =	vst v30  }
0x95: {  	v40 =	vld.idx.msk [tilespmem:v29+s8+$0x0], $0xffff;
	_ =	sdelay $0x4  }
0x96: {  	vm1 =	vne.s32 v40, v30  }
0x97: {  	vm2 =	vlt.s32 v30, $0x100;
	vm1 =	vmor vm1, vm0  }
0x98: {  	vm1 =	vmand vm2, vm1  }
0x99: {  	v30 =	vadd.s32 s30, v30;
	_ =	sdelay $0x4  }
0x9a: {  	[tilespmem:v30+s8+$0x0] =	vst.idx.msk vm1, v39  }
0x9b: {  	[tilespmem:s31+$0xD00] =	vst v2  }
0x9c: {  	[tilespmem:s31+$0xD10] =	vst v2  }
0x9d: {  	[tilespmem:s31+$0xD20] =	vst v2  }
0x9e: {  	[tilespmem:s31+$0xD30] =	vst v2  }
0x9f: {  	[tilespmem:s31+$0xD40] =	vst v2  }
0xa0: {  	[tilespmem:s31+$0xD50] =	vst v2  }
0xa1: {  	[tilespmem:s31+$0xD60] =	vst v2  }
0xa2: {  	[tilespmem:s31+$0xD70] =	vst v2  }
0xa3: {  	[tilespmem:s31+$0xD80] =	vst v2  }
0xa4: {  	[tilespmem:s31+$0xD90] =	vst v2  }
0xa5: {  	[tilespmem:s31+$0xDA0] =	vst v2  }
0xa6: {  	[tilespmem:s31+$0xDB0] =	vst v2  }
0xa7: {  	[tilespmem:s31+$0xDC0] =	vst v2  }
0xa8: {  	[tilespmem:s31+$0xDD0] =	vst v2  }
0xa9: {  	[tilespmem:s31+$0xDE0] =	vst v2  }
0xaa: {  	[tilespmem:s31+$0xDF0] =	vst v2  }
0xab: {  	v30 =	vld [tilespmem:$0x30]  }
0xac: {  	v31 =	vld [tilespmem:$0x130];
	_ =	sdelay $0x3  }
0xad: {  	v30 =	vsub.f32 v30, v27  }
0xae: {  	v31 =	vsub.f32 v31, v28  }
0xaf: {  	v30 =	vadd.f32 v30, v30  }
0xb0: {  	v31 =	vadd.f32 v31, v31  }
0xb1: {  	v30 =	vadd.f32 $8.000000000e+00, v30  }
0xb2: {  	v31 =	vadd.f32 $8.000000000e+00, v31  }
0xb3: {  	vm1 =	vge.f32 v30, $0.0e+00;
	vm2 =	vlt.f32 v30, $1.600000000e+01  }
0xb4: {  	vm3 =	vge.f32 v31, $0.0e+00;
	v30 =	vtrunc.f32 v30;
	v41 =	vtrunc.f32 v31  }
0xb5: {  	vm1 =	vmand vm1, vm3;
	v30 =	vcvt.f32.s32 v30;
	v32 =	vcvt.f32.s32 v41  }
0xb6: {  	vm1 =	vmand vm1, vm2  }
0xb7: {  	vm2 =	vlt.f32 v31, $1.600000000e+01;
	v30 =	vshll.u32 v30, $0x8;
	v42 =	vshll.u32 v32, $0x4  }
0xb8: {  	vm1 =	vmand vm2, vm1;
	vm2 =	vne.s32 v26, v8;
	v30 =	vadd.s32 v30, v42  }
0xb9: {  	vm1 =	vmand vm2, vm1;
	v30 =	vxor.u32 v3, v30  }
0xba: {  	v30 =	vsel vm1, v30, v4  }
0xbb: {  	(xrf1) =	vsort.ascd.msk.u32 $0xffff, v30, v8;
	_ =	sdelay $0xd  }
0xbc: {  	v30, v43, _ =	vpop (xrf1)  }
0xbd: {  	v30 =	vshra.s32 v30, $0x4  }
0xbe: {  	v30 =	vxor.u32 $0xF8000000, v30  }
0xbf: {  	[tilespmem:s30+$0x310] =	vst v30  }
0xc0: {  	v44 =	vld.idx.msk [tilespmem:v29+s8+$0x0], $0xffff;
	_ =	sdelay $0x4  }
0xc1: {  	vm1 =	vne.s32 v44, v30  }
0xc2: {  	vm2 =	vlt.s32 v30, $0x100;
	vm1 =	vmor vm1, vm0  }
0xc3: {  	vm1 =	vmand vm2, vm1  }
0xc4: {  	v30 =	vadd.s32 s30, v30;
	_ =	sdelay $0x4  }
0xc5: {  	[tilespmem:v30+s8+$0x0] =	vst.idx.msk vm1, v43  }
0xc6: {  	[tilespmem:s31+$0xE00] =	vst v2  }
0xc7: {  	[tilespmem:s31+$0xE10] =	vst v2  }
0xc8: {  	[tilespmem:s31+$0xE20] =	vst v2  }
0xc9: {  	[tilespmem:s31+$0xE30] =	vst v2  }
0xca: {  	[tilespmem:s31+$0xE40] =	vst v2  }
0xcb: {  	[tilespmem:s31+$0xE50] =	vst v2  }
0xcc: {  	[tilespmem:s31+$0xE60] =	vst v2  }
0xcd: {  	[tilespmem:s31+$0xE70] =	vst v2  }
0xce: {  	[tilespmem:s31+$0xE80] =	vst v2  }
0xcf: {  	[tilespmem:s31+$0xE90] =	vst v2  }
0xd0: {  	[tilespmem:s31+$0xEA0] =	vst v2  }
0xd1: {  	[tilespmem:s31+$0xEB0] =	vst v2  }
0xd2: {  	[tilespmem:s31+$0xEC0] =	vst v2  }
0xd3: {  	[tilespmem:s31+$0xED0] =	vst v2  }
0xd4: {  	[tilespmem:s31+$0xEE0] =	vst v2  }
0xd5: {  	[tilespmem:s31+$0xEF0] =	vst v2  }
0xd6: {  	v30 =	vld [tilespmem:$0x40]  }
0xd7: {  	v31 =	vld [tilespmem:$0x140];
	_ =	sdelay $0x3  }
0xd8: {  	v30 =	vsub.f32 v30, v27  }
0xd9: {  	v31 =	vsub.f32 v31, v28  }
0xda: {  	v30 =	vadd.f32 v30, v30  }
0xdb: {  	v31 =	vadd.f32 v31, v31  }
0xdc: {  	v30 =	vadd.f32 $8.000000000e+00, v30  }
0xdd: {  	v31 =	vadd.f32 $8.000000000e+00, v31  }
0xde: {  	vm1 =	vge.f32 v30, $0.0e+00;
	vm2 =	vlt.f32 v30, $1.600000000e+01  }
0xdf: {  	vm3 =	vge.f32 v31, $0.0e+00;
	v30 =	vtrunc.f32 v30;
	v45 =	vtrunc.f32 v31  }
0xe0: {  	vm1 =	vmand vm1, vm3;
	v30 =	vcvt.f32.s32 v30;
	v32 =	vcvt.f32.s32 v45  }
0xe1: {  	vm1 =	vmand vm1, vm2  }
0xe2: {  	vm2 =	vlt.f32 v31, $1.600000000e+01;
	v30 =	vshll.u32 v30, $0x8;
	v46 =	vshll.u32 v32, $0x4  }
0xe3: {  	vm1 =	vmand vm2, vm1;
	vm2 =	vne.s32 v26, v9;
	v30 =	vadd.s32 v30, v46  }
0xe4: {  	vm1 =	vmand vm2, vm1;
	v30 =	vxor.u32 v3, v30  }
0xe5: {  	v30 =	vsel vm1, v30, v4  }
0xe6: {  	(xrf1) =	vsort.ascd.msk.u32 $0xffff, v30, v9;
	_ =	sdelay $0xd  }
0xe7: {  	v30, v47, _ =	vpop (xrf1)  }
0xe8: {  	v30 =	vshra.s32 v30, $0x4  }
0xe9: {  	v30 =	vxor.u32 $0xF8000000, v30  }
0xea: {  	[tilespmem:s30+$0x310] =	vst v30  }
0xeb: {  	v48 =	vld.idx.msk [tilespmem:v29+s8+$0x0], $0xffff;
	_ =	sdelay $0x4  }
0xec: {  	vm1 =	vne.s32 v48, v30  }
0xed: {  	vm2 =	vlt.s32 v30, $0x100;
	vm1 =	vmor vm1, vm0  }
0xee: {  	vm1 =	vmand vm2, vm1  }
0xef: {  	v30 =	vadd.s32 s30, v30;
	_ =	sdelay $0x4  }
0xf0: {  	[tilespmem:v30+s8+$0x0] =	vst.idx.msk vm1, v47  }
0xf1: {  	[tilespmem:s31+$0xF00] =	vst v2  }
0xf2: {  	[tilespmem:s31+$0xF10] =	vst v2  }
0xf3: {  	[tilespmem:s31+$0xF20] =	vst v2  }
0xf4: {  	[tilespmem:s31+$0xF30] =	vst v2  }
0xf5: {  	[tilespmem:s31+$0xF40] =	vst v2  }
0xf6: {  	[tilespmem:s31+$0xF50] =	vst v2  }
0xf7: {  	[tilespmem:s31+$0xF60] =	vst v2  }
0xf8: {  	[tilespmem:s31+$0xF70] =	vst v2  }
0xf9: {  	[tilespmem:s31+$0xF80] =	vst v2  }
0xfa: {  	[tilespmem:s31+$0xF90] =	vst v2  }
0xfb: {  	[tilespmem:s31+$0xFA0] =	vst v2  }
0xfc: {  	[tilespmem:s31+$0xFB0] =	vst v2  }
0xfd: {  	[tilespmem:s31+$0xFC0] =	vst v2  }
0xfe: {  	[tilespmem:s31+$0xFD0] =	vst v2  }
0xff: {  	[tilespmem:s31+$0xFE0] =	vst v2  }
0x100: {  	[tilespmem:s31+$0xFF0] =	vst v2  }
0x101: {  	v30 =	vld [tilespmem:$0x50]  }
0x102: {  	v31 =	vld [tilespmem:$0x150];
	_ =	sdelay $0x3  }
0x103: {  	v30 =	vsub.f32 v30, v27  }
0x104: {  	v31 =	vsub.f32 v31, v28  }
0x105: {  	v30 =	vadd.f32 v30, v30  }
0x106: {  	v31 =	vadd.f32 v31, v31  }
0x107: {  	v30 =	vadd.f32 $8.000000000e+00, v30  }
0x108: {  	v31 =	vadd.f32 $8.000000000e+00, v31  }
0x109: {  	vm1 =	vge.f32 v30, $0.0e+00;
	vm2 =	vlt.f32 v30, $1.600000000e+01  }
0x10a: {  	vm3 =	vge.f32 v31, $0.0e+00;
	v30 =	vtrunc.f32 v30;
	v49 =	vtrunc.f32 v31  }
0x10b: {  	vm1 =	vmand vm1, vm3;
	v30 =	vcvt.f32.s32 v30;
	v32 =	vcvt.f32.s32 v49  }
0x10c: {  	vm1 =	vmand vm1, vm2  }
0x10d: {  	vm2 =	vlt.f32 v31, $1.600000000e+01;
	v30 =	vshll.u32 v30, $0x8;
	v50 =	vshll.u32 v32, $0x4  }
0x10e: {  	vm1 =	vmand vm2, vm1;
	vm2 =	vne.s32 v26, v10;
	v30 =	vadd.s32 v30, v50  }
0x10f: {  	vm1 =	vmand vm2, vm1;
	v30 =	vxor.u32 v3, v30  }
0x110: {  	v30 =	vsel vm1, v30, v4  }
0x111: {  	(xrf1) =	vsort.ascd.msk.u32 $0xffff, v30, v10;
	_ =	sdelay $0xd  }
0x112: {  	v30, v51, _ =	vpop (xrf1)  }
0x113: {  	v30 =	vshra.s32 v30, $0x4  }
0x114: {  	v30 =	vxor.u32 $0xF8000000, v30  }
0x115: {  	[tilespmem:s30+$0x310] =	vst v30  }
0x116: {  	v52 =	vld.idx.msk [tilespmem:v29+s8+$0x0], $0xffff;
	_ =	sdelay $0x4  }
0x117: {  	vm1 =	vne.s32 v52, v30  }
0x118: {  	vm2 =	vlt.s32 v30, $0x100;
	vm1 =	vmor vm1, vm0  }
0x119: {  	vm1 =	vmand vm2, vm1  }
0x11a: {  	v30 =	vadd.s32 s30, v30;
	_ =	sdelay $0x4  }
0x11b: {  	[tilespmem:v30+s8+$0x0] =	vst.idx.msk vm1, v51  }
0x11c: {  	[tilespmem:s31+$0x1000] =	vst v2  }
0x11d: {  	[tilespmem:s31+$0x1010] =	vst v2  }
0x11e: {  	[tilespmem:s31+$0x1020] =	vst v2  }
0x11f: {  	[tilespmem:s31+$0x1030] =	vst v2  }
0x120: {  	[tilespmem:s31+$0x1040] =	vst v2  }
0x121: {  	[tilespmem:s31+$0x1050] =	vst v2  }
0x122: {  	[tilespmem:s31+$0x1060] =	vst v2  }
0x123: {  	[tilespmem:s31+$0x1070] =	vst v2  }
0x124: {  	[tilespmem:s31+$0x1080] =	vst v2  }
0x125: {  	[tilespmem:s31+$0x1090] =	vst v2  }
0x126: {  	[tilespmem:s31+$0x10A0] =	vst v2  }
0x127: {  	[tilespmem:s31+$0x10B0] =	vst v2  }
0x128: {  	[tilespmem:s31+$0x10C0] =	vst v2  }
0x129: {  	[tilespmem:s31+$0x10D0] =	vst v2  }
0x12a: {  	[tilespmem:s31+$0x10E0] =	vst v2  }
0x12b: {  	[tilespmem:s31+$0x10F0] =	vst v2  }
0x12c: {  	v30 =	vld [tilespmem:$0x60]  }
0x12d: {  	v31 =	vld [tilespmem:$0x160];
	_ =	sdelay $0x3  }
0x12e: {  	v30 =	vsub.f32 v30, v27  }
0x12f: {  	v31 =	vsub.f32 v31, v28  }
0x130: {  	v30 =	vadd.f32 v30, v30  }
0x131: {  	v31 =	vadd.f32 v31, v31  }
0x132: {  	v30 =	vadd.f32 $8.000000000e+00, v30  }
0x133: {  	v31 =	vadd.f32 $8.000000000e+00, v31  }
0x134: {  	vm1 =	vge.f32 v30, $0.0e+00;
	vm2 =	vlt.f32 v30, $1.600000000e+01  }
0x135: {  	vm3 =	vge.f32 v31, $0.0e+00;
	v30 =	vtrunc.f32 v30;
	v53 =	vtrunc.f32 v31  }
0x136: {  	vm1 =	vmand vm1, vm3;
	v30 =	vcvt.f32.s32 v30;
	v32 =	vcvt.f32.s32 v53  }
0x137: {  	vm1 =	vmand vm1, vm2  }
0x138: {  	vm2 =	vlt.f32 v31, $1.600000000e+01;
	v30 =	vshll.u32 v30, $0x8;
	v54 =	vshll.u32 v32, $0x4  }
0x139: {  	vm1 =	vmand vm2, vm1;
	vm2 =	vne.s32 v26, v11;
	v30 =	vadd.s32 v30, v54  }
0x13a: {  	vm1 =	vmand vm2, vm1;
	v30 =	vxor.u32 v3, v30  }
0x13b: {  	v30 =	vsel vm1, v30, v4  }
0x13c: {  	(xrf1) =	vsort.ascd.msk.u32 $0xffff, v30, v11;
	_ =	sdelay $0xd  }
0x13d: {  	v30, v55, _ =	vpop (xrf1)  }
0x13e: {  	v30 =	vshra.s32 v30, $0x4  }
0x13f: {  	v30 =	vxor.u32 $0xF8000000, v30  }
0x140: {  	[tilespmem:s30+$0x310] =	vst v30  }
0x141: {  	v56 =	vld.idx.msk [tilespmem:v29+s8+$0x0], $0xffff;
	_ =	sdelay $0x4  }
0x142: {  	vm1 =	vne.s32 v56, v30  }
0x143: {  	vm2 =	vlt.s32 v30, $0x100;
	vm1 =	vmor vm1, vm0  }
0x144: {  	vm1 =	vmand vm2, vm1  }
0x145: {  	v30 =	vadd.s32 s30, v30;
	_ =	sdelay $0x4  }
0x146: {  	[tilespmem:v30+s8+$0x0] =	vst.idx.msk vm1, v55  }
0x147: {  	[tilespmem:s31+$0x1100] =	vst v2  }
0x148: {  	[tilespmem:s31+$0x1110] =	vst v2  }
0x149: {  	[tilespmem:s31+$0x1120] =	vst v2  }
0x14a: {  	[tilespmem:s31+$0x1130] =	vst v2  }
0x14b: {  	[tilespmem:s31+$0x1140] =	vst v2  }
0x14c: {  	[tilespmem:s31+$0x1150] =	vst v2  }
0x14d: {  	[tilespmem:s31+$0x1160] =	vst v2  }
0x14e: {  	[tilespmem:s31+$0x1170] =	vst v2  }
0x14f: {  	[tilespmem:s31+$0x1180] =	vst v2  }
0x150: {  	[tilespmem:s31+$0x1190] =	vst v2  }
0x151: {  	[tilespmem:s31+$0x11A0] =	vst v2  }
0x152: {  	[tilespmem:s31+$0x11B0] =	vst v2  }
0x153: {  	[tilespmem:s31+$0x11C0] =	vst v2  }
0x154: {  	[tilespmem:s31+$0x11D0] =	vst v2  }
0x155: {  	[tilespmem:s31+$0x11E0] =	vst v2  }
0x156: {  	[tilespmem:s31+$0x11F0] =	vst v2  }
0x157: {  	v30 =	vld [tilespmem:$0x70]  }
0x158: {  	v31 =	vld [tilespmem:$0x170];
	_ =	sdelay $0x3  }
0x159: {  	v30 =	vsub.f32 v30, v27  }
0x15a: {  	v31 =	vsub.f32 v31, v28  }
0x15b: {  	v30 =	vadd.f32 v30, v30  }
0x15c: {  	v31 =	vadd.f32 v31, v31  }
0x15d: {  	v30 =	vadd.f32 $8.000000000e+00, v30  }
0x15e: {  	v31 =	vadd.f32 $8.000000000e+00, v31  }
0x15f: {  	vm1 =	vge.f32 v30, $0.0e+00;
	vm2 =	vlt.f32 v30, $1.600000000e+01  }
0x160: {  	vm3 =	vge.f32 v31, $0.0e+00;
	v30 =	vtrunc.f32 v30;
	v57 =	vtrunc.f32 v31  }
0x161: {  	vm1 =	vmand vm1, vm3;
	v30 =	vcvt.f32.s32 v30;
	v32 =	vcvt.f32.s32 v57  }
0x162: {  	vm1 =	vmand vm1, vm2  }
0x163: {  	vm2 =	vlt.f32 v31, $1.600000000e+01;
	v30 =	vshll.u32 v30, $0x8;
	v58 =	vshll.u32 v32, $0x4  }
0x164: {  	vm1 =	vmand vm2, vm1;
	vm2 =	vne.s32 v26, v12;
	v30 =	vadd.s32 v30, v58  }
0x165: {  	vm1 =	vmand vm2, vm1;
	v30 =	vxor.u32 v3, v30  }
0x166: {  	v30 =	vsel vm1, v30, v4  }
0x167: {  	(xrf1) =	vsort.ascd.msk.u32 $0xffff, v30, v12;
	_ =	sdelay $0xd  }
0x168: {  	v30, v59, _ =	vpop (xrf1)  }
0x169: {  	v30 =	vshra.s32 v30, $0x4  }
0x16a: {  	v30 =	vxor.u32 $0xF8000000, v30  }
0x16b: {  	[tilespmem:s30+$0x310] =	vst v30  }
0x16c: {  	v60 =	vld.idx.msk [tilespmem:v29+s8+$0x0], $0xffff;
	_ =	sdelay $0x4  }
0x16d: {  	vm1 =	vne.s32 v60, v30  }
0x16e: {  	vm2 =	vlt.s32 v30, $0x100;
	vm1 =	vmor vm1, vm0  }
0x16f: {  	vm1 =	vmand vm2, vm1  }
0x170: {  	v30 =	vadd.s32 s30, v30;
	_ =	sdelay $0x4  }
0x171: {  	[tilespmem:v30+s8+$0x0] =	vst.idx.msk vm1, v59  }
0x172: {  	[tilespmem:s31+$0x1200] =	vst v2  }
0x173: {  	[tilespmem:s31+$0x1210] =	vst v2  }
0x174: {  	[tilespmem:s31+$0x1220] =	vst v2  }
0x175: {  	[tilespmem:s31+$0x1230] =	vst v2  }
0x176: {  	[tilespmem:s31+$0x1240] =	vst v2  }
0x177: {  	[tilespmem:s31+$0x1250] =	vst v2  }
0x178: {  	[tilespmem:s31+$0x1260] =	vst v2  }
0x179: {  	[tilespmem:s31+$0x1270] =	vst v2  }
0x17a: {  	[tilespmem:s31+$0x1280] =	vst v2  }
0x17b: {  	[tilespmem:s31+$0x1290] =	vst v2  }
0x17c: {  	[tilespmem:s31+$0x12A0] =	vst v2  }
0x17d: {  	[tilespmem:s31+$0x12B0] =	vst v2  }
0x17e: {  	[tilespmem:s31+$0x12C0] =	vst v2  }
0x17f: {  	[tilespmem:s31+$0x12D0] =	vst v2  }
0x180: {  	[tilespmem:s31+$0x12E0] =	vst v2  }
0x181: {  	[tilespmem:s31+$0x12F0] =	vst v2  }
0x182: {  	v30 =	vld [tilespmem:$0x80]  }
0x183: {  	v31 =	vld [tilespmem:$0x180];
	_ =	sdelay $0x3  }
0x184: {  	v30 =	vsub.f32 v30, v27  }
0x185: {  	v31 =	vsub.f32 v31, v28  }
0x186: {  	v30 =	vadd.f32 v30, v30  }
0x187: {  	v31 =	vadd.f32 v31, v31  }
0x188: {  	v30 =	vadd.f32 $8.000000000e+00, v30  }
0x189: {  	v31 =	vadd.f32 $8.000000000e+00, v31  }
0x18a: {  	vm1 =	vge.f32 v30, $0.0e+00;
	vm2 =	vlt.f32 v30, $1.600000000e+01  }
0x18b: {  	vm3 =	vge.f32 v31, $0.0e+00;
	v30 =	vtrunc.f32 v30;
	v61 =	vtrunc.f32 v31  }
0x18c: {  	vm1 =	vmand vm1, vm3;
	v30 =	vcvt.f32.s32 v30;
	v32 =	vcvt.f32.s32 v61  }
0x18d: {  	vm1 =	vmand vm1, vm2  }
0x18e: {  	vm2 =	vlt.f32 v31, $1.600000000e+01;
	v30 =	vshll.u32 v30, $0x8;
	v62 =	vshll.u32 v32, $0x4  }
0x18f: {  	vm1 =	vmand vm2, vm1;
	vm2 =	vne.s32 v26, v13;
	v30 =	vadd.s32 v30, v62  }
0x190: {  	vm1 =	vmand vm2, vm1;
	v30 =	vxor.u32 v3, v30  }
0x191: {  	v30 =	vsel vm1, v30, v4  }
0x192: {  	(xrf1) =	vsort.ascd.msk.u32 $0xffff, v30, v13;
	_ =	sdelay $0xd  }
0x193: {  	v30, v63, _ =	vpop (xrf1)  }
0x194: {  	v30 =	vshra.s32 v30, $0x4  }
0x195: {  	v30 =	vxor.u32 $0xF8000000, v30  }
0x196: {  	[tilespmem:s30+$0x310] =	vst v30  }
0x197: {  	v36 =	vld.idx.msk [tilespmem:v29+s8+$0x0], $0xffff;
	_ =	sdelay $0x4  }
0x198: {  	vm1 =	vne.s32 v36, v30  }
0x199: {  	vm2 =	vlt.s32 v30, $0x100;
	vm1 =	vmor vm1, vm0  }
0x19a: {  	vm1 =	vmand vm2, vm1  }
0x19b: {  	v30 =	vadd.s32 s30, v30;
	_ =	sdelay $0x4  }
0x19c: {  	[tilespmem:v30+s8+$0x0] =	vst.idx.msk vm1, v63  }
0x19d: {  	[tilespmem:s31+$0x1300] =	vst v2  }
0x19e: {  	[tilespmem:s31+$0x1310] =	vst v2  }
0x19f: {  	[tilespmem:s31+$0x1320] =	vst v2  }
0x1a0: {  	[tilespmem:s31+$0x1330] =	vst v2  }
0x1a1: {  	[tilespmem:s31+$0x1340] =	vst v2  }
0x1a2: {  	[tilespmem:s31+$0x1350] =	vst v2  }
0x1a3: {  	[tilespmem:s31+$0x1360] =	vst v2  }
0x1a4: {  	[tilespmem:s31+$0x1370] =	vst v2  }
0x1a5: {  	[tilespmem:s31+$0x1380] =	vst v2  }
0x1a6: {  	[tilespmem:s31+$0x1390] =	vst v2  }
0x1a7: {  	[tilespmem:s31+$0x13A0] =	vst v2  }
0x1a8: {  	[tilespmem:s31+$0x13B0] =	vst v2  }
0x1a9: {  	[tilespmem:s31+$0x13C0] =	vst v2  }
0x1aa: {  	[tilespmem:s31+$0x13D0] =	vst v2  }
0x1ab: {  	[tilespmem:s31+$0x13E0] =	vst v2  }
0x1ac: {  	[tilespmem:s31+$0x13F0] =	vst v2  }
0x1ad: {  	v30 =	vld [tilespmem:$0x90]  }
0x1ae: {  	v31 =	vld [tilespmem:$0x190];
	_ =	sdelay $0x3  }
0x1af: {  	v30 =	vsub.f32 v30, v27  }
0x1b0: {  	v31 =	vsub.f32 v31, v28  }
0x1b1: {  	v30 =	vadd.f32 v30, v30  }
0x1b2: {  	v31 =	vadd.f32 v31, v31  }
0x1b3: {  	v30 =	vadd.f32 $8.000000000e+00, v30  }
0x1b4: {  	v31 =	vadd.f32 $8.000000000e+00, v31  }
0x1b5: {  	vm1 =	vge.f32 v30, $0.0e+00;
	vm2 =	vlt.f32 v30, $1.600000000e+01  }
0x1b6: {  	vm3 =	vge.f32 v31, $0.0e+00;
	v30 =	vtrunc.f32 v30;
	v37 =	vtrunc.f32 v31  }
0x1b7: {  	vm1 =	vmand vm1, vm3;
	v30 =	vcvt.f32.s32 v30;
	v32 =	vcvt.f32.s32 v37  }
0x1b8: {  	vm1 =	vmand vm1, vm2  }
0x1b9: {  	vm2 =	vlt.f32 v31, $1.600000000e+01;
	v30 =	vshll.u32 v30, $0x8;
	v38 =	vshll.u32 v32, $0x4  }
0x1ba: {  	vm1 =	vmand vm2, vm1;
	vm2 =	vne.s32 v26, v14;
	v30 =	vadd.s32 v30, v38  }
0x1bb: {  	vm1 =	vmand vm2, vm1;
	v30 =	vxor.u32 v3, v30  }
0x1bc: {  	v30 =	vsel vm1, v30, v4  }
0x1bd: {  	(xrf1) =	vsort.ascd.msk.u32 $0xffff, v30, v14;
	_ =	sdelay $0xd  }
0x1be: {  	v30, v39, _ =	vpop (xrf1)  }
0x1bf: {  	v30 =	vshra.s32 v30, $0x4  }
0x1c0: {  	v30 =	vxor.u32 $0xF8000000, v30  }
0x1c1: {  	[tilespmem:s30+$0x310] =	vst v30  }
0x1c2: {  	v40 =	vld.idx.msk [tilespmem:v29+s8+$0x0], $0xffff;
	_ =	sdelay $0x4  }
0x1c3: {  	vm1 =	vne.s32 v40, v30  }
0x1c4: {  	vm2 =	vlt.s32 v30, $0x100;
	vm1 =	vmor vm1, vm0  }
0x1c5: {  	vm1 =	vmand vm2, vm1  }
0x1c6: {  	v30 =	vadd.s32 s30, v30;
	_ =	sdelay $0x4  }
0x1c7: {  	[tilespmem:v30+s8+$0x0] =	vst.idx.msk vm1, v39  }
0x1c8: {  	[tilespmem:s31+$0x1400] =	vst v2  }
0x1c9: {  	[tilespmem:s31+$0x1410] =	vst v2  }
0x1ca: {  	[tilespmem:s31+$0x1420] =	vst v2  }
0x1cb: {  	[tilespmem:s31+$0x1430] =	vst v2  }
0x1cc: {  	[tilespmem:s31+$0x1440] =	vst v2  }
0x1cd: {  	[tilespmem:s31+$0x1450] =	vst v2  }
0x1ce: {  	[tilespmem:s31+$0x1460] =	vst v2  }
0x1cf: {  	[tilespmem:s31+$0x1470] =	vst v2  }
0x1d0: {  	[tilespmem:s31+$0x1480] =	vst v2  }
0x1d1: {  	[tilespmem:s31+$0x1490] =	vst v2  }
0x1d2: {  	[tilespmem:s31+$0x14A0] =	vst v2  }
0x1d3: {  	[tilespmem:s31+$0x14B0] =	vst v2  }
0x1d4: {  	[tilespmem:s31+$0x14C0] =	vst v2  }
0x1d5: {  	[tilespmem:s31+$0x14D0] =	vst v2  }
0x1d6: {  	[tilespmem:s31+$0x14E0] =	vst v2  }
0x1d7: {  	[tilespmem:s31+$0x14F0] =	vst v2  }
0x1d8: {  	v30 =	vld [tilespmem:$0xA0]  }
0x1d9: {  	v31 =	vld [tilespmem:$0x1A0];
	_ =	sdelay $0x3  }
0x1da: {  	v30 =	vsub.f32 v30, v27  }
0x1db: {  	v31 =	vsub.f32 v31, v28  }
0x1dc: {  	v30 =	vadd.f32 v30, v30  }
0x1dd: {  	v31 =	vadd.f32 v31, v31  }
0x1de: {  	v30 =	vadd.f32 $8.000000000e+00, v30  }
0x1df: {  	v31 =	vadd.f32 $8.000000000e+00, v31  }
0x1e0: {  	vm1 =	vge.f32 v30, $0.0e+00;
	vm2 =	vlt.f32 v30, $1.600000000e+01  }
0x1e1: {  	vm3 =	vge.f32 v31, $0.0e+00;
	v30 =	vtrunc.f32 v30;
	v41 =	vtrunc.f32 v31  }
0x1e2: {  	vm1 =	vmand vm1, vm3;
	v30 =	vcvt.f32.s32 v30;
	v32 =	vcvt.f32.s32 v41  }
0x1e3: {  	vm1 =	vmand vm1, vm2  }
0x1e4: {  	vm2 =	vlt.f32 v31, $1.600000000e+01;
	v30 =	vshll.u32 v30, $0x8;
	v42 =	vshll.u32 v32, $0x4  }
0x1e5: {  	vm1 =	vmand vm2, vm1;
	vm2 =	vne.s32 v26, v15;
	v30 =	vadd.s32 v30, v42  }
0x1e6: {  	vm1 =	vmand vm2, vm1;
	v30 =	vxor.u32 v3, v30  }
0x1e7: {  	v30 =	vsel vm1, v30, v4  }
0x1e8: {  	(xrf1) =	vsort.ascd.msk.u32 $0xffff, v30, v15;
	_ =	sdelay $0xd  }
0x1e9: {  	v30, v43, _ =	vpop (xrf1)  }
0x1ea: {  	v30 =	vshra.s32 v30, $0x4  }
0x1eb: {  	v30 =	vxor.u32 $0xF8000000, v30  }
0x1ec: {  	[tilespmem:s30+$0x310] =	vst v30  }
0x1ed: {  	v44 =	vld.idx.msk [tilespmem:v29+s8+$0x0], $0xffff;
	_ =	sdelay $0x4  }
0x1ee: {  	vm1 =	vne.s32 v44, v30  }
0x1ef: {  	vm2 =	vlt.s32 v30, $0x100;
	vm1 =	vmor vm1, vm0  }
0x1f0: {  	vm1 =	vmand vm2, vm1  }
0x1f1: {  	v30 =	vadd.s32 s30, v30;
	_ =	sdelay $0x4  }
0x1f2: {  	[tilespmem:v30+s8+$0x0] =	vst.idx.msk vm1, v43  }
0x1f3: {  	[tilespmem:s31+$0x1500] =	vst v2  }
0x1f4: {  	[tilespmem:s31+$0x1510] =	vst v2  }
0x1f5: {  	[tilespmem:s31+$0x1520] =	vst v2  }
0x1f6: {  	[tilespmem:s31+$0x1530] =	vst v2  }
0x1f7: {  	[tilespmem:s31+$0x1540] =	vst v2  }
0x1f8: {  	[tilespmem:s31+$0x1550] =	vst v2  }
0x1f9: {  	[tilespmem:s31+$0x1560] =	vst v2  }
0x1fa: {  	[tilespmem:s31+$0x1570] =	vst v2  }
0x1fb: {  	[tilespmem:s31+$0x1580] =	vst v2  }
0x1fc: {  	[tilespmem:s31+$0x1590] =	vst v2  }
0x1fd: {  	[tilespmem:s31+$0x15A0] =	vst v2  }
0x1fe: {  	[tilespmem:s31+$0x15B0] =	vst v2  }
0x1ff: {  	[tilespmem:s31+$0x15C0] =	vst v2  }
0x200: {  	[tilespmem:s31+$0x15D0] =	vst v2  }
0x201: {  	[tilespmem:s31+$0x15E0] =	vst v2  }
0x202: {  	[tilespmem:s31+$0x15F0] =	vst v2  }
0x203: {  	v30 =	vld [tilespmem:$0xB0]  }
0x204: {  	v31 =	vld [tilespmem:$0x1B0];
	_ =	sdelay $0x3  }
0x205: {  	v30 =	vsub.f32 v30, v27  }
0x206: {  	v31 =	vsub.f32 v31, v28  }
0x207: {  	v30 =	vadd.f32 v30, v30  }
0x208: {  	v31 =	vadd.f32 v31, v31  }
0x209: {  	v30 =	vadd.f32 $8.000000000e+00, v30  }
0x20a: {  	v31 =	vadd.f32 $8.000000000e+00, v31  }
0x20b: {  	vm1 =	vge.f32 v30, $0.0e+00;
	vm2 =	vlt.f32 v30, $1.600000000e+01  }
0x20c: {  	vm3 =	vge.f32 v31, $0.0e+00;
	v30 =	vtrunc.f32 v30;
	v45 =	vtrunc.f32 v31  }
0x20d: {  	vm1 =	vmand vm1, vm3;
	v30 =	vcvt.f32.s32 v30;
	v32 =	vcvt.f32.s32 v45  }
0x20e: {  	vm1 =	vmand vm1, vm2  }
0x20f: {  	vm2 =	vlt.f32 v31, $1.600000000e+01;
	v30 =	vshll.u32 v30, $0x8;
	v46 =	vshll.u32 v32, $0x4  }
0x210: {  	vm1 =	vmand vm2, vm1;
	vm2 =	vne.s32 v26, v16;
	v30 =	vadd.s32 v30, v46  }
0x211: {  	vm1 =	vmand vm2, vm1;
	v30 =	vxor.u32 v3, v30  }
0x212: {  	v30 =	vsel vm1, v30, v4  }
0x213: {  	(xrf1) =	vsort.ascd.msk.u32 $0xffff, v30, v16;
	_ =	sdelay $0xd  }
0x214: {  	v30, v47, _ =	vpop (xrf1)  }
0x215: {  	v30 =	vshra.s32 v30, $0x4  }
0x216: {  	v30 =	vxor.u32 $0xF8000000, v30  }
0x217: {  	[tilespmem:s30+$0x310] =	vst v30  }
0x218: {  	v48 =	vld.idx.msk [tilespmem:v29+s8+$0x0], $0xffff;
	_ =	sdelay $0x4  }
0x219: {  	vm1 =	vne.s32 v48, v30  }
0x21a: {  	vm2 =	vlt.s32 v30, $0x100;
	vm1 =	vmor vm1, vm0  }
0x21b: {  	vm1 =	vmand vm2, vm1  }
0x21c: {  	v30 =	vadd.s32 s30, v30;
	_ =	sdelay $0x4  }
0x21d: {  	[tilespmem:v30+s8+$0x0] =	vst.idx.msk vm1, v47  }
0x21e: {  	[tilespmem:s31+$0x1600] =	vst v2  }
0x21f: {  	[tilespmem:s31+$0x1610] =	vst v2  }
0x220: {  	[tilespmem:s31+$0x1620] =	vst v2  }
0x221: {  	[tilespmem:s31+$0x1630] =	vst v2  }
0x222: {  	[tilespmem:s31+$0x1640] =	vst v2  }
0x223: {  	[tilespmem:s31+$0x1650] =	vst v2  }
0x224: {  	[tilespmem:s31+$0x1660] =	vst v2  }
0x225: {  	[tilespmem:s31+$0x1670] =	vst v2  }
0x226: {  	[tilespmem:s31+$0x1680] =	vst v2  }
0x227: {  	[tilespmem:s31+$0x1690] =	vst v2  }
0x228: {  	[tilespmem:s31+$0x16A0] =	vst v2  }
0x229: {  	[tilespmem:s31+$0x16B0] =	vst v2  }
0x22a: {  	[tilespmem:s31+$0x16C0] =	vst v2  }
0x22b: {  	[tilespmem:s31+$0x16D0] =	vst v2  }
0x22c: {  	[tilespmem:s31+$0x16E0] =	vst v2  }
0x22d: {  	[tilespmem:s31+$0x16F0] =	vst v2  }
0x22e: {  	v30 =	vld [tilespmem:$0xC0]  }
0x22f: {  	v31 =	vld [tilespmem:$0x1C0];
	_ =	sdelay $0x3  }
0x230: {  	v30 =	vsub.f32 v30, v27  }
0x231: {  	v31 =	vsub.f32 v31, v28  }
0x232: {  	v30 =	vadd.f32 v30, v30  }
0x233: {  	v31 =	vadd.f32 v31, v31  }
0x234: {  	v30 =	vadd.f32 $8.000000000e+00, v30  }
0x235: {  	v31 =	vadd.f32 $8.000000000e+00, v31  }
0x236: {  	vm1 =	vge.f32 v30, $0.0e+00;
	vm2 =	vlt.f32 v30, $1.600000000e+01  }
0x237: {  	vm3 =	vge.f32 v31, $0.0e+00;
	v30 =	vtrunc.f32 v30;
	v49 =	vtrunc.f32 v31  }
0x238: {  	vm1 =	vmand vm1, vm3;
	v30 =	vcvt.f32.s32 v30;
	v32 =	vcvt.f32.s32 v49  }
0x239: {  	vm1 =	vmand vm1, vm2  }
0x23a: {  	vm2 =	vlt.f32 v31, $1.600000000e+01;
	v30 =	vshll.u32 v30, $0x8;
	v50 =	vshll.u32 v32, $0x4  }
0x23b: {  	vm1 =	vmand vm2, vm1;
	vm2 =	vne.s32 v26, v17;
	v30 =	vadd.s32 v30, v50  }
0x23c: {  	vm1 =	vmand vm2, vm1;
	v30 =	vxor.u32 v3, v30  }
0x23d: {  	v30 =	vsel vm1, v30, v4  }
0x23e: {  	(xrf1) =	vsort.ascd.msk.u32 $0xffff, v30, v17;
	_ =	sdelay $0xd  }
0x23f: {  	v30, v51, _ =	vpop (xrf1)  }
0x240: {  	v30 =	vshra.s32 v30, $0x4  }
0x241: {  	v30 =	vxor.u32 $0xF8000000, v30  }
0x242: {  	[tilespmem:s30+$0x310] =	vst v30  }
0x243: {  	v52 =	vld.idx.msk [tilespmem:v29+s8+$0x0], $0xffff;
	_ =	sdelay $0x4  }
0x244: {  	vm1 =	vne.s32 v52, v30  }
0x245: {  	vm2 =	vlt.s32 v30, $0x100;
	vm1 =	vmor vm1, vm0  }
0x246: {  	vm1 =	vmand vm2, vm1  }
0x247: {  	v30 =	vadd.s32 s30, v30;
	_ =	sdelay $0x4  }
0x248: {  	[tilespmem:v30+s8+$0x0] =	vst.idx.msk vm1, v51  }
0x249: {  	[tilespmem:s31+$0x1700] =	vst v2  }
0x24a: {  	[tilespmem:s31+$0x1710] =	vst v2  }
0x24b: {  	[tilespmem:s31+$0x1720] =	vst v2  }
0x24c: {  	[tilespmem:s31+$0x1730] =	vst v2  }
0x24d: {  	[tilespmem:s31+$0x1740] =	vst v2  }
0x24e: {  	[tilespmem:s31+$0x1750] =	vst v2  }
0x24f: {  	[tilespmem:s31+$0x1760] =	vst v2  }
0x250: {  	[tilespmem:s31+$0x1770] =	vst v2  }
0x251: {  	[tilespmem:s31+$0x1780] =	vst v2  }
0x252: {  	[tilespmem:s31+$0x1790] =	vst v2  }
0x253: {  	[tilespmem:s31+$0x17A0] =	vst v2  }
0x254: {  	[tilespmem:s31+$0x17B0] =	vst v2  }
0x255: {  	[tilespmem:s31+$0x17C0] =	vst v2  }
0x256: {  	[tilespmem:s31+$0x17D0] =	vst v2  }
0x257: {  	[tilespmem:s31+$0x17E0] =	vst v2  }
0x258: {  	[tilespmem:s31+$0x17F0] =	vst v2  }
0x259: {  	v30 =	vld [tilespmem:$0xD0]  }
0x25a: {  	v31 =	vld [tilespmem:$0x1D0];
	_ =	sdelay $0x3  }
0x25b: {  	v30 =	vsub.f32 v30, v27  }
0x25c: {  	v31 =	vsub.f32 v31, v28  }
0x25d: {  	v30 =	vadd.f32 v30, v30  }
0x25e: {  	v31 =	vadd.f32 v31, v31  }
0x25f: {  	v30 =	vadd.f32 $8.000000000e+00, v30  }
0x260: {  	v31 =	vadd.f32 $8.000000000e+00, v31  }
0x261: {  	vm1 =	vge.f32 v30, $0.0e+00;
	vm2 =	vlt.f32 v30, $1.600000000e+01  }
0x262: {  	vm3 =	vge.f32 v31, $0.0e+00;
	v30 =	vtrunc.f32 v30;
	v53 =	vtrunc.f32 v31  }
0x263: {  	vm1 =	vmand vm1, vm3;
	v30 =	vcvt.f32.s32 v30;
	v32 =	vcvt.f32.s32 v53  }
0x264: {  	vm1 =	vmand vm1, vm2  }
0x265: {  	vm2 =	vlt.f32 v31, $1.600000000e+01;
	v30 =	vshll.u32 v30, $0x8;
	v54 =	vshll.u32 v32, $0x4  }
0x266: {  	vm1 =	vmand vm2, vm1;
	vm2 =	vne.s32 v26, v18;
	v30 =	vadd.s32 v30, v54  }
0x267: {  	vm1 =	vmand vm2, vm1;
	v30 =	vxor.u32 v3, v30  }
0x268: {  	v30 =	vsel vm1, v30, v4  }
0x269: {  	(xrf1) =	vsort.ascd.msk.u32 $0xffff, v30, v18;
	_ =	sdelay $0xd  }
0x26a: {  	v30, v55, _ =	vpop (xrf1)  }
0x26b: {  	v30 =	vshra.s32 v30, $0x4  }
0x26c: {  	v30 =	vxor.u32 $0xF8000000, v30  }
0x26d: {  	[tilespmem:s30+$0x310] =	vst v30  }
0x26e: {  	v56 =	vld.idx.msk [tilespmem:v29+s8+$0x0], $0xffff;
	_ =	sdelay $0x4  }
0x26f: {  	vm1 =	vne.s32 v56, v30  }
0x270: {  	vm2 =	vlt.s32 v30, $0x100;
	vm1 =	vmor vm1, vm0  }
0x271: {  	vm1 =	vmand vm2, vm1  }
0x272: {  	v30 =	vadd.s32 s30, v30;
	_ =	sdelay $0x4  }
0x273: {  	[tilespmem:v30+s8+$0x0] =	vst.idx.msk vm1, v55  }
0x274: {  	[tilespmem:s31+$0x1800] =	vst v2  }
0x275: {  	[tilespmem:s31+$0x1810] =	vst v2  }
0x276: {  	[tilespmem:s31+$0x1820] =	vst v2  }
0x277: {  	[tilespmem:s31+$0x1830] =	vst v2  }
0x278: {  	[tilespmem:s31+$0x1840] =	vst v2  }
0x279: {  	[tilespmem:s31+$0x1850] =	vst v2  }
0x27a: {  	[tilespmem:s31+$0x1860] =	vst v2  }
0x27b: {  	[tilespmem:s31+$0x1870] =	vst v2  }
0x27c: {  	[tilespmem:s31+$0x1880] =	vst v2  }
0x27d: {  	[tilespmem:s31+$0x1890] =	vst v2  }
0x27e: {  	[tilespmem:s31+$0x18A0] =	vst v2  }
0x27f: {  	[tilespmem:s31+$0x18B0] =	vst v2  }
0x280: {  	[tilespmem:s31+$0x18C0] =	vst v2  }
0x281: {  	[tilespmem:s31+$0x18D0] =	vst v2  }
0x282: {  	[tilespmem:s31+$0x18E0] =	vst v2  }
0x283: {  	[tilespmem:s31+$0x18F0] =	vst v2  }
0x284: {  	v30 =	vld [tilespmem:$0xE0]  }
0x285: {  	v31 =	vld [tilespmem:$0x1E0];
	_ =	sdelay $0x3  }
0x286: {  	v30 =	vsub.f32 v30, v27  }
0x287: {  	v31 =	vsub.f32 v31, v28  }
0x288: {  	v30 =	vadd.f32 v30, v30  }
0x289: {  	v31 =	vadd.f32 v31, v31  }
0x28a: {  	v30 =	vadd.f32 $8.000000000e+00, v30  }
0x28b: {  	v31 =	vadd.f32 $8.000000000e+00, v31  }
0x28c: {  	vm1 =	vge.f32 v30, $0.0e+00;
	vm2 =	vlt.f32 v30, $1.600000000e+01  }
0x28d: {  	vm3 =	vge.f32 v31, $0.0e+00;
	v30 =	vtrunc.f32 v30;
	v57 =	vtrunc.f32 v31  }
0x28e: {  	vm1 =	vmand vm1, vm3;
	v30 =	vcvt.f32.s32 v30;
	v32 =	vcvt.f32.s32 v57  }
0x28f: {  	vm1 =	vmand vm1, vm2  }
0x290: {  	vm2 =	vlt.f32 v31, $1.600000000e+01;
	v30 =	vshll.u32 v30, $0x8;
	v58 =	vshll.u32 v32, $0x4  }
0x291: {  	vm1 =	vmand vm2, vm1;
	vm2 =	vne.s32 v26, v20;
	v30 =	vadd.s32 v30, v58  }
0x292: {  	vm1 =	vmand vm2, vm1;
	v30 =	vxor.u32 v3, v30  }
0x293: {  	v30 =	vsel vm1, v30, v4  }
0x294: {  	(xrf1) =	vsort.ascd.msk.u32 $0xffff, v30, v20;
	_ =	sdelay $0xd  }
0x295: {  	v30, v59, _ =	vpop (xrf1)  }
0x296: {  	v30 =	vshra.s32 v30, $0x4  }
0x297: {  	v30 =	vxor.u32 $0xF8000000, v30  }
0x298: {  	[tilespmem:s30+$0x310] =	vst v30  }
0x299: {  	v60 =	vld.idx.msk [tilespmem:v29+s8+$0x0], $0xffff;
	_ =	sdelay $0x4  }
0x29a: {  	vm1 =	vne.s32 v60, v30  }
0x29b: {  	vm2 =	vlt.s32 v30, $0x100;
	vm1 =	vmor vm1, vm0  }
0x29c: {  	vm1 =	vmand vm2, vm1  }
0x29d: {  	v30 =	vadd.s32 s30, v30;
	_ =	sdelay $0x4  }
0x29e: {  	[tilespmem:v30+s8+$0x0] =	vst.idx.msk vm1, v59  }
0x29f: {  	[tilespmem:s31+$0x1900] =	vst v2  }
0x2a0: {  	[tilespmem:s31+$0x1910] =	vst v2  }
0x2a1: {  	[tilespmem:s31+$0x1920] =	vst v2  }
0x2a2: {  	[tilespmem:s31+$0x1930] =	vst v2  }
0x2a3: {  	[tilespmem:s31+$0x1940] =	vst v2  }
0x2a4: {  	[tilespmem:s31+$0x1950] =	vst v2  }
0x2a5: {  	[tilespmem:s31+$0x1960] =	vst v2  }
0x2a6: {  	[tilespmem:s31+$0x1970] =	vst v2  }
0x2a7: {  	[tilespmem:s31+$0x1980] =	vst v2  }
0x2a8: {  	[tilespmem:s31+$0x1990] =	vst v2  }
0x2a9: {  	[tilespmem:s31+$0x19A0] =	vst v2  }
0x2aa: {  	[tilespmem:s31+$0x19B0] =	vst v2  }
0x2ab: {  	[tilespmem:s31+$0x19C0] =	vst v2  }
0x2ac: {  	[tilespmem:s31+$0x19D0] =	vst v2  }
0x2ad: {  	[tilespmem:s31+$0x19E0] =	vst v2  }
0x2ae: {  	[tilespmem:s31+$0x19F0] =	vst v2  }
0x2af: {  	v30 =	vld [tilespmem:$0xF0]  }
0x2b0: {  	v31 =	vld [tilespmem:$0x1F0];
	_ =	sdelay $0x3  }
0x2b1: {  	v27 =	vsub.f32 v30, v27  }
0x2b2: {  	v28 =	vsub.f32 v31, v28  }
0x2b3: {  	v27 =	vadd.f32 v27, v27  }
0x2b4: {  	v28 =	vadd.f32 v28, v28  }
0x2b5: {  	v27 =	vadd.f32 $8.000000000e+00, v27  }
0x2b6: {  	v28 =	vadd.f32 $8.000000000e+00, v28  }
0x2b7: {  	vm1 =	vge.f32 v27, $0.0e+00;
	vm2 =	vlt.f32 v27, $1.600000000e+01  }
0x2b8: {  	vm3 =	vge.f32 v28, $0.0e+00;
	v27 =	vtrunc.f32 v27;
	v61 =	vtrunc.f32 v28  }
0x2b9: {  	vm1 =	vmand vm1, vm3;
	v27 =	vcvt.f32.s32 v27;
	v30 =	vcvt.f32.s32 v61  }
0x2ba: {  	vm1 =	vmand vm1, vm2  }
0x2bb: {  	vm2 =	vlt.f32 v28, $1.600000000e+01;
	v27 =	vshll.u32 v27, $0x8;
	v62 =	vshll.u32 v30, $0x4  }
0x2bc: {  	vm1 =	vmand vm2, vm1;
	vm2 =	vne.s32 v26, v21;
	v26 =	vadd.s32 v27, v62  }
0x2bd: {  	vm1 =	vmand vm2, vm1;
	v26 =	vxor.u32 v3, v26  }
0x2be: {  	v26 =	vsel vm1, v26, v4  }
0x2bf: {  	(xrf1) =	vsort.ascd.msk.u32 $0xffff, v26, v21;
	_ =	sdelay $0xd  }
0x2c0: {  	v26, v27, _ =	vpop (xrf1)  }
0x2c1: {  	v26 =	vshra.s32 v26, $0x4  }
0x2c2: {  	v26 =	vxor.u32 $0xF8000000, v26  }
0x2c3: {  	[tilespmem:s30+$0x310] =	vst v26  }
0x2c4: {  	v63 =	vld.idx.msk [tilespmem:v29+s8+$0x0], $0xffff;
	_ =	sdelay $0x4  }
0x2c5: {  	vm1 =	vne.s32 v63, v26  }
0x2c6: {  	vm2 =	vlt.s32 v26, $0x100;
	vm1 =	vmor vm1, vm0  }
0x2c7: {  	vm1 =	vmand vm2, vm1  }
0x2c8: {  	v26 =	vadd.s32 s30, v26;
	_ =	sdelay $0x4  }
0x2c9: {  	[tilespmem:v26+s8+$0x0] =	vst.idx.msk vm1, v27  }
0x2ca: {  	[tilespmem:s31+$0x1A00] =	vst v2  }
0x2cb: {  	[tilespmem:s31+$0x1A10] =	vst v2  }
0x2cc: {  	[tilespmem:s31+$0x1A20] =	vst v2  }
0x2cd: {  	[tilespmem:s31+$0x1A30] =	vst v2  }
0x2ce: {  	[tilespmem:s31+$0x1A40] =	vst v2  }
0x2cf: {  	[tilespmem:s31+$0x1A50] =	vst v2  }
0x2d0: {  	[tilespmem:s31+$0x1A60] =	vst v2  }
0x2d1: {  	[tilespmem:s31+$0x1A70] =	vst v2  }
0x2d2: {  	[tilespmem:s31+$0x1A80] =	vst v2  }
0x2d3: {  	[tilespmem:s31+$0x1A90] =	vst v2  }
0x2d4: {  	[tilespmem:s31+$0x1AA0] =	vst v2  }
0x2d5: {  	[tilespmem:s31+$0x1AB0] =	vst v2  }
0x2d6: {  	[tilespmem:s31+$0x1AC0] =	vst v2  }
0x2d7: {  	[tilespmem:s31+$0x1AD0] =	vst v2  }
0x2d8: {  	[tilespmem:s31+$0x1AE0] =	vst v2  }
0x2d9: {  	[tilespmem:s31+$0x1AF0] =	vst v2  }
0x2da: {  	v26 =	vld [tilespmem:s30+$0x200];
	_ =	sdelay $0x3  }
0x2db: {  	v27 =	vor.u32 s31, v19  }
0x2dc: {  	vm1 =	vgt.s32 v26, $0xFFFFFFFF;
	v26 =	vadd.s32 v27, v26  }
0x2dd: {  	v26 =	vnsel vm1, $0x0, v26;
	_ =	sdelay $0x4  }
0x2de: {  	[tilespmem:v26+s9+$0x0] =	vst.idx.msk vm1, v22  }
0x2df: {  	v26 =	vld [tilespmem:s30+$0x210];
	_ =	sdelay $0x4  }
0x2e0: {  	vm1 =	vgt.s32 v26, $0xFFFFFFFF;
	v26 =	vadd.s32 v27, v26  }
0x2e1: {  	v26 =	vnsel vm1, $0x0, v26;
	_ =	sdelay $0x4  }
0x2e2: {  	[tilespmem:v26+s9+$0x0] =	vst.idx.msk vm1, v22  }
0x2e3: {  	v26 =	vld [tilespmem:s30+$0x220];
	_ =	sdelay $0x4  }
0x2e4: {  	vm1 =	vgt.s32 v26, $0xFFFFFFFF;
	v26 =	vadd.s32 v27, v26  }
0x2e5: {  	v26 =	vnsel vm1, $0x0, v26;
	_ =	sdelay $0x4  }
0x2e6: {  	[tilespmem:v26+s9+$0x0] =	vst.idx.msk vm1, v22  }
0x2e7: {  	v26 =	vld [tilespmem:s30+$0x230];
	_ =	sdelay $0x4  }
0x2e8: {  	vm1 =	vgt.s32 v26, $0xFFFFFFFF;
	v26 =	vadd.s32 v27, v26  }
0x2e9: {  	v26 =	vnsel vm1, $0x0, v26;
	_ =	sdelay $0x4  }
0x2ea: {  	[tilespmem:v26+s9+$0x0] =	vst.idx.msk vm1, v22  }
0x2eb: {  	v26 =	vld [tilespmem:s30+$0x240];
	_ =	sdelay $0x3  }
0x2ec: {  	v27 =	vor.u32 s31, v23  }
0x2ed: {  	vm1 =	vgt.s32 v26, $0xFFFFFFFF;
	v26 =	vadd.s32 v27, v26  }
0x2ee: {  	v26 =	vnsel vm1, $0x0, v26;
	_ =	sdelay $0x4  }
0x2ef: {  	[tilespmem:v26+s9+$0x0] =	vst.idx.msk vm1, v22  }
0x2f0: {  	v26 =	vld [tilespmem:s30+$0x250];
	_ =	sdelay $0x4  }
0x2f1: {  	vm1 =	vgt.s32 v26, $0xFFFFFFFF;
	v26 =	vadd.s32 v27, v26  }
0x2f2: {  	v26 =	vnsel vm1, $0x0, v26;
	_ =	sdelay $0x4  }
0x2f3: {  	[tilespmem:v26+s9+$0x0] =	vst.idx.msk vm1, v22  }
0x2f4: {  	v26 =	vld [tilespmem:s30+$0x260];
	_ =	sdelay $0x4  }
0x2f5: {  	vm1 =	vgt.s32 v26, $0xFFFFFFFF;
	v26 =	vadd.s32 v27, v26  }
0x2f6: {  	v26 =	vnsel vm1, $0x0, v26;
	_ =	sdelay $0x4  }
0x2f7: {  	[tilespmem:v26+s9+$0x0] =	vst.idx.msk vm1, v22  }
0x2f8: {  	v26 =	vld [tilespmem:s30+$0x270];
	_ =	sdelay $0x4  }
0x2f9: {  	vm1 =	vgt.s32 v26, $0xFFFFFFFF;
	v26 =	vadd.s32 v27, v26  }
0x2fa: {  	v26 =	vnsel vm1, $0x0, v26;
	_ =	sdelay $0x4  }
0x2fb: {  	[tilespmem:v26+s9+$0x0] =	vst.idx.msk vm1, v22  }
0x2fc: {  	v26 =	vld [tilespmem:s13+$0x280];
	_ =	sdelay $0x3  }
0x2fd: {  	v27 =	vor.u32 s31, v24  }
0x2fe: {  	vm1 =	vgt.s32 v26, $0xFFFFFFFF;
	v26 =	vadd.s32 v27, v26  }
0x2ff: {  	v26 =	vnsel vm1, $0x0, v26;
	_ =	sdelay $0x4  }
0x300: {  	[tilespmem:v26+s9+$0x0] =	vst.idx.msk vm1, v22  }
0x301: {  	v26 =	vld [tilespmem:s30+$0x290];
	_ =	sdelay $0x4  }
0x302: {  	vm1 =	vgt.s32 v26, $0xFFFFFFFF;
	v26 =	vadd.s32 v27, v26  }
0x303: {  	v26 =	vnsel vm1, $0x0, v26;
	_ =	sdelay $0x4  }
0x304: {  	[tilespmem:v26+s9+$0x0] =	vst.idx.msk vm1, v22  }
0x305: {  	v26 =	vld [tilespmem:s30+$0x2A0];
	_ =	sdelay $0x4  }
0x306: {  	vm1 =	vgt.s32 v26, $0xFFFFFFFF;
	v26 =	vadd.s32 v27, v26  }
0x307: {  	v26 =	vnsel vm1, $0x0, v26;
	_ =	sdelay $0x4  }
0x308: {  	[tilespmem:v26+s9+$0x0] =	vst.idx.msk vm1, v22  }
0x309: {  	v26 =	vld [tilespmem:s30+$0x2B0];
	_ =	sdelay $0x4  }
0x30a: {  	vm1 =	vgt.s32 v26, $0xFFFFFFFF;
	v26 =	vadd.s32 v27, v26  }
0x30b: {  	v26 =	vnsel vm1, $0x0, v26;
	_ =	sdelay $0x4  }
0x30c: {  	[tilespmem:v26+s9+$0x0] =	vst.idx.msk vm1, v22  }
0x30d: {  	v26 =	vld [tilespmem:s30+$0x2C0];
	_ =	sdelay $0x3  }
0x30e: {  	v27 =	vor.u32 s31, v25  }
0x30f: {  	vm1 =	vgt.s32 v26, $0xFFFFFFFF;
	v26 =	vadd.s32 v27, v26  }
0x310: {  	v26 =	vnsel vm1, $0x0, v26;
	_ =	sdelay $0x4  }
0x311: {  	[tilespmem:v26+s9+$0x0] =	vst.idx.msk vm1, v22  }
0x312: {  	v26 =	vld [tilespmem:s30+$0x2D0];
	_ =	sdelay $0x4  }
0x313: {  	vm1 =	vgt.s32 v26, $0xFFFFFFFF;
	v26 =	vadd.s32 v27, v26  }
0x314: {  	v26 =	vnsel vm1, $0x0, v26;
	_ =	sdelay $0x4  }
0x315: {  	[tilespmem:v26+s9+$0x0] =	vst.idx.msk vm1, v22  }
0x316: {  	v26 =	vld [tilespmem:s30+$0x2E0];
	_ =	sdelay $0x4  }
0x317: {  	vm1 =	vgt.s32 v26, $0xFFFFFFFF;
	v26 =	vadd.s32 v27, v26  }
0x318: {  	v26 =	vnsel vm1, $0x0, v26;
	_ =	sdelay $0x4  }
0x319: {  	[tilespmem:v26+s9+$0x0] =	vst.idx.msk vm1, v22  }
0x31a: {  	v26 =	vld [tilespmem:s30+$0x2F0];
	_ =	sdelay $0x4  }
0x31b: {  	vm1 =	vgt.s32 v26, $0xFFFFFFFF;
	v26 =	vadd.s32 v27, v26  }
0x31c: {  	p0 =	sne.s32 s11, $0x7;
	v26 =	vnsel vm1, $0x0, v26  }
.Ltmp0:
0x31d: {  	_ = 	snop;
	(pc) =	sbr.rel @p0 .LBB2_2-.Ltmp0, $2  }
0x31e: {  	_ =	sdelay $0x2  }
0x31f: {  	s11 =	sadd.s32 $0x1, s11;
	[tilespmem:v26+s9+$0x0] =	vst.idx.msk vm1, v22  }
0x320: {  	s10 =	sadd.s32 $0x1, s10  }
0x321: {  	p0 =	sne.s32 s10, s6  }
.Ltmp1:
0x322: {  	_ = 	snop;
	(pc) =	sbr.rel @p0 .LBB2_1-.Ltmp1, $4  }
0x323: {  	[hbm4b:s5+s3] =	stream.linear.scatter [tilespmem:s9], [sflag:$0x1], $0x8000, $0x38;
	[tilespmem:$0x8B00] =	vst v63  }
0x324: {  	_ =	swait.ge [sflag:s7], $0x8000  }
0x325: {  	[sflag:s7] =	ssyncset.done $0x0  }
0x326: {  	[sflag:s7] =	ssyncadd.s32 $0xFFFF8000  }
0x327: {  	_ =	sfence.sel $0x180000  }
0x328: {  	[bflag:$0x0] =	sbarrier.arrive $0xFFFF  }
0x329: {  	p0 =	sne.s32 s2, $0x0;
	_ =	strace $0x90000047  }
0x32a: {  	s0 =	sadd.s32 @!p0 $0x100000, s1;
	[bflag:$0x2] =	sbarrier.arrive $0xFFFF  }
0x32b: {  	[sflag:s0] =	ssyncadd.tile.s32 @!p0 $0x1;
	_ =	shalt  }
.Lfunc_end2:
_tile_overlayer_lowered:
.L_overlay_start_2:
0x32c: {  	(tag) =	ssettag $0x2  }
0x32d: {  	s0 =	rddreg [dreg:$0x0];
	s2 =	stileid.u32  }
0x32e: {  	s1 =	rddreg [dreg:$0x1];
	p0 =	sne.s32 s2, $0x0  }
0x32f: {  	s3 =	rddreg [dreg:$0x2];
	[bflag:$0x3] =	sbarrier.arrive $0xFFFF;
	s2 =	simm.s32 @!p0 $0x1C01  }
0x330: {  	[timem:s3], [sflag:s2] =	dma.local @!p0 [hbm:s0], s1  }
0x331: {  	s0 =	simm.s32 @!p0 $0x1  }
0x332: {  	_ =	swait.ge @!p0 [sflag:s0], s1  }
0x333: {  	s1 =	ssub.s32 @!p0 $0x0, s1;
	[sflag:s0] =	ssyncset.done @!p0 $0x0  }
0x334: {  	[sflag:s0] =	ssyncadd.s32 @!p0 s1  }
0x335: {  	[bflag:$0x3] =	sbarrier.arrive $0xFFFF  }
0x336: {  	_ =	shalt  }

</sc_bundles>
